<compile_context>
chip_gen: v7x
topology: tpu7x:2x2x1
jax: 0.10.2.dev20260603
libtpu: 0.0.44.dev20260713+nightly
codegen_flags: <defaults>
</compile_context>

<pallas_src>
import functools

import jax
import jax.numpy as jnp
from jax import lax
from jax.experimental import pallas as pl
from jax.experimental.pallas import tpu as pltpu
from jax.experimental.pallas import tpu_sc as plsc

NUM_BINS = 6
STRIDE = 4
L = 16


def _alloc_points(bin_prob, max_num_points, stride):
    total = jnp.sum(max_num_points[0, :]) // stride
    B, num_bins = bin_prob.shape
    p = bin_prob * max_num_points.astype(bin_prob.dtype) + 1e-10
    chosen = jnp.zeros_like(p)
    mnp_f = max_num_points.astype(p.dtype)
    for _ in range(num_bins):
        p = p / jnp.sum(p, axis=1, keepdims=True)
        num_to_choose = total.astype(p.dtype) - jnp.sum(chosen, axis=1, keepdims=True)
        chosen = chosen + p * num_to_choose
        chosen = jnp.where(chosen >= mnp_f, mnp_f, chosen)
        p = p * jnp.where(chosen >= mnp_f, 0.0, 1.0)
    chosen = chosen.astype(jnp.int32)
    adj = jnp.argmax(mnp_f - chosen.astype(p.dtype), axis=1)
    deficit = total.astype(jnp.int32) - jnp.sum(chosen, axis=1)
    chosen = chosen.at[jnp.arange(B), adj].add(deficit)
    return chosen


def _asc_u32(x):
    ub = lax.bitcast_convert_type(x, jnp.uint32)
    return jnp.where(ub >= jnp.uint32(0x80000000), ~ub, ub | jnp.uint32(0x80000000))


def _asc_u32_inv(r):
    ub = jnp.where(r >= jnp.uint32(0x80000000), r ^ jnp.uint32(0x80000000), ~r)
    return lax.bitcast_convert_type(ub, jnp.float32)


def _order_stats(u_flat, pos):
    nt = pos.shape[0]

    def body(i, r):
        sh = (jnp.uint32(30) - 2 * i.astype(jnp.uint32))
        cands = (r[:, None]
                 | (jnp.uint32(1) + jnp.arange(3, dtype=jnp.uint32))[None, :] << sh)
        cnt = jnp.sum((cands.reshape(-1)[:, None] > u_flat[None, :]).astype(jnp.int32),
                      axis=1).reshape(nt, 3)
        d = jnp.sum((cnt <= pos[:, None]).astype(jnp.uint32), axis=1)
        return r | (d << sh)

    return lax.fori_loop(0, 16, body, jnp.zeros(pos.shape, jnp.uint32))


def _make_sc_kernel(B, N, D, M):
    CH = N // L
    mesh = plsc.VectorSubcoreMesh(core_axis_name="c", subcore_axis_name="s")
    NC = 2

    @functools.partial(
        pl.kernel,
        out_type=(
            jax.ShapeDtypeStruct((B * M,), jnp.int32),
            jax.ShapeDtypeStruct((B * M,), jnp.int32),
            jax.ShapeDtypeStruct((B * M,), jnp.int32),
        ),
        mesh=mesh,
        scratch_types=[
            pltpu.VMEM((N,), jnp.int32),
            pltpu.VMEM((N,), jnp.int32),
            pltpu.VMEM((N,), jnp.int32),
            pltpu.VMEM((N,), jnp.int32),
            pltpu.VMEM((N,), jnp.int32),
            pltpu.VMEM((8 * L,), jnp.int32),
            pltpu.VMEM((M,), jnp.int32),
            pltpu.VMEM((M,), jnp.int32),
            pltpu.VMEM((M,), jnp.int32),
            pltpu.VMEM((L,), jnp.int32),
            pltpu.VMEM((L,), jnp.int32),
        ],
        compiler_params=pltpu.CompilerParams(needs_layout_passes=False),
    )
    def sorter(key_h, val_h, prm_h, idxo_h, adj_h, par_h,
               keyA, valA, keyB, valB, chunk, prmv, outidx, idxadj, parbuf,
               c1, c3):
        cid = lax.axis_index("c")
        sid = lax.axis_index("s")
        b = sid * NC + cid

        pltpu.sync_copy(key_h.at[pl.ds(b * N, N)], keyA)
        pltpu.sync_copy(val_h.at[pl.ds(b * N, N)], valA)
        pltpu.sync_copy(prm_h.at[pl.ds(b * 8 * L, 8 * L)], prmv)

        zvec = jnp.zeros((L,), jnp.int32)

        bufs = [(keyA, valA, keyB, valB), (keyB, valB, keyA, valA)]
        for p in range(8):
            Kin, Vin, Kout, Vout = bufs[p % 2]
            sh = jnp.int32(4 * p)

            @plsc.parallel_loop(0, CH, unroll=4)
            def hist_body(c, Kin=Kin, sh=sh):
                kv = Kin[pl.ds(c * L, L)]
                d = lax.shift_right_logical(kv, sh) & jnp.int32(15)
                cnt, last = plsc.scan_count(d)
                chunk[pl.ds(c * L, L)] = zvec
                plsc.store_scatter(chunk, [c * L + d], cnt, mask=last)

            def prefix_body(c, acc):
                row = chunk[pl.ds(c * L, L)]
                chunk[pl.ds(c * L, L)] = acc
                return acc + row

            tot = lax.fori_loop(0, CH, prefix_body, zvec)
            gbase = plsc.cumsum(tot) - tot

            @plsc.parallel_loop(0, CH, unroll=4)
            def perm_body(c, Kin=Kin, Vin=Vin, Kout=Kout, Vout=Vout,
                          sh=sh, gbase=gbase):
                kv = Kin[pl.ds(c * L, L)]
                vv = Vin[pl.ds(c * L, L)]
                d = lax.shift_right_logical(kv, sh) & jnp.int32(15)
                cnt, _last = plsc.scan_count(d)
                basev = gbase + chunk[pl.ds(c * L, L)]
                rank = jnp.take(basev, d, axis=0) + cnt - 1
                plsc.store_scatter(Kout, [rank], kv)
                plsc.store_scatter(Vout, [rank], vv)

        startv = prmv[pl.ds(0 * L, L)]
        a1v = prmv[pl.ds(1 * L, L)]
        a2v = prmv[pl.ds(2 * L, L)]
        a3v = prmv[pl.ds(3 * L, L)]
        s2v = prmv[pl.ds(4 * L, L)]
        s3v = prmv[pl.ds(5 * L, L)]
        c1[...] = zvec
        c3[...] = zvec

        def selA(c, _):
            vv = valA[pl.ds(c * L, L)]
            gv = (vv >> 16) & jnp.int32(7)
            cls = (vv >> 20) & jnp.int32(3)
            iv = vv & jnp.int32(0xFFFF)
            m1 = cls == 0
            cnt1, last1 = plsc.scan_count(gv, m1)
            r1 = plsc.load_gather(c1, [gv]) + cnt1 - 1
            sel1 = m1 & (r1 < jnp.take(a1v, gv, axis=0))
            plsc.store_scatter(
                outidx, [jnp.take(startv, gv, axis=0) + r1], iv, mask=sel1)
            plsc.addupdate_scatter(c1, [gv], cnt1, mask=last1)
            m3 = cls == 2
            cnt3, last3 = plsc.scan_count(gv, m3)
            r3 = plsc.load_gather(c3, [gv]) + cnt3 - 1
            sel3 = m3 & (r3 < jnp.take(a3v, gv, axis=0))
            plsc.store_scatter(
                outidx, [jnp.take(s3v, gv, axis=0) + r3], iv, mask=sel3)
            plsc.addupdate_scatter(c3, [gv], cnt3, mask=last3)
            return 0

        lax.fori_loop(0, N // L, selA, 0)

        pltpu.sync_copy(val_h.at[pl.ds(b * N, N)], valB)
        a2b = [jnp.take(a2v, jnp.full((L,), j, jnp.int32), axis=0)
               for j in range(NUM_BINS)]
        s2b = [jnp.take(s2v, jnp.full((L,), j, jnp.int32), axis=0)
               for j in range(NUM_BINS)]
        lane15 = jnp.full((L,), L - 1, jnp.int32)

        def selB(c, bases):
            vv = valB[pl.ds(c * L, L)]
            gv = (vv >> 16) & jnp.int32(7)
            cls = (vv >> 20) & jnp.int32(3)
            iv = vv & jnp.int32(0xFFFF)
            new_bases = []
            for j in range(NUM_BINS):
                elig = (gv != j) | (cls == 1)
                ei = jnp.where(elig, 1, 0).astype(jnp.int32)
                incl = plsc.cumsum(ei)
                excl = bases[j] + incl - ei
                sel = elig & (excl < a2b[j])
                plsc.store_scatter(outidx, [s2b[j] + excl], iv, mask=sel)
                new_bases.append(bases[j] + jnp.take(incl, lane15, axis=0))
            return tuple(new_bases)

        lax.fori_loop(0, N // L, selB, (zvec,) * NUM_BINS)

        pltpu.sync_copy(outidx, idxo_h.at[pl.ds(b * M, M)])

        off = b * (N // 2)

        @plsc.parallel_loop(0, M // L, unroll=4)
        def adj_body(c):
            ov = outidx[pl.ds(c * L, L)]
            idxadj[pl.ds(c * L, L)] = (
                lax.shift_right_logical(ov, jnp.int32(1)) + off)
            parbuf[pl.ds(c * L, L)] = ov & jnp.int32(1)

        pltpu.sync_copy(idxadj, adj_h.at[pl.ds(b * M, M)])
        pltpu.sync_copy(parbuf, par_h.at[pl.ds(b * M, M)])

    @functools.partial(
        pl.kernel,
        out_type=jax.ShapeDtypeStruct((B * M, D), jnp.float32),
        mesh=mesh,
        scratch_types=[
            pltpu.VMEM((M,), jnp.int32),
            pltpu.VMEM((M,), jnp.int32),
            pltpu.VMEM((M // 8, 2 * D), jnp.float32),
            pltpu.VMEM((M // 8, D), jnp.float32),
            pltpu.SemaphoreType.DMA,
        ],
        compiler_params=pltpu.CompilerParams(needs_layout_passes=False),
    )
    def gatherer(adj_h, par_h, pts_h, npo_h, idxadj, parbuf, gbuf, stage, sem):
        cid = lax.axis_index("c")
        sid = lax.axis_index("s")
        b = sid * NC + cid
        pltpu.sync_copy(adj_h.at[pl.ds(b * M, M)], idxadj)
        pltpu.sync_copy(par_h.at[pl.ds(b * M, M)], parbuf)

        iota = lax.broadcasted_iota(jnp.int32, (L,), 0)
        q = M // 8
        for chk in range(8):
            cp = pltpu.async_copy(
                pts_h.at[idxadj.at[pl.ds(chk * q, q)]], gbuf, sem)
            cp.wait()

            @plsc.parallel_loop(0, 4 * q, unroll=4)
            def fill_body(i, chk=chk):
                r = lax.shift_right_logical(i, jnp.int32(2))
                qp = i & jnp.int32(3)
                rv = jnp.full((L,), r, jnp.int32)
                par = plsc.load_gather(parbuf, [chk * q + rv])
                dcol = qp * L + iota
                vals = plsc.load_gather(gbuf, [rv, par * D + dcol])
                plsc.store_scatter(stage, [rv, dcol], vals)

            pltpu.sync_copy(stage, npo_h.at[pl.ds(b * M + chk * q, q)])

    return sorter, gatherer


def kernel(points, attention_point_score, bin_prob_logits):
    B, N, D = points.shape
    M = N // STRIDE
    score = attention_point_score

    m = jnp.mean(score, axis=2, keepdims=True)
    sd = jnp.std(score, axis=2, keepdims=True)
    s = ((score - m) / sd)[:, 0, :]

    n = B * N
    idxq = (jnp.arange(1, NUM_BINS) / NUM_BINS * n).astype(jnp.int32)
    pos_asc = jnp.int32(n - 1) - idxq
    bvals = _asc_u32_inv(_order_stats(_asc_u32(s.reshape(-1)), pos_asc))

    g = jnp.sum((s[:, :, None] < bvals[None, None, :]).astype(jnp.int32),
                axis=2)
    c_thr = jnp.float32(-1e-8)
    ge = jnp.sum((s[:, :, None] >= bvals[None, None, :]).astype(jnp.int32),
                 axis=1)
    gp = jnp.sum(((s[:, :, None] >= bvals[None, None, :])
                  & (s[:, :, None] > c_thr)).astype(jnp.int32), axis=1)
    gn = jnp.sum(((s[:, :, None] >= bvals[None, None, :])
                  & (s[:, :, None] < c_thr)).astype(jnp.int32), axis=1)
    npos = jnp.sum((s > c_thr).astype(jnp.int32), axis=1, keepdims=True)
    nneg = jnp.sum((s < c_thr).astype(jnp.int32), axis=1, keepdims=True)
    zero_col = jnp.zeros((B, 1), jnp.int32)
    ge_full = jnp.concatenate([zero_col, ge, jnp.full((B, 1), N, jnp.int32)], axis=1)
    gp_full = jnp.concatenate([zero_col, gp, npos], axis=1)
    gn_full = jnp.concatenate([zero_col, gn, nneg], axis=1)
    counts = ge_full[:, 1:] - ge_full[:, :-1]

    bin_prob = jnp.broadcast_to(
        jax.nn.softmax(bin_prob_logits)[None, :], (B, NUM_BINS))
    k = _alloc_points(bin_prob, counts, STRIDE)
    start = jnp.concatenate(
        [jnp.zeros((B, 1), jnp.int32), jnp.cumsum(k, axis=1)[:, :-1]], axis=1)

    t = s + jnp.float32(1e-8)
    key = lax.bitcast_convert_type(~_asc_u32(t), jnp.int32)
    cls = jnp.where(t > 0, 0, jnp.where(t < 0, 2, 1)).astype(jnp.int32)
    val = (jnp.broadcast_to(jnp.arange(N, dtype=jnp.int32)[None, :], (B, N))
           | (g << 16) | (cls << 20))

    n1 = gp_full[:, 1:] - gp_full[:, :-1]
    n4 = gn_full[:, 1:] - gn_full[:, :-1]
    a1 = jnp.minimum(k, n1)
    a2 = jnp.minimum(k - a1, N - n1 - n4)
    a3 = k - a1 - a2

    def pad16(x):
        return jnp.pad(x, ((0, 0), (0, L - NUM_BINS)))

    prm = jnp.stack(
        [pad16(start), pad16(a1), pad16(a2), pad16(a3),
         pad16(start + a1), pad16(start + a1 + a2),
         jnp.zeros((B, L), jnp.int32), jnp.zeros((B, L), jnp.int32)],
        axis=1).reshape(B * 8 * L)

    sorter, gatherer = _make_sc_kernel(B, N, D, M)
    idx, adj, par = sorter(key.reshape(-1), val.reshape(-1), prm)
    new_points = gatherer(adj, par, points.reshape(B * N // 2, 2 * D))
    return new_points.reshape(B, M, D), idx.reshape(B, 1, M)

# --- scband reference (transcript-rebuilt; emitter-appended) ---
"""Pipeline reference for scband-local-grouper-12627203850343 (READ-ONLY COPY).

The authoritative reference and input builder live on the scoring server;
editing this copy changes nothing except your own understanding.
"""

import jax, jax.numpy as jnp
import numpy as np

NUM_BINS = 6
STRIDE = 4


def _zscore(s):
    m = jnp.mean(s, axis=2, keepdims=True)
    sd = jnp.std(s, axis=2, keepdims=True)
    return (s - m) / sd


def _bin_boundaries(score4, num_bins):
    n = score4.size
    idx = (jnp.arange(1, num_bins) / num_bins * n).astype(jnp.int32)
    srt = jnp.sort(score4.flatten())[::-1]
    b = srt[idx]
    upper = jnp.concatenate([jnp.array([jnp.inf], dtype=score4.dtype), b]).reshape(1, 1, 1, num_bins)
    lower = jnp.concatenate([b, jnp.array([-jnp.inf], dtype=score4.dtype)]).reshape(1, 1, 1, num_bins)
    return upper, lower


def _calc_num_points(bin_prob, max_num_points, stride):
    total = jnp.sum(max_num_points[0, :]) // stride
    B, num_bins = bin_prob.shape
    p = bin_prob * max_num_points.astype(bin_prob.dtype) + 1e-10
    chosen = jnp.zeros_like(p)
    mnp_f = max_num_points.astype(p.dtype)
    for _ in range(num_bins):
        p = p / jnp.sum(p, axis=1, keepdims=True)
        num_to_choose = total.astype(p.dtype) - jnp.sum(chosen, axis=1, keepdims=True)
        chosen = chosen + p * num_to_choose
        chosen = jnp.where(chosen >= mnp_f, mnp_f, chosen)
        p = p * jnp.where(chosen >= mnp_f, 0.0, 1.0)
    chosen = chosen.astype(jnp.int32)
    adj = jnp.argmax(mnp_f - chosen.astype(p.dtype), axis=1)
    deficit = total.astype(jnp.int32) - jnp.sum(chosen, axis=1)
    chosen = chosen.at[jnp.arange(B), adj].add(deficit)
    return chosen


def _downsample_indices(score, bin_prob_logits):
    B, H, N = score.shape
    s = _zscore(score)
    s4 = s.reshape(B, H, N, 1)
    upper, lower = _bin_boundaries(s4, NUM_BINS)
    mask = (s4 < upper) & (s4 >= lower)  # (B,1,N,num_bins)
    max_num_points = jnp.sum(mask, axis=2).reshape(B, NUM_BINS)
    bin_prob = jnp.broadcast_to(jax.nn.softmax(bin_prob_logits)[None, :], (B, NUM_BINS))
    k = _calc_num_points(bin_prob, max_num_points, STRIDE)
    masked = (s4 + 1e-08) * mask.astype(s4.dtype)
    order = jnp.argsort(-masked, axis=2).squeeze(1)  # (B, N, num_bins)
    M = N // STRIDE
    cum = jnp.cumsum(k, axis=1)  # (B, NUM_BINS)
    start = jnp.concatenate([jnp.zeros((B, 1), dtype=cum.dtype), cum[:, :-1]], axis=1)  # (B, NUM_BINS)
    m = jnp.arange(M, dtype=cum.dtype)  # (M,)
    bin_id = jnp.sum(m[None, :, None] >= cum[:, None, :], axis=2)  # (B, M)
    r = m[None, :] - jnp.take_along_axis(start, bin_id, axis=1)  # (B, M)
    index_down = order[jnp.arange(B)[:, None], r, bin_id]  # (B, M)
    return index_down


def setup_inputs(seed: int = 0):
    key = jax.random.key(seed)
    k1, k2, k3 = jax.random.split(key, 3)
    points = jax.random.normal(k1, (32, 8192, 64), dtype=jnp.float32)
    attention_point_score = jax.random.normal(k2, (32, 1, 8192), dtype=jnp.float32)
    bin_prob_logits = 0.1 * jax.random.normal(k3, (NUM_BINS,), dtype=jnp.float32)
    return {"points": points, "attention_point_score": attention_point_score, "bin_prob_logits": bin_prob_logits}


def reference(points, attention_point_score, bin_prob_logits):
    idx = _downsample_indices(attention_point_score, bin_prob_logits)
    B = points.shape[0]
    new_points = points[jnp.arange(B)[:, None], idx, :]
    return new_points, idx.reshape(B, 1, -1)

if __name__ == "__main__":
    import jax
    _d = setup_inputs()
    print(jax.jit(kernel)(*tuple(_d.values())))

</pallas_src>

<mosaic_0001>
#map = affine_map<(d0, d1) -> (0)>
#map1 = affine_map<(d0, d1) -> (0, 0)>
module attributes {stable_mosaic.version = 14 : i64} {
  func.func @gatherer(%arg0: i32, %arg1: i32, %arg2: memref<65536xi32, #tpu.memory_space<hbm>>, %arg3: memref<65536xi32, #tpu.memory_space<hbm>>, %arg4: memref<131072x128xf32, #tpu.memory_space<hbm>>, %arg5: memref<65536x64xf32, #tpu.memory_space<hbm>>, %arg6: memref<2048xi32, #tpu.memory_space<vmem>>, %arg7: memref<2048xi32, #tpu.memory_space<vmem>>, %arg8: memref<256x128xf32, #tpu.memory_space<vmem>>, %arg9: memref<256x64xf32, #tpu.memory_space<vmem>>, %arg10: memref<!tpu.dma_semaphore, #tpu.memory_space<semaphore_mem>>) attributes {dimension_semantics = [#tpu.dimension_semantics<core_parallel>, #tpu.dimension_semantics<subcore_parallel>], iteration_bounds = array<i64: 2, 16>, scalar_prefetch = 0 : i64, scratch_operands = 5 : i64, tpu.core_type = #tpu.core_type<sc_vector_subcore>, window_params = [{transform_indices = #map}, {transform_indices = #map}, {transform_indices = #map1}, {transform_indices = #map1}]} {
    %mul3A = arith.constant 2 : i32
    %mul3A_0 = arith.muli %arg1, %mul3A : i32
    %add3A = arith.addi %mul3A_0, %arg0 : i32
    %mul3A_1 = arith.constant 2048 : i32
    %mul3A_2 = arith.muli %add3A, %mul3A_1 : i32
    "tpu.region"() ({
      %run_scoped3A = tpu.sem_alloc : memref<!tpu.dma_semaphore, #tpu.memory_space<semaphore_mem>>
      %dma_start3A_138 = tpu.memref_slice %arg2[%mul3A_2] : memref<65536xi32, #tpu.memory_space<hbm>> -> memref<2048xi32, #tpu.memory_space<hbm>>
      %dma_start3A_139 = tpu.memref_slice %arg2[%mul3A_2] : memref<65536xi32, #tpu.memory_space<hbm>> -> memref<2048xi32, #tpu.memory_space<hbm>>
      tpu.enqueue_dma source(%dma_start3A_139 : memref<2048xi32, #tpu.memory_space<hbm>>) target(%arg6 : memref<2048xi32, #tpu.memory_space<vmem>>) target_semaphore(%run_scoped3A : memref<!tpu.dma_semaphore, #tpu.memory_space<semaphore_mem>>)
      %dma_wait3A_140 = tpu.memref_slice %arg2[%mul3A_2] : memref<65536xi32, #tpu.memory_space<hbm>> -> memref<2048xi32, #tpu.memory_space<hbm>>
      %dma_wait3A_141 = tpu.memref_slice %arg2[%mul3A_2] : memref<65536xi32, #tpu.memory_space<hbm>> -> memref<2048xi32, #tpu.memory_space<hbm>>
      tpu.wait_dma2 semaphore(%run_scoped3A : memref<!tpu.dma_semaphore, #tpu.memory_space<semaphore_mem>>) src(%dma_wait3A_141 : memref<2048xi32, #tpu.memory_space<hbm>>) dst(%arg6 : memref<2048xi32, #tpu.memory_space<vmem>>)
      tpu.yield
    }) : () -> ()
    %mul3A_3 = arith.constant 2048 : i32
    %mul3A_4 = arith.muli %add3A, %mul3A_3 : i32
    "tpu.region"() ({
      %run_scoped3A = tpu.sem_alloc : memref<!tpu.dma_semaphore, #tpu.memory_space<semaphore_mem>>
      %dma_start3A_138 = tpu.memref_slice %arg3[%mul3A_4] : memref<65536xi32, #tpu.memory_space<hbm>> -> memref<2048xi32, #tpu.memory_space<hbm>>
      %dma_start3A_139 = tpu.memref_slice %arg3[%mul3A_4] : memref<65536xi32, #tpu.memory_space<hbm>> -> memref<2048xi32, #tpu.memory_space<hbm>>
      tpu.enqueue_dma source(%dma_start3A_139 : memref<2048xi32, #tpu.memory_space<hbm>>) target(%arg7 : memref<2048xi32, #tpu.memory_space<vmem>>) target_semaphore(%run_scoped3A : memref<!tpu.dma_semaphore, #tpu.memory_space<semaphore_mem>>)
      %dma_wait3A_140 = tpu.memref_slice %arg3[%mul3A_4] : memref<65536xi32, #tpu.memory_space<hbm>> -> memref<2048xi32, #tpu.memory_space<hbm>>
      %dma_wait3A_141 = tpu.memref_slice %arg3[%mul3A_4] : memref<65536xi32, #tpu.memory_space<hbm>> -> memref<2048xi32, #tpu.memory_space<hbm>>
      tpu.wait_dma2 semaphore(%run_scoped3A : memref<!tpu.dma_semaphore, #tpu.memory_space<semaphore_mem>>) src(%dma_wait3A_141 : memref<2048xi32, #tpu.memory_space<hbm>>) dst(%arg7 : memref<2048xi32, #tpu.memory_space<vmem>>)
      tpu.yield
    }) : () -> ()
    %iota3A = tpu.iota {dimensions = array<i32: 0>} : vector<16xi32>
    %dma_start3A = arith.constant 0 : i32
    %dma_start3A_5 = tpu.memref_slice %arg6[%dma_start3A] : memref<2048xi32, #tpu.memory_space<vmem>> -> memref<256xi32, #tpu.memory_space<vmem>>
    %dma_start3A_6 = arith.constant 0 : i32
    %dma_start3A_7 = arith.constant 0 : i32
    %dma_start3A_8 = tpu.memref_slice %arg4[%dma_start3A_6, %dma_start3A_7] : memref<131072x128xf32, #tpu.memory_space<hbm>> -> memref<131072x128xf32, #tpu.memory_space<hbm>>
    tpu.enqueue_indirect_dma source(%dma_start3A_8 : memref<131072x128xf32, #tpu.memory_space<hbm>>) target(%arg8 : memref<256x128xf32, #tpu.memory_space<vmem>>) offsets(%dma_start3A_5 : memref<256xi32, #tpu.memory_space<vmem>>) semaphore(%arg10 : memref<!tpu.dma_semaphore, #tpu.memory_space<semaphore_mem>>)
    %dma_wait3A = arith.constant 0 : i32
    %dma_wait3A_9 = tpu.memref_slice %arg6[%dma_wait3A] : memref<2048xi32, #tpu.memory_space<vmem>> -> memref<256xi32, #tpu.memory_space<vmem>>
    %dma_wait3A_10 = arith.constant 0 : i32
    %dma_wait3A_11 = arith.constant 0 : i32
    %dma_wait3A_12 = tpu.memref_slice %arg4[%dma_wait3A_10, %dma_wait3A_11] : memref<131072x128xf32, #tpu.memory_space<hbm>> -> memref<131072x128xf32, #tpu.memory_space<hbm>>
    tpu.wait_indirect_dma semaphore(%arg10 : memref<!tpu.dma_semaphore, #tpu.memory_space<semaphore_mem>>) src(%dma_wait3A_12 : memref<131072x128xf32, #tpu.memory_space<hbm>>) dst(%arg8 : memref<256x128xf32, #tpu.memory_space<vmem>>)
    %parallel_loop3A = arith.constant 0 : i32
    %parallel_loop3A_13 = arith.constant 1024 : i32
    %parallel_loop3A_14 = arith.constant 1 : i32
    scf.for %parallel_loop3A_138 = %parallel_loop3A to %parallel_loop3A_13 step %parallel_loop3A_14  : i32 {
      %parallel_loop3A_139 = arith.constant 2 : i32
      %parallel_loop3A_140 = arith.shrui %parallel_loop3A_138, %parallel_loop3A_139 : i32
      %parallel_loop3A_141 = arith.constant 3 : i32
      %parallel_loop3A_142 = arith.andi %parallel_loop3A_138, %parallel_loop3A_141 : i32
      %parallel_loop3A_143 = vector.broadcast %parallel_loop3A_140 : i32 to vector<16xi32>
      %parallel_loop3A_144 = arith.constant 0 : i32
      %parallel_loop3A_145 = vector.broadcast %parallel_loop3A_144 : i32 to vector<16xi32>
      %parallel_loop3A_146 = arith.addi %parallel_loop3A_145, %parallel_loop3A_143 : vector<16xi32>
      %parallel_loop3A_147 = tpu.vector_load_idx %arg7[%parallel_loop3A_146] : memref<2048xi32, #tpu.memory_space<vmem>>[vector<16xi32>], vector<16xi32>,
      %parallel_loop3A_148 = arith.constant 16 : i32
      %parallel_loop3A_149 = arith.muli %parallel_loop3A_142, %parallel_loop3A_148 : i32
      %parallel_loop3A_150 = vector.broadcast %parallel_loop3A_149 : i32 to vector<16xi32>
      %parallel_loop3A_151 = arith.addi %parallel_loop3A_150, %iota3A : vector<16xi32>
      %parallel_loop3A_152 = arith.constant 64 : i32
      %parallel_loop3A_153 = vector.broadcast %parallel_loop3A_152 : i32 to vector<16xi32>
      %parallel_loop3A_154 = arith.muli %parallel_loop3A_147, %parallel_loop3A_153 : vector<16xi32>
      %parallel_loop3A_155 = arith.addi %parallel_loop3A_154, %parallel_loop3A_151 : vector<16xi32>
      %parallel_loop3A_156 = tpu.vector_load_idx %arg8[%parallel_loop3A_143, %parallel_loop3A_155] : memref<256x128xf32, #tpu.memory_space<vmem>>[vector<16xi32>, vector<16xi32>], vector<16xf32>,
      tpu.vector_store_idx %arg9[%parallel_loop3A_143, %parallel_loop3A_151], %parallel_loop3A_156 : memref<256x64xf32, #tpu.memory_space<vmem>>[vector<16xi32>, vector<16xi32>], vector<16xf32>,
    } {sc.loop_unroll_factor = 4 : i64, sc.parallel_access}
    %mul3A_15 = arith.constant 2048 : i32
    %mul3A_16 = arith.muli %add3A, %mul3A_15 : i32
    %add3A_17 = arith.constant 0 : i32
    %add3A_18 = arith.addi %mul3A_16, %add3A_17 : i32
    "tpu.region"() ({
      %run_scoped3A = tpu.sem_alloc : memref<!tpu.dma_semaphore, #tpu.memory_space<semaphore_mem>>
      %dma_start3A_138 = arith.constant 0 : i32
      %dma_start3A_139 = tpu.memref_slice %arg5[%add3A_18, %dma_start3A_138] : memref<65536x64xf32, #tpu.memory_space<hbm>> -> memref<256x64xf32, #tpu.memory_space<hbm>>
      %dma_start3A_140 = arith.constant 0 : i32
      %dma_start3A_141 = tpu.memref_slice %arg5[%add3A_18, %dma_start3A_140] : memref<65536x64xf32, #tpu.memory_space<hbm>> -> memref<256x64xf32, #tpu.memory_space<hbm>>
      tpu.enqueue_dma source(%arg9 : memref<256x64xf32, #tpu.memory_space<vmem>>) target(%dma_start3A_141 : memref<256x64xf32, #tpu.memory_space<hbm>>) target_semaphore(%run_scoped3A : memref<!tpu.dma_semaphore, #tpu.memory_space<semaphore_mem>>)
      %dma_wait3A_142 = arith.constant 0 : i32
      %dma_wait3A_143 = tpu.memref_slice %arg5[%add3A_18, %dma_wait3A_142] : memref<65536x64xf32, #tpu.memory_space<hbm>> -> memref<256x64xf32, #tpu.memory_space<hbm>>
      %dma_wait3A_144 = arith.constant 0 : i32
      %dma_wait3A_145 = tpu.memref_slice %arg5[%add3A_18, %dma_wait3A_144] : memref<65536x64xf32, #tpu.memory_space<hbm>> -> memref<256x64xf32, #tpu.memory_space<hbm>>
      tpu.wait_dma2 semaphore(%run_scoped3A : memref<!tpu.dma_semaphore, #tpu.memory_space<semaphore_mem>>) src(%arg9 : memref<256x64xf32, #tpu.memory_space<vmem>>) dst(%dma_wait3A_145 : memref<256x64xf32, #tpu.memory_space<hbm>>)
      tpu.yield
    }) : () -> ()
    %dma_start3A_19 = arith.constant 256 : i32
    %dma_start3A_20 = tpu.memref_slice %arg6[%dma_start3A_19] : memref<2048xi32, #tpu.memory_space<vmem>> -> memref<256xi32, #tpu.memory_space<vmem>>
    %dma_start3A_21 = arith.constant 0 : i32
    %dma_start3A_22 = arith.constant 0 : i32
    %dma_start3A_23 = tpu.memref_slice %arg4[%dma_start3A_21, %dma_start3A_22] : memref<131072x128xf32, #tpu.memory_space<hbm>> -> memref<131072x128xf32, #tpu.memory_space<hbm>>
    tpu.enqueue_indirect_dma source(%dma_start3A_23 : memref<131072x128xf32, #tpu.memory_space<hbm>>) target(%arg8 : memref<256x128xf32, #tpu.memory_space<vmem>>) offsets(%dma_start3A_20 : memref<256xi32, #tpu.memory_space<vmem>>) semaphore(%arg10 : memref<!tpu.dma_semaphore, #tpu.memory_space<semaphore_mem>>)
    %dma_wait3A_24 = arith.constant 256 : i32
    %dma_wait3A_25 = tpu.memref_slice %arg6[%dma_wait3A_24] : memref<2048xi32, #tpu.memory_space<vmem>> -> memref<256xi32, #tpu.memory_space<vmem>>
    %dma_wait3A_26 = arith.constant 0 : i32
    %dma_wait3A_27 = arith.constant 0 : i32
    %dma_wait3A_28 = tpu.memref_slice %arg4[%dma_wait3A_26, %dma_wait3A_27] : memref<131072x128xf32, #tpu.memory_space<hbm>> -> memref<131072x128xf32, #tpu.memory_space<hbm>>
    tpu.wait_indirect_dma semaphore(%arg10 : memref<!tpu.dma_semaphore, #tpu.memory_space<semaphore_mem>>) src(%dma_wait3A_28 : memref<131072x128xf32, #tpu.memory_space<hbm>>) dst(%arg8 : memref<256x128xf32, #tpu.memory_space<vmem>>)
    %parallel_loop3A_29 = arith.constant 0 : i32
    %parallel_loop3A_30 = arith.constant 1024 : i32
    %parallel_loop3A_31 = arith.constant 1 : i32
    scf.for %parallel_loop3A_138 = %parallel_loop3A_29 to %parallel_loop3A_30 step %parallel_loop3A_31  : i32 {
      %parallel_loop3A_139 = arith.constant 2 : i32
      %parallel_loop3A_140 = arith.shrui %parallel_loop3A_138, %parallel_loop3A_139 : i32
      %parallel_loop3A_141 = arith.constant 3 : i32
      %parallel_loop3A_142 = arith.andi %parallel_loop3A_138, %parallel_loop3A_141 : i32
      %parallel_loop3A_143 = vector.broadcast %parallel_loop3A_140 : i32 to vector<16xi32>
      %parallel_loop3A_144 = arith.constant 256 : i32
      %parallel_loop3A_145 = vector.broadcast %parallel_loop3A_144 : i32 to vector<16xi32>
      %parallel_loop3A_146 = arith.addi %parallel_loop3A_145, %parallel_loop3A_143 : vector<16xi32>
      %parallel_loop3A_147 = tpu.vector_load_idx %arg7[%parallel_loop3A_146] : memref<2048xi32, #tpu.memory_space<vmem>>[vector<16xi32>], vector<16xi32>,
      %parallel_loop3A_148 = arith.constant 16 : i32
      %parallel_loop3A_149 = arith.muli %parallel_loop3A_142, %parallel_loop3A_148 : i32
      %parallel_loop3A_150 = vector.broadcast %parallel_loop3A_149 : i32 to vector<16xi32>
      %parallel_loop3A_151 = arith.addi %parallel_loop3A_150, %iota3A : vector<16xi32>
      %parallel_loop3A_152 = arith.constant 64 : i32
      %parallel_loop3A_153 = vector.broadcast %parallel_loop3A_152 : i32 to vector<16xi32>
      %parallel_loop3A_154 = arith.muli %parallel_loop3A_147, %parallel_loop3A_153 : vector<16xi32>
      %parallel_loop3A_155 = arith.addi %parallel_loop3A_154, %parallel_loop3A_151 : vector<16xi32>
      %parallel_loop3A_156 = tpu.vector_load_idx %arg8[%parallel_loop3A_143, %parallel_loop3A_155] : memref<256x128xf32, #tpu.memory_space<vmem>>[vector<16xi32>, vector<16xi32>], vector<16xf32>,
      tpu.vector_store_idx %arg9[%parallel_loop3A_143, %parallel_loop3A_151], %parallel_loop3A_156 : memref<256x64xf32, #tpu.memory_space<vmem>>[vector<16xi32>, vector<16xi32>], vector<16xf32>,
    } {sc.loop_unroll_factor = 4 : i64, sc.parallel_access}
    %mul3A_32 = arith.constant 2048 : i32
    %mul3A_33 = arith.muli %add3A, %mul3A_32 : i32
    %add3A_34 = arith.constant 256 : i32
    %add3A_35 = arith.addi %mul3A_33, %add3A_34 : i32
    "tpu.region"() ({
      %run_scoped3A = tpu.sem_alloc : memref<!tpu.dma_semaphore, #tpu.memory_space<semaphore_mem>>
      %dma_start3A_138 = arith.constant 0 : i32
      %dma_start3A_139 = tpu.memref_slice %arg5[%add3A_35, %dma_start3A_138] : memref<65536x64xf32, #tpu.memory_space<hbm>> -> memref<256x64xf32, #tpu.memory_space<hbm>>
      %dma_start3A_140 = arith.constant 0 : i32
      %dma_start3A_141 = tpu.memref_slice %arg5[%add3A_35, %dma_start3A_140] : memref<65536x64xf32, #tpu.memory_space<hbm>> -> memref<256x64xf32, #tpu.memory_space<hbm>>
      tpu.enqueue_dma source(%arg9 : memref<256x64xf32, #tpu.memory_space<vmem>>) target(%dma_start3A_141 : memref<256x64xf32, #tpu.memory_space<hbm>>) target_semaphore(%run_scoped3A : memref<!tpu.dma_semaphore, #tpu.memory_space<semaphore_mem>>)
      %dma_wait3A_142 = arith.constant 0 : i32
      %dma_wait3A_143 = tpu.memref_slice %arg5[%add3A_35, %dma_wait3A_142] : memref<65536x64xf32, #tpu.memory_space<hbm>> -> memref<256x64xf32, #tpu.memory_space<hbm>>
      %dma_wait3A_144 = arith.constant 0 : i32
      %dma_wait3A_145 = tpu.memref_slice %arg5[%add3A_35, %dma_wait3A_144] : memref<65536x64xf32, #tpu.memory_space<hbm>> -> memref<256x64xf32, #tpu.memory_space<hbm>>
      tpu.wait_dma2 semaphore(%run_scoped3A : memref<!tpu.dma_semaphore, #tpu.memory_space<semaphore_mem>>) src(%arg9 : memref<256x64xf32, #tpu.memory_space<vmem>>) dst(%dma_wait3A_145 : memref<256x64xf32, #tpu.memory_space<hbm>>)
      tpu.yield
    }) : () -> ()
    %dma_start3A_36 = arith.constant 512 : i32
    %dma_start3A_37 = tpu.memref_slice %arg6[%dma_start3A_36] : memref<2048xi32, #tpu.memory_space<vmem>> -> memref<256xi32, #tpu.memory_space<vmem>>
    %dma_start3A_38 = arith.constant 0 : i32
    %dma_start3A_39 = arith.constant 0 : i32
    %dma_start3A_40 = tpu.memref_slice %arg4[%dma_start3A_38, %dma_start3A_39] : memref<131072x128xf32, #tpu.memory_space<hbm>> -> memref<131072x128xf32, #tpu.memory_space<hbm>>
    tpu.enqueue_indirect_dma source(%dma_start3A_40 : memref<131072x128xf32, #tpu.memory_space<hbm>>) target(%arg8 : memref<256x128xf32, #tpu.memory_space<vmem>>) offsets(%dma_start3A_37 : memref<256xi32, #tpu.memory_space<vmem>>) semaphore(%arg10 : memref<!tpu.dma_semaphore, #tpu.memory_space<semaphore_mem>>)
    %dma_wait3A_41 = arith.constant 512 : i32
    %dma_wait3A_42 = tpu.memref_slice %arg6[%dma_wait3A_41] : memref<2048xi32, #tpu.memory_space<vmem>> -> memref<256xi32, #tpu.memory_space<vmem>>
    %dma_wait3A_43 = arith.constant 0 : i32
    %dma_wait3A_44 = arith.constant 0 : i32
    %dma_wait3A_45 = tpu.memref_slice %arg4[%dma_wait3A_43, %dma_wait3A_44] : memref<131072x128xf32, #tpu.memory_space<hbm>> -> memref<131072x128xf32, #tpu.memory_space<hbm>>
    tpu.wait_indirect_dma semaphore(%arg10 : memref<!tpu.dma_semaphore, #tpu.memory_space<semaphore_mem>>) src(%dma_wait3A_45 : memref<131072x128xf32, #tpu.memory_space<hbm>>) dst(%arg8 : memref<256x128xf32, #tpu.memory_space<vmem>>)
    %parallel_loop3A_46 = arith.constant 0 : i32
    %parallel_loop3A_47 = arith.constant 1024 : i32
    %parallel_loop3A_48 = arith.constant 1 : i32
    scf.for %parallel_loop3A_138 = %parallel_loop3A_46 to %parallel_loop3A_47 step %parallel_loop3A_48  : i32 {
      %parallel_loop3A_139 = arith.constant 2 : i32
      %parallel_loop3A_140 = arith.shrui %parallel_loop3A_138, %parallel_loop3A_139 : i32
      %parallel_loop3A_141 = arith.constant 3 : i32
      %parallel_loop3A_142 = arith.andi %parallel_loop3A_138, %parallel_loop3A_141 : i32
      %parallel_loop3A_143 = vector.broadcast %parallel_loop3A_140 : i32 to vector<16xi32>
      %parallel_loop3A_144 = arith.constant 512 : i32
      %parallel_loop3A_145 = vector.broadcast %parallel_loop3A_144 : i32 to vector<16xi32>
      %parallel_loop3A_146 = arith.addi %parallel_loop3A_145, %parallel_loop3A_143 : vector<16xi32>
      %parallel_loop3A_147 = tpu.vector_load_idx %arg7[%parallel_loop3A_146] : memref<2048xi32, #tpu.memory_space<vmem>>[vector<16xi32>], vector<16xi32>,
      %parallel_loop3A_148 = arith.constant 16 : i32
      %parallel_loop3A_149 = arith.muli %parallel_loop3A_142, %parallel_loop3A_148 : i32
      %parallel_loop3A_150 = vector.broadcast %parallel_loop3A_149 : i32 to vector<16xi32>
      %parallel_loop3A_151 = arith.addi %parallel_loop3A_150, %iota3A : vector<16xi32>
      %parallel_loop3A_152 = arith.constant 64 : i32
      %parallel_loop3A_153 = vector.broadcast %parallel_loop3A_152 : i32 to vector<16xi32>
      %parallel_loop3A_154 = arith.muli %parallel_loop3A_147, %parallel_loop3A_153 : vector<16xi32>
      %parallel_loop3A_155 = arith.addi %parallel_loop3A_154, %parallel_loop3A_151 : vector<16xi32>
      %parallel_loop3A_156 = tpu.vector_load_idx %arg8[%parallel_loop3A_143, %parallel_loop3A_155] : memref<256x128xf32, #tpu.memory_space<vmem>>[vector<16xi32>, vector<16xi32>], vector<16xf32>,
      tpu.vector_store_idx %arg9[%parallel_loop3A_143, %parallel_loop3A_151], %parallel_loop3A_156 : memref<256x64xf32, #tpu.memory_space<vmem>>[vector<16xi32>, vector<16xi32>], vector<16xf32>,
    } {sc.loop_unroll_factor = 4 : i64, sc.parallel_access}
    %mul3A_49 = arith.constant 2048 : i32
    %mul3A_50 = arith.muli %add3A, %mul3A_49 : i32
    %add3A_51 = arith.constant 512 : i32
    %add3A_52 = arith.addi %mul3A_50, %add3A_51 : i32
    "tpu.region"() ({
      %run_scoped3A = tpu.sem_alloc : memref<!tpu.dma_semaphore, #tpu.memory_space<semaphore_mem>>
      %dma_start3A_138 = arith.constant 0 : i32
      %dma_start3A_139 = tpu.memref_slice %arg5[%add3A_52, %dma_start3A_138] : memref<65536x64xf32, #tpu.memory_space<hbm>> -> memref<256x64xf32, #tpu.memory_space<hbm>>
      %dma_start3A_140 = arith.constant 0 : i32
      %dma_start3A_141 = tpu.memref_slice %arg5[%add3A_52, %dma_start3A_140] : memref<65536x64xf32, #tpu.memory_space<hbm>> -> memref<256x64xf32, #tpu.memory_space<hbm>>
      tpu.enqueue_dma source(%arg9 : memref<256x64xf32, #tpu.memory_space<vmem>>) target(%dma_start3A_141 : memref<256x64xf32, #tpu.memory_space<hbm>>) target_semaphore(%run_scoped3A : memref<!tpu.dma_semaphore, #tpu.memory_space<semaphore_mem>>)
      %dma_wait3A_142 = arith.constant 0 : i32
      %dma_wait3A_143 = tpu.memref_slice %arg5[%add3A_52, %dma_wait3A_142] : memref<65536x64xf32, #tpu.memory_space<hbm>> -> memref<256x64xf32, #tpu.memory_space<hbm>>
      %dma_wait3A_144 = arith.constant 0 : i32
      %dma_wait3A_145 = tpu.memref_slice %arg5[%add3A_52, %dma_wait3A_144] : memref<65536x64xf32, #tpu.memory_space<hbm>> -> memref<256x64xf32, #tpu.memory_space<hbm>>
      tpu.wait_dma2 semaphore(%run_scoped3A : memref<!tpu.dma_semaphore, #tpu.memory_space<semaphore_mem>>) src(%arg9 : memref<256x64xf32, #tpu.memory_space<vmem>>) dst(%dma_wait3A_145 : memref<256x64xf32, #tpu.memory_space<hbm>>)
      tpu.yield
    }) : () -> ()
    %dma_start3A_53 = arith.constant 768 : i32
    %dma_start3A_54 = tpu.memref_slice %arg6[%dma_start3A_53] : memref<2048xi32, #tpu.memory_space<vmem>> -> memref<256xi32, #tpu.memory_space<vmem>>
    %dma_start3A_55 = arith.constant 0 : i32
    %dma_start3A_56 = arith.constant 0 : i32
    %dma_start3A_57 = tpu.memref_slice %arg4[%dma_start3A_55, %dma_start3A_56] : memref<131072x128xf32, #tpu.memory_space<hbm>> -> memref<131072x128xf32, #tpu.memory_space<hbm>>
    tpu.enqueue_indirect_dma source(%dma_start3A_57 : memref<131072x128xf32, #tpu.memory_space<hbm>>) target(%arg8 : memref<256x128xf32, #tpu.memory_space<vmem>>) offsets(%dma_start3A_54 : memref<256xi32, #tpu.memory_space<vmem>>) semaphore(%arg10 : memref<!tpu.dma_semaphore, #tpu.memory_space<semaphore_mem>>)
    %dma_wait3A_58 = arith.constant 768 : i32
    %dma_wait3A_59 = tpu.memref_slice %arg6[%dma_wait3A_58] : memref<2048xi32, #tpu.memory_space<vmem>> -> memref<256xi32, #tpu.memory_space<vmem>>
    %dma_wait3A_60 = arith.constant 0 : i32
    %dma_wait3A_61 = arith.constant 0 : i32
    %dma_wait3A_62 = tpu.memref_slice %arg4[%dma_wait3A_60, %dma_wait3A_61] : memref<131072x128xf32, #tpu.memory_space<hbm>> -> memref<131072x128xf32, #tpu.memory_space<hbm>>
    tpu.wait_indirect_dma semaphore(%arg10 : memref<!tpu.dma_semaphore, #tpu.memory_space<semaphore_mem>>) src(%dma_wait3A_62 : memref<131072x128xf32, #tpu.memory_space<hbm>>) dst(%arg8 : memref<256x128xf32, #tpu.memory_space<vmem>>)
    %parallel_loop3A_63 = arith.constant 0 : i32
    %parallel_loop3A_64 = arith.constant 1024 : i32
    %parallel_loop3A_65 = arith.constant 1 : i32
    scf.for %parallel_loop3A_138 = %parallel_loop3A_63 to %parallel_loop3A_64 step %parallel_loop3A_65  : i32 {
      %parallel_loop3A_139 = arith.constant 2 : i32
      %parallel_loop3A_140 = arith.shrui %parallel_loop3A_138, %parallel_loop3A_139 : i32
      %parallel_loop3A_141 = arith.constant 3 : i32
      %parallel_loop3A_142 = arith.andi %parallel_loop3A_138, %parallel_loop3A_141 : i32
      %parallel_loop3A_143 = vector.broadcast %parallel_loop3A_140 : i32 to vector<16xi32>
      %parallel_loop3A_144 = arith.constant 768 : i32
      %parallel_loop3A_145 = vector.broadcast %parallel_loop3A_144 : i32 to vector<16xi32>
      %parallel_loop3A_146 = arith.addi %parallel_loop3A_145, %parallel_loop3A_143 : vector<16xi32>
      %parallel_loop3A_147 = tpu.vector_load_idx %arg7[%parallel_loop3A_146] : memref<2048xi32, #tpu.memory_space<vmem>>[vector<16xi32>], vector<16xi32>,
      %parallel_loop3A_148 = arith.constant 16 : i32
      %parallel_loop3A_149 = arith.muli %parallel_loop3A_142, %parallel_loop3A_148 : i32
      %parallel_loop3A_150 = vector.broadcast %parallel_loop3A_149 : i32 to vector<16xi32>
      %parallel_loop3A_151 = arith.addi %parallel_loop3A_150, %iota3A : vector<16xi32>
      %parallel_loop3A_152 = arith.constant 64 : i32
      %parallel_loop3A_153 = vector.broadcast %parallel_loop3A_152 : i32 to vector<16xi32>
      %parallel_loop3A_154 = arith.muli %parallel_loop3A_147, %parallel_loop3A_153 : vector<16xi32>
      %parallel_loop3A_155 = arith.addi %parallel_loop3A_154, %parallel_loop3A_151 : vector<16xi32>
      %parallel_loop3A_156 = tpu.vector_load_idx %arg8[%parallel_loop3A_143, %parallel_loop3A_155] : memref<256x128xf32, #tpu.memory_space<vmem>>[vector<16xi32>, vector<16xi32>], vector<16xf32>,
      tpu.vector_store_idx %arg9[%parallel_loop3A_143, %parallel_loop3A_151], %parallel_loop3A_156 : memref<256x64xf32, #tpu.memory_space<vmem>>[vector<16xi32>, vector<16xi32>], vector<16xf32>,
    } {sc.loop_unroll_factor = 4 : i64, sc.parallel_access}
    %mul3A_66 = arith.constant 2048 : i32
    %mul3A_67 = arith.muli %add3A, %mul3A_66 : i32
    %add3A_68 = arith.constant 768 : i32
    %add3A_69 = arith.addi %mul3A_67, %add3A_68 : i32
    "tpu.region"() ({
      %run_scoped3A = tpu.sem_alloc : memref<!tpu.dma_semaphore, #tpu.memory_space<semaphore_mem>>
      %dma_start3A_138 = arith.constant 0 : i32
      %dma_start3A_139 = tpu.memref_slice %arg5[%add3A_69, %dma_start3A_138] : memref<65536x64xf32, #tpu.memory_space<hbm>> -> memref<256x64xf32, #tpu.memory_space<hbm>>
      %dma_start3A_140 = arith.constant 0 : i32
      %dma_start3A_141 = tpu.memref_slice %arg5[%add3A_69, %dma_start3A_140] : memref<65536x64xf32, #tpu.memory_space<hbm>> -> memref<256x64xf32, #tpu.memory_space<hbm>>
      tpu.enqueue_dma source(%arg9 : memref<256x64xf32, #tpu.memory_space<vmem>>) target(%dma_start3A_141 : memref<256x64xf32, #tpu.memory_space<hbm>>) target_semaphore(%run_scoped3A : memref<!tpu.dma_semaphore, #tpu.memory_space<semaphore_mem>>)
      %dma_wait3A_142 = arith.constant 0 : i32
      %dma_wait3A_143 = tpu.memref_slice %arg5[%add3A_69, %dma_wait3A_142] : memref<65536x64xf32, #tpu.memory_space<hbm>> -> memref<256x64xf32, #tpu.memory_space<hbm>>
      %dma_wait3A_144 = arith.constant 0 : i32
      %dma_wait3A_145 = tpu.memref_slice %arg5[%add3A_69, %dma_wait3A_144] : memref<65536x64xf32, #tpu.memory_space<hbm>> -> memref<256x64xf32, #tpu.memory_space<hbm>>
      tpu.wait_dma2 semaphore(%run_scoped3A : memref<!tpu.dma_semaphore, #tpu.memory_space<semaphore_mem>>) src(%arg9 : memref<256x64xf32, #tpu.memory_space<vmem>>) dst(%dma_wait3A_145 : memref<256x64xf32, #tpu.memory_space<hbm>>)
      tpu.yield
    }) : () -> ()
    %dma_start3A_70 = arith.constant 1024 : i32
    %dma_start3A_71 = tpu.memref_slice %arg6[%dma_start3A_70] : memref<2048xi32, #tpu.memory_space<vmem>> -> memref<256xi32, #tpu.memory_space<vmem>>
    %dma_start3A_72 = arith.constant 0 : i32
    %dma_start3A_73 = arith.constant 0 : i32
    %dma_start3A_74 = tpu.memref_slice %arg4[%dma_start3A_72, %dma_start3A_73] : memref<131072x128xf32, #tpu.memory_space<hbm>> -> memref<131072x128xf32, #tpu.memory_space<hbm>>
    tpu.enqueue_indirect_dma source(%dma_start3A_74 : memref<131072x128xf32, #tpu.memory_space<hbm>>) target(%arg8 : memref<256x128xf32, #tpu.memory_space<vmem>>) offsets(%dma_start3A_71 : memref<256xi32, #tpu.memory_space<vmem>>) semaphore(%arg10 : memref<!tpu.dma_semaphore, #tpu.memory_space<semaphore_mem>>)
    %dma_wait3A_75 = arith.constant 1024 : i32
    %dma_wait3A_76 = tpu.memref_slice %arg6[%dma_wait3A_75] : memref<2048xi32, #tpu.memory_space<vmem>> -> memref<256xi32, #tpu.memory_space<vmem>>
    %dma_wait3A_77 = arith.constant 0 : i32
    %dma_wait3A_78 = arith.constant 0 : i32
    %dma_wait3A_79 = tpu.memref_slice %arg4[%dma_wait3A_77, %dma_wait3A_78] : memref<131072x128xf32, #tpu.memory_space<hbm>> -> memref<131072x128xf32, #tpu.memory_space<hbm>>
    tpu.wait_indirect_dma semaphore(%arg10 : memref<!tpu.dma_semaphore, #tpu.memory_space<semaphore_mem>>) src(%dma_wait3A_79 : memref<131072x128xf32, #tpu.memory_space<hbm>>) dst(%arg8 : memref<256x128xf32, #tpu.memory_space<vmem>>)
    %parallel_loop3A_80 = arith.constant 0 : i32
    %parallel_loop3A_81 = arith.constant 1024 : i32
    %parallel_loop3A_82 = arith.constant 1 : i32
    scf.for %parallel_loop3A_138 = %parallel_loop3A_80 to %parallel_loop3A_81 step %parallel_loop3A_82  : i32 {
      %parallel_loop3A_139 = arith.constant 2 : i32
      %parallel_loop3A_140 = arith.shrui %parallel_loop3A_138, %parallel_loop3A_139 : i32
      %parallel_loop3A_141 = arith.constant 3 : i32
      %parallel_loop3A_142 = arith.andi %parallel_loop3A_138, %parallel_loop3A_141 : i32
      %parallel_loop3A_143 = vector.broadcast %parallel_loop3A_140 : i32 to vector<16xi32>
      %parallel_loop3A_144 = arith.constant 1024 : i32
      %parallel_loop3A_145 = vector.broadcast %parallel_loop3A_144 : i32 to vector<16xi32>
      %parallel_loop3A_146 = arith.addi %parallel_loop3A_145, %parallel_loop3A_143 : vector<16xi32>
      %parallel_loop3A_147 = tpu.vector_load_idx %arg7[%parallel_loop3A_146] : memref<2048xi32, #tpu.memory_space<vmem>>[vector<16xi32>], vector<16xi32>,
      %parallel_loop3A_148 = arith.constant 16 : i32
      %parallel_loop3A_149 = arith.muli %parallel_loop3A_142, %parallel_loop3A_148 : i32
      %parallel_loop3A_150 = vector.broadcast %parallel_loop3A_149 : i32 to vector<16xi32>
      %parallel_loop3A_151 = arith.addi %parallel_loop3A_150, %iota3A : vector<16xi32>
      %parallel_loop3A_152 = arith.constant 64 : i32
      %parallel_loop3A_153 = vector.broadcast %parallel_loop3A_152 : i32 to vector<16xi32>
      %parallel_loop3A_154 = arith.muli %parallel_loop3A_147, %parallel_loop3A_153 : vector<16xi32>
      %parallel_loop3A_155 = arith.addi %parallel_loop3A_154, %parallel_loop3A_151 : vector<16xi32>
      %parallel_loop3A_156 = tpu.vector_load_idx %arg8[%parallel_loop3A_143, %parallel_loop3A_155] : memref<256x128xf32, #tpu.memory_space<vmem>>[vector<16xi32>, vector<16xi32>], vector<16xf32>,
      tpu.vector_store_idx %arg9[%parallel_loop3A_143, %parallel_loop3A_151], %parallel_loop3A_156 : memref<256x64xf32, #tpu.memory_space<vmem>>[vector<16xi32>, vector<16xi32>], vector<16xf32>,
    } {sc.loop_unroll_factor = 4 : i64, sc.parallel_access}
    %mul3A_83 = arith.constant 2048 : i32
    %mul3A_84 = arith.muli %add3A, %mul3A_83 : i32
    %add3A_85 = arith.constant 1024 : i32
    %add3A_86 = arith.addi %mul3A_84, %add3A_85 : i32
    "tpu.region"() ({
      %run_scoped3A = tpu.sem_alloc : memref<!tpu.dma_semaphore, #tpu.memory_space<semaphore_mem>>
      %dma_start3A_138 = arith.constant 0 : i32
      %dma_start3A_139 = tpu.memref_slice %arg5[%add3A_86, %dma_start3A_138] : memref<65536x64xf32, #tpu.memory_space<hbm>> -> memref<256x64xf32, #tpu.memory_space<hbm>>
      %dma_start3A_140 = arith.constant 0 : i32
      %dma_start3A_141 = tpu.memref_slice %arg5[%add3A_86, %dma_start3A_140] : memref<65536x64xf32, #tpu.memory_space<hbm>> -> memref<256x64xf32, #tpu.memory_space<hbm>>
      tpu.enqueue_dma source(%arg9 : memref<256x64xf32, #tpu.memory_space<vmem>>) target(%dma_start3A_141 : memref<256x64xf32, #tpu.memory_space<hbm>>) target_semaphore(%run_scoped3A : memref<!tpu.dma_semaphore, #tpu.memory_space<semaphore_mem>>)
      %dma_wait3A_142 = arith.constant 0 : i32
      %dma_wait3A_143 = tpu.memref_slice %arg5[%add3A_86, %dma_wait3A_142] : memref<65536x64xf32, #tpu.memory_space<hbm>> -> memref<256x64xf32, #tpu.memory_space<hbm>>
      %dma_wait3A_144 = arith.constant 0 : i32
      %dma_wait3A_145 = tpu.memref_slice %arg5[%add3A_86, %dma_wait3A_144] : memref<65536x64xf32, #tpu.memory_space<hbm>> -> memref<256x64xf32, #tpu.memory_space<hbm>>
      tpu.wait_dma2 semaphore(%run_scoped3A : memref<!tpu.dma_semaphore, #tpu.memory_space<semaphore_mem>>) src(%arg9 : memref<256x64xf32, #tpu.memory_space<vmem>>) dst(%dma_wait3A_145 : memref<256x64xf32, #tpu.memory_space<hbm>>)
      tpu.yield
    }) : () -> ()
    %dma_start3A_87 = arith.constant 1280 : i32
    %dma_start3A_88 = tpu.memref_slice %arg6[%dma_start3A_87] : memref<2048xi32, #tpu.memory_space<vmem>> -> memref<256xi32, #tpu.memory_space<vmem>>
    %dma_start3A_89 = arith.constant 0 : i32
    %dma_start3A_90 = arith.constant 0 : i32
    %dma_start3A_91 = tpu.memref_slice %arg4[%dma_start3A_89, %dma_start3A_90] : memref<131072x128xf32, #tpu.memory_space<hbm>> -> memref<131072x128xf32, #tpu.memory_space<hbm>>
    tpu.enqueue_indirect_dma source(%dma_start3A_91 : memref<131072x128xf32, #tpu.memory_space<hbm>>) target(%arg8 : memref<256x128xf32, #tpu.memory_space<vmem>>) offsets(%dma_start3A_88 : memref<256xi32, #tpu.memory_space<vmem>>) semaphore(%arg10 : memref<!tpu.dma_semaphore, #tpu.memory_space<semaphore_mem>>)
    %dma_wait3A_92 = arith.constant 1280 : i32
    %dma_wait3A_93 = tpu.memref_slice %arg6[%dma_wait3A_92] : memref<2048xi32, #tpu.memory_space<vmem>> -> memref<256xi32, #tpu.memory_space<vmem>>
    %dma_wait3A_94 = arith.constant 0 : i32
    %dma_wait3A_95 = arith.constant 0 : i32
    %dma_wait3A_96 = tpu.memref_slice %arg4[%dma_wait3A_94, %dma_wait3A_95] : memref<131072x128xf32, #tpu.memory_space<hbm>> -> memref<131072x128xf32, #tpu.memory_space<hbm>>
    tpu.wait_indirect_dma semaphore(%arg10 : memref<!tpu.dma_semaphore, #tpu.memory_space<semaphore_mem>>) src(%dma_wait3A_96 : memref<131072x128xf32, #tpu.memory_space<hbm>>) dst(%arg8 : memref<256x128xf32, #tpu.memory_space<vmem>>)
    %parallel_loop3A_97 = arith.constant 0 : i32
    %parallel_loop3A_98 = arith.constant 1024 : i32
    %parallel_loop3A_99 = arith.constant 1 : i32
    scf.for %parallel_loop3A_138 = %parallel_loop3A_97 to %parallel_loop3A_98 step %parallel_loop3A_99  : i32 {
      %parallel_loop3A_139 = arith.constant 2 : i32
      %parallel_loop3A_140 = arith.shrui %parallel_loop3A_138, %parallel_loop3A_139 : i32
      %parallel_loop3A_141 = arith.constant 3 : i32
      %parallel_loop3A_142 = arith.andi %parallel_loop3A_138, %parallel_loop3A_141 : i32
      %parallel_loop3A_143 = vector.broadcast %parallel_loop3A_140 : i32 to vector<16xi32>
      %parallel_loop3A_144 = arith.constant 1280 : i32
      %parallel_loop3A_145 = vector.broadcast %parallel_loop3A_144 : i32 to vector<16xi32>
      %parallel_loop3A_146 = arith.addi %parallel_loop3A_145, %parallel_loop3A_143 : vector<16xi32>
      %parallel_loop3A_147 = tpu.vector_load_idx %arg7[%parallel_loop3A_146] : memref<2048xi32, #tpu.memory_space<vmem>>[vector<16xi32>], vector<16xi32>,
      %parallel_loop3A_148 = arith.constant 16 : i32
      %parallel_loop3A_149 = arith.muli %parallel_loop3A_142, %parallel_loop3A_148 : i32
      %parallel_loop3A_150 = vector.broadcast %parallel_loop3A_149 : i32 to vector<16xi32>
      %parallel_loop3A_151 = arith.addi %parallel_loop3A_150, %iota3A : vector<16xi32>
      %parallel_loop3A_152 = arith.constant 64 : i32
      %parallel_loop3A_153 = vector.broadcast %parallel_loop3A_152 : i32 to vector<16xi32>
      %parallel_loop3A_154 = arith.muli %parallel_loop3A_147, %parallel_loop3A_153 : vector<16xi32>
      %parallel_loop3A_155 = arith.addi %parallel_loop3A_154, %parallel_loop3A_151 : vector<16xi32>
      %parallel_loop3A_156 = tpu.vector_load_idx %arg8[%parallel_loop3A_143, %parallel_loop3A_155] : memref<256x128xf32, #tpu.memory_space<vmem>>[vector<16xi32>, vector<16xi32>], vector<16xf32>,
      tpu.vector_store_idx %arg9[%parallel_loop3A_143, %parallel_loop3A_151], %parallel_loop3A_156 : memref<256x64xf32, #tpu.memory_space<vmem>>[vector<16xi32>, vector<16xi32>], vector<16xf32>,
    } {sc.loop_unroll_factor = 4 : i64, sc.parallel_access}
    %mul3A_100 = arith.constant 2048 : i32
    %mul3A_101 = arith.muli %add3A, %mul3A_100 : i32
    %add3A_102 = arith.constant 1280 : i32
    %add3A_103 = arith.addi %mul3A_101, %add3A_102 : i32
    "tpu.region"() ({
      %run_scoped3A = tpu.sem_alloc : memref<!tpu.dma_semaphore, #tpu.memory_space<semaphore_mem>>
      %dma_start3A_138 = arith.constant 0 : i32
      %dma_start3A_139 = tpu.memref_slice %arg5[%add3A_103, %dma_start3A_138] : memref<65536x64xf32, #tpu.memory_space<hbm>> -> memref<256x64xf32, #tpu.memory_space<hbm>>
      %dma_start3A_140 = arith.constant 0 : i32
      %dma_start3A_141 = tpu.memref_slice %arg5[%add3A_103, %dma_start3A_140] : memref<65536x64xf32, #tpu.memory_space<hbm>> -> memref<256x64xf32, #tpu.memory_space<hbm>>
      tpu.enqueue_dma source(%arg9 : memref<256x64xf32, #tpu.memory_space<vmem>>) target(%dma_start3A_141 : memref<256x64xf32, #tpu.memory_space<hbm>>) target_semaphore(%run_scoped3A : memref<!tpu.dma_semaphore, #tpu.memory_space<semaphore_mem>>)
      %dma_wait3A_142 = arith.constant 0 : i32
      %dma_wait3A_143 = tpu.memref_slice %arg5[%add3A_103, %dma_wait3A_142] : memref<65536x64xf32, #tpu.memory_space<hbm>> -> memref<256x64xf32, #tpu.memory_space<hbm>>
      %dma_wait3A_144 = arith.constant 0 : i32
      %dma_wait3A_145 = tpu.memref_slice %arg5[%add3A_103, %dma_wait3A_144] : memref<65536x64xf32, #tpu.memory_space<hbm>> -> memref<256x64xf32, #tpu.memory_space<hbm>>
      tpu.wait_dma2 semaphore(%run_scoped3A : memref<!tpu.dma_semaphore, #tpu.memory_space<semaphore_mem>>) src(%arg9 : memref<256x64xf32, #tpu.memory_space<vmem>>) dst(%dma_wait3A_145 : memref<256x64xf32, #tpu.memory_space<hbm>>)
      tpu.yield
    }) : () -> ()
    %dma_start3A_104 = arith.constant 1536 : i32
    %dma_start3A_105 = tpu.memref_slice %arg6[%dma_start3A_104] : memref<2048xi32, #tpu.memory_space<vmem>> -> memref<256xi32, #tpu.memory_space<vmem>>
    %dma_start3A_106 = arith.constant 0 : i32
    %dma_start3A_107 = arith.constant 0 : i32
    %dma_start3A_108 = tpu.memref_slice %arg4[%dma_start3A_106, %dma_start3A_107] : memref<131072x128xf32, #tpu.memory_space<hbm>> -> memref<131072x128xf32, #tpu.memory_space<hbm>>
    tpu.enqueue_indirect_dma source(%dma_start3A_108 : memref<131072x128xf32, #tpu.memory_space<hbm>>) target(%arg8 : memref<256x128xf32, #tpu.memory_space<vmem>>) offsets(%dma_start3A_105 : memref<256xi32, #tpu.memory_space<vmem>>) semaphore(%arg10 : memref<!tpu.dma_semaphore, #tpu.memory_space<semaphore_mem>>)
    %dma_wait3A_109 = arith.constant 1536 : i32
    %dma_wait3A_110 = tpu.memref_slice %arg6[%dma_wait3A_109] : memref<2048xi32, #tpu.memory_space<vmem>> -> memref<256xi32, #tpu.memory_space<vmem>>
    %dma_wait3A_111 = arith.constant 0 : i32
    %dma_wait3A_112 = arith.constant 0 : i32
    %dma_wait3A_113 = tpu.memref_slice %arg4[%dma_wait3A_111, %dma_wait3A_112] : memref<131072x128xf32, #tpu.memory_space<hbm>> -> memref<131072x128xf32, #tpu.memory_space<hbm>>
    tpu.wait_indirect_dma semaphore(%arg10 : memref<!tpu.dma_semaphore, #tpu.memory_space<semaphore_mem>>) src(%dma_wait3A_113 : memref<131072x128xf32, #tpu.memory_space<hbm>>) dst(%arg8 : memref<256x128xf32, #tpu.memory_space<vmem>>)
    %parallel_loop3A_114 = arith.constant 0 : i32
    %parallel_loop3A_115 = arith.constant 1024 : i32
    %parallel_loop3A_116 = arith.constant 1 : i32
    scf.for %parallel_loop3A_138 = %parallel_loop3A_114 to %parallel_loop3A_115 step %parallel_loop3A_116  : i32 {
      %parallel_loop3A_139 = arith.constant 2 : i32
      %parallel_loop3A_140 = arith.shrui %parallel_loop3A_138, %parallel_loop3A_139 : i32
      %parallel_loop3A_141 = arith.constant 3 : i32
      %parallel_loop3A_142 = arith.andi %parallel_loop3A_138, %parallel_loop3A_141 : i32
      %parallel_loop3A_143 = vector.broadcast %parallel_loop3A_140 : i32 to vector<16xi32>
      %parallel_loop3A_144 = arith.constant 1536 : i32
      %parallel_loop3A_145 = vector.broadcast %parallel_loop3A_144 : i32 to vector<16xi32>
      %parallel_loop3A_146 = arith.addi %parallel_loop3A_145, %parallel_loop3A_143 : vector<16xi32>
      %parallel_loop3A_147 = tpu.vector_load_idx %arg7[%parallel_loop3A_146] : memref<2048xi32, #tpu.memory_space<vmem>>[vector<16xi32>], vector<16xi32>,
      %parallel_loop3A_148 = arith.constant 16 : i32
      %parallel_loop3A_149 = arith.muli %parallel_loop3A_142, %parallel_loop3A_148 : i32
      %parallel_loop3A_150 = vector.broadcast %parallel_loop3A_149 : i32 to vector<16xi32>
      %parallel_loop3A_151 = arith.addi %parallel_loop3A_150, %iota3A : vector<16xi32>
      %parallel_loop3A_152 = arith.constant 64 : i32
      %parallel_loop3A_153 = vector.broadcast %parallel_loop3A_152 : i32 to vector<16xi32>
      %parallel_loop3A_154 = arith.muli %parallel_loop3A_147, %parallel_loop3A_153 : vector<16xi32>
      %parallel_loop3A_155 = arith.addi %parallel_loop3A_154, %parallel_loop3A_151 : vector<16xi32>
      %parallel_loop3A_156 = tpu.vector_load_idx %arg8[%parallel_loop3A_143, %parallel_loop3A_155] : memref<256x128xf32, #tpu.memory_space<vmem>>[vector<16xi32>, vector<16xi32>], vector<16xf32>,
      tpu.vector_store_idx %arg9[%parallel_loop3A_143, %parallel_loop3A_151], %parallel_loop3A_156 : memref<256x64xf32, #tpu.memory_space<vmem>>[vector<16xi32>, vector<16xi32>], vector<16xf32>,
    } {sc.loop_unroll_factor = 4 : i64, sc.parallel_access}
    %mul3A_117 = arith.constant 2048 : i32
    %mul3A_118 = arith.muli %add3A, %mul3A_117 : i32
    %add3A_119 = arith.constant 1536 : i32
    %add3A_120 = arith.addi %mul3A_118, %add3A_119 : i32
    "tpu.region"() ({
      %run_scoped3A = tpu.sem_alloc : memref<!tpu.dma_semaphore, #tpu.memory_space<semaphore_mem>>
      %dma_start3A_138 = arith.constant 0 : i32
      %dma_start3A_139 = tpu.memref_slice %arg5[%add3A_120, %dma_start3A_138] : memref<65536x64xf32, #tpu.memory_space<hbm>> -> memref<256x64xf32, #tpu.memory_space<hbm>>
      %dma_start3A_140 = arith.constant 0 : i32
      %dma_start3A_141 = tpu.memref_slice %arg5[%add3A_120, %dma_start3A_140] : memref<65536x64xf32, #tpu.memory_space<hbm>> -> memref<256x64xf32, #tpu.memory_space<hbm>>
      tpu.enqueue_dma source(%arg9 : memref<256x64xf32, #tpu.memory_space<vmem>>) target(%dma_start3A_141 : memref<256x64xf32, #tpu.memory_space<hbm>>) target_semaphore(%run_scoped3A : memref<!tpu.dma_semaphore, #tpu.memory_space<semaphore_mem>>)
      %dma_wait3A_142 = arith.constant 0 : i32
      %dma_wait3A_143 = tpu.memref_slice %arg5[%add3A_120, %dma_wait3A_142] : memref<65536x64xf32, #tpu.memory_space<hbm>> -> memref<256x64xf32, #tpu.memory_space<hbm>>
      %dma_wait3A_144 = arith.constant 0 : i32
      %dma_wait3A_145 = tpu.memref_slice %arg5[%add3A_120, %dma_wait3A_144] : memref<65536x64xf32, #tpu.memory_space<hbm>> -> memref<256x64xf32, #tpu.memory_space<hbm>>
      tpu.wait_dma2 semaphore(%run_scoped3A : memref<!tpu.dma_semaphore, #tpu.memory_space<semaphore_mem>>) src(%arg9 : memref<256x64xf32, #tpu.memory_space<vmem>>) dst(%dma_wait3A_145 : memref<256x64xf32, #tpu.memory_space<hbm>>)
      tpu.yield
    }) : () -> ()
    %dma_start3A_121 = arith.constant 1792 : i32
    %dma_start3A_122 = tpu.memref_slice %arg6[%dma_start3A_121] : memref<2048xi32, #tpu.memory_space<vmem>> -> memref<256xi32, #tpu.memory_space<vmem>>
    %dma_start3A_123 = arith.constant 0 : i32
    %dma_start3A_124 = arith.constant 0 : i32
    %dma_start3A_125 = tpu.memref_slice %arg4[%dma_start3A_123, %dma_start3A_124] : memref<131072x128xf32, #tpu.memory_space<hbm>> -> memref<131072x128xf32, #tpu.memory_space<hbm>>
    tpu.enqueue_indirect_dma source(%dma_start3A_125 : memref<131072x128xf32, #tpu.memory_space<hbm>>) target(%arg8 : memref<256x128xf32, #tpu.memory_space<vmem>>) offsets(%dma_start3A_122 : memref<256xi32, #tpu.memory_space<vmem>>) semaphore(%arg10 : memref<!tpu.dma_semaphore, #tpu.memory_space<semaphore_mem>>)
    %dma_wait3A_126 = arith.constant 1792 : i32
    %dma_wait3A_127 = tpu.memref_slice %arg6[%dma_wait3A_126] : memref<2048xi32, #tpu.memory_space<vmem>> -> memref<256xi32, #tpu.memory_space<vmem>>
    %dma_wait3A_128 = arith.constant 0 : i32
    %dma_wait3A_129 = arith.constant 0 : i32
    %dma_wait3A_130 = tpu.memref_slice %arg4[%dma_wait3A_128, %dma_wait3A_129] : memref<131072x128xf32, #tpu.memory_space<hbm>> -> memref<131072x128xf32, #tpu.memory_space<hbm>>
    tpu.wait_indirect_dma semaphore(%arg10 : memref<!tpu.dma_semaphore, #tpu.memory_space<semaphore_mem>>) src(%dma_wait3A_130 : memref<131072x128xf32, #tpu.memory_space<hbm>>) dst(%arg8 : memref<256x128xf32, #tpu.memory_space<vmem>>)
    %parallel_loop3A_131 = arith.constant 0 : i32
    %parallel_loop3A_132 = arith.constant 1024 : i32
    %parallel_loop3A_133 = arith.constant 1 : i32
    scf.for %parallel_loop3A_138 = %parallel_loop3A_131 to %parallel_loop3A_132 step %parallel_loop3A_133  : i32 {
      %parallel_loop3A_139 = arith.constant 2 : i32
      %parallel_loop3A_140 = arith.shrui %parallel_loop3A_138, %parallel_loop3A_139 : i32
      %parallel_loop3A_141 = arith.constant 3 : i32
      %parallel_loop3A_142 = arith.andi %parallel_loop3A_138, %parallel_loop3A_141 : i32
      %parallel_loop3A_143 = vector.broadcast %parallel_loop3A_140 : i32 to vector<16xi32>
      %parallel_loop3A_144 = arith.constant 1792 : i32
      %parallel_loop3A_145 = vector.broadcast %parallel_loop3A_144 : i32 to vector<16xi32>
      %parallel_loop3A_146 = arith.addi %parallel_loop3A_145, %parallel_loop3A_143 : vector<16xi32>
      %parallel_loop3A_147 = tpu.vector_load_idx %arg7[%parallel_loop3A_146] : memref<2048xi32, #tpu.memory_space<vmem>>[vector<16xi32>], vector<16xi32>,
      %parallel_loop3A_148 = arith.constant 16 : i32
      %parallel_loop3A_149 = arith.muli %parallel_loop3A_142, %parallel_loop3A_148 : i32
      %parallel_loop3A_150 = vector.broadcast %parallel_loop3A_149 : i32 to vector<16xi32>
      %parallel_loop3A_151 = arith.addi %parallel_loop3A_150, %iota3A : vector<16xi32>
      %parallel_loop3A_152 = arith.constant 64 : i32
      %parallel_loop3A_153 = vector.broadcast %parallel_loop3A_152 : i32 to vector<16xi32>
      %parallel_loop3A_154 = arith.muli %parallel_loop3A_147, %parallel_loop3A_153 : vector<16xi32>
      %parallel_loop3A_155 = arith.addi %parallel_loop3A_154, %parallel_loop3A_151 : vector<16xi32>
      %parallel_loop3A_156 = tpu.vector_load_idx %arg8[%parallel_loop3A_143, %parallel_loop3A_155] : memref<256x128xf32, #tpu.memory_space<vmem>>[vector<16xi32>, vector<16xi32>], vector<16xf32>,
      tpu.vector_store_idx %arg9[%parallel_loop3A_143, %parallel_loop3A_151], %parallel_loop3A_156 : memref<256x64xf32, #tpu.memory_space<vmem>>[vector<16xi32>, vector<16xi32>], vector<16xf32>,
    } {sc.loop_unroll_factor = 4 : i64, sc.parallel_access}
    %mul3A_134 = arith.constant 2048 : i32
    %mul3A_135 = arith.muli %add3A, %mul3A_134 : i32
    %add3A_136 = arith.constant 1792 : i32
    %add3A_137 = arith.addi %mul3A_135, %add3A_136 : i32
    "tpu.region"() ({
      %run_scoped3A = tpu.sem_alloc : memref<!tpu.dma_semaphore, #tpu.memory_space<semaphore_mem>>
      %dma_start3A_138 = arith.constant 0 : i32
      %dma_start3A_139 = tpu.memref_slice %arg5[%add3A_137, %dma_start3A_138] : memref<65536x64xf32, #tpu.memory_space<hbm>> -> memref<256x64xf32, #tpu.memory_space<hbm>>
      %dma_start3A_140 = arith.constant 0 : i32
      %dma_start3A_141 = tpu.memref_slice %arg5[%add3A_137, %dma_start3A_140] : memref<65536x64xf32, #tpu.memory_space<hbm>> -> memref<256x64xf32, #tpu.memory_space<hbm>>
      tpu.enqueue_dma source(%arg9 : memref<256x64xf32, #tpu.memory_space<vmem>>) target(%dma_start3A_141 : memref<256x64xf32, #tpu.memory_space<hbm>>) target_semaphore(%run_scoped3A : memref<!tpu.dma_semaphore, #tpu.memory_space<semaphore_mem>>)
      %dma_wait3A_142 = arith.constant 0 : i32
      %dma_wait3A_143 = tpu.memref_slice %arg5[%add3A_137, %dma_wait3A_142] : memref<65536x64xf32, #tpu.memory_space<hbm>> -> memref<256x64xf32, #tpu.memory_space<hbm>>
      %dma_wait3A_144 = arith.constant 0 : i32
      %dma_wait3A_145 = tpu.memref_slice %arg5[%add3A_137, %dma_wait3A_144] : memref<65536x64xf32, #tpu.memory_space<hbm>> -> memref<256x64xf32, #tpu.memory_space<hbm>>
      tpu.wait_dma2 semaphore(%run_scoped3A : memref<!tpu.dma_semaphore, #tpu.memory_space<semaphore_mem>>) src(%arg9 : memref<256x64xf32, #tpu.memory_space<vmem>>) dst(%dma_wait3A_145 : memref<256x64xf32, #tpu.memory_space<hbm>>)
      tpu.yield
    }) : () -> ()
    return
  }
}

#map = affine_map<(d0, d1) -> (0)>
module attributes {stable_mosaic.version = 14 : i64} {
  func.func @sorter(%arg0: i32, %arg1: i32, %arg2: memref<262144xi32, #tpu.memory_space<hbm>>, %arg3: memref<262144xi32, #tpu.memory_space<hbm>>, %arg4: memref<4096xi32, #tpu.memory_space<hbm>>, %arg5: memref<65536xi32, #tpu.memory_space<hbm>>, %arg6: memref<65536xi32, #tpu.memory_space<hbm>>, %arg7: memref<65536xi32, #tpu.memory_space<hbm>>, %arg8: memref<8192xi32, #tpu.memory_space<vmem>>, %arg9: memref<8192xi32, #tpu.memory_space<vmem>>, %arg10: memref<8192xi32, #tpu.memory_space<vmem>>, %arg11: memref<8192xi32, #tpu.memory_space<vmem>>, %arg12: memref<8192xi32, #tpu.memory_space<vmem>>, %arg13: memref<128xi32, #tpu.memory_space<vmem>>, %arg14: memref<2048xi32, #tpu.memory_space<vmem>>, %arg15: memref<2048xi32, #tpu.memory_space<vmem>>, %arg16: memref<2048xi32, #tpu.memory_space<vmem>>, %arg17: memref<16xi32, #tpu.memory_space<vmem>>, %arg18: memref<16xi32, #tpu.memory_space<vmem>>) attributes {dimension_semantics = [#tpu.dimension_semantics<core_parallel>, #tpu.dimension_semantics<subcore_parallel>], iteration_bounds = array<i64: 2, 16>, scalar_prefetch = 0 : i64, scratch_operands = 11 : i64, tpu.core_type = #tpu.core_type<sc_vector_subcore>, window_params = [{transform_indices = #map}, {transform_indices = #map}, {transform_indices = #map}, {transform_indices = #map}, {transform_indices = #map}, {transform_indices = #map}]} {
    %mul3A = arith.constant 2 : i32
    %mul3A_0 = arith.muli %arg1, %mul3A : i32
    %add3A = arith.addi %mul3A_0, %arg0 : i32
    %mul3A_1 = arith.constant 8192 : i32
    %mul3A_2 = arith.muli %add3A, %mul3A_1 : i32
    "tpu.region"() ({
      %run_scoped3A = tpu.sem_alloc : memref<!tpu.dma_semaphore, #tpu.memory_space<semaphore_mem>>
      %dma_start3A = tpu.memref_slice %arg2[%mul3A_2] : memref<262144xi32, #tpu.memory_space<hbm>> -> memref<8192xi32, #tpu.memory_space<hbm>>
      %dma_start3A_333 = tpu.memref_slice %arg2[%mul3A_2] : memref<262144xi32, #tpu.memory_space<hbm>> -> memref<8192xi32, #tpu.memory_space<hbm>>
      tpu.enqueue_dma source(%dma_start3A_333 : memref<8192xi32, #tpu.memory_space<hbm>>) target(%arg8 : memref<8192xi32, #tpu.memory_space<vmem>>) target_semaphore(%run_scoped3A : memref<!tpu.dma_semaphore, #tpu.memory_space<semaphore_mem>>)
      %dma_wait3A = tpu.memref_slice %arg2[%mul3A_2] : memref<262144xi32, #tpu.memory_space<hbm>> -> memref<8192xi32, #tpu.memory_space<hbm>>
      %dma_wait3A_334 = tpu.memref_slice %arg2[%mul3A_2] : memref<262144xi32, #tpu.memory_space<hbm>> -> memref<8192xi32, #tpu.memory_space<hbm>>
      tpu.wait_dma2 semaphore(%run_scoped3A : memref<!tpu.dma_semaphore, #tpu.memory_space<semaphore_mem>>) src(%dma_wait3A_334 : memref<8192xi32, #tpu.memory_space<hbm>>) dst(%arg8 : memref<8192xi32, #tpu.memory_space<vmem>>)
      tpu.yield
    }) : () -> ()
    %mul3A_3 = arith.constant 8192 : i32
    %mul3A_4 = arith.muli %add3A, %mul3A_3 : i32
    "tpu.region"() ({
      %run_scoped3A = tpu.sem_alloc : memref<!tpu.dma_semaphore, #tpu.memory_space<semaphore_mem>>
      %dma_start3A = tpu.memref_slice %arg3[%mul3A_4] : memref<262144xi32, #tpu.memory_space<hbm>> -> memref<8192xi32, #tpu.memory_space<hbm>>
      %dma_start3A_333 = tpu.memref_slice %arg3[%mul3A_4] : memref<262144xi32, #tpu.memory_space<hbm>> -> memref<8192xi32, #tpu.memory_space<hbm>>
      tpu.enqueue_dma source(%dma_start3A_333 : memref<8192xi32, #tpu.memory_space<hbm>>) target(%arg9 : memref<8192xi32, #tpu.memory_space<vmem>>) target_semaphore(%run_scoped3A : memref<!tpu.dma_semaphore, #tpu.memory_space<semaphore_mem>>)
      %dma_wait3A = tpu.memref_slice %arg3[%mul3A_4] : memref<262144xi32, #tpu.memory_space<hbm>> -> memref<8192xi32, #tpu.memory_space<hbm>>
      %dma_wait3A_334 = tpu.memref_slice %arg3[%mul3A_4] : memref<262144xi32, #tpu.memory_space<hbm>> -> memref<8192xi32, #tpu.memory_space<hbm>>
      tpu.wait_dma2 semaphore(%run_scoped3A : memref<!tpu.dma_semaphore, #tpu.memory_space<semaphore_mem>>) src(%dma_wait3A_334 : memref<8192xi32, #tpu.memory_space<hbm>>) dst(%arg9 : memref<8192xi32, #tpu.memory_space<vmem>>)
      tpu.yield
    }) : () -> ()
    %mul3A_5 = arith.constant 8 : i32
    %mul3A_6 = arith.muli %add3A, %mul3A_5 : i32
    %mul3A_7 = arith.constant 16 : i32
    %mul3A_8 = arith.muli %mul3A_6, %mul3A_7 : i32
    "tpu.region"() ({
      %run_scoped3A = tpu.sem_alloc : memref<!tpu.dma_semaphore, #tpu.memory_space<semaphore_mem>>
      %dma_start3A = tpu.memref_slice %arg4[%mul3A_8] : memref<4096xi32, #tpu.memory_space<hbm>> -> memref<128xi32, #tpu.memory_space<hbm>>
      %dma_start3A_333 = tpu.memref_slice %arg4[%mul3A_8] : memref<4096xi32, #tpu.memory_space<hbm>> -> memref<128xi32, #tpu.memory_space<hbm>>
      tpu.enqueue_dma source(%dma_start3A_333 : memref<128xi32, #tpu.memory_space<hbm>>) target(%arg13 : memref<128xi32, #tpu.memory_space<vmem>>) target_semaphore(%run_scoped3A : memref<!tpu.dma_semaphore, #tpu.memory_space<semaphore_mem>>)
      %dma_wait3A = tpu.memref_slice %arg4[%mul3A_8] : memref<4096xi32, #tpu.memory_space<hbm>> -> memref<128xi32, #tpu.memory_space<hbm>>
      %dma_wait3A_334 = tpu.memref_slice %arg4[%mul3A_8] : memref<4096xi32, #tpu.memory_space<hbm>> -> memref<128xi32, #tpu.memory_space<hbm>>
      tpu.wait_dma2 semaphore(%run_scoped3A : memref<!tpu.dma_semaphore, #tpu.memory_space<semaphore_mem>>) src(%dma_wait3A_334 : memref<128xi32, #tpu.memory_space<hbm>>) dst(%arg13 : memref<128xi32, #tpu.memory_space<vmem>>)
      tpu.yield
    }) : () -> ()
    %broadcast_in_dim3A = arith.constant 0 : i32
    %broadcast_in_dim3A_9 = vector.broadcast %broadcast_in_dim3A : i32 to vector<16xi32>
    %parallel_loop3A = arith.constant 0 : i32
    %parallel_loop3A_10 = arith.constant 512 : i32
    %parallel_loop3A_11 = arith.constant 1 : i32
    %parallel_loop3A_12 = arith.constant 0 : i32
    scf.for %parallel_loop3A_333 = %parallel_loop3A to %parallel_loop3A_10 step %parallel_loop3A_11  : i32 {
      %parallel_loop3A_334 = arith.constant 16 : i32
      %parallel_loop3A_335 = arith.muli %parallel_loop3A_333, %parallel_loop3A_334 : i32
      %parallel_loop3A_336 = arith.index_cast %parallel_loop3A_335 : i32 to index
      %parallel_loop3A_337 = tpu.vector_load %arg8[%parallel_loop3A_336] {strides = array<i32>} : memref<8192xi32, #tpu.memory_space<vmem>>, vector<16xi32>,
      %parallel_loop3A_338 = vector.broadcast %parallel_loop3A_12 : i32 to vector<16xi32>
      %parallel_loop3A_339 = arith.shrui %parallel_loop3A_337, %parallel_loop3A_338 : vector<16xi32>
      %parallel_loop3A_340 = arith.constant 15 : i32
      %parallel_loop3A_341 = vector.broadcast %parallel_loop3A_340 : i32 to vector<16xi32>
      %parallel_loop3A_342 = arith.andi %parallel_loop3A_339, %parallel_loop3A_341 : vector<16xi32>
      %parallel_loop3A_343 = arith.constant true
      %parallel_loop3A_344 = vector.broadcast %parallel_loop3A_343 : i1 to vector<16xi1>
      %parallel_loop3A_345, %parallel_loop3A_346 = tpu.scan_count mask(%parallel_loop3A_344 : vector<16xi1>) value(%parallel_loop3A_342 : vector<16xi32>) : vector<16xi1>, vector<16xi32>
      %parallel_loop3A_347 = arith.constant 16 : i32
      %parallel_loop3A_348 = arith.muli %parallel_loop3A_333, %parallel_loop3A_347 : i32
      %parallel_loop3A_349 = arith.index_cast %parallel_loop3A_348 : i32 to index
      %parallel_loop3A_350 = tpu.vector_load %arg12[%parallel_loop3A_349] {strides = array<i32>} : memref<8192xi32, #tpu.memory_space<vmem>>, vector<16xi32>,
      tpu.vector_store %arg12[%parallel_loop3A_349], %broadcast_in_dim3A_9 {strides = array<i32>} : memref<8192xi32, #tpu.memory_space<vmem>>, vector<16xi32>,
      %parallel_loop3A_351 = arith.constant 16 : i32
      %parallel_loop3A_352 = arith.muli %parallel_loop3A_333, %parallel_loop3A_351 : i32
      %parallel_loop3A_353 = vector.broadcast %parallel_loop3A_352 : i32 to vector<16xi32>
      %parallel_loop3A_354 = arith.addi %parallel_loop3A_353, %parallel_loop3A_342 : vector<16xi32>
      tpu.vector_store_idx %arg12[%parallel_loop3A_354], %parallel_loop3A_346 masked %parallel_loop3A_345 : memref<8192xi32, #tpu.memory_space<vmem>>[vector<16xi32>], vector<16xi32>, vector<16xi1>
    } {sc.loop_unroll_factor = 4 : i64, sc.parallel_access}
    %scan3A = arith.constant 0 : i32
    %scan3A_13 = arith.constant 512 : i32
    %scan3A_14 = arith.addi %scan3A, %scan3A_13 : i32
    %scan3A_15 = arith.constant 1 : i32
    %scan3A_16 = scf.for %scan3A_333 = %scan3A to %scan3A_14 step %scan3A_15 iter_args(%scan3A_334 = %broadcast_in_dim3A_9) -> (vector<16xi32>)  : i32 {
      %mul3A_335 = arith.constant 16 : i32
      %mul3A_336 = arith.muli %scan3A_333, %mul3A_335 : i32
      %get3A_337 = arith.index_cast %mul3A_336 : i32 to index
      %get3A_338 = tpu.vector_load %arg12[%get3A_337] {strides = array<i32>} : memref<8192xi32, #tpu.memory_space<vmem>>, vector<16xi32>,
      %mul3A_339 = arith.constant 16 : i32
      %mul3A_340 = arith.muli %scan3A_333, %mul3A_339 : i32
      %swap3A_341 = arith.index_cast %mul3A_340 : i32 to index
      %swap3A_342 = tpu.vector_load %arg12[%swap3A_341] {strides = array<i32>} : memref<8192xi32, #tpu.memory_space<vmem>>, vector<16xi32>,
      tpu.vector_store %arg12[%swap3A_341], %scan3A_334 {strides = array<i32>} : memref<8192xi32, #tpu.memory_space<vmem>>, vector<16xi32>,
      %add3A_343 = arith.addi %scan3A_334, %get3A_338 : vector<16xi32>
      scf.yield %add3A_343 : vector<16xi32>
    }
    %scan3A_17 = arith.constant 512 : i32
    %broadcast_in_dim3A_18 = arith.constant true
    %broadcast_in_dim3A_19 = vector.broadcast %broadcast_in_dim3A_18 : i1 to vector<16xi1>
    %masked_cumsum3A = tpu.scan <sum>, %scan3A_16 masked %broadcast_in_dim3A_19 : vector<16xi32>, vector<16xi1> -> vector<16xi32>
    %sub3A = arith.subi %masked_cumsum3A, %scan3A_16 : vector<16xi32>
    %parallel_loop3A_20 = arith.constant 0 : i32
    %parallel_loop3A_21 = arith.constant 512 : i32
    %parallel_loop3A_22 = arith.constant 1 : i32
    %parallel_loop3A_23 = arith.constant 0 : i32
    scf.for %parallel_loop3A_333 = %parallel_loop3A_20 to %parallel_loop3A_21 step %parallel_loop3A_22  : i32 {
      %parallel_loop3A_334 = arith.constant 16 : i32
      %parallel_loop3A_335 = arith.muli %parallel_loop3A_333, %parallel_loop3A_334 : i32
      %parallel_loop3A_336 = arith.index_cast %parallel_loop3A_335 : i32 to index
      %parallel_loop3A_337 = tpu.vector_load %arg8[%parallel_loop3A_336] {strides = array<i32>} : memref<8192xi32, #tpu.memory_space<vmem>>, vector<16xi32>,
      %parallel_loop3A_338 = arith.constant 16 : i32
      %parallel_loop3A_339 = arith.muli %parallel_loop3A_333, %parallel_loop3A_338 : i32
      %parallel_loop3A_340 = arith.index_cast %parallel_loop3A_339 : i32 to index
      %parallel_loop3A_341 = tpu.vector_load %arg9[%parallel_loop3A_340] {strides = array<i32>} : memref<8192xi32, #tpu.memory_space<vmem>>, vector<16xi32>,
      %parallel_loop3A_342 = vector.broadcast %parallel_loop3A_23 : i32 to vector<16xi32>
      %parallel_loop3A_343 = arith.shrui %parallel_loop3A_337, %parallel_loop3A_342 : vector<16xi32>
      %parallel_loop3A_344 = arith.constant 15 : i32
      %parallel_loop3A_345 = vector.broadcast %parallel_loop3A_344 : i32 to vector<16xi32>
      %parallel_loop3A_346 = arith.andi %parallel_loop3A_343, %parallel_loop3A_345 : vector<16xi32>
      %parallel_loop3A_347 = arith.constant true
      %parallel_loop3A_348 = vector.broadcast %parallel_loop3A_347 : i1 to vector<16xi1>
      %parallel_loop3A_349, %parallel_loop3A_350 = tpu.scan_count mask(%parallel_loop3A_348 : vector<16xi1>) value(%parallel_loop3A_346 : vector<16xi32>) : vector<16xi1>, vector<16xi32>
      %parallel_loop3A_351 = arith.constant 16 : i32
      %parallel_loop3A_352 = arith.muli %parallel_loop3A_333, %parallel_loop3A_351 : i32
      %parallel_loop3A_353 = arith.index_cast %parallel_loop3A_352 : i32 to index
      %parallel_loop3A_354 = tpu.vector_load %arg12[%parallel_loop3A_353] {strides = array<i32>} : memref<8192xi32, #tpu.memory_space<vmem>>, vector<16xi32>,
      %parallel_loop3A_355 = arith.addi %sub3A, %parallel_loop3A_354 : vector<16xi32>
      %parallel_loop3A_356 = arith.constant 0 : i32
      %parallel_loop3A_357 = vector.broadcast %parallel_loop3A_356 : i32 to vector<16xi32>
      %parallel_loop3A_358 = arith.cmpi slt, %parallel_loop3A_346, %parallel_loop3A_357 : vector<16xi32>
      %parallel_loop3A_359 = arith.constant 16 : i32
      %parallel_loop3A_360 = vector.broadcast %parallel_loop3A_359 : i32 to vector<16xi32>
      %parallel_loop3A_361 = arith.addi %parallel_loop3A_346, %parallel_loop3A_360 : vector<16xi32>
      %parallel_loop3A_362 = arith.select %parallel_loop3A_358, %parallel_loop3A_361, %parallel_loop3A_346 : vector<16xi1>, vector<16xi32>
      %parallel_loop3A_363 = vector.shape_cast %parallel_loop3A_362 : vector<16xi32> to vector<16x1xi32>
      %parallel_loop3A_364 = vector.shape_cast %parallel_loop3A_363 : vector<16x1xi32> to vector<16xi32>
      %parallel_loop3A_365 = tpu.dynamic_gather %parallel_loop3A_355[%parallel_loop3A_364] in [0] : vector<16xi32>, vector<16xi32> -> vector<16xi32>
      %parallel_loop3A_366 = arith.addi %parallel_loop3A_365, %parallel_loop3A_350 : vector<16xi32>
      %parallel_loop3A_367 = arith.constant 1 : i32
      %parallel_loop3A_368 = vector.broadcast %parallel_loop3A_367 : i32 to vector<16xi32>
      %parallel_loop3A_369 = arith.subi %parallel_loop3A_366, %parallel_loop3A_368 : vector<16xi32>
      tpu.vector_store_idx %arg10[%parallel_loop3A_369], %parallel_loop3A_337 : memref<8192xi32, #tpu.memory_space<vmem>>[vector<16xi32>], vector<16xi32>,
      tpu.vector_store_idx %arg11[%parallel_loop3A_369], %parallel_loop3A_341 : memref<8192xi32, #tpu.memory_space<vmem>>[vector<16xi32>], vector<16xi32>,
    } {sc.loop_unroll_factor = 4 : i64, sc.parallel_access}
    %parallel_loop3A_24 = arith.constant 0 : i32
    %parallel_loop3A_25 = arith.constant 512 : i32
    %parallel_loop3A_26 = arith.constant 1 : i32
    %parallel_loop3A_27 = arith.constant 4 : i32
    scf.for %parallel_loop3A_333 = %parallel_loop3A_24 to %parallel_loop3A_25 step %parallel_loop3A_26  : i32 {
      %parallel_loop3A_334 = arith.constant 16 : i32
      %parallel_loop3A_335 = arith.muli %parallel_loop3A_333, %parallel_loop3A_334 : i32
      %parallel_loop3A_336 = arith.index_cast %parallel_loop3A_335 : i32 to index
      %parallel_loop3A_337 = tpu.vector_load %arg10[%parallel_loop3A_336] {strides = array<i32>} : memref<8192xi32, #tpu.memory_space<vmem>>, vector<16xi32>,
      %parallel_loop3A_338 = vector.broadcast %parallel_loop3A_27 : i32 to vector<16xi32>
      %parallel_loop3A_339 = arith.shrui %parallel_loop3A_337, %parallel_loop3A_338 : vector<16xi32>
      %parallel_loop3A_340 = arith.constant 15 : i32
      %parallel_loop3A_341 = vector.broadcast %parallel_loop3A_340 : i32 to vector<16xi32>
      %parallel_loop3A_342 = arith.andi %parallel_loop3A_339, %parallel_loop3A_341 : vector<16xi32>
      %parallel_loop3A_343 = arith.constant true
      %parallel_loop3A_344 = vector.broadcast %parallel_loop3A_343 : i1 to vector<16xi1>
      %parallel_loop3A_345, %parallel_loop3A_346 = tpu.scan_count mask(%parallel_loop3A_344 : vector<16xi1>) value(%parallel_loop3A_342 : vector<16xi32>) : vector<16xi1>, vector<16xi32>
      %parallel_loop3A_347 = arith.constant 16 : i32
      %parallel_loop3A_348 = arith.muli %parallel_loop3A_333, %parallel_loop3A_347 : i32
      %parallel_loop3A_349 = arith.index_cast %parallel_loop3A_348 : i32 to index
      %parallel_loop3A_350 = tpu.vector_load %arg12[%parallel_loop3A_349] {strides = array<i32>} : memref<8192xi32, #tpu.memory_space<vmem>>, vector<16xi32>,
      tpu.vector_store %arg12[%parallel_loop3A_349], %broadcast_in_dim3A_9 {strides = array<i32>} : memref<8192xi32, #tpu.memory_space<vmem>>, vector<16xi32>,
      %parallel_loop3A_351 = arith.constant 16 : i32
      %parallel_loop3A_352 = arith.muli %parallel_loop3A_333, %parallel_loop3A_351 : i32
      %parallel_loop3A_353 = vector.broadcast %parallel_loop3A_352 : i32 to vector<16xi32>
      %parallel_loop3A_354 = arith.addi %parallel_loop3A_353, %parallel_loop3A_342 : vector<16xi32>
      tpu.vector_store_idx %arg12[%parallel_loop3A_354], %parallel_loop3A_346 masked %parallel_loop3A_345 : memref<8192xi32, #tpu.memory_space<vmem>>[vector<16xi32>], vector<16xi32>, vector<16xi1>
    } {sc.loop_unroll_factor = 4 : i64, sc.parallel_access}
    %scan3A_28 = arith.constant 0 : i32
    %scan3A_29 = arith.constant 512 : i32
    %scan3A_30 = arith.addi %scan3A_28, %scan3A_29 : i32
    %scan3A_31 = arith.constant 1 : i32
    %scan3A_32 = scf.for %scan3A_333 = %scan3A_28 to %scan3A_30 step %scan3A_31 iter_args(%scan3A_334 = %broadcast_in_dim3A_9) -> (vector<16xi32>)  : i32 {
      %mul3A_335 = arith.constant 16 : i32
      %mul3A_336 = arith.muli %scan3A_333, %mul3A_335 : i32
      %get3A_337 = arith.index_cast %mul3A_336 : i32 to index
      %get3A_338 = tpu.vector_load %arg12[%get3A_337] {strides = array<i32>} : memref<8192xi32, #tpu.memory_space<vmem>>, vector<16xi32>,
      %mul3A_339 = arith.constant 16 : i32
      %mul3A_340 = arith.muli %scan3A_333, %mul3A_339 : i32
      %swap3A_341 = arith.index_cast %mul3A_340 : i32 to index
      %swap3A_342 = tpu.vector_load %arg12[%swap3A_341] {strides = array<i32>} : memref<8192xi32, #tpu.memory_space<vmem>>, vector<16xi32>,
      tpu.vector_store %arg12[%swap3A_341], %scan3A_334 {strides = array<i32>} : memref<8192xi32, #tpu.memory_space<vmem>>, vector<16xi32>,
      %add3A_343 = arith.addi %scan3A_334, %get3A_338 : vector<16xi32>
      scf.yield %add3A_343 : vector<16xi32>
    }
    %scan3A_33 = arith.constant 512 : i32
    %broadcast_in_dim3A_34 = arith.constant true
    %broadcast_in_dim3A_35 = vector.broadcast %broadcast_in_dim3A_34 : i1 to vector<16xi1>
    %masked_cumsum3A_36 = tpu.scan <sum>, %scan3A_32 masked %broadcast_in_dim3A_35 : vector<16xi32>, vector<16xi1> -> vector<16xi32>
    %sub3A_37 = arith.subi %masked_cumsum3A_36, %scan3A_32 : vector<16xi32>
    %parallel_loop3A_38 = arith.constant 0 : i32
    %parallel_loop3A_39 = arith.constant 512 : i32
    %parallel_loop3A_40 = arith.constant 1 : i32
    %parallel_loop3A_41 = arith.constant 4 : i32
    scf.for %parallel_loop3A_333 = %parallel_loop3A_38 to %parallel_loop3A_39 step %parallel_loop3A_40  : i32 {
      %parallel_loop3A_334 = arith.constant 16 : i32
      %parallel_loop3A_335 = arith.muli %parallel_loop3A_333, %parallel_loop3A_334 : i32
      %parallel_loop3A_336 = arith.index_cast %parallel_loop3A_335 : i32 to index
      %parallel_loop3A_337 = tpu.vector_load %arg10[%parallel_loop3A_336] {strides = array<i32>} : memref<8192xi32, #tpu.memory_space<vmem>>, vector<16xi32>,
      %parallel_loop3A_338 = arith.constant 16 : i32
      %parallel_loop3A_339 = arith.muli %parallel_loop3A_333, %parallel_loop3A_338 : i32
      %parallel_loop3A_340 = arith.index_cast %parallel_loop3A_339 : i32 to index
      %parallel_loop3A_341 = tpu.vector_load %arg11[%parallel_loop3A_340] {strides = array<i32>} : memref<8192xi32, #tpu.memory_space<vmem>>, vector<16xi32>,
      %parallel_loop3A_342 = vector.broadcast %parallel_loop3A_41 : i32 to vector<16xi32>
      %parallel_loop3A_343 = arith.shrui %parallel_loop3A_337, %parallel_loop3A_342 : vector<16xi32>
      %parallel_loop3A_344 = arith.constant 15 : i32
      %parallel_loop3A_345 = vector.broadcast %parallel_loop3A_344 : i32 to vector<16xi32>
      %parallel_loop3A_346 = arith.andi %parallel_loop3A_343, %parallel_loop3A_345 : vector<16xi32>
      %parallel_loop3A_347 = arith.constant true
      %parallel_loop3A_348 = vector.broadcast %parallel_loop3A_347 : i1 to vector<16xi1>
      %parallel_loop3A_349, %parallel_loop3A_350 = tpu.scan_count mask(%parallel_loop3A_348 : vector<16xi1>) value(%parallel_loop3A_346 : vector<16xi32>) : vector<16xi1>, vector<16xi32>
      %parallel_loop3A_351 = arith.constant 16 : i32
      %parallel_loop3A_352 = arith.muli %parallel_loop3A_333, %parallel_loop3A_351 : i32
      %parallel_loop3A_353 = arith.index_cast %parallel_loop3A_352 : i32 to index
      %parallel_loop3A_354 = tpu.vector_load %arg12[%parallel_loop3A_353] {strides = array<i32>} : memref<8192xi32, #tpu.memory_space<vmem>>, vector<16xi32>,
      %parallel_loop3A_355 = arith.addi %sub3A_37, %parallel_loop3A_354 : vector<16xi32>
      %parallel_loop3A_356 = arith.constant 0 : i32
      %parallel_loop3A_357 = vector.broadcast %parallel_loop3A_356 : i32 to vector<16xi32>
      %parallel_loop3A_358 = arith.cmpi slt, %parallel_loop3A_346, %parallel_loop3A_357 : vector<16xi32>
      %parallel_loop3A_359 = arith.constant 16 : i32
      %parallel_loop3A_360 = vector.broadcast %parallel_loop3A_359 : i32 to vector<16xi32>
      %parallel_loop3A_361 = arith.addi %parallel_loop3A_346, %parallel_loop3A_360 : vector<16xi32>
      %parallel_loop3A_362 = arith.select %parallel_loop3A_358, %parallel_loop3A_361, %parallel_loop3A_346 : vector<16xi1>, vector<16xi32>
      %parallel_loop3A_363 = vector.shape_cast %parallel_loop3A_362 : vector<16xi32> to vector<16x1xi32>
      %parallel_loop3A_364 = vector.shape_cast %parallel_loop3A_363 : vector<16x1xi32> to vector<16xi32>
      %parallel_loop3A_365 = tpu.dynamic_gather %parallel_loop3A_355[%parallel_loop3A_364] in [0] : vector<16xi32>, vector<16xi32> -> vector<16xi32>
      %parallel_loop3A_366 = arith.addi %parallel_loop3A_365, %parallel_loop3A_350 : vector<16xi32>
      %parallel_loop3A_367 = arith.constant 1 : i32
      %parallel_loop3A_368 = vector.broadcast %parallel_loop3A_367 : i32 to vector<16xi32>
      %parallel_loop3A_369 = arith.subi %parallel_loop3A_366, %parallel_loop3A_368 : vector<16xi32>
      tpu.vector_store_idx %arg8[%parallel_loop3A_369], %parallel_loop3A_337 : memref<8192xi32, #tpu.memory_space<vmem>>[vector<16xi32>], vector<16xi32>,
      tpu.vector_store_idx %arg9[%parallel_loop3A_369], %parallel_loop3A_341 : memref<8192xi32, #tpu.memory_space<vmem>>[vector<16xi32>], vector<16xi32>,
    } {sc.loop_unroll_factor = 4 : i64, sc.parallel_access}
    %parallel_loop3A_42 = arith.constant 0 : i32
    %parallel_loop3A_43 = arith.constant 512 : i32
    %parallel_loop3A_44 = arith.constant 1 : i32
    %parallel_loop3A_45 = arith.constant 8 : i32
    scf.for %parallel_loop3A_333 = %parallel_loop3A_42 to %parallel_loop3A_43 step %parallel_loop3A_44  : i32 {
      %parallel_loop3A_334 = arith.constant 16 : i32
      %parallel_loop3A_335 = arith.muli %parallel_loop3A_333, %parallel_loop3A_334 : i32
      %parallel_loop3A_336 = arith.index_cast %parallel_loop3A_335 : i32 to index
      %parallel_loop3A_337 = tpu.vector_load %arg8[%parallel_loop3A_336] {strides = array<i32>} : memref<8192xi32, #tpu.memory_space<vmem>>, vector<16xi32>,
      %parallel_loop3A_338 = vector.broadcast %parallel_loop3A_45 : i32 to vector<16xi32>
      %parallel_loop3A_339 = arith.shrui %parallel_loop3A_337, %parallel_loop3A_338 : vector<16xi32>
      %parallel_loop3A_340 = arith.constant 15 : i32
      %parallel_loop3A_341 = vector.broadcast %parallel_loop3A_340 : i32 to vector<16xi32>
      %parallel_loop3A_342 = arith.andi %parallel_loop3A_339, %parallel_loop3A_341 : vector<16xi32>
      %parallel_loop3A_343 = arith.constant true
      %parallel_loop3A_344 = vector.broadcast %parallel_loop3A_343 : i1 to vector<16xi1>
      %parallel_loop3A_345, %parallel_loop3A_346 = tpu.scan_count mask(%parallel_loop3A_344 : vector<16xi1>) value(%parallel_loop3A_342 : vector<16xi32>) : vector<16xi1>, vector<16xi32>
      %parallel_loop3A_347 = arith.constant 16 : i32
      %parallel_loop3A_348 = arith.muli %parallel_loop3A_333, %parallel_loop3A_347 : i32
      %parallel_loop3A_349 = arith.index_cast %parallel_loop3A_348 : i32 to index
      %parallel_loop3A_350 = tpu.vector_load %arg12[%parallel_loop3A_349] {strides = array<i32>} : memref<8192xi32, #tpu.memory_space<vmem>>, vector<16xi32>,
      tpu.vector_store %arg12[%parallel_loop3A_349], %broadcast_in_dim3A_9 {strides = array<i32>} : memref<8192xi32, #tpu.memory_space<vmem>>, vector<16xi32>,
      %parallel_loop3A_351 = arith.constant 16 : i32
      %parallel_loop3A_352 = arith.muli %parallel_loop3A_333, %parallel_loop3A_351 : i32
      %parallel_loop3A_353 = vector.broadcast %parallel_loop3A_352 : i32 to vector<16xi32>
      %parallel_loop3A_354 = arith.addi %parallel_loop3A_353, %parallel_loop3A_342 : vector<16xi32>
      tpu.vector_store_idx %arg12[%parallel_loop3A_354], %parallel_loop3A_346 masked %parallel_loop3A_345 : memref<8192xi32, #tpu.memory_space<vmem>>[vector<16xi32>], vector<16xi32>, vector<16xi1>
    } {sc.loop_unroll_factor = 4 : i64, sc.parallel_access}
    %scan3A_46 = arith.constant 0 : i32
    %scan3A_47 = arith.constant 512 : i32
    %scan3A_48 = arith.addi %scan3A_46, %scan3A_47 : i32
    %scan3A_49 = arith.constant 1 : i32
    %scan3A_50 = scf.for %scan3A_333 = %scan3A_46 to %scan3A_48 step %scan3A_49 iter_args(%scan3A_334 = %broadcast_in_dim3A_9) -> (vector<16xi32>)  : i32 {
      %mul3A_335 = arith.constant 16 : i32
      %mul3A_336 = arith.muli %scan3A_333, %mul3A_335 : i32
      %get3A_337 = arith.index_cast %mul3A_336 : i32 to index
      %get3A_338 = tpu.vector_load %arg12[%get3A_337] {strides = array<i32>} : memref<8192xi32, #tpu.memory_space<vmem>>, vector<16xi32>,
      %mul3A_339 = arith.constant 16 : i32
      %mul3A_340 = arith.muli %scan3A_333, %mul3A_339 : i32
      %swap3A_341 = arith.index_cast %mul3A_340 : i32 to index
      %swap3A_342 = tpu.vector_load %arg12[%swap3A_341] {strides = array<i32>} : memref<8192xi32, #tpu.memory_space<vmem>>, vector<16xi32>,
      tpu.vector_store %arg12[%swap3A_341], %scan3A_334 {strides = array<i32>} : memref<8192xi32, #tpu.memory_space<vmem>>, vector<16xi32>,
      %add3A_343 = arith.addi %scan3A_334, %get3A_338 : vector<16xi32>
      scf.yield %add3A_343 : vector<16xi32>
    }
    %scan3A_51 = arith.constant 512 : i32
    %broadcast_in_dim3A_52 = arith.constant true
    %broadcast_in_dim3A_53 = vector.broadcast %broadcast_in_dim3A_52 : i1 to vector<16xi1>
    %masked_cumsum3A_54 = tpu.scan <sum>, %scan3A_50 masked %broadcast_in_dim3A_53 : vector<16xi32>, vector<16xi1> -> vector<16xi32>
    %sub3A_55 = arith.subi %masked_cumsum3A_54, %scan3A_50 : vector<16xi32>
    %parallel_loop3A_56 = arith.constant 0 : i32
    %parallel_loop3A_57 = arith.constant 512 : i32
    %parallel_loop3A_58 = arith.constant 1 : i32
    %parallel_loop3A_59 = arith.constant 8 : i32
    scf.for %parallel_loop3A_333 = %parallel_loop3A_56 to %parallel_loop3A_57 step %parallel_loop3A_58  : i32 {
      %parallel_loop3A_334 = arith.constant 16 : i32
      %parallel_loop3A_335 = arith.muli %parallel_loop3A_333, %parallel_loop3A_334 : i32
      %parallel_loop3A_336 = arith.index_cast %parallel_loop3A_335 : i32 to index
      %parallel_loop3A_337 = tpu.vector_load %arg8[%parallel_loop3A_336] {strides = array<i32>} : memref<8192xi32, #tpu.memory_space<vmem>>, vector<16xi32>,
      %parallel_loop3A_338 = arith.constant 16 : i32
      %parallel_loop3A_339 = arith.muli %parallel_loop3A_333, %parallel_loop3A_338 : i32
      %parallel_loop3A_340 = arith.index_cast %parallel_loop3A_339 : i32 to index
      %parallel_loop3A_341 = tpu.vector_load %arg9[%parallel_loop3A_340] {strides = array<i32>} : memref<8192xi32, #tpu.memory_space<vmem>>, vector<16xi32>,
      %parallel_loop3A_342 = vector.broadcast %parallel_loop3A_59 : i32 to vector<16xi32>
      %parallel_loop3A_343 = arith.shrui %parallel_loop3A_337, %parallel_loop3A_342 : vector<16xi32>
      %parallel_loop3A_344 = arith.constant 15 : i32
      %parallel_loop3A_345 = vector.broadcast %parallel_loop3A_344 : i32 to vector<16xi32>
      %parallel_loop3A_346 = arith.andi %parallel_loop3A_343, %parallel_loop3A_345 : vector<16xi32>
      %parallel_loop3A_347 = arith.constant true
      %parallel_loop3A_348 = vector.broadcast %parallel_loop3A_347 : i1 to vector<16xi1>
      %parallel_loop3A_349, %parallel_loop3A_350 = tpu.scan_count mask(%parallel_loop3A_348 : vector<16xi1>) value(%parallel_loop3A_346 : vector<16xi32>) : vector<16xi1>, vector<16xi32>
      %parallel_loop3A_351 = arith.constant 16 : i32
      %parallel_loop3A_352 = arith.muli %parallel_loop3A_333, %parallel_loop3A_351 : i32
      %parallel_loop3A_353 = arith.index_cast %parallel_loop3A_352 : i32 to index
      %parallel_loop3A_354 = tpu.vector_load %arg12[%parallel_loop3A_353] {strides = array<i32>} : memref<8192xi32, #tpu.memory_space<vmem>>, vector<16xi32>,
      %parallel_loop3A_355 = arith.addi %sub3A_55, %parallel_loop3A_354 : vector<16xi32>
      %parallel_loop3A_356 = arith.constant 0 : i32
      %parallel_loop3A_357 = vector.broadcast %parallel_loop3A_356 : i32 to vector<16xi32>
      %parallel_loop3A_358 = arith.cmpi slt, %parallel_loop3A_346, %parallel_loop3A_357 : vector<16xi32>
      %parallel_loop3A_359 = arith.constant 16 : i32
      %parallel_loop3A_360 = vector.broadcast %parallel_loop3A_359 : i32 to vector<16xi32>
      %parallel_loop3A_361 = arith.addi %parallel_loop3A_346, %parallel_loop3A_360 : vector<16xi32>
      %parallel_loop3A_362 = arith.select %parallel_loop3A_358, %parallel_loop3A_361, %parallel_loop3A_346 : vector<16xi1>, vector<16xi32>
      %parallel_loop3A_363 = vector.shape_cast %parallel_loop3A_362 : vector<16xi32> to vector<16x1xi32>
      %parallel_loop3A_364 = vector.shape_cast %parallel_loop3A_363 : vector<16x1xi32> to vector<16xi32>
      %parallel_loop3A_365 = tpu.dynamic_gather %parallel_loop3A_355[%parallel_loop3A_364] in [0] : vector<16xi32>, vector<16xi32> -> vector<16xi32>
      %parallel_loop3A_366 = arith.addi %parallel_loop3A_365, %parallel_loop3A_350 : vector<16xi32>
      %parallel_loop3A_367 = arith.constant 1 : i32
      %parallel_loop3A_368 = vector.broadcast %parallel_loop3A_367 : i32 to vector<16xi32>
      %parallel_loop3A_369 = arith.subi %parallel_loop3A_366, %parallel_loop3A_368 : vector<16xi32>
      tpu.vector_store_idx %arg10[%parallel_loop3A_369], %parallel_loop3A_337 : memref<8192xi32, #tpu.memory_space<vmem>>[vector<16xi32>], vector<16xi32>,
      tpu.vector_store_idx %arg11[%parallel_loop3A_369], %parallel_loop3A_341 : memref<8192xi32, #tpu.memory_space<vmem>>[vector<16xi32>], vector<16xi32>,
    } {sc.loop_unroll_factor = 4 : i64, sc.parallel_access}
    %parallel_loop3A_60 = arith.constant 0 : i32
    %parallel_loop3A_61 = arith.constant 512 : i32
    %parallel_loop3A_62 = arith.constant 1 : i32
    %parallel_loop3A_63 = arith.constant 12 : i32
    scf.for %parallel_loop3A_333 = %parallel_loop3A_60 to %parallel_loop3A_61 step %parallel_loop3A_62  : i32 {
      %parallel_loop3A_334 = arith.constant 16 : i32
      %parallel_loop3A_335 = arith.muli %parallel_loop3A_333, %parallel_loop3A_334 : i32
      %parallel_loop3A_336 = arith.index_cast %parallel_loop3A_335 : i32 to index
      %parallel_loop3A_337 = tpu.vector_load %arg10[%parallel_loop3A_336] {strides = array<i32>} : memref<8192xi32, #tpu.memory_space<vmem>>, vector<16xi32>,
      %parallel_loop3A_338 = vector.broadcast %parallel_loop3A_63 : i32 to vector<16xi32>
      %parallel_loop3A_339 = arith.shrui %parallel_loop3A_337, %parallel_loop3A_338 : vector<16xi32>
      %parallel_loop3A_340 = arith.constant 15 : i32
      %parallel_loop3A_341 = vector.broadcast %parallel_loop3A_340 : i32 to vector<16xi32>
      %parallel_loop3A_342 = arith.andi %parallel_loop3A_339, %parallel_loop3A_341 : vector<16xi32>
      %parallel_loop3A_343 = arith.constant true
      %parallel_loop3A_344 = vector.broadcast %parallel_loop3A_343 : i1 to vector<16xi1>
      %parallel_loop3A_345, %parallel_loop3A_346 = tpu.scan_count mask(%parallel_loop3A_344 : vector<16xi1>) value(%parallel_loop3A_342 : vector<16xi32>) : vector<16xi1>, vector<16xi32>
      %parallel_loop3A_347 = arith.constant 16 : i32
      %parallel_loop3A_348 = arith.muli %parallel_loop3A_333, %parallel_loop3A_347 : i32
      %parallel_loop3A_349 = arith.index_cast %parallel_loop3A_348 : i32 to index
      %parallel_loop3A_350 = tpu.vector_load %arg12[%parallel_loop3A_349] {strides = array<i32>} : memref<8192xi32, #tpu.memory_space<vmem>>, vector<16xi32>,
      tpu.vector_store %arg12[%parallel_loop3A_349], %broadcast_in_dim3A_9 {strides = array<i32>} : memref<8192xi32, #tpu.memory_space<vmem>>, vector<16xi32>,
      %parallel_loop3A_351 = arith.constant 16 : i32
      %parallel_loop3A_352 = arith.muli %parallel_loop3A_333, %parallel_loop3A_351 : i32
      %parallel_loop3A_353 = vector.broadcast %parallel_loop3A_352 : i32 to vector<16xi32>
      %parallel_loop3A_354 = arith.addi %parallel_loop3A_353, %parallel_loop3A_342 : vector<16xi32>
      tpu.vector_store_idx %arg12[%parallel_loop3A_354], %parallel_loop3A_346 masked %parallel_loop3A_345 : memref<8192xi32, #tpu.memory_space<vmem>>[vector<16xi32>], vector<16xi32>, vector<16xi1>
    } {sc.loop_unroll_factor = 4 : i64, sc.parallel_access}
    %scan3A_64 = arith.constant 0 : i32
    %scan3A_65 = arith.constant 512 : i32
    %scan3A_66 = arith.addi %scan3A_64, %scan3A_65 : i32
    %scan3A_67 = arith.constant 1 : i32
    %scan3A_68 = scf.for %scan3A_333 = %scan3A_64 to %scan3A_66 step %scan3A_67 iter_args(%scan3A_334 = %broadcast_in_dim3A_9) -> (vector<16xi32>)  : i32 {
      %mul3A_335 = arith.constant 16 : i32
      %mul3A_336 = arith.muli %scan3A_333, %mul3A_335 : i32
      %get3A_337 = arith.index_cast %mul3A_336 : i32 to index
      %get3A_338 = tpu.vector_load %arg12[%get3A_337] {strides = array<i32>} : memref<8192xi32, #tpu.memory_space<vmem>>, vector<16xi32>,
      %mul3A_339 = arith.constant 16 : i32
      %mul3A_340 = arith.muli %scan3A_333, %mul3A_339 : i32
      %swap3A_341 = arith.index_cast %mul3A_340 : i32 to index
      %swap3A_342 = tpu.vector_load %arg12[%swap3A_341] {strides = array<i32>} : memref<8192xi32, #tpu.memory_space<vmem>>, vector<16xi32>,
      tpu.vector_store %arg12[%swap3A_341], %scan3A_334 {strides = array<i32>} : memref<8192xi32, #tpu.memory_space<vmem>>, vector<16xi32>,
      %add3A_343 = arith.addi %scan3A_334, %get3A_338 : vector<16xi32>
      scf.yield %add3A_343 : vector<16xi32>
    }
    %scan3A_69 = arith.constant 512 : i32
    %broadcast_in_dim3A_70 = arith.constant true
    %broadcast_in_dim3A_71 = vector.broadcast %broadcast_in_dim3A_70 : i1 to vector<16xi1>
    %masked_cumsum3A_72 = tpu.scan <sum>, %scan3A_68 masked %broadcast_in_dim3A_71 : vector<16xi32>, vector<16xi1> -> vector<16xi32>
    %sub3A_73 = arith.subi %masked_cumsum3A_72, %scan3A_68 : vector<16xi32>
    %parallel_loop3A_74 = arith.constant 0 : i32
    %parallel_loop3A_75 = arith.constant 512 : i32
    %parallel_loop3A_76 = arith.constant 1 : i32
    %parallel_loop3A_77 = arith.constant 12 : i32
    scf.for %parallel_loop3A_333 = %parallel_loop3A_74 to %parallel_loop3A_75 step %parallel_loop3A_76  : i32 {
      %parallel_loop3A_334 = arith.constant 16 : i32
      %parallel_loop3A_335 = arith.muli %parallel_loop3A_333, %parallel_loop3A_334 : i32
      %parallel_loop3A_336 = arith.index_cast %parallel_loop3A_335 : i32 to index
      %parallel_loop3A_337 = tpu.vector_load %arg10[%parallel_loop3A_336] {strides = array<i32>} : memref<8192xi32, #tpu.memory_space<vmem>>, vector<16xi32>,
      %parallel_loop3A_338 = arith.constant 16 : i32
      %parallel_loop3A_339 = arith.muli %parallel_loop3A_333, %parallel_loop3A_338 : i32
      %parallel_loop3A_340 = arith.index_cast %parallel_loop3A_339 : i32 to index
      %parallel_loop3A_341 = tpu.vector_load %arg11[%parallel_loop3A_340] {strides = array<i32>} : memref<8192xi32, #tpu.memory_space<vmem>>, vector<16xi32>,
      %parallel_loop3A_342 = vector.broadcast %parallel_loop3A_77 : i32 to vector<16xi32>
      %parallel_loop3A_343 = arith.shrui %parallel_loop3A_337, %parallel_loop3A_342 : vector<16xi32>
      %parallel_loop3A_344 = arith.constant 15 : i32
      %parallel_loop3A_345 = vector.broadcast %parallel_loop3A_344 : i32 to vector<16xi32>
      %parallel_loop3A_346 = arith.andi %parallel_loop3A_343, %parallel_loop3A_345 : vector<16xi32>
      %parallel_loop3A_347 = arith.constant true
      %parallel_loop3A_348 = vector.broadcast %parallel_loop3A_347 : i1 to vector<16xi1>
      %parallel_loop3A_349, %parallel_loop3A_350 = tpu.scan_count mask(%parallel_loop3A_348 : vector<16xi1>) value(%parallel_loop3A_346 : vector<16xi32>) : vector<16xi1>, vector<16xi32>
      %parallel_loop3A_351 = arith.constant 16 : i32
      %parallel_loop3A_352 = arith.muli %parallel_loop3A_333, %parallel_loop3A_351 : i32
      %parallel_loop3A_353 = arith.index_cast %parallel_loop3A_352 : i32 to index
      %parallel_loop3A_354 = tpu.vector_load %arg12[%parallel_loop3A_353] {strides = array<i32>} : memref<8192xi32, #tpu.memory_space<vmem>>, vector<16xi32>,
      %parallel_loop3A_355 = arith.addi %sub3A_73, %parallel_loop3A_354 : vector<16xi32>
      %parallel_loop3A_356 = arith.constant 0 : i32
      %parallel_loop3A_357 = vector.broadcast %parallel_loop3A_356 : i32 to vector<16xi32>
      %parallel_loop3A_358 = arith.cmpi slt, %parallel_loop3A_346, %parallel_loop3A_357 : vector<16xi32>
      %parallel_loop3A_359 = arith.constant 16 : i32
      %parallel_loop3A_360 = vector.broadcast %parallel_loop3A_359 : i32 to vector<16xi32>
      %parallel_loop3A_361 = arith.addi %parallel_loop3A_346, %parallel_loop3A_360 : vector<16xi32>
      %parallel_loop3A_362 = arith.select %parallel_loop3A_358, %parallel_loop3A_361, %parallel_loop3A_346 : vector<16xi1>, vector<16xi32>
      %parallel_loop3A_363 = vector.shape_cast %parallel_loop3A_362 : vector<16xi32> to vector<16x1xi32>
      %parallel_loop3A_364 = vector.shape_cast %parallel_loop3A_363 : vector<16x1xi32> to vector<16xi32>
      %parallel_loop3A_365 = tpu.dynamic_gather %parallel_loop3A_355[%parallel_loop3A_364] in [0] : vector<16xi32>, vector<16xi32> -> vector<16xi32>
      %parallel_loop3A_366 = arith.addi %parallel_loop3A_365, %parallel_loop3A_350 : vector<16xi32>
      %parallel_loop3A_367 = arith.constant 1 : i32
      %parallel_loop3A_368 = vector.broadcast %parallel_loop3A_367 : i32 to vector<16xi32>
      %parallel_loop3A_369 = arith.subi %parallel_loop3A_366, %parallel_loop3A_368 : vector<16xi32>
      tpu.vector_store_idx %arg8[%parallel_loop3A_369], %parallel_loop3A_337 : memref<8192xi32, #tpu.memory_space<vmem>>[vector<16xi32>], vector<16xi32>,
      tpu.vector_store_idx %arg9[%parallel_loop3A_369], %parallel_loop3A_341 : memref<8192xi32, #tpu.memory_space<vmem>>[vector<16xi32>], vector<16xi32>,
    } {sc.loop_unroll_factor = 4 : i64, sc.parallel_access}
    %parallel_loop3A_78 = arith.constant 0 : i32
    %parallel_loop3A_79 = arith.constant 512 : i32
    %parallel_loop3A_80 = arith.constant 1 : i32
    %parallel_loop3A_81 = arith.constant 16 : i32
    scf.for %parallel_loop3A_333 = %parallel_loop3A_78 to %parallel_loop3A_79 step %parallel_loop3A_80  : i32 {
      %parallel_loop3A_334 = arith.constant 16 : i32
      %parallel_loop3A_335 = arith.muli %parallel_loop3A_333, %parallel_loop3A_334 : i32
      %parallel_loop3A_336 = arith.index_cast %parallel_loop3A_335 : i32 to index
      %parallel_loop3A_337 = tpu.vector_load %arg8[%parallel_loop3A_336] {strides = array<i32>} : memref<8192xi32, #tpu.memory_space<vmem>>, vector<16xi32>,
      %parallel_loop3A_338 = vector.broadcast %parallel_loop3A_81 : i32 to vector<16xi32>
      %parallel_loop3A_339 = arith.shrui %parallel_loop3A_337, %parallel_loop3A_338 : vector<16xi32>
      %parallel_loop3A_340 = arith.constant 15 : i32
      %parallel_loop3A_341 = vector.broadcast %parallel_loop3A_340 : i32 to vector<16xi32>
      %parallel_loop3A_342 = arith.andi %parallel_loop3A_339, %parallel_loop3A_341 : vector<16xi32>
      %parallel_loop3A_343 = arith.constant true
      %parallel_loop3A_344 = vector.broadcast %parallel_loop3A_343 : i1 to vector<16xi1>
      %parallel_loop3A_345, %parallel_loop3A_346 = tpu.scan_count mask(%parallel_loop3A_344 : vector<16xi1>) value(%parallel_loop3A_342 : vector<16xi32>) : vector<16xi1>, vector<16xi32>
      %parallel_loop3A_347 = arith.constant 16 : i32
      %parallel_loop3A_348 = arith.muli %parallel_loop3A_333, %parallel_loop3A_347 : i32
      %parallel_loop3A_349 = arith.index_cast %parallel_loop3A_348 : i32 to index
      %parallel_loop3A_350 = tpu.vector_load %arg12[%parallel_loop3A_349] {strides = array<i32>} : memref<8192xi32, #tpu.memory_space<vmem>>, vector<16xi32>,
      tpu.vector_store %arg12[%parallel_loop3A_349], %broadcast_in_dim3A_9 {strides = array<i32>} : memref<8192xi32, #tpu.memory_space<vmem>>, vector<16xi32>,
      %parallel_loop3A_351 = arith.constant 16 : i32
      %parallel_loop3A_352 = arith.muli %parallel_loop3A_333, %parallel_loop3A_351 : i32
      %parallel_loop3A_353 = vector.broadcast %parallel_loop3A_352 : i32 to vector<16xi32>
      %parallel_loop3A_354 = arith.addi %parallel_loop3A_353, %parallel_loop3A_342 : vector<16xi32>
      tpu.vector_store_idx %arg12[%parallel_loop3A_354], %parallel_loop3A_346 masked %parallel_loop3A_345 : memref<8192xi32, #tpu.memory_space<vmem>>[vector<16xi32>], vector<16xi32>, vector<16xi1>
    } {sc.loop_unroll_factor = 4 : i64, sc.parallel_access}
    %scan3A_82 = arith.constant 0 : i32
    %scan3A_83 = arith.constant 512 : i32
    %scan3A_84 = arith.addi %scan3A_82, %scan3A_83 : i32
    %scan3A_85 = arith.constant 1 : i32
    %scan3A_86 = scf.for %scan3A_333 = %scan3A_82 to %scan3A_84 step %scan3A_85 iter_args(%scan3A_334 = %broadcast_in_dim3A_9) -> (vector<16xi32>)  : i32 {
      %mul3A_335 = arith.constant 16 : i32
      %mul3A_336 = arith.muli %scan3A_333, %mul3A_335 : i32
      %get3A_337 = arith.index_cast %mul3A_336 : i32 to index
      %get3A_338 = tpu.vector_load %arg12[%get3A_337] {strides = array<i32>} : memref<8192xi32, #tpu.memory_space<vmem>>, vector<16xi32>,
      %mul3A_339 = arith.constant 16 : i32
      %mul3A_340 = arith.muli %scan3A_333, %mul3A_339 : i32
      %swap3A_341 = arith.index_cast %mul3A_340 : i32 to index
      %swap3A_342 = tpu.vector_load %arg12[%swap3A_341] {strides = array<i32>} : memref<8192xi32, #tpu.memory_space<vmem>>, vector<16xi32>,
      tpu.vector_store %arg12[%swap3A_341], %scan3A_334 {strides = array<i32>} : memref<8192xi32, #tpu.memory_space<vmem>>, vector<16xi32>,
      %add3A_343 = arith.addi %scan3A_334, %get3A_338 : vector<16xi32>
      scf.yield %add3A_343 : vector<16xi32>
    }
    %scan3A_87 = arith.constant 512 : i32
    %broadcast_in_dim3A_88 = arith.constant true
    %broadcast_in_dim3A_89 = vector.broadcast %broadcast_in_dim3A_88 : i1 to vector<16xi1>
    %masked_cumsum3A_90 = tpu.scan <sum>, %scan3A_86 masked %broadcast_in_dim3A_89 : vector<16xi32>, vector<16xi1> -> vector<16xi32>
    %sub3A_91 = arith.subi %masked_cumsum3A_90, %scan3A_86 : vector<16xi32>
    %parallel_loop3A_92 = arith.constant 0 : i32
    %parallel_loop3A_93 = arith.constant 512 : i32
    %parallel_loop3A_94 = arith.constant 1 : i32
    %parallel_loop3A_95 = arith.constant 16 : i32
    scf.for %parallel_loop3A_333 = %parallel_loop3A_92 to %parallel_loop3A_93 step %parallel_loop3A_94  : i32 {
      %parallel_loop3A_334 = arith.constant 16 : i32
      %parallel_loop3A_335 = arith.muli %parallel_loop3A_333, %parallel_loop3A_334 : i32
      %parallel_loop3A_336 = arith.index_cast %parallel_loop3A_335 : i32 to index
      %parallel_loop3A_337 = tpu.vector_load %arg8[%parallel_loop3A_336] {strides = array<i32>} : memref<8192xi32, #tpu.memory_space<vmem>>, vector<16xi32>,
      %parallel_loop3A_338 = arith.constant 16 : i32
      %parallel_loop3A_339 = arith.muli %parallel_loop3A_333, %parallel_loop3A_338 : i32
      %parallel_loop3A_340 = arith.index_cast %parallel_loop3A_339 : i32 to index
      %parallel_loop3A_341 = tpu.vector_load %arg9[%parallel_loop3A_340] {strides = array<i32>} : memref<8192xi32, #tpu.memory_space<vmem>>, vector<16xi32>,
      %parallel_loop3A_342 = vector.broadcast %parallel_loop3A_95 : i32 to vector<16xi32>
      %parallel_loop3A_343 = arith.shrui %parallel_loop3A_337, %parallel_loop3A_342 : vector<16xi32>
      %parallel_loop3A_344 = arith.constant 15 : i32
      %parallel_loop3A_345 = vector.broadcast %parallel_loop3A_344 : i32 to vector<16xi32>
      %parallel_loop3A_346 = arith.andi %parallel_loop3A_343, %parallel_loop3A_345 : vector<16xi32>
      %parallel_loop3A_347 = arith.constant true
      %parallel_loop3A_348 = vector.broadcast %parallel_loop3A_347 : i1 to vector<16xi1>
      %parallel_loop3A_349, %parallel_loop3A_350 = tpu.scan_count mask(%parallel_loop3A_348 : vector<16xi1>) value(%parallel_loop3A_346 : vector<16xi32>) : vector<16xi1>, vector<16xi32>
      %parallel_loop3A_351 = arith.constant 16 : i32
      %parallel_loop3A_352 = arith.muli %parallel_loop3A_333, %parallel_loop3A_351 : i32
      %parallel_loop3A_353 = arith.index_cast %parallel_loop3A_352 : i32 to index
      %parallel_loop3A_354 = tpu.vector_load %arg12[%parallel_loop3A_353] {strides = array<i32>} : memref<8192xi32, #tpu.memory_space<vmem>>, vector<16xi32>,
      %parallel_loop3A_355 = arith.addi %sub3A_91, %parallel_loop3A_354 : vector<16xi32>
      %parallel_loop3A_356 = arith.constant 0 : i32
      %parallel_loop3A_357 = vector.broadcast %parallel_loop3A_356 : i32 to vector<16xi32>
      %parallel_loop3A_358 = arith.cmpi slt, %parallel_loop3A_346, %parallel_loop3A_357 : vector<16xi32>
      %parallel_loop3A_359 = arith.constant 16 : i32
      %parallel_loop3A_360 = vector.broadcast %parallel_loop3A_359 : i32 to vector<16xi32>
      %parallel_loop3A_361 = arith.addi %parallel_loop3A_346, %parallel_loop3A_360 : vector<16xi32>
      %parallel_loop3A_362 = arith.select %parallel_loop3A_358, %parallel_loop3A_361, %parallel_loop3A_346 : vector<16xi1>, vector<16xi32>
      %parallel_loop3A_363 = vector.shape_cast %parallel_loop3A_362 : vector<16xi32> to vector<16x1xi32>
      %parallel_loop3A_364 = vector.shape_cast %parallel_loop3A_363 : vector<16x1xi32> to vector<16xi32>
      %parallel_loop3A_365 = tpu.dynamic_gather %parallel_loop3A_355[%parallel_loop3A_364] in [0] : vector<16xi32>, vector<16xi32> -> vector<16xi32>
      %parallel_loop3A_366 = arith.addi %parallel_loop3A_365, %parallel_loop3A_350 : vector<16xi32>
      %parallel_loop3A_367 = arith.constant 1 : i32
      %parallel_loop3A_368 = vector.broadcast %parallel_loop3A_367 : i32 to vector<16xi32>
      %parallel_loop3A_369 = arith.subi %parallel_loop3A_366, %parallel_loop3A_368 : vector<16xi32>
      tpu.vector_store_idx %arg10[%parallel_loop3A_369], %parallel_loop3A_337 : memref<8192xi32, #tpu.memory_space<vmem>>[vector<16xi32>], vector<16xi32>,
      tpu.vector_store_idx %arg11[%parallel_loop3A_369], %parallel_loop3A_341 : memref<8192xi32, #tpu.memory_space<vmem>>[vector<16xi32>], vector<16xi32>,
    } {sc.loop_unroll_factor = 4 : i64, sc.parallel_access}
    %parallel_loop3A_96 = arith.constant 0 : i32
    %parallel_loop3A_97 = arith.constant 512 : i32
    %parallel_loop3A_98 = arith.constant 1 : i32
    %parallel_loop3A_99 = arith.constant 20 : i32
    scf.for %parallel_loop3A_333 = %parallel_loop3A_96 to %parallel_loop3A_97 step %parallel_loop3A_98  : i32 {
      %parallel_loop3A_334 = arith.constant 16 : i32
      %parallel_loop3A_335 = arith.muli %parallel_loop3A_333, %parallel_loop3A_334 : i32
      %parallel_loop3A_336 = arith.index_cast %parallel_loop3A_335 : i32 to index
      %parallel_loop3A_337 = tpu.vector_load %arg10[%parallel_loop3A_336] {strides = array<i32>} : memref<8192xi32, #tpu.memory_space<vmem>>, vector<16xi32>,
      %parallel_loop3A_338 = vector.broadcast %parallel_loop3A_99 : i32 to vector<16xi32>
      %parallel_loop3A_339 = arith.shrui %parallel_loop3A_337, %parallel_loop3A_338 : vector<16xi32>
      %parallel_loop3A_340 = arith.constant 15 : i32
      %parallel_loop3A_341 = vector.broadcast %parallel_loop3A_340 : i32 to vector<16xi32>
      %parallel_loop3A_342 = arith.andi %parallel_loop3A_339, %parallel_loop3A_341 : vector<16xi32>
      %parallel_loop3A_343 = arith.constant true
      %parallel_loop3A_344 = vector.broadcast %parallel_loop3A_343 : i1 to vector<16xi1>
      %parallel_loop3A_345, %parallel_loop3A_346 = tpu.scan_count mask(%parallel_loop3A_344 : vector<16xi1>) value(%parallel_loop3A_342 : vector<16xi32>) : vector<16xi1>, vector<16xi32>
      %parallel_loop3A_347 = arith.constant 16 : i32
      %parallel_loop3A_348 = arith.muli %parallel_loop3A_333, %parallel_loop3A_347 : i32
      %parallel_loop3A_349 = arith.index_cast %parallel_loop3A_348 : i32 to index
      %parallel_loop3A_350 = tpu.vector_load %arg12[%parallel_loop3A_349] {strides = array<i32>} : memref<8192xi32, #tpu.memory_space<vmem>>, vector<16xi32>,
      tpu.vector_store %arg12[%parallel_loop3A_349], %broadcast_in_dim3A_9 {strides = array<i32>} : memref<8192xi32, #tpu.memory_space<vmem>>, vector<16xi32>,
      %parallel_loop3A_351 = arith.constant 16 : i32
      %parallel_loop3A_352 = arith.muli %parallel_loop3A_333, %parallel_loop3A_351 : i32
      %parallel_loop3A_353 = vector.broadcast %parallel_loop3A_352 : i32 to vector<16xi32>
      %parallel_loop3A_354 = arith.addi %parallel_loop3A_353, %parallel_loop3A_342 : vector<16xi32>
      tpu.vector_store_idx %arg12[%parallel_loop3A_354], %parallel_loop3A_346 masked %parallel_loop3A_345 : memref<8192xi32, #tpu.memory_space<vmem>>[vector<16xi32>], vector<16xi32>, vector<16xi1>
    } {sc.loop_unroll_factor = 4 : i64, sc.parallel_access}
    %scan3A_100 = arith.constant 0 : i32
    %scan3A_101 = arith.constant 512 : i32
    %scan3A_102 = arith.addi %scan3A_100, %scan3A_101 : i32
    %scan3A_103 = arith.constant 1 : i32
    %scan3A_104 = scf.for %scan3A_333 = %scan3A_100 to %scan3A_102 step %scan3A_103 iter_args(%scan3A_334 = %broadcast_in_dim3A_9) -> (vector<16xi32>)  : i32 {
      %mul3A_335 = arith.constant 16 : i32
      %mul3A_336 = arith.muli %scan3A_333, %mul3A_335 : i32
      %get3A_337 = arith.index_cast %mul3A_336 : i32 to index
      %get3A_338 = tpu.vector_load %arg12[%get3A_337] {strides = array<i32>} : memref<8192xi32, #tpu.memory_space<vmem>>, vector<16xi32>,
      %mul3A_339 = arith.constant 16 : i32
      %mul3A_340 = arith.muli %scan3A_333, %mul3A_339 : i32
      %swap3A_341 = arith.index_cast %mul3A_340 : i32 to index
      %swap3A_342 = tpu.vector_load %arg12[%swap3A_341] {strides = array<i32>} : memref<8192xi32, #tpu.memory_space<vmem>>, vector<16xi32>,
      tpu.vector_store %arg12[%swap3A_341], %scan3A_334 {strides = array<i32>} : memref<8192xi32, #tpu.memory_space<vmem>>, vector<16xi32>,
      %add3A_343 = arith.addi %scan3A_334, %get3A_338 : vector<16xi32>
      scf.yield %add3A_343 : vector<16xi32>
    }
    %scan3A_105 = arith.constant 512 : i32
    %broadcast_in_dim3A_106 = arith.constant true
    %broadcast_in_dim3A_107 = vector.broadcast %broadcast_in_dim3A_106 : i1 to vector<16xi1>
    %masked_cumsum3A_108 = tpu.scan <sum>, %scan3A_104 masked %broadcast_in_dim3A_107 : vector<16xi32>, vector<16xi1> -> vector<16xi32>
    %sub3A_109 = arith.subi %masked_cumsum3A_108, %scan3A_104 : vector<16xi32>
    %parallel_loop3A_110 = arith.constant 0 : i32
    %parallel_loop3A_111 = arith.constant 512 : i32
    %parallel_loop3A_112 = arith.constant 1 : i32
    %parallel_loop3A_113 = arith.constant 20 : i32
    scf.for %parallel_loop3A_333 = %parallel_loop3A_110 to %parallel_loop3A_111 step %parallel_loop3A_112  : i32 {
      %parallel_loop3A_334 = arith.constant 16 : i32
      %parallel_loop3A_335 = arith.muli %parallel_loop3A_333, %parallel_loop3A_334 : i32
      %parallel_loop3A_336 = arith.index_cast %parallel_loop3A_335 : i32 to index
      %parallel_loop3A_337 = tpu.vector_load %arg10[%parallel_loop3A_336] {strides = array<i32>} : memref<8192xi32, #tpu.memory_space<vmem>>, vector<16xi32>,
      %parallel_loop3A_338 = arith.constant 16 : i32
      %parallel_loop3A_339 = arith.muli %parallel_loop3A_333, %parallel_loop3A_338 : i32
      %parallel_loop3A_340 = arith.index_cast %parallel_loop3A_339 : i32 to index
      %parallel_loop3A_341 = tpu.vector_load %arg11[%parallel_loop3A_340] {strides = array<i32>} : memref<8192xi32, #tpu.memory_space<vmem>>, vector<16xi32>,
      %parallel_loop3A_342 = vector.broadcast %parallel_loop3A_113 : i32 to vector<16xi32>
      %parallel_loop3A_343 = arith.shrui %parallel_loop3A_337, %parallel_loop3A_342 : vector<16xi32>
      %parallel_loop3A_344 = arith.constant 15 : i32
      %parallel_loop3A_345 = vector.broadcast %parallel_loop3A_344 : i32 to vector<16xi32>
      %parallel_loop3A_346 = arith.andi %parallel_loop3A_343, %parallel_loop3A_345 : vector<16xi32>
      %parallel_loop3A_347 = arith.constant true
      %parallel_loop3A_348 = vector.broadcast %parallel_loop3A_347 : i1 to vector<16xi1>
      %parallel_loop3A_349, %parallel_loop3A_350 = tpu.scan_count mask(%parallel_loop3A_348 : vector<16xi1>) value(%parallel_loop3A_346 : vector<16xi32>) : vector<16xi1>, vector<16xi32>
      %parallel_loop3A_351 = arith.constant 16 : i32
      %parallel_loop3A_352 = arith.muli %parallel_loop3A_333, %parallel_loop3A_351 : i32
      %parallel_loop3A_353 = arith.index_cast %parallel_loop3A_352 : i32 to index
      %parallel_loop3A_354 = tpu.vector_load %arg12[%parallel_loop3A_353] {strides = array<i32>} : memref<8192xi32, #tpu.memory_space<vmem>>, vector<16xi32>,
      %parallel_loop3A_355 = arith.addi %sub3A_109, %parallel_loop3A_354 : vector<16xi32>
      %parallel_loop3A_356 = arith.constant 0 : i32
      %parallel_loop3A_357 = vector.broadcast %parallel_loop3A_356 : i32 to vector<16xi32>
      %parallel_loop3A_358 = arith.cmpi slt, %parallel_loop3A_346, %parallel_loop3A_357 : vector<16xi32>
      %parallel_loop3A_359 = arith.constant 16 : i32
      %parallel_loop3A_360 = vector.broadcast %parallel_loop3A_359 : i32 to vector<16xi32>
      %parallel_loop3A_361 = arith.addi %parallel_loop3A_346, %parallel_loop3A_360 : vector<16xi32>
      %parallel_loop3A_362 = arith.select %parallel_loop3A_358, %parallel_loop3A_361, %parallel_loop3A_346 : vector<16xi1>, vector<16xi32>
      %parallel_loop3A_363 = vector.shape_cast %parallel_loop3A_362 : vector<16xi32> to vector<16x1xi32>
      %parallel_loop3A_364 = vector.shape_cast %parallel_loop3A_363 : vector<16x1xi32> to vector<16xi32>
      %parallel_loop3A_365 = tpu.dynamic_gather %parallel_loop3A_355[%parallel_loop3A_364] in [0] : vector<16xi32>, vector<16xi32> -> vector<16xi32>
      %parallel_loop3A_366 = arith.addi %parallel_loop3A_365, %parallel_loop3A_350 : vector<16xi32>
      %parallel_loop3A_367 = arith.constant 1 : i32
      %parallel_loop3A_368 = vector.broadcast %parallel_loop3A_367 : i32 to vector<16xi32>
      %parallel_loop3A_369 = arith.subi %parallel_loop3A_366, %parallel_loop3A_368 : vector<16xi32>
      tpu.vector_store_idx %arg8[%parallel_loop3A_369], %parallel_loop3A_337 : memref<8192xi32, #tpu.memory_space<vmem>>[vector<16xi32>], vector<16xi32>,
      tpu.vector_store_idx %arg9[%parallel_loop3A_369], %parallel_loop3A_341 : memref<8192xi32, #tpu.memory_space<vmem>>[vector<16xi32>], vector<16xi32>,
    } {sc.loop_unroll_factor = 4 : i64, sc.parallel_access}
    %parallel_loop3A_114 = arith.constant 0 : i32
    %parallel_loop3A_115 = arith.constant 512 : i32
    %parallel_loop3A_116 = arith.constant 1 : i32
    %parallel_loop3A_117 = arith.constant 24 : i32
    scf.for %parallel_loop3A_333 = %parallel_loop3A_114 to %parallel_loop3A_115 step %parallel_loop3A_116  : i32 {
      %parallel_loop3A_334 = arith.constant 16 : i32
      %parallel_loop3A_335 = arith.muli %parallel_loop3A_333, %parallel_loop3A_334 : i32
      %parallel_loop3A_336 = arith.index_cast %parallel_loop3A_335 : i32 to index
      %parallel_loop3A_337 = tpu.vector_load %arg8[%parallel_loop3A_336] {strides = array<i32>} : memref<8192xi32, #tpu.memory_space<vmem>>, vector<16xi32>,
      %parallel_loop3A_338 = vector.broadcast %parallel_loop3A_117 : i32 to vector<16xi32>
      %parallel_loop3A_339 = arith.shrui %parallel_loop3A_337, %parallel_loop3A_338 : vector<16xi32>
      %parallel_loop3A_340 = arith.constant 15 : i32
      %parallel_loop3A_341 = vector.broadcast %parallel_loop3A_340 : i32 to vector<16xi32>
      %parallel_loop3A_342 = arith.andi %parallel_loop3A_339, %parallel_loop3A_341 : vector<16xi32>
      %parallel_loop3A_343 = arith.constant true
      %parallel_loop3A_344 = vector.broadcast %parallel_loop3A_343 : i1 to vector<16xi1>
      %parallel_loop3A_345, %parallel_loop3A_346 = tpu.scan_count mask(%parallel_loop3A_344 : vector<16xi1>) value(%parallel_loop3A_342 : vector<16xi32>) : vector<16xi1>, vector<16xi32>
      %parallel_loop3A_347 = arith.constant 16 : i32
      %parallel_loop3A_348 = arith.muli %parallel_loop3A_333, %parallel_loop3A_347 : i32
      %parallel_loop3A_349 = arith.index_cast %parallel_loop3A_348 : i32 to index
      %parallel_loop3A_350 = tpu.vector_load %arg12[%parallel_loop3A_349] {strides = array<i32>} : memref<8192xi32, #tpu.memory_space<vmem>>, vector<16xi32>,
      tpu.vector_store %arg12[%parallel_loop3A_349], %broadcast_in_dim3A_9 {strides = array<i32>} : memref<8192xi32, #tpu.memory_space<vmem>>, vector<16xi32>,
      %parallel_loop3A_351 = arith.constant 16 : i32
      %parallel_loop3A_352 = arith.muli %parallel_loop3A_333, %parallel_loop3A_351 : i32
      %parallel_loop3A_353 = vector.broadcast %parallel_loop3A_352 : i32 to vector<16xi32>
      %parallel_loop3A_354 = arith.addi %parallel_loop3A_353, %parallel_loop3A_342 : vector<16xi32>
      tpu.vector_store_idx %arg12[%parallel_loop3A_354], %parallel_loop3A_346 masked %parallel_loop3A_345 : memref<8192xi32, #tpu.memory_space<vmem>>[vector<16xi32>], vector<16xi32>, vector<16xi1>
    } {sc.loop_unroll_factor = 4 : i64, sc.parallel_access}
    %scan3A_118 = arith.constant 0 : i32
    %scan3A_119 = arith.constant 512 : i32
    %scan3A_120 = arith.addi %scan3A_118, %scan3A_119 : i32
    %scan3A_121 = arith.constant 1 : i32
    %scan3A_122 = scf.for %scan3A_333 = %scan3A_118 to %scan3A_120 step %scan3A_121 iter_args(%scan3A_334 = %broadcast_in_dim3A_9) -> (vector<16xi32>)  : i32 {
      %mul3A_335 = arith.constant 16 : i32
      %mul3A_336 = arith.muli %scan3A_333, %mul3A_335 : i32
      %get3A_337 = arith.index_cast %mul3A_336 : i32 to index
      %get3A_338 = tpu.vector_load %arg12[%get3A_337] {strides = array<i32>} : memref<8192xi32, #tpu.memory_space<vmem>>, vector<16xi32>,
      %mul3A_339 = arith.constant 16 : i32
      %mul3A_340 = arith.muli %scan3A_333, %mul3A_339 : i32
      %swap3A_341 = arith.index_cast %mul3A_340 : i32 to index
      %swap3A_342 = tpu.vector_load %arg12[%swap3A_341] {strides = array<i32>} : memref<8192xi32, #tpu.memory_space<vmem>>, vector<16xi32>,
      tpu.vector_store %arg12[%swap3A_341], %scan3A_334 {strides = array<i32>} : memref<8192xi32, #tpu.memory_space<vmem>>, vector<16xi32>,
      %add3A_343 = arith.addi %scan3A_334, %get3A_338 : vector<16xi32>
      scf.yield %add3A_343 : vector<16xi32>
    }
    %scan3A_123 = arith.constant 512 : i32
    %broadcast_in_dim3A_124 = arith.constant true
    %broadcast_in_dim3A_125 = vector.broadcast %broadcast_in_dim3A_124 : i1 to vector<16xi1>
    %masked_cumsum3A_126 = tpu.scan <sum>, %scan3A_122 masked %broadcast_in_dim3A_125 : vector<16xi32>, vector<16xi1> -> vector<16xi32>
    %sub3A_127 = arith.subi %masked_cumsum3A_126, %scan3A_122 : vector<16xi32>
    %parallel_loop3A_128 = arith.constant 0 : i32
    %parallel_loop3A_129 = arith.constant 512 : i32
    %parallel_loop3A_130 = arith.constant 1 : i32
    %parallel_loop3A_131 = arith.constant 24 : i32
    scf.for %parallel_loop3A_333 = %parallel_loop3A_128 to %parallel_loop3A_129 step %parallel_loop3A_130  : i32 {
      %parallel_loop3A_334 = arith.constant 16 : i32
      %parallel_loop3A_335 = arith.muli %parallel_loop3A_333, %parallel_loop3A_334 : i32
      %parallel_loop3A_336 = arith.index_cast %parallel_loop3A_335 : i32 to index
      %parallel_loop3A_337 = tpu.vector_load %arg8[%parallel_loop3A_336] {strides = array<i32>} : memref<8192xi32, #tpu.memory_space<vmem>>, vector<16xi32>,
      %parallel_loop3A_338 = arith.constant 16 : i32
      %parallel_loop3A_339 = arith.muli %parallel_loop3A_333, %parallel_loop3A_338 : i32
      %parallel_loop3A_340 = arith.index_cast %parallel_loop3A_339 : i32 to index
      %parallel_loop3A_341 = tpu.vector_load %arg9[%parallel_loop3A_340] {strides = array<i32>} : memref<8192xi32, #tpu.memory_space<vmem>>, vector<16xi32>,
      %parallel_loop3A_342 = vector.broadcast %parallel_loop3A_131 : i32 to vector<16xi32>
      %parallel_loop3A_343 = arith.shrui %parallel_loop3A_337, %parallel_loop3A_342 : vector<16xi32>
      %parallel_loop3A_344 = arith.constant 15 : i32
      %parallel_loop3A_345 = vector.broadcast %parallel_loop3A_344 : i32 to vector<16xi32>
      %parallel_loop3A_346 = arith.andi %parallel_loop3A_343, %parallel_loop3A_345 : vector<16xi32>
      %parallel_loop3A_347 = arith.constant true
      %parallel_loop3A_348 = vector.broadcast %parallel_loop3A_347 : i1 to vector<16xi1>
      %parallel_loop3A_349, %parallel_loop3A_350 = tpu.scan_count mask(%parallel_loop3A_348 : vector<16xi1>) value(%parallel_loop3A_346 : vector<16xi32>) : vector<16xi1>, vector<16xi32>
      %parallel_loop3A_351 = arith.constant 16 : i32
      %parallel_loop3A_352 = arith.muli %parallel_loop3A_333, %parallel_loop3A_351 : i32
      %parallel_loop3A_353 = arith.index_cast %parallel_loop3A_352 : i32 to index
      %parallel_loop3A_354 = tpu.vector_load %arg12[%parallel_loop3A_353] {strides = array<i32>} : memref<8192xi32, #tpu.memory_space<vmem>>, vector<16xi32>,
      %parallel_loop3A_355 = arith.addi %sub3A_127, %parallel_loop3A_354 : vector<16xi32>
      %parallel_loop3A_356 = arith.constant 0 : i32
      %parallel_loop3A_357 = vector.broadcast %parallel_loop3A_356 : i32 to vector<16xi32>
      %parallel_loop3A_358 = arith.cmpi slt, %parallel_loop3A_346, %parallel_loop3A_357 : vector<16xi32>
      %parallel_loop3A_359 = arith.constant 16 : i32
      %parallel_loop3A_360 = vector.broadcast %parallel_loop3A_359 : i32 to vector<16xi32>
      %parallel_loop3A_361 = arith.addi %parallel_loop3A_346, %parallel_loop3A_360 : vector<16xi32>
      %parallel_loop3A_362 = arith.select %parallel_loop3A_358, %parallel_loop3A_361, %parallel_loop3A_346 : vector<16xi1>, vector<16xi32>
      %parallel_loop3A_363 = vector.shape_cast %parallel_loop3A_362 : vector<16xi32> to vector<16x1xi32>
      %parallel_loop3A_364 = vector.shape_cast %parallel_loop3A_363 : vector<16x1xi32> to vector<16xi32>
      %parallel_loop3A_365 = tpu.dynamic_gather %parallel_loop3A_355[%parallel_loop3A_364] in [0] : vector<16xi32>, vector<16xi32> -> vector<16xi32>
      %parallel_loop3A_366 = arith.addi %parallel_loop3A_365, %parallel_loop3A_350 : vector<16xi32>
      %parallel_loop3A_367 = arith.constant 1 : i32
      %parallel_loop3A_368 = vector.broadcast %parallel_loop3A_367 : i32 to vector<16xi32>
      %parallel_loop3A_369 = arith.subi %parallel_loop3A_366, %parallel_loop3A_368 : vector<16xi32>
      tpu.vector_store_idx %arg10[%parallel_loop3A_369], %parallel_loop3A_337 : memref<8192xi32, #tpu.memory_space<vmem>>[vector<16xi32>], vector<16xi32>,
      tpu.vector_store_idx %arg11[%parallel_loop3A_369], %parallel_loop3A_341 : memref<8192xi32, #tpu.memory_space<vmem>>[vector<16xi32>], vector<16xi32>,
    } {sc.loop_unroll_factor = 4 : i64, sc.parallel_access}
    %parallel_loop3A_132 = arith.constant 0 : i32
    %parallel_loop3A_133 = arith.constant 512 : i32
    %parallel_loop3A_134 = arith.constant 1 : i32
    %parallel_loop3A_135 = arith.constant 28 : i32
    scf.for %parallel_loop3A_333 = %parallel_loop3A_132 to %parallel_loop3A_133 step %parallel_loop3A_134  : i32 {
      %parallel_loop3A_334 = arith.constant 16 : i32
      %parallel_loop3A_335 = arith.muli %parallel_loop3A_333, %parallel_loop3A_334 : i32
      %parallel_loop3A_336 = arith.index_cast %parallel_loop3A_335 : i32 to index
      %parallel_loop3A_337 = tpu.vector_load %arg10[%parallel_loop3A_336] {strides = array<i32>} : memref<8192xi32, #tpu.memory_space<vmem>>, vector<16xi32>,
      %parallel_loop3A_338 = vector.broadcast %parallel_loop3A_135 : i32 to vector<16xi32>
      %parallel_loop3A_339 = arith.shrui %parallel_loop3A_337, %parallel_loop3A_338 : vector<16xi32>
      %parallel_loop3A_340 = arith.constant 15 : i32
      %parallel_loop3A_341 = vector.broadcast %parallel_loop3A_340 : i32 to vector<16xi32>
      %parallel_loop3A_342 = arith.andi %parallel_loop3A_339, %parallel_loop3A_341 : vector<16xi32>
      %parallel_loop3A_343 = arith.constant true
      %parallel_loop3A_344 = vector.broadcast %parallel_loop3A_343 : i1 to vector<16xi1>
      %parallel_loop3A_345, %parallel_loop3A_346 = tpu.scan_count mask(%parallel_loop3A_344 : vector<16xi1>) value(%parallel_loop3A_342 : vector<16xi32>) : vector<16xi1>, vector<16xi32>
      %parallel_loop3A_347 = arith.constant 16 : i32
      %parallel_loop3A_348 = arith.muli %parallel_loop3A_333, %parallel_loop3A_347 : i32
      %parallel_loop3A_349 = arith.index_cast %parallel_loop3A_348 : i32 to index
      %parallel_loop3A_350 = tpu.vector_load %arg12[%parallel_loop3A_349] {strides = array<i32>} : memref<8192xi32, #tpu.memory_space<vmem>>, vector<16xi32>,
      tpu.vector_store %arg12[%parallel_loop3A_349], %broadcast_in_dim3A_9 {strides = array<i32>} : memref<8192xi32, #tpu.memory_space<vmem>>, vector<16xi32>,
      %parallel_loop3A_351 = arith.constant 16 : i32
      %parallel_loop3A_352 = arith.muli %parallel_loop3A_333, %parallel_loop3A_351 : i32
      %parallel_loop3A_353 = vector.broadcast %parallel_loop3A_352 : i32 to vector<16xi32>
      %parallel_loop3A_354 = arith.addi %parallel_loop3A_353, %parallel_loop3A_342 : vector<16xi32>
      tpu.vector_store_idx %arg12[%parallel_loop3A_354], %parallel_loop3A_346 masked %parallel_loop3A_345 : memref<8192xi32, #tpu.memory_space<vmem>>[vector<16xi32>], vector<16xi32>, vector<16xi1>
    } {sc.loop_unroll_factor = 4 : i64, sc.parallel_access}
    %scan3A_136 = arith.constant 0 : i32
    %scan3A_137 = arith.constant 512 : i32
    %scan3A_138 = arith.addi %scan3A_136, %scan3A_137 : i32
    %scan3A_139 = arith.constant 1 : i32
    %scan3A_140 = scf.for %scan3A_333 = %scan3A_136 to %scan3A_138 step %scan3A_139 iter_args(%scan3A_334 = %broadcast_in_dim3A_9) -> (vector<16xi32>)  : i32 {
      %mul3A_335 = arith.constant 16 : i32
      %mul3A_336 = arith.muli %scan3A_333, %mul3A_335 : i32
      %get3A_337 = arith.index_cast %mul3A_336 : i32 to index
      %get3A_338 = tpu.vector_load %arg12[%get3A_337] {strides = array<i32>} : memref<8192xi32, #tpu.memory_space<vmem>>, vector<16xi32>,
      %mul3A_339 = arith.constant 16 : i32
      %mul3A_340 = arith.muli %scan3A_333, %mul3A_339 : i32
      %swap3A_341 = arith.index_cast %mul3A_340 : i32 to index
      %swap3A_342 = tpu.vector_load %arg12[%swap3A_341] {strides = array<i32>} : memref<8192xi32, #tpu.memory_space<vmem>>, vector<16xi32>,
      tpu.vector_store %arg12[%swap3A_341], %scan3A_334 {strides = array<i32>} : memref<8192xi32, #tpu.memory_space<vmem>>, vector<16xi32>,
      %add3A_343 = arith.addi %scan3A_334, %get3A_338 : vector<16xi32>
      scf.yield %add3A_343 : vector<16xi32>
    }
    %scan3A_141 = arith.constant 512 : i32
    %broadcast_in_dim3A_142 = arith.constant true
    %broadcast_in_dim3A_143 = vector.broadcast %broadcast_in_dim3A_142 : i1 to vector<16xi1>
    %masked_cumsum3A_144 = tpu.scan <sum>, %scan3A_140 masked %broadcast_in_dim3A_143 : vector<16xi32>, vector<16xi1> -> vector<16xi32>
    %sub3A_145 = arith.subi %masked_cumsum3A_144, %scan3A_140 : vector<16xi32>
    %parallel_loop3A_146 = arith.constant 0 : i32
    %parallel_loop3A_147 = arith.constant 512 : i32
    %parallel_loop3A_148 = arith.constant 1 : i32
    %parallel_loop3A_149 = arith.constant 28 : i32
    scf.for %parallel_loop3A_333 = %parallel_loop3A_146 to %parallel_loop3A_147 step %parallel_loop3A_148  : i32 {
      %parallel_loop3A_334 = arith.constant 16 : i32
      %parallel_loop3A_335 = arith.muli %parallel_loop3A_333, %parallel_loop3A_334 : i32
      %parallel_loop3A_336 = arith.index_cast %parallel_loop3A_335 : i32 to index
      %parallel_loop3A_337 = tpu.vector_load %arg10[%parallel_loop3A_336] {strides = array<i32>} : memref<8192xi32, #tpu.memory_space<vmem>>, vector<16xi32>,
      %parallel_loop3A_338 = arith.constant 16 : i32
      %parallel_loop3A_339 = arith.muli %parallel_loop3A_333, %parallel_loop3A_338 : i32
      %parallel_loop3A_340 = arith.index_cast %parallel_loop3A_339 : i32 to index
      %parallel_loop3A_341 = tpu.vector_load %arg11[%parallel_loop3A_340] {strides = array<i32>} : memref<8192xi32, #tpu.memory_space<vmem>>, vector<16xi32>,
      %parallel_loop3A_342 = vector.broadcast %parallel_loop3A_149 : i32 to vector<16xi32>
      %parallel_loop3A_343 = arith.shrui %parallel_loop3A_337, %parallel_loop3A_342 : vector<16xi32>
      %parallel_loop3A_344 = arith.constant 15 : i32
      %parallel_loop3A_345 = vector.broadcast %parallel_loop3A_344 : i32 to vector<16xi32>
      %parallel_loop3A_346 = arith.andi %parallel_loop3A_343, %parallel_loop3A_345 : vector<16xi32>
      %parallel_loop3A_347 = arith.constant true
      %parallel_loop3A_348 = vector.broadcast %parallel_loop3A_347 : i1 to vector<16xi1>
      %parallel_loop3A_349, %parallel_loop3A_350 = tpu.scan_count mask(%parallel_loop3A_348 : vector<16xi1>) value(%parallel_loop3A_346 : vector<16xi32>) : vector<16xi1>, vector<16xi32>
      %parallel_loop3A_351 = arith.constant 16 : i32
      %parallel_loop3A_352 = arith.muli %parallel_loop3A_333, %parallel_loop3A_351 : i32
      %parallel_loop3A_353 = arith.index_cast %parallel_loop3A_352 : i32 to index
      %parallel_loop3A_354 = tpu.vector_load %arg12[%parallel_loop3A_353] {strides = array<i32>} : memref<8192xi32, #tpu.memory_space<vmem>>, vector<16xi32>,
      %parallel_loop3A_355 = arith.addi %sub3A_145, %parallel_loop3A_354 : vector<16xi32>
      %parallel_loop3A_356 = arith.constant 0 : i32
      %parallel_loop3A_357 = vector.broadcast %parallel_loop3A_356 : i32 to vector<16xi32>
      %parallel_loop3A_358 = arith.cmpi slt, %parallel_loop3A_346, %parallel_loop3A_357 : vector<16xi32>
      %parallel_loop3A_359 = arith.constant 16 : i32
      %parallel_loop3A_360 = vector.broadcast %parallel_loop3A_359 : i32 to vector<16xi32>
      %parallel_loop3A_361 = arith.addi %parallel_loop3A_346, %parallel_loop3A_360 : vector<16xi32>
      %parallel_loop3A_362 = arith.select %parallel_loop3A_358, %parallel_loop3A_361, %parallel_loop3A_346 : vector<16xi1>, vector<16xi32>
      %parallel_loop3A_363 = vector.shape_cast %parallel_loop3A_362 : vector<16xi32> to vector<16x1xi32>
      %parallel_loop3A_364 = vector.shape_cast %parallel_loop3A_363 : vector<16x1xi32> to vector<16xi32>
      %parallel_loop3A_365 = tpu.dynamic_gather %parallel_loop3A_355[%parallel_loop3A_364] in [0] : vector<16xi32>, vector<16xi32> -> vector<16xi32>
      %parallel_loop3A_366 = arith.addi %parallel_loop3A_365, %parallel_loop3A_350 : vector<16xi32>
      %parallel_loop3A_367 = arith.constant 1 : i32
      %parallel_loop3A_368 = vector.broadcast %parallel_loop3A_367 : i32 to vector<16xi32>
      %parallel_loop3A_369 = arith.subi %parallel_loop3A_366, %parallel_loop3A_368 : vector<16xi32>
      tpu.vector_store_idx %arg8[%parallel_loop3A_369], %parallel_loop3A_337 : memref<8192xi32, #tpu.memory_space<vmem>>[vector<16xi32>], vector<16xi32>,
      tpu.vector_store_idx %arg9[%parallel_loop3A_369], %parallel_loop3A_341 : memref<8192xi32, #tpu.memory_space<vmem>>[vector<16xi32>], vector<16xi32>,
    } {sc.loop_unroll_factor = 4 : i64, sc.parallel_access}
    %get3A = arith.constant 0 : index
    %get3A_150 = tpu.vector_load %arg13[%get3A] {strides = array<i32>} : memref<128xi32, #tpu.memory_space<vmem>>, vector<16xi32>,
    %get3A_151 = arith.constant 16 : index
    %get3A_152 = tpu.vector_load %arg13[%get3A_151] {strides = array<i32>} : memref<128xi32, #tpu.memory_space<vmem>>, vector<16xi32>,
    %get3A_153 = arith.constant 32 : index
    %get3A_154 = tpu.vector_load %arg13[%get3A_153] {strides = array<i32>} : memref<128xi32, #tpu.memory_space<vmem>>, vector<16xi32>,
    %get3A_155 = arith.constant 48 : index
    %get3A_156 = tpu.vector_load %arg13[%get3A_155] {strides = array<i32>} : memref<128xi32, #tpu.memory_space<vmem>>, vector<16xi32>,
    %get3A_157 = arith.constant 64 : index
    %get3A_158 = tpu.vector_load %arg13[%get3A_157] {strides = array<i32>} : memref<128xi32, #tpu.memory_space<vmem>>, vector<16xi32>,
    %get3A_159 = arith.constant 80 : index
    %get3A_160 = tpu.vector_load %arg13[%get3A_159] {strides = array<i32>} : memref<128xi32, #tpu.memory_space<vmem>>, vector<16xi32>,
    %swap3A = arith.constant 0 : index
    %swap3A_161 = tpu.vector_load %arg17[%swap3A] {strides = array<i32>} : memref<16xi32, #tpu.memory_space<vmem>>, vector<16xi32>,
    tpu.vector_store %arg17[%swap3A], %broadcast_in_dim3A_9 {strides = array<i32>} : memref<16xi32, #tpu.memory_space<vmem>>, vector<16xi32>,
    %swap3A_162 = arith.constant 0 : index
    %swap3A_163 = tpu.vector_load %arg18[%swap3A_162] {strides = array<i32>} : memref<16xi32, #tpu.memory_space<vmem>>, vector<16xi32>,
    tpu.vector_store %arg18[%swap3A_162], %broadcast_in_dim3A_9 {strides = array<i32>} : memref<16xi32, #tpu.memory_space<vmem>>, vector<16xi32>,
    %scan3A_164 = arith.constant 0 : i32
    %scan3A_165 = arith.constant 0 : i32
    %scan3A_166 = arith.constant 512 : i32
    %scan3A_167 = arith.addi %scan3A_165, %scan3A_166 : i32
    %scan3A_168 = arith.constant 1 : i32
    %scan3A_169 = scf.for %scan3A_333 = %scan3A_165 to %scan3A_167 step %scan3A_168 iter_args(%scan3A_334 = %scan3A_164) -> (i32)  : i32 {
      %mul3A_335 = arith.constant 16 : i32
      %mul3A_336 = arith.muli %scan3A_333, %mul3A_335 : i32
      %get3A_337 = arith.index_cast %mul3A_336 : i32 to index
      %get3A_338 = tpu.vector_load %arg9[%get3A_337] {strides = array<i32>} : memref<8192xi32, #tpu.memory_space<vmem>>, vector<16xi32>,
      %shift_right_arithmetic3A = arith.constant 16 : i32
      %shift_right_arithmetic3A_339 = vector.broadcast %shift_right_arithmetic3A : i32 to vector<16xi32>
      %shift_right_arithmetic3A_340 = arith.shrsi %get3A_338, %shift_right_arithmetic3A_339 : vector<16xi32>
      %and3A = arith.constant 7 : i32
      %and3A_341 = vector.broadcast %and3A : i32 to vector<16xi32>
      %and3A_342 = arith.andi %shift_right_arithmetic3A_340, %and3A_341 : vector<16xi32>
      %shift_right_arithmetic3A_343 = arith.constant 20 : i32
      %shift_right_arithmetic3A_344 = vector.broadcast %shift_right_arithmetic3A_343 : i32 to vector<16xi32>
      %shift_right_arithmetic3A_345 = arith.shrsi %get3A_338, %shift_right_arithmetic3A_344 : vector<16xi32>
      %and3A_346 = arith.constant 3 : i32
      %and3A_347 = vector.broadcast %and3A_346 : i32 to vector<16xi32>
      %and3A_348 = arith.andi %shift_right_arithmetic3A_345, %and3A_347 : vector<16xi32>
      %and3A_349 = arith.constant 65535 : i32
      %and3A_350 = vector.broadcast %and3A_349 : i32 to vector<16xi32>
      %and3A_351 = arith.andi %get3A_338, %and3A_350 : vector<16xi32>
      %eq3A = arith.constant 0 : i32
      %eq3A_352 = vector.broadcast %eq3A : i32 to vector<16xi32>
      %eq3A_353 = arith.cmpi eq, %and3A_348, %eq3A_352 : vector<16xi32>
      %unique3A, %unique3A_354 = tpu.scan_count mask(%eq3A_353 : vector<16xi1>) value(%and3A_342 : vector<16xi32>) : vector<16xi1>, vector<16xi32>
      %gather3A_355 = tpu.vector_load_idx %arg17[%and3A_342] : memref<16xi32, #tpu.memory_space<vmem>>[vector<16xi32>], vector<16xi32>,
      %add3A_356 = arith.addi %gather3A_355, %unique3A_354 : vector<16xi32>
      %sub3A_357 = arith.constant 1 : i32
      %sub3A_358 = vector.broadcast %sub3A_357 : i32 to vector<16xi32>
      %sub3A_359 = arith.subi %add3A_356, %sub3A_358 : vector<16xi32>
      %lt3A_360 = arith.constant 0 : i32
      %lt3A_361 = vector.broadcast %lt3A_360 : i32 to vector<16xi32>
      %lt3A_362 = arith.cmpi slt, %and3A_342, %lt3A_361 : vector<16xi32>
      %add3A_363 = arith.constant 16 : i32
      %add3A_364 = vector.broadcast %add3A_363 : i32 to vector<16xi32>
      %add3A_365 = arith.addi %and3A_342, %add3A_364 : vector<16xi32>
      %select_n3A_366 = arith.select %lt3A_362, %add3A_365, %and3A_342 : vector<16xi1>, vector<16xi32>
      %broadcast_in_dim3A_367 = vector.shape_cast %select_n3A_366 : vector<16xi32> to vector<16x1xi32>
      %gather3A_368 = vector.shape_cast %broadcast_in_dim3A_367 : vector<16x1xi32> to vector<16xi32>
      %gather3A_369 = tpu.dynamic_gather %get3A_152[%gather3A_368] in [0] : vector<16xi32>, vector<16xi32> -> vector<16xi32>
      %lt3A_370 = arith.cmpi slt, %sub3A_359, %gather3A_369 : vector<16xi32>
      %and3A_371 = arith.andi %eq3A_353, %lt3A_370 : vector<16xi1>
      %lt3A_372 = arith.constant 0 : i32
      %lt3A_373 = vector.broadcast %lt3A_372 : i32 to vector<16xi32>
      %lt3A_374 = arith.cmpi slt, %and3A_342, %lt3A_373 : vector<16xi32>
      %add3A_375 = arith.constant 16 : i32
      %add3A_376 = vector.broadcast %add3A_375 : i32 to vector<16xi32>
      %add3A_377 = arith.addi %and3A_342, %add3A_376 : vector<16xi32>
      %select_n3A_378 = arith.select %lt3A_374, %add3A_377, %and3A_342 : vector<16xi1>, vector<16xi32>
      %broadcast_in_dim3A_379 = vector.shape_cast %select_n3A_378 : vector<16xi32> to vector<16x1xi32>
      %gather3A_380 = vector.shape_cast %broadcast_in_dim3A_379 : vector<16x1xi32> to vector<16xi32>
      %gather3A_381 = tpu.dynamic_gather %get3A_150[%gather3A_380] in [0] : vector<16xi32>, vector<16xi32> -> vector<16xi32>
      %add3A_382 = arith.addi %gather3A_381, %sub3A_359 : vector<16xi32>
      tpu.vector_store_idx %arg14[%add3A_382], %and3A_351 masked %and3A_371 : memref<2048xi32, #tpu.memory_space<vmem>>[vector<16xi32>], vector<16xi32>, vector<16xi1>
      tpu.vector_store_idx %arg17[%and3A_342], %unique3A_354 masked %unique3A {add = true} : memref<16xi32, #tpu.memory_space<vmem>>[vector<16xi32>], vector<16xi32>, vector<16xi1>
      %eq3A_383 = arith.constant 2 : i32
      %eq3A_384 = vector.broadcast %eq3A_383 : i32 to vector<16xi32>
      %eq3A_385 = arith.cmpi eq, %and3A_348, %eq3A_384 : vector<16xi32>
      %unique3A_386, %unique3A_387 = tpu.scan_count mask(%eq3A_385 : vector<16xi1>) value(%and3A_342 : vector<16xi32>) : vector<16xi1>, vector<16xi32>
      %gather3A_388 = tpu.vector_load_idx %arg18[%and3A_342] : memref<16xi32, #tpu.memory_space<vmem>>[vector<16xi32>], vector<16xi32>,
      %add3A_389 = arith.addi %gather3A_388, %unique3A_387 : vector<16xi32>
      %sub3A_390 = arith.constant 1 : i32
      %sub3A_391 = vector.broadcast %sub3A_390 : i32 to vector<16xi32>
      %sub3A_392 = arith.subi %add3A_389, %sub3A_391 : vector<16xi32>
      %lt3A_393 = arith.constant 0 : i32
      %lt3A_394 = vector.broadcast %lt3A_393 : i32 to vector<16xi32>
      %lt3A_395 = arith.cmpi slt, %and3A_342, %lt3A_394 : vector<16xi32>
      %add3A_396 = arith.constant 16 : i32
      %add3A_397 = vector.broadcast %add3A_396 : i32 to vector<16xi32>
      %add3A_398 = arith.addi %and3A_342, %add3A_397 : vector<16xi32>
      %select_n3A_399 = arith.select %lt3A_395, %add3A_398, %and3A_342 : vector<16xi1>, vector<16xi32>
      %broadcast_in_dim3A_400 = vector.shape_cast %select_n3A_399 : vector<16xi32> to vector<16x1xi32>
      %gather3A_401 = vector.shape_cast %broadcast_in_dim3A_400 : vector<16x1xi32> to vector<16xi32>
      %gather3A_402 = tpu.dynamic_gather %get3A_156[%gather3A_401] in [0] : vector<16xi32>, vector<16xi32> -> vector<16xi32>
      %lt3A_403 = arith.cmpi slt, %sub3A_392, %gather3A_402 : vector<16xi32>
      %and3A_404 = arith.andi %eq3A_385, %lt3A_403 : vector<16xi1>
      %lt3A_405 = arith.constant 0 : i32
      %lt3A_406 = vector.broadcast %lt3A_405 : i32 to vector<16xi32>
      %lt3A_407 = arith.cmpi slt, %and3A_342, %lt3A_406 : vector<16xi32>
      %add3A_408 = arith.constant 16 : i32
      %add3A_409 = vector.broadcast %add3A_408 : i32 to vector<16xi32>
      %add3A_410 = arith.addi %and3A_342, %add3A_409 : vector<16xi32>
      %select_n3A_411 = arith.select %lt3A_407, %add3A_410, %and3A_342 : vector<16xi1>, vector<16xi32>
      %broadcast_in_dim3A_412 = vector.shape_cast %select_n3A_411 : vector<16xi32> to vector<16x1xi32>
      %gather3A_413 = vector.shape_cast %broadcast_in_dim3A_412 : vector<16x1xi32> to vector<16xi32>
      %gather3A_414 = tpu.dynamic_gather %get3A_160[%gather3A_413] in [0] : vector<16xi32>, vector<16xi32> -> vector<16xi32>
      %add3A_415 = arith.addi %gather3A_414, %sub3A_392 : vector<16xi32>
      tpu.vector_store_idx %arg14[%add3A_415], %and3A_351 masked %and3A_404 : memref<2048xi32, #tpu.memory_space<vmem>>[vector<16xi32>], vector<16xi32>, vector<16xi1>
      tpu.vector_store_idx %arg18[%and3A_342], %unique3A_387 masked %unique3A_386 {add = true} : memref<16xi32, #tpu.memory_space<vmem>>[vector<16xi32>], vector<16xi32>, vector<16xi1>
      %scan3A_416 = arith.constant 0 : i32
      scf.yield %scan3A_416 : i32
    }
    %scan3A_170 = arith.constant 512 : i32
    %mul3A_171 = arith.constant 8192 : i32
    %mul3A_172 = arith.muli %add3A, %mul3A_171 : i32
    "tpu.region"() ({
      %run_scoped3A = tpu.sem_alloc : memref<!tpu.dma_semaphore, #tpu.memory_space<semaphore_mem>>
      %dma_start3A = tpu.memref_slice %arg3[%mul3A_172] : memref<262144xi32, #tpu.memory_space<hbm>> -> memref<8192xi32, #tpu.memory_space<hbm>>
      %dma_start3A_333 = tpu.memref_slice %arg3[%mul3A_172] : memref<262144xi32, #tpu.memory_space<hbm>> -> memref<8192xi32, #tpu.memory_space<hbm>>
      tpu.enqueue_dma source(%dma_start3A_333 : memref<8192xi32, #tpu.memory_space<hbm>>) target(%arg11 : memref<8192xi32, #tpu.memory_space<vmem>>) target_semaphore(%run_scoped3A : memref<!tpu.dma_semaphore, #tpu.memory_space<semaphore_mem>>)
      %dma_wait3A = tpu.memref_slice %arg3[%mul3A_172] : memref<262144xi32, #tpu.memory_space<hbm>> -> memref<8192xi32, #tpu.memory_space<hbm>>
      %dma_wait3A_334 = tpu.memref_slice %arg3[%mul3A_172] : memref<262144xi32, #tpu.memory_space<hbm>> -> memref<8192xi32, #tpu.memory_space<hbm>>
      tpu.wait_dma2 semaphore(%run_scoped3A : memref<!tpu.dma_semaphore, #tpu.memory_space<semaphore_mem>>) src(%dma_wait3A_334 : memref<8192xi32, #tpu.memory_space<hbm>>) dst(%arg11 : memref<8192xi32, #tpu.memory_space<vmem>>)
      tpu.yield
    }) : () -> ()
    %broadcast_in_dim3A_173 = arith.constant 0 : i32
    %broadcast_in_dim3A_174 = vector.broadcast %broadcast_in_dim3A_173 : i32 to vector<16xi32>
    %lt3A = arith.constant 0 : i32
    %lt3A_175 = vector.broadcast %lt3A : i32 to vector<16xi32>
    %lt3A_176 = arith.cmpi slt, %broadcast_in_dim3A_174, %lt3A_175 : vector<16xi32>
    %add3A_177 = arith.constant 16 : i32
    %add3A_178 = vector.broadcast %add3A_177 : i32 to vector<16xi32>
    %add3A_179 = arith.addi %broadcast_in_dim3A_174, %add3A_178 : vector<16xi32>
    %select_n3A = arith.select %lt3A_176, %add3A_179, %broadcast_in_dim3A_174 : vector<16xi1>, vector<16xi32>
    %broadcast_in_dim3A_180 = vector.shape_cast %select_n3A : vector<16xi32> to vector<16x1xi32>
    %gather3A = vector.shape_cast %broadcast_in_dim3A_180 : vector<16x1xi32> to vector<16xi32>
    %gather3A_181 = tpu.dynamic_gather %get3A_154[%gather3A] in [0] : vector<16xi32>, vector<16xi32> -> vector<16xi32>
    %broadcast_in_dim3A_182 = arith.constant 1 : i32
    %broadcast_in_dim3A_183 = vector.broadcast %broadcast_in_dim3A_182 : i32 to vector<16xi32>
    %lt3A_184 = arith.constant 0 : i32
    %lt3A_185 = vector.broadcast %lt3A_184 : i32 to vector<16xi32>
    %lt3A_186 = arith.cmpi slt, %broadcast_in_dim3A_183, %lt3A_185 : vector<16xi32>
    %add3A_187 = arith.constant 16 : i32
    %add3A_188 = vector.broadcast %add3A_187 : i32 to vector<16xi32>
    %add3A_189 = arith.addi %broadcast_in_dim3A_183, %add3A_188 : vector<16xi32>
    %select_n3A_190 = arith.select %lt3A_186, %add3A_189, %broadcast_in_dim3A_183 : vector<16xi1>, vector<16xi32>
    %broadcast_in_dim3A_191 = vector.shape_cast %select_n3A_190 : vector<16xi32> to vector<16x1xi32>
    %gather3A_192 = vector.shape_cast %broadcast_in_dim3A_191 : vector<16x1xi32> to vector<16xi32>
    %gather3A_193 = tpu.dynamic_gather %get3A_154[%gather3A_192] in [0] : vector<16xi32>, vector<16xi32> -> vector<16xi32>
    %broadcast_in_dim3A_194 = arith.constant 2 : i32
    %broadcast_in_dim3A_195 = vector.broadcast %broadcast_in_dim3A_194 : i32 to vector<16xi32>
    %lt3A_196 = arith.constant 0 : i32
    %lt3A_197 = vector.broadcast %lt3A_196 : i32 to vector<16xi32>
    %lt3A_198 = arith.cmpi slt, %broadcast_in_dim3A_195, %lt3A_197 : vector<16xi32>
    %add3A_199 = arith.constant 16 : i32
    %add3A_200 = vector.broadcast %add3A_199 : i32 to vector<16xi32>
    %add3A_201 = arith.addi %broadcast_in_dim3A_195, %add3A_200 : vector<16xi32>
    %select_n3A_202 = arith.select %lt3A_198, %add3A_201, %broadcast_in_dim3A_195 : vector<16xi1>, vector<16xi32>
    %broadcast_in_dim3A_203 = vector.shape_cast %select_n3A_202 : vector<16xi32> to vector<16x1xi32>
    %gather3A_204 = vector.shape_cast %broadcast_in_dim3A_203 : vector<16x1xi32> to vector<16xi32>
    %gather3A_205 = tpu.dynamic_gather %get3A_154[%gather3A_204] in [0] : vector<16xi32>, vector<16xi32> -> vector<16xi32>
    %broadcast_in_dim3A_206 = arith.constant 3 : i32
    %broadcast_in_dim3A_207 = vector.broadcast %broadcast_in_dim3A_206 : i32 to vector<16xi32>
    %lt3A_208 = arith.constant 0 : i32
    %lt3A_209 = vector.broadcast %lt3A_208 : i32 to vector<16xi32>
    %lt3A_210 = arith.cmpi slt, %broadcast_in_dim3A_207, %lt3A_209 : vector<16xi32>
    %add3A_211 = arith.constant 16 : i32
    %add3A_212 = vector.broadcast %add3A_211 : i32 to vector<16xi32>
    %add3A_213 = arith.addi %broadcast_in_dim3A_207, %add3A_212 : vector<16xi32>
    %select_n3A_214 = arith.select %lt3A_210, %add3A_213, %broadcast_in_dim3A_207 : vector<16xi1>, vector<16xi32>
    %broadcast_in_dim3A_215 = vector.shape_cast %select_n3A_214 : vector<16xi32> to vector<16x1xi32>
    %gather3A_216 = vector.shape_cast %broadcast_in_dim3A_215 : vector<16x1xi32> to vector<16xi32>
    %gather3A_217 = tpu.dynamic_gather %get3A_154[%gather3A_216] in [0] : vector<16xi32>, vector<16xi32> -> vector<16xi32>
    %broadcast_in_dim3A_218 = arith.constant 4 : i32
    %broadcast_in_dim3A_219 = vector.broadcast %broadcast_in_dim3A_218 : i32 to vector<16xi32>
    %lt3A_220 = arith.constant 0 : i32
    %lt3A_221 = vector.broadcast %lt3A_220 : i32 to vector<16xi32>
    %lt3A_222 = arith.cmpi slt, %broadcast_in_dim3A_219, %lt3A_221 : vector<16xi32>
    %add3A_223 = arith.constant 16 : i32
    %add3A_224 = vector.broadcast %add3A_223 : i32 to vector<16xi32>
    %add3A_225 = arith.addi %broadcast_in_dim3A_219, %add3A_224 : vector<16xi32>
    %select_n3A_226 = arith.select %lt3A_222, %add3A_225, %broadcast_in_dim3A_219 : vector<16xi1>, vector<16xi32>
    %broadcast_in_dim3A_227 = vector.shape_cast %select_n3A_226 : vector<16xi32> to vector<16x1xi32>
    %gather3A_228 = vector.shape_cast %broadcast_in_dim3A_227 : vector<16x1xi32> to vector<16xi32>
    %gather3A_229 = tpu.dynamic_gather %get3A_154[%gather3A_228] in [0] : vector<16xi32>, vector<16xi32> -> vector<16xi32>
    %broadcast_in_dim3A_230 = arith.constant 5 : i32
    %broadcast_in_dim3A_231 = vector.broadcast %broadcast_in_dim3A_230 : i32 to vector<16xi32>
    %lt3A_232 = arith.constant 0 : i32
    %lt3A_233 = vector.broadcast %lt3A_232 : i32 to vector<16xi32>
    %lt3A_234 = arith.cmpi slt, %broadcast_in_dim3A_231, %lt3A_233 : vector<16xi32>
    %add3A_235 = arith.constant 16 : i32
    %add3A_236 = vector.broadcast %add3A_235 : i32 to vector<16xi32>
    %add3A_237 = arith.addi %broadcast_in_dim3A_231, %add3A_236 : vector<16xi32>
    %select_n3A_238 = arith.select %lt3A_234, %add3A_237, %broadcast_in_dim3A_231 : vector<16xi1>, vector<16xi32>
    %broadcast_in_dim3A_239 = vector.shape_cast %select_n3A_238 : vector<16xi32> to vector<16x1xi32>
    %gather3A_240 = vector.shape_cast %broadcast_in_dim3A_239 : vector<16x1xi32> to vector<16xi32>
    %gather3A_241 = tpu.dynamic_gather %get3A_154[%gather3A_240] in [0] : vector<16xi32>, vector<16xi32> -> vector<16xi32>
    %broadcast_in_dim3A_242 = arith.constant 0 : i32
    %broadcast_in_dim3A_243 = vector.broadcast %broadcast_in_dim3A_242 : i32 to vector<16xi32>
    %lt3A_244 = arith.constant 0 : i32
    %lt3A_245 = vector.broadcast %lt3A_244 : i32 to vector<16xi32>
    %lt3A_246 = arith.cmpi slt, %broadcast_in_dim3A_243, %lt3A_245 : vector<16xi32>
    %add3A_247 = arith.constant 16 : i32
    %add3A_248 = vector.broadcast %add3A_247 : i32 to vector<16xi32>
    %add3A_249 = arith.addi %broadcast_in_dim3A_243, %add3A_248 : vector<16xi32>
    %select_n3A_250 = arith.select %lt3A_246, %add3A_249, %broadcast_in_dim3A_243 : vector<16xi1>, vector<16xi32>
    %broadcast_in_dim3A_251 = vector.shape_cast %select_n3A_250 : vector<16xi32> to vector<16x1xi32>
    %gather3A_252 = vector.shape_cast %broadcast_in_dim3A_251 : vector<16x1xi32> to vector<16xi32>
    %gather3A_253 = tpu.dynamic_gather %get3A_158[%gather3A_252] in [0] : vector<16xi32>, vector<16xi32> -> vector<16xi32>
    %broadcast_in_dim3A_254 = arith.constant 1 : i32
    %broadcast_in_dim3A_255 = vector.broadcast %broadcast_in_dim3A_254 : i32 to vector<16xi32>
    %lt3A_256 = arith.constant 0 : i32
    %lt3A_257 = vector.broadcast %lt3A_256 : i32 to vector<16xi32>
    %lt3A_258 = arith.cmpi slt, %broadcast_in_dim3A_255, %lt3A_257 : vector<16xi32>
    %add3A_259 = arith.constant 16 : i32
    %add3A_260 = vector.broadcast %add3A_259 : i32 to vector<16xi32>
    %add3A_261 = arith.addi %broadcast_in_dim3A_255, %add3A_260 : vector<16xi32>
    %select_n3A_262 = arith.select %lt3A_258, %add3A_261, %broadcast_in_dim3A_255 : vector<16xi1>, vector<16xi32>
    %broadcast_in_dim3A_263 = vector.shape_cast %select_n3A_262 : vector<16xi32> to vector<16x1xi32>
    %gather3A_264 = vector.shape_cast %broadcast_in_dim3A_263 : vector<16x1xi32> to vector<16xi32>
    %gather3A_265 = tpu.dynamic_gather %get3A_158[%gather3A_264] in [0] : vector<16xi32>, vector<16xi32> -> vector<16xi32>
    %broadcast_in_dim3A_266 = arith.constant 2 : i32
    %broadcast_in_dim3A_267 = vector.broadcast %broadcast_in_dim3A_266 : i32 to vector<16xi32>
    %lt3A_268 = arith.constant 0 : i32
    %lt3A_269 = vector.broadcast %lt3A_268 : i32 to vector<16xi32>
    %lt3A_270 = arith.cmpi slt, %broadcast_in_dim3A_267, %lt3A_269 : vector<16xi32>
    %add3A_271 = arith.constant 16 : i32
    %add3A_272 = vector.broadcast %add3A_271 : i32 to vector<16xi32>
    %add3A_273 = arith.addi %broadcast_in_dim3A_267, %add3A_272 : vector<16xi32>
    %select_n3A_274 = arith.select %lt3A_270, %add3A_273, %broadcast_in_dim3A_267 : vector<16xi1>, vector<16xi32>
    %broadcast_in_dim3A_275 = vector.shape_cast %select_n3A_274 : vector<16xi32> to vector<16x1xi32>
    %gather3A_276 = vector.shape_cast %broadcast_in_dim3A_275 : vector<16x1xi32> to vector<16xi32>
    %gather3A_277 = tpu.dynamic_gather %get3A_158[%gather3A_276] in [0] : vector<16xi32>, vector<16xi32> -> vector<16xi32>
    %broadcast_in_dim3A_278 = arith.constant 3 : i32
    %broadcast_in_dim3A_279 = vector.broadcast %broadcast_in_dim3A_278 : i32 to vector<16xi32>
    %lt3A_280 = arith.constant 0 : i32
    %lt3A_281 = vector.broadcast %lt3A_280 : i32 to vector<16xi32>
    %lt3A_282 = arith.cmpi slt, %broadcast_in_dim3A_279, %lt3A_281 : vector<16xi32>
    %add3A_283 = arith.constant 16 : i32
    %add3A_284 = vector.broadcast %add3A_283 : i32 to vector<16xi32>
    %add3A_285 = arith.addi %broadcast_in_dim3A_279, %add3A_284 : vector<16xi32>
    %select_n3A_286 = arith.select %lt3A_282, %add3A_285, %broadcast_in_dim3A_279 : vector<16xi1>, vector<16xi32>
    %broadcast_in_dim3A_287 = vector.shape_cast %select_n3A_286 : vector<16xi32> to vector<16x1xi32>
    %gather3A_288 = vector.shape_cast %broadcast_in_dim3A_287 : vector<16x1xi32> to vector<16xi32>
    %gather3A_289 = tpu.dynamic_gather %get3A_158[%gather3A_288] in [0] : vector<16xi32>, vector<16xi32> -> vector<16xi32>
    %broadcast_in_dim3A_290 = arith.constant 4 : i32
    %broadcast_in_dim3A_291 = vector.broadcast %broadcast_in_dim3A_290 : i32 to vector<16xi32>
    %lt3A_292 = arith.constant 0 : i32
    %lt3A_293 = vector.broadcast %lt3A_292 : i32 to vector<16xi32>
    %lt3A_294 = arith.cmpi slt, %broadcast_in_dim3A_291, %lt3A_293 : vector<16xi32>
    %add3A_295 = arith.constant 16 : i32
    %add3A_296 = vector.broadcast %add3A_295 : i32 to vector<16xi32>
    %add3A_297 = arith.addi %broadcast_in_dim3A_291, %add3A_296 : vector<16xi32>
    %select_n3A_298 = arith.select %lt3A_294, %add3A_297, %broadcast_in_dim3A_291 : vector<16xi1>, vector<16xi32>
    %broadcast_in_dim3A_299 = vector.shape_cast %select_n3A_298 : vector<16xi32> to vector<16x1xi32>
    %gather3A_300 = vector.shape_cast %broadcast_in_dim3A_299 : vector<16x1xi32> to vector<16xi32>
    %gather3A_301 = tpu.dynamic_gather %get3A_158[%gather3A_300] in [0] : vector<16xi32>, vector<16xi32> -> vector<16xi32>
    %broadcast_in_dim3A_302 = arith.constant 5 : i32
    %broadcast_in_dim3A_303 = vector.broadcast %broadcast_in_dim3A_302 : i32 to vector<16xi32>
    %lt3A_304 = arith.constant 0 : i32
    %lt3A_305 = vector.broadcast %lt3A_304 : i32 to vector<16xi32>
    %lt3A_306 = arith.cmpi slt, %broadcast_in_dim3A_303, %lt3A_305 : vector<16xi32>
    %add3A_307 = arith.constant 16 : i32
    %add3A_308 = vector.broadcast %add3A_307 : i32 to vector<16xi32>
    %add3A_309 = arith.addi %broadcast_in_dim3A_303, %add3A_308 : vector<16xi32>
    %select_n3A_310 = arith.select %lt3A_306, %add3A_309, %broadcast_in_dim3A_303 : vector<16xi1>, vector<16xi32>
    %broadcast_in_dim3A_311 = vector.shape_cast %select_n3A_310 : vector<16xi32> to vector<16x1xi32>
    %gather3A_312 = vector.shape_cast %broadcast_in_dim3A_311 : vector<16x1xi32> to vector<16xi32>
    %gather3A_313 = tpu.dynamic_gather %get3A_158[%gather3A_312] in [0] : vector<16xi32>, vector<16xi32> -> vector<16xi32>
    %broadcast_in_dim3A_314 = arith.constant 15 : i32
    %broadcast_in_dim3A_315 = vector.broadcast %broadcast_in_dim3A_314 : i32 to vector<16xi32>
    %scan3A_316 = arith.constant 0 : i32
    %scan3A_317 = arith.constant 512 : i32
    %scan3A_318 = arith.addi %scan3A_316, %scan3A_317 : i32
    %scan3A_319 = arith.constant 1 : i32
    %scan3A_320:6 = scf.for %scan3A_333 = %scan3A_316 to %scan3A_318 step %scan3A_319 iter_args(%scan3A_334 = %broadcast_in_dim3A_9, %scan3A_335 = %broadcast_in_dim3A_9, %scan3A_336 = %broadcast_in_dim3A_9, %scan3A_337 = %broadcast_in_dim3A_9, %scan3A_338 = %broadcast_in_dim3A_9, %scan3A_339 = %broadcast_in_dim3A_9) -> (vector<16xi32>, vector<16xi32>, vector<16xi32>, vector<16xi32>, vector<16xi32>, vector<16xi32>)  : i32 {
      %mul3A_340 = arith.constant 16 : i32
      %mul3A_341 = arith.muli %scan3A_333, %mul3A_340 : i32
      %get3A_342 = arith.index_cast %mul3A_341 : i32 to index
      %get3A_343 = tpu.vector_load %arg11[%get3A_342] {strides = array<i32>} : memref<8192xi32, #tpu.memory_space<vmem>>, vector<16xi32>,
      %shift_right_arithmetic3A = arith.constant 16 : i32
      %shift_right_arithmetic3A_344 = vector.broadcast %shift_right_arithmetic3A : i32 to vector<16xi32>
      %shift_right_arithmetic3A_345 = arith.shrsi %get3A_343, %shift_right_arithmetic3A_344 : vector<16xi32>
      %and3A = arith.constant 7 : i32
      %and3A_346 = vector.broadcast %and3A : i32 to vector<16xi32>
      %and3A_347 = arith.andi %shift_right_arithmetic3A_345, %and3A_346 : vector<16xi32>
      %shift_right_arithmetic3A_348 = arith.constant 20 : i32
      %shift_right_arithmetic3A_349 = vector.broadcast %shift_right_arithmetic3A_348 : i32 to vector<16xi32>
      %shift_right_arithmetic3A_350 = arith.shrsi %get3A_343, %shift_right_arithmetic3A_349 : vector<16xi32>
      %and3A_351 = arith.constant 3 : i32
      %and3A_352 = vector.broadcast %and3A_351 : i32 to vector<16xi32>
      %and3A_353 = arith.andi %shift_right_arithmetic3A_350, %and3A_352 : vector<16xi32>
      %and3A_354 = arith.constant 65535 : i32
      %and3A_355 = vector.broadcast %and3A_354 : i32 to vector<16xi32>
      %and3A_356 = arith.andi %get3A_343, %and3A_355 : vector<16xi32>
      %ne3A = arith.constant 0 : i32
      %ne3A_357 = vector.broadcast %ne3A : i32 to vector<16xi32>
      %ne3A_358 = arith.cmpi ne, %and3A_347, %ne3A_357 : vector<16xi32>
      %eq3A = arith.constant 1 : i32
      %eq3A_359 = vector.broadcast %eq3A : i32 to vector<16xi32>
      %eq3A_360 = arith.cmpi eq, %and3A_353, %eq3A_359 : vector<16xi32>
      %or3A = arith.ori %ne3A_358, %eq3A_360 : vector<16xi1>
      %jit3A = arith.constant 1 : i32
      %jit3A_361 = arith.constant 0 : i32
      %broadcast_in_dim3A_362 = vector.broadcast %jit3A : i32 to vector<16xi32>
      %broadcast_in_dim3A_363 = vector.broadcast %jit3A_361 : i32 to vector<16xi32>
      %select_n3A_364 = arith.select %or3A, %broadcast_in_dim3A_362, %broadcast_in_dim3A_363 : vector<16xi1>, vector<16xi32>
      %broadcast_in_dim3A_365 = arith.constant true
      %broadcast_in_dim3A_366 = vector.broadcast %broadcast_in_dim3A_365 : i1 to vector<16xi1>
      %masked_cumsum3A_367 = tpu.scan <sum>, %select_n3A_364 masked %broadcast_in_dim3A_366 : vector<16xi32>, vector<16xi1> -> vector<16xi32>
      %add3A_368 = arith.addi %scan3A_334, %masked_cumsum3A_367 : vector<16xi32>
      %sub3A_369 = arith.subi %add3A_368, %select_n3A_364 : vector<16xi32>
      %lt3A_370 = arith.cmpi slt, %sub3A_369, %gather3A_181 : vector<16xi32>
      %and3A_371 = arith.andi %or3A, %lt3A_370 : vector<16xi1>
      %add3A_372 = arith.addi %gather3A_253, %sub3A_369 : vector<16xi32>
      tpu.vector_store_idx %arg14[%add3A_372], %and3A_356 masked %and3A_371 : memref<2048xi32, #tpu.memory_space<vmem>>[vector<16xi32>], vector<16xi32>, vector<16xi1>
      %lt3A_373 = arith.constant 0 : i32
      %lt3A_374 = vector.broadcast %lt3A_373 : i32 to vector<16xi32>
      %lt3A_375 = arith.cmpi slt, %broadcast_in_dim3A_315, %lt3A_374 : vector<16xi32>
      %add3A_376 = arith.constant 16 : i32
      %add3A_377 = vector.broadcast %add3A_376 : i32 to vector<16xi32>
      %add3A_378 = arith.addi %broadcast_in_dim3A_315, %add3A_377 : vector<16xi32>
      %select_n3A_379 = arith.select %lt3A_375, %add3A_378, %broadcast_in_dim3A_315 : vector<16xi1>, vector<16xi32>
      %broadcast_in_dim3A_380 = vector.shape_cast %select_n3A_379 : vector<16xi32> to vector<16x1xi32>
      %gather3A_381 = vector.shape_cast %broadcast_in_dim3A_380 : vector<16x1xi32> to vector<16xi32>
      %gather3A_382 = tpu.dynamic_gather %masked_cumsum3A_367[%gather3A_381] in [0] : vector<16xi32>, vector<16xi32> -> vector<16xi32>
      %add3A_383 = arith.addi %scan3A_334, %gather3A_382 : vector<16xi32>
      %ne3A_384 = arith.constant 1 : i32
      %ne3A_385 = vector.broadcast %ne3A_384 : i32 to vector<16xi32>
      %ne3A_386 = arith.cmpi ne, %and3A_347, %ne3A_385 : vector<16xi32>
      %eq3A_387 = arith.constant 1 : i32
      %eq3A_388 = vector.broadcast %eq3A_387 : i32 to vector<16xi32>
      %eq3A_389 = arith.cmpi eq, %and3A_353, %eq3A_388 : vector<16xi32>
      %or3A_390 = arith.ori %ne3A_386, %eq3A_389 : vector<16xi1>
      %jit3A_391 = arith.constant 1 : i32
      %jit3A_392 = arith.constant 0 : i32
      %broadcast_in_dim3A_393 = vector.broadcast %jit3A_391 : i32 to vector<16xi32>
      %broadcast_in_dim3A_394 = vector.broadcast %jit3A_392 : i32 to vector<16xi32>
      %select_n3A_395 = arith.select %or3A_390, %broadcast_in_dim3A_393, %broadcast_in_dim3A_394 : vector<16xi1>, vector<16xi32>
      %broadcast_in_dim3A_396 = arith.constant true
      %broadcast_in_dim3A_397 = vector.broadcast %broadcast_in_dim3A_396 : i1 to vector<16xi1>
      %masked_cumsum3A_398 = tpu.scan <sum>, %select_n3A_395 masked %broadcast_in_dim3A_397 : vector<16xi32>, vector<16xi1> -> vector<16xi32>
      %add3A_399 = arith.addi %scan3A_335, %masked_cumsum3A_398 : vector<16xi32>
      %sub3A_400 = arith.subi %add3A_399, %select_n3A_395 : vector<16xi32>
      %lt3A_401 = arith.cmpi slt, %sub3A_400, %gather3A_193 : vector<16xi32>
      %and3A_402 = arith.andi %or3A_390, %lt3A_401 : vector<16xi1>
      %add3A_403 = arith.addi %gather3A_265, %sub3A_400 : vector<16xi32>
      tpu.vector_store_idx %arg14[%add3A_403], %and3A_356 masked %and3A_402 : memref<2048xi32, #tpu.memory_space<vmem>>[vector<16xi32>], vector<16xi32>, vector<16xi1>
      %lt3A_404 = arith.constant 0 : i32
      %lt3A_405 = vector.broadcast %lt3A_404 : i32 to vector<16xi32>
      %lt3A_406 = arith.cmpi slt, %broadcast_in_dim3A_315, %lt3A_405 : vector<16xi32>
      %add3A_407 = arith.constant 16 : i32
      %add3A_408 = vector.broadcast %add3A_407 : i32 to vector<16xi32>
      %add3A_409 = arith.addi %broadcast_in_dim3A_315, %add3A_408 : vector<16xi32>
      %select_n3A_410 = arith.select %lt3A_406, %add3A_409, %broadcast_in_dim3A_315 : vector<16xi1>, vector<16xi32>
      %broadcast_in_dim3A_411 = vector.shape_cast %select_n3A_410 : vector<16xi32> to vector<16x1xi32>
      %gather3A_412 = vector.shape_cast %broadcast_in_dim3A_411 : vector<16x1xi32> to vector<16xi32>
      %gather3A_413 = tpu.dynamic_gather %masked_cumsum3A_398[%gather3A_412] in [0] : vector<16xi32>, vector<16xi32> -> vector<16xi32>
      %add3A_414 = arith.addi %scan3A_335, %gather3A_413 : vector<16xi32>
      %ne3A_415 = arith.constant 2 : i32
      %ne3A_416 = vector.broadcast %ne3A_415 : i32 to vector<16xi32>
      %ne3A_417 = arith.cmpi ne, %and3A_347, %ne3A_416 : vector<16xi32>
      %eq3A_418 = arith.constant 1 : i32
      %eq3A_419 = vector.broadcast %eq3A_418 : i32 to vector<16xi32>
      %eq3A_420 = arith.cmpi eq, %and3A_353, %eq3A_419 : vector<16xi32>
      %or3A_421 = arith.ori %ne3A_417, %eq3A_420 : vector<16xi1>
      %jit3A_422 = arith.constant 1 : i32
      %jit3A_423 = arith.constant 0 : i32
      %broadcast_in_dim3A_424 = vector.broadcast %jit3A_422 : i32 to vector<16xi32>
      %broadcast_in_dim3A_425 = vector.broadcast %jit3A_423 : i32 to vector<16xi32>
      %select_n3A_426 = arith.select %or3A_421, %broadcast_in_dim3A_424, %broadcast_in_dim3A_425 : vector<16xi1>, vector<16xi32>
      %broadcast_in_dim3A_427 = arith.constant true
      %broadcast_in_dim3A_428 = vector.broadcast %broadcast_in_dim3A_427 : i1 to vector<16xi1>
      %masked_cumsum3A_429 = tpu.scan <sum>, %select_n3A_426 masked %broadcast_in_dim3A_428 : vector<16xi32>, vector<16xi1> -> vector<16xi32>
      %add3A_430 = arith.addi %scan3A_336, %masked_cumsum3A_429 : vector<16xi32>
      %sub3A_431 = arith.subi %add3A_430, %select_n3A_426 : vector<16xi32>
      %lt3A_432 = arith.cmpi slt, %sub3A_431, %gather3A_205 : vector<16xi32>
      %and3A_433 = arith.andi %or3A_421, %lt3A_432 : vector<16xi1>
      %add3A_434 = arith.addi %gather3A_277, %sub3A_431 : vector<16xi32>
      tpu.vector_store_idx %arg14[%add3A_434], %and3A_356 masked %and3A_433 : memref<2048xi32, #tpu.memory_space<vmem>>[vector<16xi32>], vector<16xi32>, vector<16xi1>
      %lt3A_435 = arith.constant 0 : i32
      %lt3A_436 = vector.broadcast %lt3A_435 : i32 to vector<16xi32>
      %lt3A_437 = arith.cmpi slt, %broadcast_in_dim3A_315, %lt3A_436 : vector<16xi32>
      %add3A_438 = arith.constant 16 : i32
      %add3A_439 = vector.broadcast %add3A_438 : i32 to vector<16xi32>
      %add3A_440 = arith.addi %broadcast_in_dim3A_315, %add3A_439 : vector<16xi32>
      %select_n3A_441 = arith.select %lt3A_437, %add3A_440, %broadcast_in_dim3A_315 : vector<16xi1>, vector<16xi32>
      %broadcast_in_dim3A_442 = vector.shape_cast %select_n3A_441 : vector<16xi32> to vector<16x1xi32>
      %gather3A_443 = vector.shape_cast %broadcast_in_dim3A_442 : vector<16x1xi32> to vector<16xi32>
      %gather3A_444 = tpu.dynamic_gather %masked_cumsum3A_429[%gather3A_443] in [0] : vector<16xi32>, vector<16xi32> -> vector<16xi32>
      %add3A_445 = arith.addi %scan3A_336, %gather3A_444 : vector<16xi32>
      %ne3A_446 = arith.constant 3 : i32
      %ne3A_447 = vector.broadcast %ne3A_446 : i32 to vector<16xi32>
      %ne3A_448 = arith.cmpi ne, %and3A_347, %ne3A_447 : vector<16xi32>
      %eq3A_449 = arith.constant 1 : i32
      %eq3A_450 = vector.broadcast %eq3A_449 : i32 to vector<16xi32>
      %eq3A_451 = arith.cmpi eq, %and3A_353, %eq3A_450 : vector<16xi32>
      %or3A_452 = arith.ori %ne3A_448, %eq3A_451 : vector<16xi1>
      %jit3A_453 = arith.constant 1 : i32
      %jit3A_454 = arith.constant 0 : i32
      %broadcast_in_dim3A_455 = vector.broadcast %jit3A_453 : i32 to vector<16xi32>
      %broadcast_in_dim3A_456 = vector.broadcast %jit3A_454 : i32 to vector<16xi32>
      %select_n3A_457 = arith.select %or3A_452, %broadcast_in_dim3A_455, %broadcast_in_dim3A_456 : vector<16xi1>, vector<16xi32>
      %broadcast_in_dim3A_458 = arith.constant true
      %broadcast_in_dim3A_459 = vector.broadcast %broadcast_in_dim3A_458 : i1 to vector<16xi1>
      %masked_cumsum3A_460 = tpu.scan <sum>, %select_n3A_457 masked %broadcast_in_dim3A_459 : vector<16xi32>, vector<16xi1> -> vector<16xi32>
      %add3A_461 = arith.addi %scan3A_337, %masked_cumsum3A_460 : vector<16xi32>
      %sub3A_462 = arith.subi %add3A_461, %select_n3A_457 : vector<16xi32>
      %lt3A_463 = arith.cmpi slt, %sub3A_462, %gather3A_217 : vector<16xi32>
      %and3A_464 = arith.andi %or3A_452, %lt3A_463 : vector<16xi1>
      %add3A_465 = arith.addi %gather3A_289, %sub3A_462 : vector<16xi32>
      tpu.vector_store_idx %arg14[%add3A_465], %and3A_356 masked %and3A_464 : memref<2048xi32, #tpu.memory_space<vmem>>[vector<16xi32>], vector<16xi32>, vector<16xi1>
      %lt3A_466 = arith.constant 0 : i32
      %lt3A_467 = vector.broadcast %lt3A_466 : i32 to vector<16xi32>
      %lt3A_468 = arith.cmpi slt, %broadcast_in_dim3A_315, %lt3A_467 : vector<16xi32>
      %add3A_469 = arith.constant 16 : i32
      %add3A_470 = vector.broadcast %add3A_469 : i32 to vector<16xi32>
      %add3A_471 = arith.addi %broadcast_in_dim3A_315, %add3A_470 : vector<16xi32>
      %select_n3A_472 = arith.select %lt3A_468, %add3A_471, %broadcast_in_dim3A_315 : vector<16xi1>, vector<16xi32>
      %broadcast_in_dim3A_473 = vector.shape_cast %select_n3A_472 : vector<16xi32> to vector<16x1xi32>
      %gather3A_474 = vector.shape_cast %broadcast_in_dim3A_473 : vector<16x1xi32> to vector<16xi32>
      %gather3A_475 = tpu.dynamic_gather %masked_cumsum3A_460[%gather3A_474] in [0] : vector<16xi32>, vector<16xi32> -> vector<16xi32>
      %add3A_476 = arith.addi %scan3A_337, %gather3A_475 : vector<16xi32>
      %ne3A_477 = arith.constant 4 : i32
      %ne3A_478 = vector.broadcast %ne3A_477 : i32 to vector<16xi32>
      %ne3A_479 = arith.cmpi ne, %and3A_347, %ne3A_478 : vector<16xi32>
      %eq3A_480 = arith.constant 1 : i32
      %eq3A_481 = vector.broadcast %eq3A_480 : i32 to vector<16xi32>
      %eq3A_482 = arith.cmpi eq, %and3A_353, %eq3A_481 : vector<16xi32>
      %or3A_483 = arith.ori %ne3A_479, %eq3A_482 : vector<16xi1>
      %jit3A_484 = arith.constant 1 : i32
      %jit3A_485 = arith.constant 0 : i32
      %broadcast_in_dim3A_486 = vector.broadcast %jit3A_484 : i32 to vector<16xi32>
      %broadcast_in_dim3A_487 = vector.broadcast %jit3A_485 : i32 to vector<16xi32>
      %select_n3A_488 = arith.select %or3A_483, %broadcast_in_dim3A_486, %broadcast_in_dim3A_487 : vector<16xi1>, vector<16xi32>
      %broadcast_in_dim3A_489 = arith.constant true
      %broadcast_in_dim3A_490 = vector.broadcast %broadcast_in_dim3A_489 : i1 to vector<16xi1>
      %masked_cumsum3A_491 = tpu.scan <sum>, %select_n3A_488 masked %broadcast_in_dim3A_490 : vector<16xi32>, vector<16xi1> -> vector<16xi32>
      %add3A_492 = arith.addi %scan3A_338, %masked_cumsum3A_491 : vector<16xi32>
      %sub3A_493 = arith.subi %add3A_492, %select_n3A_488 : vector<16xi32>
      %lt3A_494 = arith.cmpi slt, %sub3A_493, %gather3A_229 : vector<16xi32>
      %and3A_495 = arith.andi %or3A_483, %lt3A_494 : vector<16xi1>
      %add3A_496 = arith.addi %gather3A_301, %sub3A_493 : vector<16xi32>
      tpu.vector_store_idx %arg14[%add3A_496], %and3A_356 masked %and3A_495 : memref<2048xi32, #tpu.memory_space<vmem>>[vector<16xi32>], vector<16xi32>, vector<16xi1>
      %lt3A_497 = arith.constant 0 : i32
      %lt3A_498 = vector.broadcast %lt3A_497 : i32 to vector<16xi32>
      %lt3A_499 = arith.cmpi slt, %broadcast_in_dim3A_315, %lt3A_498 : vector<16xi32>
      %add3A_500 = arith.constant 16 : i32
      %add3A_501 = vector.broadcast %add3A_500 : i32 to vector<16xi32>
      %add3A_502 = arith.addi %broadcast_in_dim3A_315, %add3A_501 : vector<16xi32>
      %select_n3A_503 = arith.select %lt3A_499, %add3A_502, %broadcast_in_dim3A_315 : vector<16xi1>, vector<16xi32>
      %broadcast_in_dim3A_504 = vector.shape_cast %select_n3A_503 : vector<16xi32> to vector<16x1xi32>
      %gather3A_505 = vector.shape_cast %broadcast_in_dim3A_504 : vector<16x1xi32> to vector<16xi32>
      %gather3A_506 = tpu.dynamic_gather %masked_cumsum3A_491[%gather3A_505] in [0] : vector<16xi32>, vector<16xi32> -> vector<16xi32>
      %add3A_507 = arith.addi %scan3A_338, %gather3A_506 : vector<16xi32>
      %ne3A_508 = arith.constant 5 : i32
      %ne3A_509 = vector.broadcast %ne3A_508 : i32 to vector<16xi32>
      %ne3A_510 = arith.cmpi ne, %and3A_347, %ne3A_509 : vector<16xi32>
      %eq3A_511 = arith.constant 1 : i32
      %eq3A_512 = vector.broadcast %eq3A_511 : i32 to vector<16xi32>
      %eq3A_513 = arith.cmpi eq, %and3A_353, %eq3A_512 : vector<16xi32>
      %or3A_514 = arith.ori %ne3A_510, %eq3A_513 : vector<16xi1>
      %jit3A_515 = arith.constant 1 : i32
      %jit3A_516 = arith.constant 0 : i32
      %broadcast_in_dim3A_517 = vector.broadcast %jit3A_515 : i32 to vector<16xi32>
      %broadcast_in_dim3A_518 = vector.broadcast %jit3A_516 : i32 to vector<16xi32>
      %select_n3A_519 = arith.select %or3A_514, %broadcast_in_dim3A_517, %broadcast_in_dim3A_518 : vector<16xi1>, vector<16xi32>
      %broadcast_in_dim3A_520 = arith.constant true
      %broadcast_in_dim3A_521 = vector.broadcast %broadcast_in_dim3A_520 : i1 to vector<16xi1>
      %masked_cumsum3A_522 = tpu.scan <sum>, %select_n3A_519 masked %broadcast_in_dim3A_521 : vector<16xi32>, vector<16xi1> -> vector<16xi32>
      %add3A_523 = arith.addi %scan3A_339, %masked_cumsum3A_522 : vector<16xi32>
      %sub3A_524 = arith.subi %add3A_523, %select_n3A_519 : vector<16xi32>
      %lt3A_525 = arith.cmpi slt, %sub3A_524, %gather3A_241 : vector<16xi32>
      %and3A_526 = arith.andi %or3A_514, %lt3A_525 : vector<16xi1>
      %add3A_527 = arith.addi %gather3A_313, %sub3A_524 : vector<16xi32>
      tpu.vector_store_idx %arg14[%add3A_527], %and3A_356 masked %and3A_526 : memref<2048xi32, #tpu.memory_space<vmem>>[vector<16xi32>], vector<16xi32>, vector<16xi1>
      %lt3A_528 = arith.constant 0 : i32
      %lt3A_529 = vector.broadcast %lt3A_528 : i32 to vector<16xi32>
      %lt3A_530 = arith.cmpi slt, %broadcast_in_dim3A_315, %lt3A_529 : vector<16xi32>
      %add3A_531 = arith.constant 16 : i32
      %add3A_532 = vector.broadcast %add3A_531 : i32 to vector<16xi32>
      %add3A_533 = arith.addi %broadcast_in_dim3A_315, %add3A_532 : vector<16xi32>
      %select_n3A_534 = arith.select %lt3A_530, %add3A_533, %broadcast_in_dim3A_315 : vector<16xi1>, vector<16xi32>
      %broadcast_in_dim3A_535 = vector.shape_cast %select_n3A_534 : vector<16xi32> to vector<16x1xi32>
      %gather3A_536 = vector.shape_cast %broadcast_in_dim3A_535 : vector<16x1xi32> to vector<16xi32>
      %gather3A_537 = tpu.dynamic_gather %masked_cumsum3A_522[%gather3A_536] in [0] : vector<16xi32>, vector<16xi32> -> vector<16xi32>
      %add3A_538 = arith.addi %scan3A_339, %gather3A_537 : vector<16xi32>
      scf.yield %add3A_383, %add3A_414, %add3A_445, %add3A_476, %add3A_507, %add3A_538 : vector<16xi32>, vector<16xi32>, vector<16xi32>, vector<16xi32>, vector<16xi32>, vector<16xi32>
    }
    %scan3A_321 = arith.constant 512 : i32
    %mul3A_322 = arith.constant 2048 : i32
    %mul3A_323 = arith.muli %add3A, %mul3A_322 : i32
    "tpu.region"() ({
      %run_scoped3A = tpu.sem_alloc : memref<!tpu.dma_semaphore, #tpu.memory_space<semaphore_mem>>
      %dma_start3A = tpu.memref_slice %arg5[%mul3A_323] : memref<65536xi32, #tpu.memory_space<hbm>> -> memref<2048xi32, #tpu.memory_space<hbm>>
      %dma_start3A_333 = tpu.memref_slice %arg5[%mul3A_323] : memref<65536xi32, #tpu.memory_space<hbm>> -> memref<2048xi32, #tpu.memory_space<hbm>>
      tpu.enqueue_dma source(%arg14 : memref<2048xi32, #tpu.memory_space<vmem>>) target(%dma_start3A_333 : memref<2048xi32, #tpu.memory_space<hbm>>) target_semaphore(%run_scoped3A : memref<!tpu.dma_semaphore, #tpu.memory_space<semaphore_mem>>)
      %dma_wait3A = tpu.memref_slice %arg5[%mul3A_323] : memref<65536xi32, #tpu.memory_space<hbm>> -> memref<2048xi32, #tpu.memory_space<hbm>>
      %dma_wait3A_334 = tpu.memref_slice %arg5[%mul3A_323] : memref<65536xi32, #tpu.memory_space<hbm>> -> memref<2048xi32, #tpu.memory_space<hbm>>
      tpu.wait_dma2 semaphore(%run_scoped3A : memref<!tpu.dma_semaphore, #tpu.memory_space<semaphore_mem>>) src(%arg14 : memref<2048xi32, #tpu.memory_space<vmem>>) dst(%dma_wait3A_334 : memref<2048xi32, #tpu.memory_space<hbm>>)
      tpu.yield
    }) : () -> ()
    %mul3A_324 = arith.constant 4096 : i32
    %mul3A_325 = arith.muli %add3A, %mul3A_324 : i32
    %parallel_loop3A_326 = arith.constant 0 : i32
    %parallel_loop3A_327 = arith.constant 128 : i32
    %parallel_loop3A_328 = arith.constant 1 : i32
    scf.for %parallel_loop3A_333 = %parallel_loop3A_326 to %parallel_loop3A_327 step %parallel_loop3A_328  : i32 {
      %parallel_loop3A_334 = arith.constant 16 : i32
      %parallel_loop3A_335 = arith.muli %parallel_loop3A_333, %parallel_loop3A_334 : i32
      %parallel_loop3A_336 = arith.index_cast %parallel_loop3A_335 : i32 to index
      %parallel_loop3A_337 = tpu.vector_load %arg14[%parallel_loop3A_336] {strides = array<i32>} : memref<2048xi32, #tpu.memory_space<vmem>>, vector<16xi32>,
      %parallel_loop3A_338 = arith.constant 1 : i32
      %parallel_loop3A_339 = vector.broadcast %parallel_loop3A_338 : i32 to vector<16xi32>
      %parallel_loop3A_340 = arith.shrui %parallel_loop3A_337, %parallel_loop3A_339 : vector<16xi32>
      %parallel_loop3A_341 = vector.broadcast %mul3A_325 : i32 to vector<16xi32>
      %parallel_loop3A_342 = arith.addi %parallel_loop3A_340, %parallel_loop3A_341 : vector<16xi32>
      %parallel_loop3A_343 = arith.constant 16 : i32
      %parallel_loop3A_344 = arith.muli %parallel_loop3A_333, %parallel_loop3A_343 : i32
      %parallel_loop3A_345 = arith.index_cast %parallel_loop3A_344 : i32 to index
      %parallel_loop3A_346 = tpu.vector_load %arg15[%parallel_loop3A_345] {strides = array<i32>} : memref<2048xi32, #tpu.memory_space<vmem>>, vector<16xi32>,
      tpu.vector_store %arg15[%parallel_loop3A_345], %parallel_loop3A_342 {strides = array<i32>} : memref<2048xi32, #tpu.memory_space<vmem>>, vector<16xi32>,
      %parallel_loop3A_347 = arith.constant 1 : i32
      %parallel_loop3A_348 = vector.broadcast %parallel_loop3A_347 : i32 to vector<16xi32>
      %parallel_loop3A_349 = arith.andi %parallel_loop3A_337, %parallel_loop3A_348 : vector<16xi32>
      %parallel_loop3A_350 = arith.constant 16 : i32
      %parallel_loop3A_351 = arith.muli %parallel_loop3A_333, %parallel_loop3A_350 : i32
      %parallel_loop3A_352 = arith.index_cast %parallel_loop3A_351 : i32 to index
      %parallel_loop3A_353 = tpu.vector_load %arg16[%parallel_loop3A_352] {strides = array<i32>} : memref<2048xi32, #tpu.memory_space<vmem>>, vector<16xi32>,
      tpu.vector_store %arg16[%parallel_loop3A_352], %parallel_loop3A_349 {strides = array<i32>} : memref<2048xi32, #tpu.memory_space<vmem>>, vector<16xi32>,
    } {sc.loop_unroll_factor = 4 : i64, sc.parallel_access}
    %mul3A_329 = arith.constant 2048 : i32
    %mul3A_330 = arith.muli %add3A, %mul3A_329 : i32
    "tpu.region"() ({
      %run_scoped3A = tpu.sem_alloc : memref<!tpu.dma_semaphore, #tpu.memory_space<semaphore_mem>>
      %dma_start3A = tpu.memref_slice %arg6[%mul3A_330] : memref<65536xi32, #tpu.memory_space<hbm>> -> memref<2048xi32, #tpu.memory_space<hbm>>
      %dma_start3A_333 = tpu.memref_slice %arg6[%mul3A_330] : memref<65536xi32, #tpu.memory_space<hbm>> -> memref<2048xi32, #tpu.memory_space<hbm>>
      tpu.enqueue_dma source(%arg15 : memref<2048xi32, #tpu.memory_space<vmem>>) target(%dma_start3A_333 : memref<2048xi32, #tpu.memory_space<hbm>>) target_semaphore(%run_scoped3A : memref<!tpu.dma_semaphore, #tpu.memory_space<semaphore_mem>>)
      %dma_wait3A = tpu.memref_slice %arg6[%mul3A_330] : memref<65536xi32, #tpu.memory_space<hbm>> -> memref<2048xi32, #tpu.memory_space<hbm>>
      %dma_wait3A_334 = tpu.memref_slice %arg6[%mul3A_330] : memref<65536xi32, #tpu.memory_space<hbm>> -> memref<2048xi32, #tpu.memory_space<hbm>>
      tpu.wait_dma2 semaphore(%run_scoped3A : memref<!tpu.dma_semaphore, #tpu.memory_space<semaphore_mem>>) src(%arg15 : memref<2048xi32, #tpu.memory_space<vmem>>) dst(%dma_wait3A_334 : memref<2048xi32, #tpu.memory_space<hbm>>)
      tpu.yield
    }) : () -> ()
    %mul3A_331 = arith.constant 2048 : i32
    %mul3A_332 = arith.muli %add3A, %mul3A_331 : i32
    "tpu.region"() ({
      %run_scoped3A = tpu.sem_alloc : memref<!tpu.dma_semaphore, #tpu.memory_space<semaphore_mem>>
      %dma_start3A = tpu.memref_slice %arg7[%mul3A_332] : memref<65536xi32, #tpu.memory_space<hbm>> -> memref<2048xi32, #tpu.memory_space<hbm>>
      %dma_start3A_333 = tpu.memref_slice %arg7[%mul3A_332] : memref<65536xi32, #tpu.memory_space<hbm>> -> memref<2048xi32, #tpu.memory_space<hbm>>
      tpu.enqueue_dma source(%arg16 : memref<2048xi32, #tpu.memory_space<vmem>>) target(%dma_start3A_333 : memref<2048xi32, #tpu.memory_space<hbm>>) target_semaphore(%run_scoped3A : memref<!tpu.dma_semaphore, #tpu.memory_space<semaphore_mem>>)
      %dma_wait3A = tpu.memref_slice %arg7[%mul3A_332] : memref<65536xi32, #tpu.memory_space<hbm>> -> memref<2048xi32, #tpu.memory_space<hbm>>
      %dma_wait3A_334 = tpu.memref_slice %arg7[%mul3A_332] : memref<65536xi32, #tpu.memory_space<hbm>> -> memref<2048xi32, #tpu.memory_space<hbm>>
      tpu.wait_dma2 semaphore(%run_scoped3A : memref<!tpu.dma_semaphore, #tpu.memory_space<semaphore_mem>>) src(%arg16 : memref<2048xi32, #tpu.memory_space<vmem>>) dst(%dma_wait3A_334 : memref<2048xi32, #tpu.memory_space<hbm>>)
      tpu.yield
    }) : () -> ()
    return
  }
}

</mosaic_0001>

<sc_bundles>
// kernel: kernel.4.cloned.1.call-start
scs
__scs_entry_jumppad:
0x0: {  	(pc) =	sbr.rel $0x88, $3  }
0x1: {  	(tag) =	ssettag $0x0;
	lr =	simm.s32 $0x1  }
0x2: {  	[smem:$0x3F9E] =	sst lr;
	_ =	strace $0xD0000000  }
0x3: {  	_ = 	snop  }
0x4: {  	_ = 	snop  }
0x5: {  	_ = 	snop  }
0x6: {  	_ = 	snop  }
0x7: {  	_ = 	snop  }
__scs_overlays_trampoline_lowered:
0x8: {  	[smem:$0x3FAD] =	sst s0  }
0x9: {  	[smem:$0x3FAE] =	sst s1  }
0xa: {  	[smem:$0x3FAF] =	sst s2  }
0xb: {  	[smem:$0x3FB0] =	sst s3  }
0xc: {  	[smem:$0x3FB1] =	sst s4  }
0xd: {  	[smem:$0x3FB2] =	sst s5  }
0xe: {  	[smem:$0x3FB3] =	sst s6  }
0xf: {  	[smem:$0x3FB4] =	sst s7  }
0x10: {  	[smem:$0x3FB5] =	sst s8  }
0x11: {  	[smem:$0x3FB6] =	sst s9;
	s0 =	simm.s32 @!p0 $0x0  }
0x12: {  	s1 =	sld [smem:$0x3F9C];
	s0 =	simm.s32 @p0 $0x1  }
0x13: {  	[smem:$0x3FB7] =	sst s0;
	s0 =	simm.s32 @!p1 $0x0  }
0x14: {  	s2 =	sld [smem:$0x3F9B];
	s0 =	simm.s32 @p1 $0x1  }
0x15: {  	[smem:$0x3FB8] =	sst s0;
	s0 =	simm.s32 @!p2 $0x0  }
0x16: {  	s3 =	sld [smem:$0x3FDB];
	s0 =	simm.s32 @p2 $0x1  }
0x17: {  	s4 =	simm.s32 $0x1BF5;
	[smem:$0x3FBA] =	sst s0  }
0x18: {  	s0 =	sld [smem:$0x3F9D];
	_ =	swait.ge [sflag:s4], $0x0  }
0x19: {  	s7 =	sld [smem:$0x3F9E]  }
0x1a: {  	s8 =	sadd.s32 $0xFFFFE003, lr  }
0x1b: {  	s9 =	sadd.s32 $0xFFFFFEF7, lr;
	s5 =	simm.s32 $0xFFFFFFFF;
	p2 =	slt.u32 s8, $0xFFFFF086  }
0x1c: {  	p1 =	slt.u32 s9, $0xF7A;
	s5 =	simm.s32 @!p2 $0x0  }
0x1d: {  	s5 =	simm.s32 @p1 $0x1;
	p0 =	seq.s32 s7, s2  }
0x1e: {  	s7 =	smul.u32 @!p0 $0xF7A, s2;
	p2 =	seq.s32 @!p0 s5, $0x0  }
0x1f: {  	s9 =	smul.u32 $0xF7A, s1;
	s8 =	simm.s32 @!p0 $0x1BF5;
	p2 =	por !p2, p0  }
0x20: {  	[sflag:s8] =	ssyncset.s32 @!p0 $0xFFFFF086;
	s6 =	sadd.s32 @!p0 s3, s7;
	s7 =	simm.s32 @!p0 $0x108  }
0x21: {  	s3 =	sadd.s32 s3, s9;
	s6 =	sadd.s32 @!p0 $0x88, s6;
	s7 =	simm.s32 @p2 $0x1082  }
0x22: {  	[simem:s7], [sflag:s8] =	dma.local @!p0 [hbm:s6], $0xF7A  }
0x23: {  	s9 =	sor.u32 $0xD0000000, s2;
	s6 =	simm.s32 $0x108;
	_ =	swait.ge @!p0 [sflag:s8], $0x0  }
0x24: {  	s3 =	sadd.s32 $0x88, s3;
	s6 =	simm.s32 @!p1 $0x1082;
	[sflag:s4] =	ssyncset.s32 $0xFFFFF086  }
0x25: {  	[simem:s6], [sflag:s4] =	dma.local [hbm:s3], $0xF7A  }
0x26: {  	[smem:$0x3F9E] =	sst s1;
	(tag) =	ssettag s2;
	_ =	strace s9  }
0x27: {  	s1 =	sld [smem:$0x3FAE]  }
0x28: {  	s2 =	sld [smem:$0x3FAF]  }
0x29: {  	s4 =	sld [smem:$0x3FB1]  }
0x2a: {  	p0 =	seq.s32 s5, $0x0;
	s5 =	sld [smem:$0x3FB2]  }
0x2b: {  	s6 =	sld [smem:$0x3FB3]  }
0x2c: {  	s7 =	sld [smem:$0x3FB4]  }
0x2d: {  	s3 =	simm.s32 $0x108;
	s8 =	sld [smem:$0x3FB5]  }
0x2e: {  	s3 =	simm.s32 @!p0 $0x1082;
	s9 =	sld [smem:$0x3FB6]  }
0x2f: {  	lr =	sadd.s32 s0, s3;
	s0 =	sld [smem:$0x3FAD]  }
0x30: {  	s3 =	sld [smem:$0x3FB0]  }
0x31: {  	[smem:$0x3FB9] =	sst s10  }
0x32: {  	s10 =	sld [smem:$0x3FB7];
	_ =	sdelay $0x3  }
0x33: {  	p0 =	seq.s32 s10, $0x1;
	s10 =	sld [smem:$0x3FB9];
	_ =	sdelay $0x3  }
0x34: {  	[smem:$0x3FB9] =	sst s10  }
0x35: {  	s10 =	sld [smem:$0x3FB8];
	_ =	sdelay $0x3  }
0x36: {  	p1 =	seq.s32 s10, $0x1;
	s10 =	sld [smem:$0x3FB9];
	_ =	sdelay $0x3  }
0x37: {  	[smem:$0x3FB9] =	sst s10  }
0x38: {  	s10 =	sld [smem:$0x3FBA]  }
0x39: {  	_ = 	snop;
	(pc) =	sbr.ind lr, $3  }
0x3a: {  	_ = 	snop  }
0x3b: {  	_ = 	snop  }
0x3c: {  	p2 =	seq.s32 s10, $0x1;
	s10 =	sld [smem:$0x3FB9]  }
0x3d: {  	_ =	shalt  }
0x3e: {  	_ =	shalt  }
0x3f: {  	_ =	shalt  }
0x40: {  	_ =	shalt  }
0x41: {  	_ =	shalt  }
0x42: {  	_ =	shalt  }
0x43: {  	_ =	shalt  }
0x44: {  	_ =	shalt  }
0x45: {  	_ =	shalt  }
0x46: {  	_ =	shalt  }
0x47: {  	_ =	shalt  }
0x48: {  	_ =	shalt  }
0x49: {  	_ =	shalt  }
0x4a: {  	_ =	shalt  }
0x4b: {  	_ =	shalt  }
0x4c: {  	_ =	shalt  }
0x4d: {  	_ =	shalt  }
0x4e: {  	_ =	shalt  }
0x4f: {  	_ =	shalt  }
0x50: {  	_ =	shalt  }
0x51: {  	_ =	shalt  }
0x52: {  	_ =	shalt  }
0x53: {  	_ =	shalt  }
0x54: {  	_ =	shalt  }
0x55: {  	_ =	shalt  }
0x56: {  	_ =	shalt  }
0x57: {  	_ =	shalt  }
0x58: {  	_ =	shalt  }
0x59: {  	_ =	shalt  }
0x5a: {  	_ =	shalt  }
0x5b: {  	_ =	shalt  }
0x5c: {  	_ =	shalt  }
0x5d: {  	_ =	shalt  }
0x5e: {  	_ =	shalt  }
0x5f: {  	_ =	shalt  }
0x60: {  	_ =	shalt  }
0x61: {  	_ =	shalt  }
0x62: {  	_ =	shalt  }
0x63: {  	_ =	shalt  }
0x64: {  	_ =	shalt  }
0x65: {  	_ =	shalt  }
0x66: {  	_ =	shalt  }
0x67: {  	_ =	shalt  }
0x68: {  	_ =	shalt  }
0x69: {  	_ =	shalt  }
0x6a: {  	_ =	shalt  }
0x6b: {  	_ =	shalt  }
0x6c: {  	_ =	shalt  }
0x6d: {  	_ =	shalt  }
0x6e: {  	_ =	shalt  }
0x6f: {  	_ =	shalt  }
0x70: {  	_ =	shalt  }
0x71: {  	_ =	shalt  }
0x72: {  	_ =	shalt  }
0x73: {  	_ =	shalt  }
0x74: {  	_ =	shalt  }
0x75: {  	_ =	shalt  }
0x76: {  	_ =	shalt  }
0x77: {  	_ =	shalt  }
0x78: {  	_ =	shalt  }
0x79: {  	_ =	shalt  }
0x7a: {  	_ =	shalt  }
0x7b: {  	_ =	shalt  }
0x7c: {  	_ =	shalt  }
0x7d: {  	_ =	shalt  }
0x7e: {  	_ =	shalt  }
0x7f: {  	_ =	shalt  }
0x80: {  	_ =	shalt  }
0x81: {  	_ =	shalt  }
0x82: {  	_ =	shalt  }
0x83: {  	_ =	shalt  }
0x84: {  	_ =	shalt  }
0x85: {  	_ =	shalt  }
0x86: {  	_ =	shalt  }
0x87: {  	_ =	shalt  }
.Lfunc_end0:
.L_simem_size_0:
called_computation.1_lowered:
.L_overlay_start_0:
0x88: {  	s2 =	sld [smem:$0x3FD9]  }
0x89: {  	s3 =	sld [smem:$0x3FFE];
	_ =	sdelay $0x1  }
0x8a: {  	s1 =	srdreg.scid  }
0x8b: {  	s0 =	sand.u32 $0x1, s1  }
0x8c: {  	s14 =	sshll.u32 s0, $0xA;
	s2 =	sadd.s32 s3, s2  }
0x8d: {  	s2 =	sadd.s32 s2, s14  }
0x8e: {  	[smem:$0x3FC5] =	sst s2  }
0x8f: {  	_ = 	snop  }
0x90: {  	s2 =	sld [smem:$0x3FD0];
	_ =	sdelay $0x2  }
0x91: {  	s15 =	simm.s32 $0xA;
	s4 =	simm.s32 $0x10  }
0x92: {  	[smem:s4], [sflag:s15] =	dma.local [hbm:s2], $0x1  }
0x93: {  	_ =	swait.eq [sflag:s15], $0x1  }
0x94: {  	[sflag:s15] =	ssyncset.done $0x0  }
0x95: {  	s16 =	sld [smem:$0x10];
	[sflag:s15] =	ssyncadd.s32 $0xFFFFFFFF  }
0x96: {  	s17 =	sld [smem:$0x11];
	(tm) =	ssettm $0x1  }
0x97: {  	s18 =	sld [smem:$0x3FFB];
	_ =	sdelay $0x3  }
0x98: {  	_ =	strace s18  }
0x99: {  	s4 =	sld [smem:$0x3FFC];
	_ =	sdelay $0x3  }
0x9a: {  	_ =	strace s4  }
0x9b: {  	s4 =	sld [smem:$0x3FFD];
	_ =	sdelay $0x3  }
0x9c: {  	_ =	strace s4  }
0x9d: {  	_ =	strace $0x8FFFFFFF  }
0x9e: {  	s19 =	sld [smem:$0x3FDB];
	_ =	sdelay $0x1  }
0x9f: {  	s5 =	simm.s32 $_scs_section_size  }
0xa0: {  	s6 =	simm.s32 $_size__tile_overlayer_lowered;
	s7 =	simm.s32 $_tile_overlayer_lowered  }
0xa1: {  	s22 =	simm.s32 $0x1BFF;
	s21 =	sshll.u32 s7, $0x1;
	s4 =	sadd.s32 s5, s19  }
0xa2: {  	s8 =	simm.s32 $0x0;
	s20 =	sshll.u32 s6, $0x1;
	s6 =	sadd.s32 s21, s4  }
0xa3: {  	[timem:s8], [sflag:s22] =	dma.local [hbm:s6], s20  }
0xa4: {  	_ =	swait.ge [sflag:s22], s20  }
0xa5: {  	s5 =	ssub.s32 $0x0, s20;
	[sflag:s22] =	ssyncset.done $0x0  }
0xa6: {  	[sflag:s22] =	ssyncadd.s32 s5;
	_ =	sdelay $0x1  }
0xa7: {  	s23 =	simm.s32 $0x1B8B  }
0xa8: {  	_ =	swait.ge [sflag:s23], $0x1  }
0xa9: {  	[sflag:s23] =	ssyncset.done $0x0  }
0xaa: {  	s25 =	simm.s32 $0x1B8E;
	s24 =	sld [smem:$0x3FFE];
	[sflag:s23] =	ssyncadd.s32 $0xFFFFFFFF  }
0xab: {  	s26 =	simm.s32 $execute0_lowered;
	[smem:$0x3FD2] =	sst s25  }
0xac: {  	s6 =	sshll.u32 s26, $0x1;
	_ =	strace $0x80000049;
	[dreg:$0x1] =	wrdreg $0xFFFFFFFF  }
0xad: {  	s28 =	simm.s32 $_size_execute0_lowered;
	s4 =	sadd.s32 s4, s6;
	[dreg:$0x0] =	wrdreg $0x0  }
0xae: {  	s6 =	sshll.u32 s28, $0x1;
	[dreg:$0x2] =	wrdreg s4  }
0xaf: {  	[dreg:$0x3] =	wrdreg s6  }
0xb0: {  	[dreg:$0x4] =	wrdreg $0xC0  }
0xb1: {  	_ =	task [dreg:s8], $0x5FFFF  }
0xb2: {  	[dreg:$0x1] =	wrdreg $0xFFFFFFFF  }
0xb3: {  	[dreg:$0x0] =	wrdreg $0x60  }
0xb4: {  	[dreg:$0x2] =	wrdreg s16  }
0xb5: {  	[dreg:$0x3] =	wrdreg s24  }
0xb6: {  	[dreg:$0x4] =	wrdreg s17  }
0xb7: {  	[dreg:$0x5] =	wrdreg $0x9  }
0xb8: {  	_ =	task.clear_ibuf [dreg:s8], $0x6FFFF;
	_ =	strace $0x90000049  }
0xb9: {  	s29 =	simm.s32 $0x9;
	_ =	strace $0x8000004B  }
0xba: {  	_ =	swait.ge [sflag:s29], $0x1  }
0xbb: {  	[sflag:s29] =	ssyncadd.s32 $0xFFFFFFFF  }
0xbc: {  	_ =	strace $0x9000004B  }
0xbd: {  	_ =	sfence  }
0xbe: {  	s30 =	sld [smem:$0x0];
	_ =	sdelay $0x2  }
0xbf: {  	s31 =	sshll.u32 s1, $0xD;
	s1 =	sshrl.u32 s1, $0x2  }
0xc0: {  	s3 =	sand.u32 $0x4000, s31;
	s1 =	sadd.s32 s1, s30  }
0xc1: {  	s0 =	sor.u32 s3, s0;
	s1 =	sshll.u32 s1, $0x11  }
0xc2: {  	s0 =	sor.u32 s1, s0  }
0xc3: {  	s0 =	sadd.s32 $0x8F2B, s0  }
0xc4: {  	[sflag:s0] =	ssyncadd.remote.s32 $0x1  }
0xc5: {  	_ =	sfence.sel $0xFFFF  }
0xc6: {  	[dreg:$0x0] =	wrdreg $0xFFFFFFFF;
	(pc) =	sbr.abs _section_cstart, $3  }
0xc7: {  	[dreg:$0x1] =	wrdreg $0xFFFFFFFF  }
0xc8: {  	_ =	task.clear_ibuf [dreg:s8], $0x2FFFF;
	_ =	strace $0x9FFFFFFF  }
0xc9: {  	(tm) =	ssettm $0x7FFFFFFF  }
tec
execute0_lowered:
.L_overlay_start_1:
0x0: {  	(tag) =	ssettag $0x1  }
0x1: {  	s3 =	rddreg [dreg:$0x0]  }
0x2: {  	s5 =	rddreg [dreg:$0x1]  }
0x3: {  	s6 =	rddreg [dreg:$0x2]  }
0x4: {  	s0 =	rddreg [dreg:$0x3]  }
0x5: {  	s2 =	simm.s32 $0x0;
	s4 =	srdreg.scid;
	s1 =	stileid.u32  }
0x6: {  	s14 =	simm.s32 $0x4000;
	s15 =	simm.s32 $0x6000;
	s16 =	simm.s32 $0xB880  }
0x7: {  	s17 =	simm.s32 $0xA080;
	s18 =	simm.s32 $0xB900;
	s19 =	simm.s32 $0xA880  }
0x8: {  	s20 =	simm.s32 $0xB080;
	s4 =	sand.u32 $0x1, s4;
	s7 =	sshll.u32 s1, $0x1  }
0x9: {  	s21 =	simm.s32 $0x0;
	[smem:$0x7FF] =	sst s2;
	s7 =	sor.u32 s4, s7  }
0xa: {  	_ =	strace $0x8000004A;
	s4 =	ssub.s32 $0x2, s4;
	s8 =	sshll.u32 s7, $0xA  }
0xb: {  	s9 =	sshll.u32 s7, $0x8;
	s10 =	sshrl.u32 s4, $0x1;
	s31 =	sshll.u32 s7, $0x4  }
0xc: {  	s13 =	sshll.u32 s7, $0xC;
	s11 =	sadd.s32 s8, s5;
	s12 =	sadd.s32 s9, s5  }
0xd: {  	s10 =	ssub.s32 s4, s10;
	s3 =	sadd.s32 s3, s8;
	s5 =	sadd.s32 s5, s31  }
0xe: {  	v1 =	vimm.s32 $0x0;
	s6 =	sadd.s32 s6, s9;
	v0 =	vmov s13;
	s13 =	simm.s32 $0x8000;
	s4 =	sadd.s32 $0x400, s11  }
0xf: {  	v2 =	vimm.s32 $0x1;
	v3 =	vimm.s32 $0x2;
	v4 =	vimm.s32 $0x3;
	s7 =	sadd.s32 $0x8400, s12;
	s8 =	sadd.s32 $0xA400, s12;
	s9 =	smax.u32 s10, $0x1  }
0x10: {  	v5 =	vimm.s32 $0x4;
	v6 =	vimm.s32 $0x5;
	v7 =	vimm.s32 $0xF;
	s10 =	simm.s32 $0x1;
	s11 =	simm.s32 $0x2000;
	s12 =	simm.s32 $0xA000  }
.LBB2_1:
0x11: {  	[tilespmem:s2], [sflag:$0x1] =	stream.linear.gather [hbm4b:s3+s2], $0x2000, $0x38;
	[tilespmem:$0xB980] =	vst v63  }
0x12: {  	_ =	swait.ge [sflag:s10], $0x2000  }
0x13: {  	[sflag:s10] =	ssyncset.done $0x0  }
0x14: {  	[sflag:s10] =	ssyncadd.s32 $0xFFFFE000  }
0x15: {  	[tilespmem:s11], [sflag:$0x1] =	stream.linear.gather [hbm4b:s4+s2], $0x2000, $0x38;
	[tilespmem:$0xB980] =	vst v63  }
0x16: {  	_ =	swait.ge [sflag:s10], $0x2000  }
0x17: {  	[sflag:s10] =	ssyncset.done $0x0  }
0x18: {  	[sflag:s10] =	ssyncadd.s32 $0xFFFFE000  }
0x19: {  	[tilespmem:s12], [sflag:$0x1] =	stream.linear.gather [hbm4b:s5+s2], $0x80, $0x38;
	[tilespmem:$0xB980] =	vst v63  }
0x1a: {  	_ =	swait.ge [sflag:s10], $0x80  }
0x1b: {  	[sflag:s10] =	ssyncset.done $0x0  }
0x1c: {  	s22 =	simm.s32 $0x20;
	[sflag:s10] =	ssyncadd.s32 $0xFFFFFF80  }
0x1d: {  	v8 =	vld [tilespmem:s22+$0x10];
	_ =	sdelay $0x4  }
0x1e: {  	v12 =	vand.u32 $0xF, v8  }
0x1f: {  	v9 =	vld [tilespmem:s22+$0xFFFFFFE0];
	(xrf1) =	vunique.msk.u32 $0xffff, v12  }
0x20: {  	v8 =	vld [tilespmem:s22+$0x0]  }
0x21: {  	v10 =	vld [tilespmem:s22+$0xFFFFFFF0];
	_ =	sdelay $0x1  }
0x22: {  	s26 =	simm.s32 $0x60  }
0x23: {  	v14 =	vld [tilespmem:s26+$0x10];
	v9 =	vand.u32 $0xF, v9  }
0x24: {  	s24 =	simm.s32 $0x20;
	v19 =	vld [tilespmem:s26+$0xFFFFFFF0];
	(xrf1) =	vunique.msk.u32 $0xffff, v9;
	v13 =	vand.u32 $0xF, v8  }
0x25: {  	s29 =	simm.s32 $0x10;
	v11 =	vld [tilespmem:s26+$0x0];
	v17 =	vand.u32 $0xF, v10;
	v10 =	vmov s24;
	(xrf1) =	vunique.msk.u32 $0xffff, v13  }
0x26: {  	v15 =	vld [tilespmem:s26+$0xFFFFFFE0];
	s24 =	simm.s32 $0x50;
	v16 =	vand.u32 $0xFFFFFFE0, v10;
	v10 =	vmov s29;
	(xrf1) =	vunique.msk.u32 $0xffff, v17  }
0x27: {  	s31 =	simm.s32 $0x70;
	v22 =	vmov s24;
	v21 =	vand.u32 $0xFFFFFFD0, v10  }
0x28: {  	v10 =	vmov s31;
	v28 =	vand.u32 $0xFFFFFFD0, v22;
	v22 =	vand.u32 $0xF, v14  }
0x29: {  	s26 =	simm.s32 $0xA0;
	s29 =	simm.s32 $0xB0;
	v14 =	vand.u32 $0xF, v19;
	v25 =	vbroadcast v16, $0x0;
	v10 =	vand.u32 $0xFFFFFFF0, v10  }
0x2a: {  	s23 =	simm.s32 $0x30;
	s25 =	simm.s32 $0xA0;
	v16 =	vmov s26;
	v19 =	vmov s29;
	v20 =	vbroadcast v10, $0x0  }
0x2b: {  	v23 =	vld [tilespmem:s25+$0x10];
	v10 =	vand.u32 $0xF, v11;
	v11 =	vand.u32 $0xF, v15;
	v8 =	vmov s23;
	(xrf1) =	vunique.msk.u32 $0xffff, v22  }
0x2c: {  	v26 =	vld [tilespmem:s25+$0xFFFFFFE0];
	v24 =	vbroadcast v21, $0x0;
	v15 =	vmov s2;
	v8 =	vand.u32 $0xFFFFFFF0, v8;
	_, v29, vm0 =	vpop (xrf1);
	(xrf1) =	vunique.msk.u32 $0xffff, v11  }
0x2d: {  	s30 =	simm.s32 $0x60;
	v27 =	vld [tilespmem:s25+$0x0];
	v21 =	vand.u32 $0xFFFFFFF0, v19;
	v15 =	vand.u32 $0xFFFFFFC0, v15;
	v18 =	vbroadcast v8, $0x0;
	(xrf1) =	vunique.msk.u32 $0xffff, v10  }
0x2e: {  	v19 =	vand.u32 $0xFFFFFFE0, v16;
	v15 =	vbroadcast v15, $0x0;
	v8 =	vmov s30;
	s30 =	simm.s32 $0x90;
	(xrf1) =	vunique.msk.u32 $0xffff, v14  }
0x2f: {  	v16 =	vmov s30;
	v30 =	vor.u32 v18, v12;
	v12 =	vbroadcast v21, $0x0  }
0x30: {  	v21 =	vor.u32 v15, v9;
	v15 =	vand.u32 $0xFFFFFFD0, v16;
	v16 =	vand.u32 $0xF, v23  }
0x31: {  	v9 =	vand.u32 $0xF, v26;
	(xrf1) =	vunique.msk.u32 $0xffff, v16  }
0x32: {  	v25 =	vor.u32 v25, v13;
	v13 =	vand.u32 $0xF, v27;
	v18 =	vld [tilespmem:s25+$0xFFFFFFF0];
	s25 =	simm.s32 $0x8020;
	_, v23, vm2 =	vpop (xrf1);
	(xrf1) =	vunique.msk.u32 $0xffff, v9  }
0x33: {  	[tilespmem:s25+$0x10] =	vst v1;
	_, v27, vm1 =	vpop (xrf1);
	(xrf1) =	vunique.msk.u32 $0xffff, v13  }
0x34: {  	[tilespmem:v30+s13+$0x0] =	vst.idx.msk vm0, v29;
	_, v26, vm0 =	vpop (xrf1)  }
0x35: {  	v24 =	vor.u32 v24, v17;
	vm2 =	vmmov vm2  }
0x36: {  	s28 =	simm.s32 $0xE0;
	s22 =	simm.s32 $0x80;
	s31 =	simm.s32 $0x40;
	v28 =	vbroadcast v28, $0x0;
	v17 =	vimm.s32 $0x0;
	[tilespmem:s25+$0xFFFFFFF0] =	vst v1  }
0x37: {  	s24 =	simm.s32 $0x8;
	s26 =	simm.s32 $0xC0;
	s23 =	simm.s32 $0x8060;
	v8 =	vand.u32 $0xFFFFFFE0, v8;
	[tilespmem:s25+$0xFFFFFFE0] =	vst v1;
	v18 =	vand.u32 $0xF, v18;
	v29 =	vmov s31  }
.LBB2_2:
0x38: {  	s29 =	sadd.s32 $0x20, s26;
	v30 =	vld [tilespmem:s28+$0x0];
	s30 =	sadd.s32 $0x30, s26;
	s24 =	sadd.s32 $0x4, s24;
	(xrf1) =	vunique.msk.u32 $0xffff, v18;
	v29 =	vand.u32 $0xFFFFFFC0, v29;
	v31 =	vbroadcast v8, $0x0;
	[tilespmem:s25+$0x0] =	vst v17;
	v8 =	vmovc v19  }
0x39: {  	v17 =	vmov s29;
	v32 =	vld [tilespmem:s28+$0x10];
	v33 =	vmov s30;
	p0 =	slt.u32 s24, $0x1FC;
	v29 =	vbroadcast v29, $0x0;
	_, v34, vm3 =	vpop (xrf1);
	[tilespmem:v25+s13+$0x0] =	vst.idx.msk vm1, v27;
	s29 =	smov.u32 s22;
	s22 =	smov.u32 s26  }
0x3a: {  	s25 =	smov.u32 s23;
	s30 =	sadd.s32 $0x10, s26;
	v35 =	vld [tilespmem:s28+$0xFFFFFFE0];
	v19 =	vand.u32 $0xFFFFFFE0, v17;
	v17 =	vand.u32 $0xFFFFFFF0, v33;
	v33 =	vor.u32 v20, v22;
	_, v20, vm4 =	vpop (xrf1);
	[tilespmem:v24+s13+$0x0] =	vst.idx.msk vm0, v26  }
0x3b: {  	v22 =	vmov s30;
	v36 =	vld [tilespmem:s28+$0xFFFFFFF0];
	v37 =	vbroadcast v17, $0x0;
	_, v27, vm1 =	vpop (xrf1);
	[tilespmem:v21+s13+$0x0] =	vst.idx.msk vm2, v23;
	v21 =	vor.u32 v29, v11  }
0x3c: {  	v25 =	vor.u32 v31, v10;
	v38 =	vand.u32 $0xFFFFFFD0, v22;
	v23 =	vmov v20;
	_, v26, vm0 =	vpop (xrf1)  }
.Ltmp0:
0x3d: {  	v24 =	vor.u32 v28, v14;
	v17 =	vimm.s32 $0x0;
	v20 =	vmovc v12;
	v29 =	vand.u32 $0xF, v30;
	v12 =	vmovc v37;
	(pc) =	sbr.rel @p0 .LBB2_2-.Ltmp0, $4  }
0x3e: {  	v10 =	vmovc v13;
	v11 =	vmovc v9;
	v22 =	vmov v16;
	[tilespmem:s23+$0xFFFFFFF0] =	vst v17;
	v13 =	vmov v29;
	v16 =	vand.u32 $0xF, v32  }
0x3f: {  	v14 =	vmovc v18;
	vm2 =	vmmov vm4;
	v9 =	vand.u32 $0xF, v35;
	(xrf1) =	vunique.msk.u32 $0xffff, v16;
	[tilespmem:s23+$0x10] =	vst v17  }
0x40: {  	v18 =	vand.u32 $0xF, v36;
	(xrf1) =	vunique.msk.u32 $0xffff, v9;
	[tilespmem:v33+s13+$0x0] =	vst.idx.msk vm3, v34  }
0x41: {  	s26 =	sadd.s32 $0x40, s26;
	v28 =	vbroadcast v15, $0x0;
	s28 =	sadd.s32 $0x40, s28;
	v15 =	vmovc v38;
	v29 =	vmov s29;
	s23 =	sadd.s32 $0x40, s23;
	(xrf1) =	vunique.msk.u32 $0xffff, v13;
	[tilespmem:s25+$0xFFFFFFE0] =	vst v17  }
0x42: {  	_ =	sdelay $0x2  }
0x43: {  	(xrf1) =	vunique.msk.u32 $0xffff, v18  }
0x44: {  	[tilespmem:s25+$0x0] =	vst v17  }
0x45: {  	_, v30, vm3 =	vpop (xrf1);
	[tilespmem:v24+s13+$0x0] =	vst.idx.msk vm0, v26  }
0x46: {  	v8 =	vbroadcast v8, $0x0;
	v58 =	vand.u32 $0xFFFFFFC0, v29;
	[tilespmem:v21+s13+$0x0] =	vst.idx.msk vm2, v23;
	_, v57, vm11 =	vpop (xrf1)  }
0x47: {  	v20 =	vor.u32 v20, v22;
	[tilespmem:s23+$0xFFFFFFF0] =	vst v17;
	v60 =	vbroadcast v58, $0x0;
	_, v59, vm12 =	vpop (xrf1)  }
0x48: {  	[tilespmem:v25+s13+$0x0] =	vst.idx.msk vm1, v27;
	v8 =	vor.u32 v8, v10;
	vm1 =	vmmov vm11  }
0x49: {  	[tilespmem:s23+$0x10] =	vst v17;
	v11 =	vor.u32 v60, v11;
	_, v10, vm13 =	vpop (xrf1)  }
0x4a: {  	[tilespmem:s23+$0xFFFFFFE0] =	vst v17;
	v14 =	vor.u32 v28, v14  }
0x4b: {  	[tilespmem:s23+$0x0] =	vst v17  }
0x4c: {  	[tilespmem:v20+s13+$0x0] =	vst.idx.msk vm3, v30  }
0x4d: {  	v61 =	vmov s22;
	[tilespmem:v8+s13+$0x0] =	vst.idx.msk vm12, v59;
	_, v20, vm3 =	vpop (xrf1)  }
0x4e: {  	v8 =	vor.u32 v12, v16;
	v16 =	vbroadcast v19, $0x0;
	v12 =	vand.u32 $0xFFFFFFC0, v61;
	[tilespmem:v11+s13+$0x0] =	vst.idx.msk vm1, v57;
	_, v19, vm14 =	vpop (xrf1)  }
0x4f: {  	s30 =	sadd.s32 $0x40, s23;
	v11 =	vbroadcast v12, $0x0;
	[tilespmem:v14+s13+$0x0] =	vst.idx.msk vm13, v10;
	_, v14, vm2 =	vpop (xrf1)  }
0x50: {  	[tilespmem:s30+$0xFFFFFFF0] =	vst v17;
	v10 =	vbroadcast v15, $0x0;
	v62 =	vor.u32 v16, v13;
	vm0 =	vmmov vm14  }
0x51: {  	[tilespmem:s30+$0x10] =	vst v17;
	v9 =	vor.u32 v11, v9;
	_, v63, vm15 =	vpop (xrf1)  }
0x52: {  	[tilespmem:s30+$0xFFFFFFE0] =	vst v17;
	v10 =	vor.u32 v10, v18  }
0x53: {  	p0 =	por $0x1, $0x1;
	[tilespmem:s30+$0x0] =	vst v17  }
.Ltmp1:
0x54: {  	[tilespmem:v8+s13+$0x0] =	vst.idx.msk vm3, v20;
	(pc) =	sbr.rel @!p0 .LBB2_5-.Ltmp1, $4  }
0x55: {  	[tilespmem:v62+s13+$0x0] =	vst.idx.msk vm2, v14  }
0x56: {  	[tilespmem:v9+s13+$0x0] =	vst.idx.msk vm0, v19  }
0x57: {  	s31 =	simm.s32 $0x0;
	[tilespmem:v10+s13+$0x0] =	vst.idx.msk vm15, v63  }
0x58: {  	s22 =	simm.s32 $0x40;
	v8 =	vld [tilespmem:s31+$0x8000];
	[tilespmem:s31+$0x8000] =	vst v17  }
.LBB2_4:
0x59: {  	p0 =	sne.s32 s22, $0x7FC0  }
.Ltmp2:
0x5a: {  	_ = 	snop;
	(pc) =	sbr.rel @p0 .LBB2_4-.Ltmp2, $3  }
0x5b: {  	_ =	sdelay $0x1  }
0x5c: {  	s23 =	sshra.s32 s22, $0x2;
	s22 =	sadd.s32 $0x40, s22;
	v17 =	vadd.s32 v17, v8  }
0x5d: {  	v8 =	vld [tilespmem:s23+$0x8000];
	[tilespmem:s23+$0x8000] =	vst v17  }
.LBB2_5:
0x5e: {  	s22 =	simm.s32 $0x20  }
0x5f: {  	v23 =	vld [tilespmem:s22+$0x10]  }
0x60: {  	v26 =	vld [tilespmem:s22+$0xFFFFFFF0]  }
0x61: {  	v31 =	vld [tilespmem:s22+$0x0]  }
0x62: {  	v25 =	vld [tilespmem:s22+$0xFFFFFFE0]  }
0x63: {  	v10 =	vadd.s32 v17, v8  }
0x64: {  	(xrf0) =	vadd.scan.msk.s32 $0xffff, v10;
	v12 =	vand.u32 $0xF, v23  }
0x65: {  	v14 =	vand.u32 $0xF, v26;
	(xrf1) =	vunique.msk.u32 $0xffff, v12  }
0x66: {  	v16 =	vand.u32 $0xF, v31;
	(xrf1) =	vunique.msk.u32 $0xffff, v14  }
0x67: {  	v15 =	vand.u32 $0xF, v25;
	(xrf1) =	vunique.msk.u32 $0xffff, v16  }
0x68: {  	s23 =	simm.s32 $0x60;
	(xrf1) =	vunique.msk.u32 $0xffff, v15  }
0x69: {  	v11 =	vld [tilespmem:s23+$0x10]  }
0x6a: {  	v9 =	vld [tilespmem:s23+$0x0]  }
0x6b: {  	s22 =	simm.s32 $0x8020;
	v8 =	vld [tilespmem:s23+$0xFFFFFFF0]  }
0x6c: {  	v19 =	vld [tilespmem:s22+$0x10];
	v13, _, _ =	vpop (xrf0)  }
0x6d: {  	v10 =	vsub.s32 v13, v10;
	v13 =	vld [tilespmem:s23+$0xFFFFFFE0]  }
0x6e: {  	v27 =	vand.u32 $0xF, v11  }
0x6f: {  	v20 =	vld [tilespmem:s22+$0xFFFFFFE0];
	(xrf1) =	vunique.msk.u32 $0xffff, v27  }
0x70: {  	v21 =	vld [tilespmem:s22+$0xFFFFFFF0];
	v18 =	vand.u32 $0xF, v8  }
0x71: {  	s24 =	simm.s32 $0x2020;
	v22 =	vld [tilespmem:s22+$0x0];
	v17 =	vand.u32 $0xF, v9;
	(xrf1) =	vunique.msk.u32 $0xffff, v18  }
0x72: {  	v28 =	vld [tilespmem:s24+$0x10];
	s23 =	simm.s32 $0x8060;
	(xrf1) =	vunique.msk.u32 $0xffff, v17;
	v19 =	vadd.s32 v10, v19;
	v34 =	vand.u32 $0xF, v13  }
0x73: {  	v30 =	vld [tilespmem:s23+$0x10];
	v19 =	vperm.xlane v19, v12;
	_, v24, _ =	vpop (xrf1);
	(xrf1) =	vunique.msk.u32 $0xffff, v34  }
0x74: {  	s25 =	simm.s32 $0xA0;
	v20 =	vadd.s32 v10, v20;
	v62 =	vld [tilespmem:s23+$0xFFFFFFE0];
	_, v29, _ =	vpop (xrf1)  }
0x75: {  	v12 =	vld [tilespmem:s25+$0x10];
	v20 =	vperm.xlane v20, v15;
	v15 =	vadd.s32 v10, v21;
	v19 =	vadd.s32 v19, v24;
	_, v24, _ =	vpop (xrf1)  }
0x76: {  	v32 =	vadd.s32 $0xFFFFFFFF, v19;
	v19 =	vperm.xlane v15, v14;
	v14 =	vadd.s32 v10, v22;
	v15 =	vld [tilespmem:s25+$0xFFFFFFF0];
	_, v21, _ =	vpop (xrf1)  }
0x77: {  	v33 =	vperm.xlane v14, v16;
	v14 =	vld [tilespmem:s25+$0x0];
	v20 =	vadd.s32 v20, v21  }
0x78: {  	v16 =	vld [tilespmem:s25+$0xFFFFFFE0];
	v19 =	vadd.s32 v19, v29;
	v21 =	vadd.s32 $0xFFFFFFFF, v20  }
0x79: {  	v22 =	vadd.s32 $0xFFFFFFFF, v19;
	v19 =	vadd.s32 v33, v24  }
0x7a: {  	v20 =	vand.u32 $0xF, v12;
	v33 =	vadd.s32 v10, v62;
	v19 =	vadd.s32 $0xFFFFFFFF, v19  }
0x7b: {  	v35 =	vld [tilespmem:s23+$0xFFFFFFF0];
	(xrf1) =	vunique.msk.u32 $0xffff, v20;
	[tilespmem:v32+s14+$0x0] =	vst.idx.msk $0xffff, v23;
	v23 =	vadd.s32 v10, v30;
	v24 =	vand.u32 $0xF, v15  }
0x7c: {  	v30 =	vld [tilespmem:s23+$0x0];
	[tilespmem:v32+s15+$0x0] =	vst.idx.msk $0xffff, v28;
	v27 =	vperm.xlane v23, v27;
	v23 =	vand.u32 $0xF, v14;
	(xrf1) =	vunique.msk.u32 $0xffff, v24  }
0x7d: {  	_, v63, _ =	vpop (xrf1);
	v28 =	vld [tilespmem:s24+$0xFFFFFFE0];
	(xrf1) =	vunique.msk.u32 $0xffff, v23;
	[tilespmem:v21+s14+$0x0] =	vst.idx.msk $0xffff, v25;
	v25 =	vand.u32 $0xF, v16  }
0x7e: {  	v29 =	vld [tilespmem:s24+$0xFFFFFFF0];
	v27 =	vadd.s32 v27, v63;
	(xrf1) =	vunique.msk.u32 $0xffff, v25  }
0x7f: {  	_, v32, _ =	vpop (xrf1);
	[tilespmem:v22+s14+$0x0] =	vst.idx.msk $0xffff, v26;
	v26 =	vld [tilespmem:s24+$0x0];
	s24 =	simm.s32 $0x2060;
	v27 =	vadd.s32 $0xFFFFFFFF, v27  }
0x80: {  	s26 =	simm.s32 $0xE0;
	v35 =	vadd.s32 v10, v35;
	s25 =	simm.s32 $0x8;
	v34 =	vperm.xlane v33, v34;
	_, v33, _ =	vpop (xrf1);
	[tilespmem:v19+s14+$0x0] =	vst.idx.msk $0xffff, v31;
	v31 =	vld [tilespmem:s24+$0x10]  }
.LBB2_6:
0x81: {  	v36 =	vld [tilespmem:s26+$0x10];
	v40 =	vperm.xlane v35, v18;
	v30 =	vadd.s32 v10, v30;
	s23 =	sadd.s32 $0x40, s23;
	_, v35, _ =	vpop (xrf1);
	v37 =	vmov v9  }
0x82: {  	s25 =	sadd.s32 $0x4, s25;
	v9 =	vmov v14;
	v38 =	vld [tilespmem:s23+$0x10];
	v34 =	vadd.s32 v34, v35;
	v30 =	vperm.xlane v30, v17;
	[tilespmem:v21+s15+$0x0] =	vst.idx.msk $0xffff, v28  }
0x83: {  	v18 =	vmovc v24;
	p0 =	slt.u32 s25, $0x1FC;
	v39 =	vld [tilespmem:s26+$0xFFFFFFF0];
	v21 =	vadd.s32 $0xFFFFFFFF, v34;
	v28 =	vadd.s32 v40, v32;
	[tilespmem:v22+s15+$0x0] =	vst.idx.msk $0xffff, v29;
	v29 =	vmov v16  }
0x84: {  	v17 =	vmovc v23;
	v14 =	vld [tilespmem:s26+$0x0];
	v22 =	vadd.s32 $0xFFFFFFFF, v28;
	v24 =	vadd.s32 v30, v33;
	[tilespmem:v27+s14+$0x0] =	vst.idx.msk $0xffff, v11;
	v11 =	vmov v12  }
0x85: {  	v16 =	vld [tilespmem:s26+$0xFFFFFFE0];
	v23 =	vadd.s32 $0xFFFFFFFF, v24;
	[tilespmem:v27+s15+$0x0] =	vst.idx.msk $0xffff, v31;
	v31 =	vmov v25  }
0x86: {  	v25 =	vand.u32 $0xF, v36;
	v27 =	vld [tilespmem:s23+$0xFFFFFFE0];
	[tilespmem:v19+s15+$0x0] =	vst.idx.msk $0xffff, v26;
	v12 =	vmov v36;
	v19 =	vmov v23  }
0x87: {  	(xrf1) =	vunique.msk.u32 $0xffff, v25;
	v33 =	vld [tilespmem:s23+$0xFFFFFFF0];
	v23 =	vadd.s32 v10, v38  }
.Ltmp3:
0x88: {  	v24 =	vand.u32 $0xF, v39;
	v30 =	vld [tilespmem:s23+$0x0];
	v26 =	vperm.xlane v23, v20;
	v20 =	vmov v25;
	(pc) =	sbr.rel @p0 .LBB2_6-.Ltmp3, $4  }
0x89: {  	v23 =	vand.u32 $0xF, v14;
	(xrf1) =	vunique.msk.u32 $0xffff, v24;
	_, v32, _ =	vpop (xrf1);
	v28 =	vld [tilespmem:s24+$0xFFFFFFE0];
	[tilespmem:v21+s14+$0x0] =	vst.idx.msk $0xffff, v13;
	v13 =	vmov v29  }
0x8a: {  	v25 =	vand.u32 $0xF, v16;
	(xrf1) =	vunique.msk.u32 $0xffff, v23;
	v26 =	vadd.s32 v26, v32;
	v29 =	vld [tilespmem:s24+$0xFFFFFFF0];
	[tilespmem:v22+s14+$0x0] =	vst.idx.msk $0xffff, v8;
	v8 =	vmovc v15  }
0x8b: {  	(xrf1) =	vunique.msk.u32 $0xffff, v25;
	v36 =	vadd.s32 v10, v27;
	v27 =	vadd.s32 $0xFFFFFFFF, v26;
	_, v32, _ =	vpop (xrf1);
	v26 =	vld [tilespmem:s24+$0x0];
	[tilespmem:v19+s14+$0x0] =	vst.idx.msk $0xffff, v37;
	s24 =	sadd.s32 $0x40, s24  }
0x8c: {  	s26 =	sadd.s32 $0x40, s26;
	v15 =	vmov v39;
	v34 =	vperm.xlane v36, v31;
	v35 =	vadd.s32 v10, v33;
	v31 =	vld [tilespmem:s24+$0x10];
	_, v33, _ =	vpop (xrf1)  }
0x8d: {  	s23 =	sadd.s32 $0x40, s23  }
0x8e: {  	v36 =	vld [tilespmem:s23+$0x10];
	_ =	sdelay $0x1  }
0x8f: {  	v30 =	vadd.s32 v10, v30;
	_, v55, _ =	vpop (xrf1)  }
0x90: {  	v34 =	vadd.s32 v34, v55;
	v17 =	vperm.xlane v30, v17;
	v56 =	vld [tilespmem:s23+$0xFFFFFFE0]  }
0x91: {  	v18 =	vperm.xlane v35, v18;
	[tilespmem:v21+s15+$0x0] =	vst.idx.msk $0xffff, v28;
	v57 =	vld [tilespmem:s23+$0xFFFFFFF0];
	v21 =	vadd.s32 $0xFFFFFFFF, v34  }
0x92: {  	v58 =	vld [tilespmem:s23+$0x0];
	[tilespmem:v22+s15+$0x0] =	vst.idx.msk $0xffff, v29;
	v17 =	vadd.s32 v17, v33;
	v22 =	vadd.s32 v10, v36  }
0x93: {  	[tilespmem:v27+s14+$0x0] =	vst.idx.msk $0xffff, v11;
	v18 =	vadd.s32 v18, v32;
	v11 =	vadd.s32 $0xFFFFFFFF, v17;
	v17 =	vperm.xlane v22, v20  }
0x94: {  	v18 =	vadd.s32 $0xFFFFFFFF, v18;
	_, v20, _ =	vpop (xrf1)  }
0x95: {  	[tilespmem:v19+s15+$0x0] =	vst.idx.msk $0xffff, v26;
	v19 =	vld [tilespmem:s24+$0xFFFFFFF0];
	v17 =	vadd.s32 v17, v20  }
0x96: {  	v22 =	vld [tilespmem:s24+$0xFFFFFFE0];
	[tilespmem:v21+s14+$0x0] =	vst.idx.msk $0xffff, v13;
	v20 =	vadd.s32 v10, v56;
	v13 =	vadd.s32 $0xFFFFFFFF, v17  }
0x97: {  	v20 =	vperm.xlane v20, v25;
	v25 =	vadd.s32 v10, v57;
	v10 =	vadd.s32 v10, v58  }
0x98: {  	[tilespmem:v27+s15+$0x0] =	vst.idx.msk $0xffff, v31;
	_, v26, _ =	vpop (xrf1);
	v10 =	vperm.xlane v10, v23  }
0x99: {  	s25 =	sadd.s32 $0x40, s24;
	[tilespmem:v18+s14+$0x0] =	vst.idx.msk $0xffff, v8;
	v17 =	vld [tilespmem:s24+$0x0];
	_, v27, _ =	vpop (xrf1)  }
0x9a: {  	v8 =	vld [tilespmem:s25+$0x10];
	[tilespmem:v18+s15+$0x0] =	vst.idx.msk $0xffff, v19;
	v10 =	vadd.s32 v10, v27  }
0x9b: {  	[tilespmem:v11+s14+$0x0] =	vst.idx.msk $0xffff, v9;
	v24 =	vperm.xlane v25, v24;
	_, v25, _ =	vpop (xrf1);
	v10 =	vadd.s32 $0xFFFFFFFF, v10  }
0x9c: {  	v9 =	vadd.s32 v20, v25;
	[tilespmem:v13+s14+$0x0] =	vst.idx.msk $0xffff, v12;
	v12 =	vld [tilespmem:s25+$0x0]  }
0x9d: {  	[tilespmem:v21+s15+$0x0] =	vst.idx.msk $0xffff, v22;
	v20 =	vadd.s32 v24, v26;
	v9 =	vadd.s32 $0xFFFFFFFF, v9  }
0x9e: {  	[tilespmem:v11+s15+$0x0] =	vst.idx.msk $0xffff, v17;
	v18 =	vadd.s32 $0xFFFFFFFF, v20  }
0x9f: {  	[tilespmem:v13+s15+$0x0] =	vst.idx.msk $0xffff, v8;
	v8 =	vld [tilespmem:s25+$0xFFFFFFE0]  }
0xa0: {  	v11 =	vld [tilespmem:s25+$0xFFFFFFF0];
	[tilespmem:v10+s14+$0x0] =	vst.idx.msk $0xffff, v14  }
0xa1: {  	[tilespmem:v10+s15+$0x0] =	vst.idx.msk $0xffff, v12  }
0xa2: {  	[tilespmem:v9+s14+$0x0] =	vst.idx.msk $0xffff, v16  }
0xa3: {  	[tilespmem:v18+s14+$0x0] =	vst.idx.msk $0xffff, v15  }
0xa4: {  	[tilespmem:v9+s15+$0x0] =	vst.idx.msk $0xffff, v8  }
0xa5: {  	s26 =	simm.s32 $0x4020;
	[tilespmem:v18+s15+$0x0] =	vst.idx.msk $0xffff, v11  }
0xa6: {  	v8 =	vld [tilespmem:s26+$0xFFFFFFF0]  }
0xa7: {  	v9 =	vld [tilespmem:s26+$0x10];
	_ =	sdelay $0x3  }
0xa8: {  	v8 =	vshrl.u32 v8, $0x4  }
0xa9: {  	v10 =	vld [tilespmem:s26+$0xFFFFFFE0];
	v12 =	vand.u32 $0xF, v8;
	v8 =	vshrl.u32 v9, $0x4  }
0xaa: {  	v13 =	vand.u32 $0xF, v8;
	v8 =	vld [tilespmem:s26+$0x0]  }
0xab: {  	(xrf1) =	vunique.msk.u32 $0xffff, v12;
	_ =	sdelay $0x2  }
0xac: {  	v9 =	vshrl.u32 v10, $0x4  }
0xad: {  	s31 =	simm.s32 $0x10;
	s23 =	simm.s32 $0x4060;
	v15 =	vand.u32 $0xF, v9;
	(xrf1) =	vunique.msk.u32 $0xffff, v13;
	v8 =	vshrl.u32 v8, $0x4  }
0xae: {  	s24 =	simm.s32 $0x0;
	v14 =	vmov s31;
	v9 =	vld [tilespmem:s23+$0xFFFFFFF0];
	(xrf1) =	vunique.msk.u32 $0xffff, v15;
	v20 =	vand.u32 $0xF, v8  }
0xaf: {  	v24 =	vmov s24;
	s25 =	simm.s32 $0x20;
	v14 =	vand.u32 $0xFFFFFFD0, v14;
	v11 =	vld [tilespmem:s23+$0x10];
	(xrf1) =	vunique.msk.u32 $0xffff, v20  }
0xb0: {  	s30 =	simm.s32 $0x30;
	v24 =	vand.u32 $0xFFFFFFC0, v24;
	s31 =	simm.s32 $0x60;
	v16 =	vmov s25;
	v23 =	vbroadcast v14, $0x0;
	v19 =	vld [tilespmem:s23+$0x0];
	s26 =	simm.s32 $0x70  }
0xb1: {  	v14 =	vmov s31;
	v17 =	vld [tilespmem:s23+$0xFFFFFFE0];
	v10 =	vmov s30;
	s30 =	simm.s32 $0x50;
	v8 =	vmov s26  }
0xb2: {  	v22 =	vand.u32 $0xFFFFFFE0, v16;
	v18 =	vand.u32 $0xFFFFFFF0, v8;
	v8 =	vmov s30  }
0xb3: {  	v9 =	vshrl.u32 v9, $0x4;
	v16 =	vand.u32 $0xFFFFFFD0, v8;
	v8 =	vand.u32 $0xFFFFFFE0, v14  }
0xb4: {  	s25 =	simm.s32 $0x40A0;
	v14 =	vbroadcast v16, $0x0;
	v16 =	vand.u32 $0xF, v9;
	v9 =	vshrl.u32 v11, $0x4  }
0xb5: {  	v10 =	vand.u32 $0xFFFFFFF0, v10;
	v11 =	vand.u32 $0xF, v9;
	v9 =	vshrl.u32 v19, $0x4;
	v19 =	vld [tilespmem:s25+$0xFFFFFFF0]  }
0xb6: {  	v24 =	vbroadcast v24, $0x0;
	v25 =	vld [tilespmem:s25+$0x10];
	v17 =	vshrl.u32 v17, $0x4;
	v26 =	vbroadcast v10, $0x0;
	(xrf1) =	vunique.msk.u32 $0xffff, v16  }
0xb7: {  	s31 =	simm.s32 $0xA0;
	v59 =	vld [tilespmem:s25+$0xFFFFFFE0];
	v61 =	vbroadcast v22, $0x0;
	v17 =	vand.u32 $0xF, v17;
	v23 =	vor.u32 v23, v12;
	(xrf1) =	vunique.msk.u32 $0xffff, v11;
	_, v27, vm0 =	vpop (xrf1)  }
0xb8: {  	v26 =	vor.u32 v26, v13;
	v13 =	vmov s31;
	s30 =	simm.s32 $0x90;
	v21 =	vand.u32 $0xF, v9;
	(xrf1) =	vunique.msk.u32 $0xffff, v17  }
0xb9: {  	v63 =	vor.u32 v24, v15;
	v22 =	vand.u32 $0xFFFFFFE0, v13;
	v12 =	vmov s30;
	(xrf1) =	vunique.msk.u32 $0xffff, v21  }
0xba: {  	v12 =	vand.u32 $0xFFFFFFD0, v12;
	v9 =	vimm.s32 $0x0;
	v13 =	vshrl.u32 v19, $0x4  }
0xbb: {  	_, v60, vm1 =	vpop (xrf1);
	v19 =	vbroadcast v12, $0x0;
	v12 =	vand.u32 $0xF, v13;
	v13 =	vshrl.u32 v25, $0x4  }
0xbc: {  	v31 =	vld [tilespmem:s25+$0x0];
	v15 =	vshrl.u32 v59, $0x4;
	[tilespmem:s22+$0xFFFFFFF0] =	vst v9;
	_, v62, vm2 =	vpop (xrf1);
	v13 =	vand.u32 $0xF, v13;
	(xrf1) =	vunique.msk.u32 $0xffff, v12  }
0xbd: {  	v15 =	vand.u32 $0xF, v15;
	(xrf1) =	vunique.msk.u32 $0xffff, v13;
	[tilespmem:v23+s13+$0x0] =	vst.idx.msk vm0, v27;
	_, v23, vm0 =	vpop (xrf1)  }
0xbe: {  	v24 =	vor.u32 v61, v20;
	[tilespmem:s22+$0x0] =	vst v9;
	(xrf1) =	vunique.msk.u32 $0xffff, v15  }
0xbf: {  	[tilespmem:s22+$0xFFFFFFE0] =	vst v9  }
0xc0: {  	s26 =	simm.s32 $0xB0;
	[tilespmem:s22+$0x10] =	vst v9  }
0xc1: {  	s28 =	simm.s32 $0x40E0;
	s29 =	simm.s32 $0x40;
	s24 =	simm.s32 $0x80;
	v10 =	vmov s26;
	v25 =	vshrl.u32 v31, $0x4;
	[tilespmem:v26+s13+$0x0] =	vst.idx.msk vm1, v60  }
0xc2: {  	s23 =	simm.s32 $0x40;
	s26 =	simm.s32 $0xC0;
	v10 =	vand.u32 $0xFFFFFFF0, v10;
	s25 =	simm.s32 $0x8;
	v20 =	vand.u32 $0xF, v25;
	[tilespmem:v63+s13+$0x0] =	vst.idx.msk vm2, v62  }
.LBB2_8:
0xc3: {  	v25 =	vld [tilespmem:s28+$0xFFFFFFF0];
	s30 =	sadd.s32 $0x30, s26;
	s25 =	sadd.s32 $0x4, s25;
	(xrf1) =	vunique.msk.u32 $0xffff, v20;
	v29 =	vmov s29;
	v27 =	vbroadcast v8, $0x0;
	[tilespmem:v24+s13+$0x0] =	vst.idx.msk vm0, v23;
	s22 =	sadd.s32 $0x40, s22;
	v8 =	vmovc v22  }
0xc4: {  	v18 =	vbroadcast v18, $0x0;
	s29 =	smov.u32 s24;
	s24 =	smov.u32 s26;
	v28 =	vld [tilespmem:s28+$0x10];
	v22 =	vmov s30;
	p0 =	slt.u32 s25, $0x1FC;
	v38 =	vand.u32 $0xFFFFFFC0, v29;
	_, v26, vm1 =	vpop (xrf1)  }
0xc5: {  	s31 =	sadd.s32 $0x20, s26;
	v31 =	vor.u32 v14, v16;
	s30 =	sadd.s32 $0x10, s26;
	v29 =	vld [tilespmem:s28+$0xFFFFFFE0];
	v30 =	vand.u32 $0xFFFFFFF0, v22;
	v24 =	vbroadcast v38, $0x0;
	_, v32, vm3 =	vpop (xrf1)  }
0xc6: {  	v16 =	vmov s31;
	v14 =	vmov s30;
	v34 =	vor.u32 v18, v11;
	v33 =	vld [tilespmem:s28+$0x0];
	[tilespmem:s22+$0x0] =	vst v9;
	_, v35, vm2 =	vpop (xrf1)  }
0xc7: {  	v22 =	vand.u32 $0xFFFFFFE0, v16;
	v37 =	vand.u32 $0xFFFFFFD0, v14;
	[tilespmem:s22+$0xFFFFFFE0] =	vst v9;
	v36 =	vor.u32 v24, v17;
	_, v23, vm0 =	vpop (xrf1)  }
.Ltmp4:
0xc8: {  	v24 =	vor.u32 v27, v21;
	v18 =	vmovc v10;
	v10 =	vmovc v30;
	v17 =	vshrl.u32 v25, $0x4;
	v25 =	vbroadcast v37, $0x0;
	[tilespmem:s22+$0x10] =	vst v9;
	(pc) =	sbr.rel @p0 .LBB2_8-.Ltmp4, $4  }
0xc9: {  	v11 =	vmovc v13;
	v16 =	vmovc v12;
	v14 =	vmov v19;
	v21 =	vshrl.u32 v28, $0x4;
	[tilespmem:s22+$0xFFFFFFF0] =	vst v9;
	v12 =	vand.u32 $0xF, v17  }
0xca: {  	v27 =	vshrl.u32 v29, $0x4;
	v13 =	vand.u32 $0xF, v21;
	(xrf1) =	vunique.msk.u32 $0xffff, v12;
	[tilespmem:v31+s13+$0x0] =	vst.idx.msk vm1, v26;
	v19 =	vmovc v25  }
0xcb: {  	v25 =	vshrl.u32 v33, $0x4;
	(xrf1) =	vunique.msk.u32 $0xffff, v13;
	[tilespmem:v34+s13+$0x0] =	vst.idx.msk vm3, v32;
	v17 =	vmovc v15;
	v15 =	vand.u32 $0xF, v27  }
0xcc: {  	s26 =	sadd.s32 $0x40, s26;
	s28 =	sadd.s32 $0x40, s28;
	(xrf1) =	vunique.msk.u32 $0xffff, v15;
	[tilespmem:v36+s13+$0x0] =	vst.idx.msk vm2, v35;
	v21 =	vmov v20;
	v20 =	vand.u32 $0xF, v25  }
0xcd: {  	_ = 	snop  }
0xce: {  	(xrf1) =	vunique.msk.u32 $0xffff, v20;
	_ =	sdelay $0x3  }
0xcf: {  	v18 =	vbroadcast v18, $0x0;
	_, v26, vm1 =	vpop (xrf1);
	[tilespmem:v24+s13+$0x0] =	vst.idx.msk vm0, v23;
	s22 =	sadd.s32 $0x40, s22  }
0xd0: {  	v8 =	vbroadcast v8, $0x0;
	_, v58, vm13 =	vpop (xrf1);
	[tilespmem:s22+$0x0] =	vst v9  }
0xd1: {  	v25 =	vmov s29;
	v14 =	vor.u32 v14, v16;
	[tilespmem:s22+$0xFFFFFFE0] =	vst v9;
	v11 =	vor.u32 v18, v11  }
0xd2: {  	v25 =	vand.u32 $0xFFFFFFC0, v25;
	[tilespmem:s22+$0x10] =	vst v9;
	v21 =	vor.u32 v8, v21;
	v8 =	vmov s24  }
0xd3: {  	[tilespmem:s22+$0xFFFFFFF0] =	vst v9;
	s22 =	sadd.s32 $0x40, s22;
	v57 =	vbroadcast v25, $0x0;
	v9 =	vand.u32 $0xFFFFFFC0, v8;
	v8 =	vimm.s32 $0x0  }
0xd4: {  	_, v59, vm2 =	vpop (xrf1);
	[tilespmem:s22+$0x0] =	vst v8  }
0xd5: {  	v17 =	vor.u32 v57, v17;
	_, v60, vm3 =	vpop (xrf1);
	[tilespmem:s22+$0xFFFFFFE0] =	vst v8  }
0xd6: {  	v10 =	vbroadcast v10, $0x0;
	[tilespmem:v11+s13+$0x0] =	vst.idx.msk vm13, v58;
	_, v11, vm0 =	vpop (xrf1)  }
0xd7: {  	v12 =	vor.u32 v19, v12;
	v9 =	vbroadcast v9, $0x0;
	[tilespmem:v14+s13+$0x0] =	vst.idx.msk vm1, v26;
	_, v14, vm1 =	vpop (xrf1)  }
0xd8: {  	v61 =	vbroadcast v22, $0x0;
	v10 =	vor.u32 v10, v13;
	[tilespmem:s22+$0x10] =	vst v8;
	_, v62, vm14 =	vpop (xrf1)  }
0xd9: {  	[tilespmem:s22+$0xFFFFFFF0] =	vst v8;
	v9 =	vor.u32 v9, v15;
	_, v63, vm15 =	vpop (xrf1)  }
0xda: {  	v16 =	vor.u32 v61, v20;
	[tilespmem:v17+s13+$0x0] =	vst.idx.msk vm2, v59  }
0xdb: {  	p0 =	por $0x1, $0x1;
	[tilespmem:v21+s13+$0x0] =	vst.idx.msk vm3, v60  }
.Ltmp5:
0xdc: {  	[tilespmem:v12+s13+$0x0] =	vst.idx.msk vm0, v11;
	(pc) =	sbr.rel @!p0 .LBB2_11-.Ltmp5, $4  }
0xdd: {  	[tilespmem:v10+s13+$0x0] =	vst.idx.msk vm1, v14  }
0xde: {  	[tilespmem:v9+s13+$0x0] =	vst.idx.msk vm14, v62  }
0xdf: {  	s31 =	simm.s32 $0x0;
	[tilespmem:v16+s13+$0x0] =	vst.idx.msk vm15, v63  }
0xe0: {  	v9 =	vld [tilespmem:s31+$0x8000];
	[tilespmem:s31+$0x8000] =	vst v8  }
.LBB2_10:
0xe1: {  	p0 =	sne.s32 s23, $0x7FC0  }
.Ltmp6:
0xe2: {  	_ = 	snop;
	(pc) =	sbr.rel @p0 .LBB2_10-.Ltmp6, $3  }
0xe3: {  	_ =	sdelay $0x1  }
0xe4: {  	s22 =	sshra.s32 s23, $0x2;
	s23 =	sadd.s32 $0x40, s23;
	v8 =	vadd.s32 v8, v9  }
0xe5: {  	v9 =	vld [tilespmem:s22+$0x8000];
	[tilespmem:s22+$0x8000] =	vst v8  }
.LBB2_11:
0xe6: {  	s22 =	simm.s32 $0x4020  }
0xe7: {  	v21 =	vld [tilespmem:s22+$0x10]  }
0xe8: {  	v26 =	vld [tilespmem:s22+$0xFFFFFFF0]  }
0xe9: {  	v11 =	vld [tilespmem:s22+$0x0]  }
0xea: {  	v23 =	vld [tilespmem:s22+$0xFFFFFFE0];
	_ =	sdelay $0x2  }
0xeb: {  	v10 =	vshrl.u32 v21, $0x4  }
0xec: {  	v12 =	vshrl.u32 v26, $0x4;
	v13 =	vand.u32 $0xF, v10  }
0xed: {  	s23 =	simm.s32 $0x4060;
	v15 =	vand.u32 $0xF, v12;
	v10 =	vshrl.u32 v11, $0x4;
	v12 =	vshrl.u32 v23, $0x4;
	(xrf1) =	vunique.msk.u32 $0xffff, v13  }
0xee: {  	v16 =	vand.u32 $0xF, v10;
	v17 =	vand.u32 $0xF, v12;
	v10 =	vadd.s32 v8, v9;
	v12 =	vld [tilespmem:s23+$0x10];
	(xrf1) =	vunique.msk.u32 $0xffff, v15  }
0xef: {  	(xrf0) =	vadd.scan.msk.s32 $0xffff, v10  }
0xf0: {  	s22 =	simm.s32 $0x8020;
	(xrf1) =	vunique.msk.u32 $0xffff, v16  }
0xf1: {  	v19 =	vld [tilespmem:s22+$0x10];
	(xrf1) =	vunique.msk.u32 $0xffff, v17  }
0xf2: {  	v20 =	vld [tilespmem:s22+$0xFFFFFFE0]  }
0xf3: {  	v8 =	vld [tilespmem:s23+$0xFFFFFFF0];
	v14 =	vshrl.u32 v12, $0x4  }
0xf4: {  	v22 =	vld [tilespmem:s22+$0xFFFFFFF0]  }
0xf5: {  	v9 =	vld [tilespmem:s23+$0x0]  }
0xf6: {  	v25 =	vld [tilespmem:s22+$0x0];
	v28 =	vand.u32 $0xF, v14;
	v14, _, _ =	vpop (xrf0)  }
0xf7: {  	v10 =	vsub.s32 v14, v10;
	v14 =	vld [tilespmem:s23+$0xFFFFFFE0]  }
0xf8: {  	v18 =	vshrl.u32 v8, $0x4;
	v19 =	vadd.s32 v10, v19  }
0xf9: {  	v18 =	vand.u32 $0xF, v18;
	(xrf1) =	vunique.msk.u32 $0xffff, v28  }
0xfa: {  	v24 =	vshrl.u32 v9, $0x4;
	(xrf1) =	vunique.msk.u32 $0xffff, v18;
	v20 =	vadd.s32 v10, v20  }
0xfb: {  	s24 =	simm.s32 $0x6020;
	v13 =	vperm.xlane v19, v13;
	v17 =	vperm.xlane v20, v17;
	v20 =	vadd.s32 v10, v22  }
0xfc: {  	s25 =	simm.s32 $0x40A0;
	v29 =	vld [tilespmem:s24+$0x10];
	v24 =	vand.u32 $0xF, v24;
	v22 =	vadd.s32 v10, v25;
	_, v19, _ =	vpop (xrf1);
	v31 =	vshrl.u32 v14, $0x4  }
0xfd: {  	v25 =	vperm.xlane v22, v16;
	v16 =	vld [tilespmem:s25+$0x0];
	(xrf1) =	vunique.msk.u32 $0xffff, v24;
	_, v27, _ =	vpop (xrf1);
	v19 =	vadd.s32 v19, v13;
	v31 =	vand.u32 $0xF, v31  }
0xfe: {  	v13 =	vld [tilespmem:s25+$0x10];
	_, v30, _ =	vpop (xrf1);
	v32 =	vadd.s32 $0xFFFFFFFF, v19;
	(xrf1) =	vunique.msk.u32 $0xffff, v31  }
0xff: {  	s23 =	simm.s32 $0x8060;
	v19 =	vperm.xlane v20, v15;
	v15 =	vld [tilespmem:s25+$0xFFFFFFF0];
	_, v20, _ =	vpop (xrf1)  }
0x100: {  	v33 =	vld [tilespmem:s23+$0x10];
	v17 =	vadd.s32 v20, v17  }
0x101: {  	v19 =	vadd.s32 v27, v19;
	v22 =	vadd.s32 $0xFFFFFFFF, v17;
	v17 =	vld [tilespmem:s25+$0xFFFFFFE0]  }
0x102: {  	v20 =	vadd.s32 $0xFFFFFFFF, v19;
	s25 =	simm.s32 $0x0  }
0x103: {  	v35 =	vld [tilespmem:s23+$0xFFFFFFF0];
	v61 =	vshrl.u32 v16, $0x4;
	v19 =	vadd.s32 v30, v25;
	[tilespmem:v32+s25+$0x0] =	vst.idx.msk $0xffff, v21;
	v21 =	vshrl.u32 v13, $0x4  }
0x104: {  	v30 =	vld [tilespmem:s23+$0xFFFFFFE0];
	v19 =	vadd.s32 $0xFFFFFFFF, v19;
	v27 =	vshrl.u32 v15, $0x4;
	v25 =	vand.u32 $0xF, v21  }
0x105: {  	[tilespmem:v32+s11+$0x0] =	vst.idx.msk $0xffff, v29;
	v21 =	vand.u32 $0xF, v27;
	v29 =	vadd.s32 v10, v33;
	v27 =	vld [tilespmem:s24+$0xFFFFFFE0];
	(xrf1) =	vunique.msk.u32 $0xffff, v25  }
0x106: {  	v32 =	vld [tilespmem:s23+$0x0];
	[tilespmem:v22+s25+$0x0] =	vst.idx.msk $0xffff, v23;
	(xrf1) =	vunique.msk.u32 $0xffff, v21;
	v34 =	vshrl.u32 v17, $0x4;
	v23 =	vand.u32 $0xF, v61  }
0x107: {  	_, v62, _ =	vpop (xrf1);
	v29 =	vperm.xlane v29, v28;
	v28 =	vld [tilespmem:s24+$0xFFFFFFF0];
	[tilespmem:v20+s25+$0x0] =	vst.idx.msk $0xffff, v26;
	v26 =	vand.u32 $0xF, v34;
	(xrf1) =	vunique.msk.u32 $0xffff, v23  }
0x108: {  	_, v33, _ =	vpop (xrf1);
	(xrf1) =	vunique.msk.u32 $0xffff, v26  }
0x109: {  	v63 =	vadd.s32 v10, v30;
	v30 =	vld [tilespmem:s24+$0x0];
	s24 =	simm.s32 $0x6060;
	v36 =	vadd.s32 v62, v29  }
0x10a: {  	s26 =	simm.s32 $0x8;
	s28 =	simm.s32 $0x40E0;
	v35 =	vadd.s32 v10, v35;
	v34 =	vperm.xlane v63, v31;
	v29 =	vld [tilespmem:s24+$0x10];
	v31 =	vadd.s32 $0xFFFFFFFF, v36  }
.LBB2_12:
0x10b: {  	v36 =	vld [tilespmem:s28+$0x10];
	v40 =	vperm.xlane v35, v18;
	v39 =	vadd.s32 v10, v32;
	_, v35, _ =	vpop (xrf1);
	[tilespmem:v19+s25+$0x0] =	vst.idx.msk $0xffff, v11;
	v11 =	vmov v9  }
0x10c: {  	s26 =	sadd.s32 $0x4, s26;
	s23 =	sadd.s32 $0x40, s23;
	v9 =	vmov v16;
	v38 =	vmov v17;
	v37 =	vld [tilespmem:s28+$0xFFFFFFF0];
	v39 =	vperm.xlane v39, v24;
	_, v32, _ =	vpop (xrf1);
	[tilespmem:v22+s11+$0x0] =	vst.idx.msk $0xffff, v27  }
0x10d: {  	p0 =	slt.u32 s26, $0x1FC;
	v27 =	vld [tilespmem:s23+$0x10];
	v17 =	vadd.s32 v32, v34;
	v32 =	vadd.s32 v33, v40;
	[tilespmem:v20+s11+$0x0] =	vst.idx.msk $0xffff, v28;
	v28 =	vmov v25  }
0x10e: {  	v18 =	vmovc v21;
	v16 =	vld [tilespmem:s28+$0x0];
	v22 =	vadd.s32 $0xFFFFFFFF, v17;
	v20 =	vadd.s32 $0xFFFFFFFF, v32;
	v25 =	vadd.s32 v35, v39;
	[tilespmem:v19+s11+$0x0] =	vst.idx.msk $0xffff, v30  }
0x10f: {  	v24 =	vmovc v23;
	v34 =	vmov v26;
	v17 =	vld [tilespmem:s28+$0xFFFFFFE0];
	v19 =	vadd.s32 $0xFFFFFFFF, v25;
	[tilespmem:v31+s25+$0x0] =	vst.idx.msk $0xffff, v12;
	v12 =	vmov v13  }
0x110: {  	v21 =	vshrl.u32 v36, $0x4;
	v30 =	vld [tilespmem:s23+$0xFFFFFFE0];
	[tilespmem:v31+s11+$0x0] =	vst.idx.msk $0xffff, v29;
	v13 =	vmov v36  }
0x111: {  	v23 =	vshrl.u32 v37, $0x4;
	v25 =	vand.u32 $0xF, v21;
	v29 =	vld [tilespmem:s23+$0xFFFFFFF0]  }
.Ltmp7:
0x112: {  	v21 =	vand.u32 $0xF, v23;
	(xrf1) =	vunique.msk.u32 $0xffff, v25;
	v32 =	vld [tilespmem:s23+$0x0];
	v23 =	vadd.s32 v10, v27;
	(pc) =	sbr.rel @p0 .LBB2_12-.Ltmp7, $4  }
0x113: {  	v26 =	vshrl.u32 v16, $0x4;
	(xrf1) =	vunique.msk.u32 $0xffff, v21;
	v31 =	vperm.xlane v23, v28;
	v27 =	vld [tilespmem:s24+$0xFFFFFFE0];
	[tilespmem:v22+s25+$0x0] =	vst.idx.msk $0xffff, v14;
	v14 =	vmovc v38  }
0x114: {  	v36 =	vshrl.u32 v17, $0x4;
	v23 =	vand.u32 $0xF, v26;
	_, v35, _ =	vpop (xrf1);
	v28 =	vld [tilespmem:s24+$0xFFFFFFF0];
	[tilespmem:v20+s25+$0x0] =	vst.idx.msk $0xffff, v8;
	v8 =	vmov v15  }
0x115: {  	v26 =	vand.u32 $0xF, v36;
	(xrf1) =	vunique.msk.u32 $0xffff, v23;
	v36 =	vadd.s32 v10, v30;
	v31 =	vadd.s32 v35, v31;
	_, v33, _ =	vpop (xrf1);
	v30 =	vld [tilespmem:s24+$0x0];
	s24 =	sadd.s32 $0x40, s24  }
0x116: {  	s28 =	sadd.s32 $0x40, s28;
	v15 =	vmovc v37;
	(xrf1) =	vunique.msk.u32 $0xffff, v26;
	v34 =	vperm.xlane v36, v34;
	v35 =	vadd.s32 v10, v29;
	v29 =	vld [tilespmem:s24+$0x10];
	v31 =	vadd.s32 $0xFFFFFFFF, v31  }
0x117: {  	_ =	sdelay $0x1  }
0x118: {  	s26 =	sadd.s32 $0x40, s23  }
0x119: {  	_, v36, _ =	vpop (xrf1);
	v37 =	vld [tilespmem:s26+$0x10]  }
0x11a: {  	v18 =	vperm.xlane v35, v18;
	[tilespmem:v19+s25+$0x0] =	vst.idx.msk $0xffff, v11;
	v32 =	vadd.s32 v10, v32;
	_, v57, _ =	vpop (xrf1)  }
0x11b: {  	v24 =	vperm.xlane v32, v24;
	[tilespmem:v22+s11+$0x0] =	vst.idx.msk $0xffff, v27;
	v22 =	vld [tilespmem:s26+$0xFFFFFFE0];
	v11 =	vadd.s32 v57, v34  }
0x11c: {  	v18 =	vadd.s32 v33, v18;
	[tilespmem:v20+s11+$0x0] =	vst.idx.msk $0xffff, v28;
	v20 =	vld [tilespmem:s26+$0xFFFFFFF0];
	v11 =	vadd.s32 $0xFFFFFFFF, v11  }
0x11d: {  	s23 =	simm.s32 $0x0;
	v18 =	vadd.s32 $0xFFFFFFFF, v18;
	v24 =	vadd.s32 v36, v24;
	[tilespmem:v19+s11+$0x0] =	vst.idx.msk $0xffff, v30;
	v19 =	vld [tilespmem:s26+$0x0]  }
0x11e: {  	[tilespmem:v31+s23+$0x0] =	vst.idx.msk $0xffff, v12;
	v24 =	vadd.s32 $0xFFFFFFFF, v24;
	v12 =	vadd.s32 v10, v37  }
0x11f: {  	v12 =	vperm.xlane v12, v25;
	v25 =	vld [tilespmem:s24+$0xFFFFFFE0]  }
0x120: {  	v22 =	vadd.s32 v10, v22;
	_, v27, _ =	vpop (xrf1)  }
0x121: {  	v20 =	vadd.s32 v10, v20;
	[tilespmem:v11+s23+$0x0] =	vst.idx.msk $0xffff, v14;
	v14 =	vld [tilespmem:s24+$0xFFFFFFF0];
	v12 =	vadd.s32 v27, v12  }
0x122: {  	[tilespmem:v18+s23+$0x0] =	vst.idx.msk $0xffff, v8;
	v10 =	vadd.s32 v10, v19;
	v27 =	vld [tilespmem:s24+$0x0];
	v8 =	vadd.s32 $0xFFFFFFFF, v12;
	v12 =	vperm.xlane v20, v21  }
0x123: {  	s31 =	sadd.s32 $0x40, s24;
	_, v58, _ =	vpop (xrf1);
	[tilespmem:v24+s23+$0x0] =	vst.idx.msk $0xffff, v9;
	v9 =	vperm.xlane v10, v23  }
0x124: {  	v22 =	vperm.xlane v22, v26;
	v20 =	vld [tilespmem:s31+$0x10];
	_, v26, _ =	vpop (xrf1);
	[tilespmem:v11+s11+$0x0] =	vst.idx.msk $0xffff, v25;
	v11 =	vadd.s32 v58, v12  }
0x125: {  	[tilespmem:v31+s11+$0x0] =	vst.idx.msk $0xffff, v29;
	_, v19, _ =	vpop (xrf1);
	v9 =	vadd.s32 v26, v9;
	v11 =	vadd.s32 $0xFFFFFFFF, v11  }
0x126: {  	[tilespmem:v18+s11+$0x0] =	vst.idx.msk $0xffff, v14;
	v10 =	vadd.s32 v19, v22;
	v9 =	vadd.s32 $0xFFFFFFFF, v9  }
0x127: {  	v10 =	vadd.s32 $0xFFFFFFFF, v10;
	[tilespmem:v24+s11+$0x0] =	vst.idx.msk $0xffff, v27  }
0x128: {  	v12 =	vld [tilespmem:s31+$0xFFFFFFE0];
	[tilespmem:v8+s23+$0x0] =	vst.idx.msk $0xffff, v13  }
0x129: {  	v13 =	vld [tilespmem:s31+$0x0];
	[tilespmem:v8+s11+$0x0] =	vst.idx.msk $0xffff, v20  }
0x12a: {  	v8 =	vld [tilespmem:s31+$0xFFFFFFF0];
	[tilespmem:v11+s23+$0x0] =	vst.idx.msk $0xffff, v15  }
0x12b: {  	[tilespmem:v9+s23+$0x0] =	vst.idx.msk $0xffff, v16  }
0x12c: {  	[tilespmem:v10+s23+$0x0] =	vst.idx.msk $0xffff, v17  }
0x12d: {  	[tilespmem:v10+s11+$0x0] =	vst.idx.msk $0xffff, v12  }
0x12e: {  	[tilespmem:v9+s11+$0x0] =	vst.idx.msk $0xffff, v13  }
0x12f: {  	s25 =	simm.s32 $0x20;
	[tilespmem:v11+s11+$0x0] =	vst.idx.msk $0xffff, v8  }
0x130: {  	v8 =	vld [tilespmem:s25+$0xFFFFFFF0]  }
0x131: {  	v9 =	vld [tilespmem:s25+$0x10];
	_ =	sdelay $0x3  }
0x132: {  	v8 =	vshrl.u32 v8, $0x8  }
0x133: {  	v10 =	vld [tilespmem:s25+$0xFFFFFFE0];
	v12 =	vand.u32 $0xF, v8;
	v8 =	vshrl.u32 v9, $0x8  }
0x134: {  	v13 =	vand.u32 $0xF, v8;
	v8 =	vld [tilespmem:s25+$0x0]  }
0x135: {  	(xrf1) =	vunique.msk.u32 $0xffff, v12;
	_ =	sdelay $0x2  }
0x136: {  	v9 =	vshrl.u32 v10, $0x8  }
0x137: {  	s24 =	simm.s32 $0x60;
	v14 =	vand.u32 $0xF, v9;
	(xrf1) =	vunique.msk.u32 $0xffff, v13;
	v8 =	vshrl.u32 v8, $0x8  }
0x138: {  	s30 =	simm.s32 $0x10;
	v24 =	vmov s23;
	v9 =	vld [tilespmem:s24+$0xFFFFFFF0];
	(xrf1) =	vunique.msk.u32 $0xffff, v14;
	v19 =	vand.u32 $0xF, v8  }
0x139: {  	s26 =	simm.s32 $0x30;
	v24 =	vand.u32 $0xFFFFFFC0, v24;
	s31 =	simm.s32 $0x20;
	v15 =	vmov s30;
	v11 =	vld [tilespmem:s24+$0x10];
	(xrf1) =	vunique.msk.u32 $0xffff, v19  }
0x13a: {  	v16 =	vmov s31;
	v15 =	vand.u32 $0xFFFFFFD0, v15;
	v18 =	vld [tilespmem:s24+$0x0];
	v10 =	vmov s26;
	s26 =	simm.s32 $0x70  }
0x13b: {  	s30 =	simm.s32 $0x50;
	s31 =	simm.s32 $0x60;
	v22 =	vand.u32 $0xFFFFFFE0, v16;
	v23 =	vbroadcast v15, $0x0;
	v17 =	vld [tilespmem:s24+$0xFFFFFFE0];
	v8 =	vmov s26  }
0x13c: {  	v15 =	vmov s31;
	v20 =	vand.u32 $0xFFFFFFF0, v8;
	v8 =	vmov s30  }
0x13d: {  	v9 =	vshrl.u32 v9, $0x8;
	v16 =	vand.u32 $0xFFFFFFD0, v8;
	v8 =	vand.u32 $0xFFFFFFE0, v15  }
0x13e: {  	s25 =	simm.s32 $0xA0;
	v15 =	vbroadcast v16, $0x0;
	v16 =	vand.u32 $0xF, v9;
	v9 =	vshrl.u32 v11, $0x8  }
0x13f: {  	v10 =	vand.u32 $0xFFFFFFF0, v10;
	v11 =	vand.u32 $0xF, v9;
	v9 =	vshrl.u32 v18, $0x8;
	v18 =	vld [tilespmem:s25+$0xFFFFFFF0]  }
0x140: {  	v24 =	vbroadcast v24, $0x0;
	v17 =	vshrl.u32 v17, $0x8;
	v25 =	vld [tilespmem:s25+$0x10];
	v26 =	vbroadcast v10, $0x0;
	(xrf1) =	vunique.msk.u32 $0xffff, v16  }
0x141: {  	v61 =	vbroadcast v22, $0x0;
	s31 =	simm.s32 $0xA0;
	v17 =	vand.u32 $0xF, v17;
	v23 =	vor.u32 v23, v12;
	v59 =	vld [tilespmem:s25+$0xFFFFFFE0];
	(xrf1) =	vunique.msk.u32 $0xffff, v11;
	_, v27, vm0 =	vpop (xrf1)  }
0x142: {  	v26 =	vor.u32 v26, v13;
	v13 =	vmov s31;
	s30 =	simm.s32 $0x90;
	v21 =	vand.u32 $0xF, v9;
	(xrf1) =	vunique.msk.u32 $0xffff, v17  }
0x143: {  	v63 =	vor.u32 v24, v14;
	v22 =	vand.u32 $0xFFFFFFE0, v13;
	v12 =	vmov s30;
	(xrf1) =	vunique.msk.u32 $0xffff, v21  }
0x144: {  	v12 =	vand.u32 $0xFFFFFFD0, v12;
	v9 =	vimm.s32 $0x0;
	v13 =	vshrl.u32 v18, $0x8  }
0x145: {  	_, v60, vm1 =	vpop (xrf1);
	v18 =	vbroadcast v12, $0x0;
	v12 =	vand.u32 $0xF, v13;
	v13 =	vshrl.u32 v25, $0x8  }
0x146: {  	v31 =	vld [tilespmem:s25+$0x0];
	v14 =	vshrl.u32 v59, $0x8;
	[tilespmem:s22+$0xFFFFFFF0] =	vst v9;
	_, v62, vm2 =	vpop (xrf1);
	v13 =	vand.u32 $0xF, v13;
	(xrf1) =	vunique.msk.u32 $0xffff, v12  }
0x147: {  	v14 =	vand.u32 $0xF, v14;
	(xrf1) =	vunique.msk.u32 $0xffff, v13;
	[tilespmem:v23+s13+$0x0] =	vst.idx.msk vm0, v27;
	_, v23, vm0 =	vpop (xrf1)  }
0x148: {  	v24 =	vor.u32 v61, v19;
	[tilespmem:s22+$0x0] =	vst v9;
	(xrf1) =	vunique.msk.u32 $0xffff, v14  }
0x149: {  	[tilespmem:s22+$0xFFFFFFE0] =	vst v9  }
0x14a: {  	s26 =	simm.s32 $0xB0;
	[tilespmem:s22+$0x10] =	vst v9  }
0x14b: {  	s28 =	simm.s32 $0xE0;
	s29 =	simm.s32 $0x40;
	s23 =	simm.s32 $0x40;
	v10 =	vmov s26;
	v25 =	vshrl.u32 v31, $0x8;
	[tilespmem:v26+s13+$0x0] =	vst.idx.msk vm1, v60  }
0x14c: {  	s24 =	simm.s32 $0x80;
	s26 =	simm.s32 $0xC0;
	v10 =	vand.u32 $0xFFFFFFF0, v10;
	s25 =	simm.s32 $0x8;
	v19 =	vand.u32 $0xF, v25;
	[tilespmem:v63+s13+$0x0] =	vst.idx.msk vm2, v62  }
.LBB2_14:
0x14d: {  	v25 =	vld [tilespmem:s28+$0xFFFFFFF0];
	s30 =	sadd.s32 $0x30, s26;
	s25 =	sadd.s32 $0x4, s25;
	(xrf1) =	vunique.msk.u32 $0xffff, v19;
	v29 =	vmov s29;
	v27 =	vbroadcast v8, $0x0;
	[tilespmem:v24+s13+$0x0] =	vst.idx.msk vm0, v23;
	s22 =	sadd.s32 $0x40, s22;
	v8 =	vmovc v22  }
0x14e: {  	v20 =	vbroadcast v20, $0x0;
	s29 =	smov.u32 s24;
	s24 =	smov.u32 s26;
	v28 =	vld [tilespmem:s28+$0x10];
	v22 =	vmov s30;
	p0 =	slt.u32 s25, $0x1FC;
	v38 =	vand.u32 $0xFFFFFFC0, v29;
	_, v26, vm1 =	vpop (xrf1)  }
0x14f: {  	s31 =	sadd.s32 $0x20, s26;
	v31 =	vor.u32 v15, v16;
	s30 =	sadd.s32 $0x10, s26;
	v29 =	vld [tilespmem:s28+$0xFFFFFFE0];
	v30 =	vand.u32 $0xFFFFFFF0, v22;
	v24 =	vbroadcast v38, $0x0;
	_, v32, vm3 =	vpop (xrf1)  }
0x150: {  	v16 =	vmov s31;
	v15 =	vmov s30;
	v34 =	vor.u32 v20, v11;
	v33 =	vld [tilespmem:s28+$0x0];
	[tilespmem:s22+$0x0] =	vst v9;
	_, v35, vm2 =	vpop (xrf1)  }
0x151: {  	v22 =	vand.u32 $0xFFFFFFE0, v16;
	v37 =	vand.u32 $0xFFFFFFD0, v15;
	[tilespmem:s22+$0xFFFFFFE0] =	vst v9;
	v36 =	vor.u32 v24, v17;
	_, v23, vm0 =	vpop (xrf1)  }
.Ltmp8:
0x152: {  	v24 =	vor.u32 v27, v21;
	v20 =	vmovc v10;
	v10 =	vmovc v30;
	v17 =	vshrl.u32 v25, $0x8;
	v25 =	vbroadcast v37, $0x0;
	[tilespmem:s22+$0x10] =	vst v9;
	(pc) =	sbr.rel @p0 .LBB2_14-.Ltmp8, $4  }
0x153: {  	v11 =	vmovc v13;
	v16 =	vmovc v12;
	v15 =	vmov v18;
	v21 =	vshrl.u32 v28, $0x8;
	[tilespmem:s22+$0xFFFFFFF0] =	vst v9;
	v12 =	vand.u32 $0xF, v17  }
0x154: {  	v27 =	vshrl.u32 v29, $0x8;
	v13 =	vand.u32 $0xF, v21;
	(xrf1) =	vunique.msk.u32 $0xffff, v12;
	[tilespmem:v31+s13+$0x0] =	vst.idx.msk vm1, v26;
	v18 =	vmovc v25  }
0x155: {  	v25 =	vshrl.u32 v33, $0x8;
	(xrf1) =	vunique.msk.u32 $0xffff, v13;
	[tilespmem:v34+s13+$0x0] =	vst.idx.msk vm3, v32;
	v17 =	vmovc v14;
	v14 =	vand.u32 $0xF, v27  }
0x156: {  	s26 =	sadd.s32 $0x40, s26;
	s28 =	sadd.s32 $0x40, s28;
	(xrf1) =	vunique.msk.u32 $0xffff, v14;
	[tilespmem:v36+s13+$0x0] =	vst.idx.msk vm2, v35;
	v21 =	vmov v19;
	v19 =	vand.u32 $0xF, v25  }
0x157: {  	_ = 	snop  }
0x158: {  	(xrf1) =	vunique.msk.u32 $0xffff, v19;
	_ =	sdelay $0x3  }
0x159: {  	v20 =	vbroadcast v20, $0x0;
	_, v26, vm1 =	vpop (xrf1);
	[tilespmem:v24+s13+$0x0] =	vst.idx.msk vm0, v23;
	s22 =	sadd.s32 $0x40, s22  }
0x15a: {  	v8 =	vbroadcast v8, $0x0;
	_, v58, vm13 =	vpop (xrf1);
	[tilespmem:s22+$0x0] =	vst v9  }
0x15b: {  	v25 =	vmov s29;
	v15 =	vor.u32 v15, v16;
	[tilespmem:s22+$0xFFFFFFE0] =	vst v9;
	v11 =	vor.u32 v20, v11  }
0x15c: {  	v25 =	vand.u32 $0xFFFFFFC0, v25;
	[tilespmem:s22+$0x10] =	vst v9;
	v21 =	vor.u32 v8, v21;
	v8 =	vmov s24  }
0x15d: {  	[tilespmem:s22+$0xFFFFFFF0] =	vst v9;
	s22 =	sadd.s32 $0x40, s22;
	v57 =	vbroadcast v25, $0x0;
	v9 =	vand.u32 $0xFFFFFFC0, v8;
	v8 =	vimm.s32 $0x0  }
0x15e: {  	_, v59, vm2 =	vpop (xrf1);
	[tilespmem:s22+$0x0] =	vst v8  }
0x15f: {  	v17 =	vor.u32 v57, v17;
	_, v60, vm3 =	vpop (xrf1);
	[tilespmem:s22+$0xFFFFFFE0] =	vst v8  }
0x160: {  	v10 =	vbroadcast v10, $0x0;
	[tilespmem:v11+s13+$0x0] =	vst.idx.msk vm13, v58;
	_, v11, vm0 =	vpop (xrf1)  }
0x161: {  	v12 =	vor.u32 v18, v12;
	v9 =	vbroadcast v9, $0x0;
	[tilespmem:v15+s13+$0x0] =	vst.idx.msk vm1, v26;
	_, v15, vm1 =	vpop (xrf1)  }
0x162: {  	v61 =	vbroadcast v22, $0x0;
	v10 =	vor.u32 v10, v13;
	[tilespmem:s22+$0x10] =	vst v8;
	_, v62, vm14 =	vpop (xrf1)  }
0x163: {  	[tilespmem:s22+$0xFFFFFFF0] =	vst v8;
	v9 =	vor.u32 v9, v14;
	_, v63, vm15 =	vpop (xrf1)  }
0x164: {  	v16 =	vor.u32 v61, v19;
	[tilespmem:v17+s13+$0x0] =	vst.idx.msk vm2, v59  }
0x165: {  	p0 =	por $0x1, $0x1;
	[tilespmem:v21+s13+$0x0] =	vst.idx.msk vm3, v60  }
.Ltmp9:
0x166: {  	[tilespmem:v12+s13+$0x0] =	vst.idx.msk vm0, v11;
	(pc) =	sbr.rel @!p0 .LBB2_17-.Ltmp9, $4  }
0x167: {  	[tilespmem:v10+s13+$0x0] =	vst.idx.msk vm1, v15  }
0x168: {  	[tilespmem:v9+s13+$0x0] =	vst.idx.msk vm14, v62  }
0x169: {  	s31 =	simm.s32 $0x0;
	[tilespmem:v16+s13+$0x0] =	vst.idx.msk vm15, v63  }
0x16a: {  	v9 =	vld [tilespmem:s31+$0x8000];
	[tilespmem:s31+$0x8000] =	vst v8  }
.LBB2_16:
0x16b: {  	p0 =	sne.s32 s23, $0x7FC0  }
.Ltmp10:
0x16c: {  	_ = 	snop;
	(pc) =	sbr.rel @p0 .LBB2_16-.Ltmp10, $3  }
0x16d: {  	_ =	sdelay $0x1  }
0x16e: {  	s22 =	sshra.s32 s23, $0x2;
	s23 =	sadd.s32 $0x40, s23;
	v8 =	vadd.s32 v8, v9  }
0x16f: {  	v9 =	vld [tilespmem:s22+$0x8000];
	[tilespmem:s22+$0x8000] =	vst v8  }
.LBB2_17:
0x170: {  	s22 =	simm.s32 $0x20  }
0x171: {  	v21 =	vld [tilespmem:s22+$0x10]  }
0x172: {  	v26 =	vld [tilespmem:s22+$0xFFFFFFF0]  }
0x173: {  	v11 =	vld [tilespmem:s22+$0x0]  }
0x174: {  	v23 =	vld [tilespmem:s22+$0xFFFFFFE0];
	_ =	sdelay $0x2  }
0x175: {  	v10 =	vshrl.u32 v21, $0x8  }
0x176: {  	v12 =	vshrl.u32 v26, $0x8;
	v13 =	vand.u32 $0xF, v10  }
0x177: {  	s23 =	simm.s32 $0x60;
	v15 =	vand.u32 $0xF, v12;
	v10 =	vshrl.u32 v11, $0x8;
	v12 =	vshrl.u32 v23, $0x8;
	(xrf1) =	vunique.msk.u32 $0xffff, v13  }
0x178: {  	v16 =	vand.u32 $0xF, v10;
	v17 =	vand.u32 $0xF, v12;
	v10 =	vadd.s32 v8, v9;
	v12 =	vld [tilespmem:s23+$0x10];
	(xrf1) =	vunique.msk.u32 $0xffff, v15  }
0x179: {  	(xrf0) =	vadd.scan.msk.s32 $0xffff, v10  }
0x17a: {  	s22 =	simm.s32 $0x8020;
	(xrf1) =	vunique.msk.u32 $0xffff, v16  }
0x17b: {  	v19 =	vld [tilespmem:s22+$0x10];
	(xrf1) =	vunique.msk.u32 $0xffff, v17  }
0x17c: {  	v20 =	vld [tilespmem:s22+$0xFFFFFFE0]  }
0x17d: {  	v8 =	vld [tilespmem:s23+$0xFFFFFFF0];
	v14 =	vshrl.u32 v12, $0x8  }
0x17e: {  	v22 =	vld [tilespmem:s22+$0xFFFFFFF0]  }
0x17f: {  	v9 =	vld [tilespmem:s23+$0x0]  }
0x180: {  	v25 =	vld [tilespmem:s22+$0x0];
	v28 =	vand.u32 $0xF, v14;
	v14, _, _ =	vpop (xrf0)  }
0x181: {  	v10 =	vsub.s32 v14, v10;
	v14 =	vld [tilespmem:s23+$0xFFFFFFE0]  }
0x182: {  	v18 =	vshrl.u32 v8, $0x8;
	v19 =	vadd.s32 v10, v19  }
0x183: {  	v18 =	vand.u32 $0xF, v18;
	(xrf1) =	vunique.msk.u32 $0xffff, v28  }
0x184: {  	v24 =	vshrl.u32 v9, $0x8;
	(xrf1) =	vunique.msk.u32 $0xffff, v18;
	v20 =	vadd.s32 v10, v20  }
0x185: {  	s24 =	simm.s32 $0x2020;
	v13 =	vperm.xlane v19, v13;
	v17 =	vperm.xlane v20, v17;
	v20 =	vadd.s32 v10, v22  }
0x186: {  	s25 =	simm.s32 $0xA0;
	v29 =	vld [tilespmem:s24+$0x10];
	v24 =	vand.u32 $0xF, v24;
	v22 =	vadd.s32 v10, v25;
	_, v19, _ =	vpop (xrf1);
	v31 =	vshrl.u32 v14, $0x8  }
0x187: {  	v25 =	vperm.xlane v22, v16;
	v16 =	vld [tilespmem:s25+$0x0];
	(xrf1) =	vunique.msk.u32 $0xffff, v24;
	_, v27, _ =	vpop (xrf1);
	v19 =	vadd.s32 v19, v13;
	v31 =	vand.u32 $0xF, v31  }
0x188: {  	v13 =	vld [tilespmem:s25+$0x10];
	_, v30, _ =	vpop (xrf1);
	v32 =	vadd.s32 $0xFFFFFFFF, v19;
	(xrf1) =	vunique.msk.u32 $0xffff, v31  }
0x189: {  	s23 =	simm.s32 $0x8060;
	v19 =	vperm.xlane v20, v15;
	v15 =	vld [tilespmem:s25+$0xFFFFFFF0];
	_, v20, _ =	vpop (xrf1)  }
0x18a: {  	v33 =	vld [tilespmem:s23+$0x10];
	v17 =	vadd.s32 v20, v17  }
0x18b: {  	v19 =	vadd.s32 v27, v19;
	v22 =	vadd.s32 $0xFFFFFFFF, v17;
	v17 =	vld [tilespmem:s25+$0xFFFFFFE0]  }
0x18c: {  	v20 =	vadd.s32 $0xFFFFFFFF, v19  }
0x18d: {  	v35 =	vld [tilespmem:s23+$0xFFFFFFF0];
	v61 =	vshrl.u32 v16, $0x8;
	v19 =	vadd.s32 v30, v25;
	[tilespmem:v32+s14+$0x0] =	vst.idx.msk $0xffff, v21;
	v21 =	vshrl.u32 v13, $0x8  }
0x18e: {  	v30 =	vld [tilespmem:s23+$0xFFFFFFE0];
	v19 =	vadd.s32 $0xFFFFFFFF, v19;
	v27 =	vshrl.u32 v15, $0x8;
	v25 =	vand.u32 $0xF, v21  }
0x18f: {  	[tilespmem:v32+s15+$0x0] =	vst.idx.msk $0xffff, v29;
	v21 =	vand.u32 $0xF, v27;
	v29 =	vadd.s32 v10, v33;
	v27 =	vld [tilespmem:s24+$0xFFFFFFE0];
	(xrf1) =	vunique.msk.u32 $0xffff, v25  }
0x190: {  	v32 =	vld [tilespmem:s23+$0x0];
	[tilespmem:v22+s14+$0x0] =	vst.idx.msk $0xffff, v23;
	(xrf1) =	vunique.msk.u32 $0xffff, v21;
	v34 =	vshrl.u32 v17, $0x8;
	v23 =	vand.u32 $0xF, v61  }
0x191: {  	_, v62, _ =	vpop (xrf1);
	v29 =	vperm.xlane v29, v28;
	v28 =	vld [tilespmem:s24+$0xFFFFFFF0];
	[tilespmem:v20+s14+$0x0] =	vst.idx.msk $0xffff, v26;
	v26 =	vand.u32 $0xF, v34;
	(xrf1) =	vunique.msk.u32 $0xffff, v23  }
0x192: {  	_, v33, _ =	vpop (xrf1);
	(xrf1) =	vunique.msk.u32 $0xffff, v26  }
0x193: {  	v63 =	vadd.s32 v10, v30;
	v30 =	vld [tilespmem:s24+$0x0];
	s24 =	simm.s32 $0x2060;
	v36 =	vadd.s32 v62, v29  }
0x194: {  	s26 =	simm.s32 $0xE0;
	v35 =	vadd.s32 v10, v35;
	s25 =	simm.s32 $0x8;
	v34 =	vperm.xlane v63, v31;
	v29 =	vld [tilespmem:s24+$0x10];
	v31 =	vadd.s32 $0xFFFFFFFF, v36  }
.LBB2_18:
0x195: {  	v36 =	vld [tilespmem:s26+$0x10];
	v40 =	vperm.xlane v35, v18;
	v39 =	vadd.s32 v10, v32;
	_, v35, _ =	vpop (xrf1);
	[tilespmem:v19+s14+$0x0] =	vst.idx.msk $0xffff, v11;
	v11 =	vmov v9  }
0x196: {  	s25 =	sadd.s32 $0x4, s25;
	s23 =	sadd.s32 $0x40, s23;
	v9 =	vmov v16;
	v38 =	vmov v17;
	v37 =	vld [tilespmem:s26+$0xFFFFFFF0];
	v39 =	vperm.xlane v39, v24;
	_, v32, _ =	vpop (xrf1);
	[tilespmem:v22+s15+$0x0] =	vst.idx.msk $0xffff, v27  }
0x197: {  	p0 =	slt.u32 s25, $0x1FC;
	v27 =	vld [tilespmem:s23+$0x10];
	v17 =	vadd.s32 v32, v34;
	v32 =	vadd.s32 v33, v40;
	[tilespmem:v20+s15+$0x0] =	vst.idx.msk $0xffff, v28;
	v28 =	vmov v25  }
0x198: {  	v18 =	vmovc v21;
	v16 =	vld [tilespmem:s26+$0x0];
	v22 =	vadd.s32 $0xFFFFFFFF, v17;
	v20 =	vadd.s32 $0xFFFFFFFF, v32;
	v25 =	vadd.s32 v35, v39;
	[tilespmem:v19+s15+$0x0] =	vst.idx.msk $0xffff, v30  }
0x199: {  	v24 =	vmovc v23;
	v34 =	vmov v26;
	v17 =	vld [tilespmem:s26+$0xFFFFFFE0];
	v19 =	vadd.s32 $0xFFFFFFFF, v25;
	[tilespmem:v31+s14+$0x0] =	vst.idx.msk $0xffff, v12;
	v12 =	vmov v13  }
0x19a: {  	v21 =	vshrl.u32 v36, $0x8;
	v30 =	vld [tilespmem:s23+$0xFFFFFFE0];
	[tilespmem:v31+s15+$0x0] =	vst.idx.msk $0xffff, v29;
	v13 =	vmov v36  }
0x19b: {  	v23 =	vshrl.u32 v37, $0x8;
	v25 =	vand.u32 $0xF, v21;
	v29 =	vld [tilespmem:s23+$0xFFFFFFF0]  }
.Ltmp11:
0x19c: {  	v21 =	vand.u32 $0xF, v23;
	(xrf1) =	vunique.msk.u32 $0xffff, v25;
	v32 =	vld [tilespmem:s23+$0x0];
	v23 =	vadd.s32 v10, v27;
	(pc) =	sbr.rel @p0 .LBB2_18-.Ltmp11, $4  }
0x19d: {  	v26 =	vshrl.u32 v16, $0x8;
	(xrf1) =	vunique.msk.u32 $0xffff, v21;
	v31 =	vperm.xlane v23, v28;
	v27 =	vld [tilespmem:s24+$0xFFFFFFE0];
	[tilespmem:v22+s14+$0x0] =	vst.idx.msk $0xffff, v14;
	v14 =	vmovc v38  }
0x19e: {  	v36 =	vshrl.u32 v17, $0x8;
	v23 =	vand.u32 $0xF, v26;
	_, v35, _ =	vpop (xrf1);
	v28 =	vld [tilespmem:s24+$0xFFFFFFF0];
	[tilespmem:v20+s14+$0x0] =	vst.idx.msk $0xffff, v8;
	v8 =	vmov v15  }
0x19f: {  	v26 =	vand.u32 $0xF, v36;
	(xrf1) =	vunique.msk.u32 $0xffff, v23;
	v36 =	vadd.s32 v10, v30;
	v31 =	vadd.s32 v35, v31;
	_, v33, _ =	vpop (xrf1);
	v30 =	vld [tilespmem:s24+$0x0];
	s24 =	sadd.s32 $0x40, s24  }
0x1a0: {  	s26 =	sadd.s32 $0x40, s26;
	v15 =	vmovc v37;
	(xrf1) =	vunique.msk.u32 $0xffff, v26;
	v34 =	vperm.xlane v36, v34;
	v35 =	vadd.s32 v10, v29;
	v29 =	vld [tilespmem:s24+$0x10];
	v31 =	vadd.s32 $0xFFFFFFFF, v31  }
0x1a1: {  	_ =	sdelay $0x1  }
0x1a2: {  	s23 =	sadd.s32 $0x40, s23  }
0x1a3: {  	_, v36, _ =	vpop (xrf1);
	v37 =	vld [tilespmem:s23+$0x10]  }
0x1a4: {  	v18 =	vperm.xlane v35, v18;
	[tilespmem:v19+s14+$0x0] =	vst.idx.msk $0xffff, v11;
	v32 =	vadd.s32 v10, v32;
	_, v57, _ =	vpop (xrf1)  }
0x1a5: {  	v24 =	vperm.xlane v32, v24;
	[tilespmem:v22+s15+$0x0] =	vst.idx.msk $0xffff, v27;
	v22 =	vld [tilespmem:s23+$0xFFFFFFE0];
	v11 =	vadd.s32 v57, v34  }
0x1a6: {  	v18 =	vadd.s32 v33, v18;
	[tilespmem:v20+s15+$0x0] =	vst.idx.msk $0xffff, v28;
	v20 =	vld [tilespmem:s23+$0xFFFFFFF0];
	v11 =	vadd.s32 $0xFFFFFFFF, v11  }
0x1a7: {  	v18 =	vadd.s32 $0xFFFFFFFF, v18;
	v24 =	vadd.s32 v36, v24;
	[tilespmem:v19+s15+$0x0] =	vst.idx.msk $0xffff, v30;
	v19 =	vld [tilespmem:s23+$0x0]  }
0x1a8: {  	[tilespmem:v31+s14+$0x0] =	vst.idx.msk $0xffff, v12;
	v24 =	vadd.s32 $0xFFFFFFFF, v24;
	v12 =	vadd.s32 v10, v37  }
0x1a9: {  	v12 =	vperm.xlane v12, v25;
	v25 =	vld [tilespmem:s24+$0xFFFFFFE0]  }
0x1aa: {  	v22 =	vadd.s32 v10, v22;
	_, v27, _ =	vpop (xrf1)  }
0x1ab: {  	v20 =	vadd.s32 v10, v20;
	[tilespmem:v11+s14+$0x0] =	vst.idx.msk $0xffff, v14;
	v14 =	vld [tilespmem:s24+$0xFFFFFFF0];
	v12 =	vadd.s32 v27, v12  }
0x1ac: {  	[tilespmem:v18+s14+$0x0] =	vst.idx.msk $0xffff, v8;
	v10 =	vadd.s32 v10, v19;
	v27 =	vld [tilespmem:s24+$0x0];
	v8 =	vadd.s32 $0xFFFFFFFF, v12;
	v12 =	vperm.xlane v20, v21  }
0x1ad: {  	s25 =	sadd.s32 $0x40, s24;
	_, v58, _ =	vpop (xrf1);
	[tilespmem:v24+s14+$0x0] =	vst.idx.msk $0xffff, v9;
	v9 =	vperm.xlane v10, v23  }
0x1ae: {  	v22 =	vperm.xlane v22, v26;
	v20 =	vld [tilespmem:s25+$0x10];
	_, v26, _ =	vpop (xrf1);
	[tilespmem:v11+s15+$0x0] =	vst.idx.msk $0xffff, v25;
	v11 =	vadd.s32 v58, v12  }
0x1af: {  	[tilespmem:v31+s15+$0x0] =	vst.idx.msk $0xffff, v29;
	_, v19, _ =	vpop (xrf1);
	v9 =	vadd.s32 v26, v9;
	v11 =	vadd.s32 $0xFFFFFFFF, v11  }
0x1b0: {  	[tilespmem:v18+s15+$0x0] =	vst.idx.msk $0xffff, v14;
	v10 =	vadd.s32 v19, v22;
	v9 =	vadd.s32 $0xFFFFFFFF, v9  }
0x1b1: {  	v10 =	vadd.s32 $0xFFFFFFFF, v10;
	[tilespmem:v24+s15+$0x0] =	vst.idx.msk $0xffff, v27  }
0x1b2: {  	v12 =	vld [tilespmem:s25+$0xFFFFFFE0];
	[tilespmem:v8+s14+$0x0] =	vst.idx.msk $0xffff, v13  }
0x1b3: {  	v13 =	vld [tilespmem:s25+$0x0];
	[tilespmem:v8+s15+$0x0] =	vst.idx.msk $0xffff, v20  }
0x1b4: {  	v8 =	vld [tilespmem:s25+$0xFFFFFFF0];
	[tilespmem:v11+s14+$0x0] =	vst.idx.msk $0xffff, v15  }
0x1b5: {  	[tilespmem:v9+s14+$0x0] =	vst.idx.msk $0xffff, v16  }
0x1b6: {  	[tilespmem:v10+s14+$0x0] =	vst.idx.msk $0xffff, v17  }
0x1b7: {  	[tilespmem:v10+s15+$0x0] =	vst.idx.msk $0xffff, v12  }
0x1b8: {  	[tilespmem:v9+s15+$0x0] =	vst.idx.msk $0xffff, v13  }
0x1b9: {  	s26 =	simm.s32 $0x4020;
	[tilespmem:v11+s15+$0x0] =	vst.idx.msk $0xffff, v8  }
0x1ba: {  	v8 =	vld [tilespmem:s26+$0xFFFFFFF0]  }
0x1bb: {  	v9 =	vld [tilespmem:s26+$0x10];
	_ =	sdelay $0x3  }
0x1bc: {  	v8 =	vshrl.u32 v8, $0xC  }
0x1bd: {  	v10 =	vld [tilespmem:s26+$0xFFFFFFE0];
	v12 =	vand.u32 $0xF, v8;
	v8 =	vshrl.u32 v9, $0xC  }
0x1be: {  	v13 =	vand.u32 $0xF, v8;
	v8 =	vld [tilespmem:s26+$0x0]  }
0x1bf: {  	(xrf1) =	vunique.msk.u32 $0xffff, v12;
	_ =	sdelay $0x2  }
0x1c0: {  	v9 =	vshrl.u32 v10, $0xC  }
0x1c1: {  	s31 =	simm.s32 $0x10;
	s23 =	simm.s32 $0x4060;
	v15 =	vand.u32 $0xF, v9;
	(xrf1) =	vunique.msk.u32 $0xffff, v13;
	v8 =	vshrl.u32 v8, $0xC  }
0x1c2: {  	s24 =	simm.s32 $0x0;
	v14 =	vmov s31;
	v9 =	vld [tilespmem:s23+$0xFFFFFFF0];
	(xrf1) =	vunique.msk.u32 $0xffff, v15;
	v20 =	vand.u32 $0xF, v8  }
0x1c3: {  	s31 =	simm.s32 $0x60;
	v14 =	vand.u32 $0xFFFFFFD0, v14;
	v24 =	vmov s24;
	v11 =	vld [tilespmem:s23+$0x10];
	(xrf1) =	vunique.msk.u32 $0xffff, v20  }
0x1c4: {  	s30 =	simm.s32 $0x30;
	v23 =	vbroadcast v14, $0x0;
	v14 =	vmov s31;
	v24 =	vand.u32 $0xFFFFFFC0, v24;
	s25 =	simm.s32 $0x20;
	v19 =	vld [tilespmem:s23+$0x0];
	s26 =	simm.s32 $0x70  }
0x1c5: {  	v16 =	vmov s25;
	v17 =	vld [tilespmem:s23+$0xFFFFFFE0];
	v10 =	vmov s30;
	s30 =	simm.s32 $0x50;
	v8 =	vmov s26  }
0x1c6: {  	v22 =	vand.u32 $0xFFFFFFE0, v16;
	v18 =	vand.u32 $0xFFFFFFF0, v8;
	v8 =	vmov s30  }
0x1c7: {  	v9 =	vshrl.u32 v9, $0xC;
	v16 =	vand.u32 $0xFFFFFFD0, v8;
	v8 =	vand.u32 $0xFFFFFFE0, v14  }
0x1c8: {  	s25 =	simm.s32 $0x40A0;
	v14 =	vbroadcast v16, $0x0;
	v16 =	vand.u32 $0xF, v9;
	v9 =	vshrl.u32 v11, $0xC  }
0x1c9: {  	v10 =	vand.u32 $0xFFFFFFF0, v10;
	v11 =	vand.u32 $0xF, v9;
	v9 =	vshrl.u32 v19, $0xC;
	v19 =	vld [tilespmem:s25+$0xFFFFFFF0]  }
0x1ca: {  	v24 =	vbroadcast v24, $0x0;
	v25 =	vld [tilespmem:s25+$0x10];
	v17 =	vshrl.u32 v17, $0xC;
	v26 =	vbroadcast v10, $0x0;
	(xrf1) =	vunique.msk.u32 $0xffff, v16  }
0x1cb: {  	s31 =	simm.s32 $0xA0;
	v61 =	vbroadcast v22, $0x0;
	v59 =	vld [tilespmem:s25+$0xFFFFFFE0];
	v17 =	vand.u32 $0xF, v17;
	v23 =	vor.u32 v23, v12;
	(xrf1) =	vunique.msk.u32 $0xffff, v11;
	_, v27, vm0 =	vpop (xrf1)  }
0x1cc: {  	v26 =	vor.u32 v26, v13;
	v13 =	vmov s31;
	s30 =	simm.s32 $0x90;
	v21 =	vand.u32 $0xF, v9;
	(xrf1) =	vunique.msk.u32 $0xffff, v17  }
0x1cd: {  	v63 =	vor.u32 v24, v15;
	v22 =	vand.u32 $0xFFFFFFE0, v13;
	v12 =	vmov s30;
	(xrf1) =	vunique.msk.u32 $0xffff, v21  }
0x1ce: {  	v12 =	vand.u32 $0xFFFFFFD0, v12;
	v9 =	vimm.s32 $0x0;
	v13 =	vshrl.u32 v19, $0xC  }
0x1cf: {  	_, v60, vm1 =	vpop (xrf1);
	v19 =	vbroadcast v12, $0x0;
	v12 =	vand.u32 $0xF, v13;
	v13 =	vshrl.u32 v25, $0xC  }
0x1d0: {  	v31 =	vld [tilespmem:s25+$0x0];
	v15 =	vshrl.u32 v59, $0xC;
	[tilespmem:s22+$0xFFFFFFF0] =	vst v9;
	_, v62, vm2 =	vpop (xrf1);
	v13 =	vand.u32 $0xF, v13;
	(xrf1) =	vunique.msk.u32 $0xffff, v12  }
0x1d1: {  	v15 =	vand.u32 $0xF, v15;
	(xrf1) =	vunique.msk.u32 $0xffff, v13;
	[tilespmem:v23+s13+$0x0] =	vst.idx.msk vm0, v27;
	_, v23, vm0 =	vpop (xrf1)  }
0x1d2: {  	v24 =	vor.u32 v61, v20;
	[tilespmem:s22+$0x0] =	vst v9;
	(xrf1) =	vunique.msk.u32 $0xffff, v15  }
0x1d3: {  	[tilespmem:s22+$0xFFFFFFE0] =	vst v9  }
0x1d4: {  	s26 =	simm.s32 $0xB0;
	[tilespmem:s22+$0x10] =	vst v9  }
0x1d5: {  	s28 =	simm.s32 $0x40E0;
	s29 =	simm.s32 $0x40;
	s24 =	simm.s32 $0x80;
	v10 =	vmov s26;
	v25 =	vshrl.u32 v31, $0xC;
	[tilespmem:v26+s13+$0x0] =	vst.idx.msk vm1, v60  }
0x1d6: {  	s23 =	simm.s32 $0x40;
	s26 =	simm.s32 $0xC0;
	v10 =	vand.u32 $0xFFFFFFF0, v10;
	s25 =	simm.s32 $0x8;
	v20 =	vand.u32 $0xF, v25;
	[tilespmem:v63+s13+$0x0] =	vst.idx.msk vm2, v62  }
.LBB2_20:
0x1d7: {  	v25 =	vld [tilespmem:s28+$0xFFFFFFF0];
	s30 =	sadd.s32 $0x30, s26;
	s25 =	sadd.s32 $0x4, s25;
	(xrf1) =	vunique.msk.u32 $0xffff, v20;
	v29 =	vmov s29;
	v27 =	vbroadcast v8, $0x0;
	[tilespmem:v24+s13+$0x0] =	vst.idx.msk vm0, v23;
	s22 =	sadd.s32 $0x40, s22;
	v8 =	vmovc v22  }
0x1d8: {  	v18 =	vbroadcast v18, $0x0;
	s29 =	smov.u32 s24;
	s24 =	smov.u32 s26;
	v28 =	vld [tilespmem:s28+$0x10];
	v22 =	vmov s30;
	p0 =	slt.u32 s25, $0x1FC;
	v38 =	vand.u32 $0xFFFFFFC0, v29;
	_, v26, vm1 =	vpop (xrf1)  }
0x1d9: {  	s31 =	sadd.s32 $0x20, s26;
	v31 =	vor.u32 v14, v16;
	s30 =	sadd.s32 $0x10, s26;
	v29 =	vld [tilespmem:s28+$0xFFFFFFE0];
	v30 =	vand.u32 $0xFFFFFFF0, v22;
	v24 =	vbroadcast v38, $0x0;
	_, v32, vm3 =	vpop (xrf1)  }
0x1da: {  	v16 =	vmov s31;
	v14 =	vmov s30;
	v34 =	vor.u32 v18, v11;
	v33 =	vld [tilespmem:s28+$0x0];
	[tilespmem:s22+$0x0] =	vst v9;
	_, v35, vm2 =	vpop (xrf1)  }
0x1db: {  	v22 =	vand.u32 $0xFFFFFFE0, v16;
	v37 =	vand.u32 $0xFFFFFFD0, v14;
	[tilespmem:s22+$0xFFFFFFE0] =	vst v9;
	v36 =	vor.u32 v24, v17;
	_, v23, vm0 =	vpop (xrf1)  }
.Ltmp12:
0x1dc: {  	v24 =	vor.u32 v27, v21;
	v18 =	vmovc v10;
	v10 =	vmovc v30;
	v17 =	vshrl.u32 v25, $0xC;
	v25 =	vbroadcast v37, $0x0;
	[tilespmem:s22+$0x10] =	vst v9;
	(pc) =	sbr.rel @p0 .LBB2_20-.Ltmp12, $4  }
0x1dd: {  	v11 =	vmovc v13;
	v16 =	vmovc v12;
	v14 =	vmov v19;
	v21 =	vshrl.u32 v28, $0xC;
	[tilespmem:s22+$0xFFFFFFF0] =	vst v9;
	v12 =	vand.u32 $0xF, v17  }
0x1de: {  	v27 =	vshrl.u32 v29, $0xC;
	v13 =	vand.u32 $0xF, v21;
	(xrf1) =	vunique.msk.u32 $0xffff, v12;
	[tilespmem:v31+s13+$0x0] =	vst.idx.msk vm1, v26;
	v19 =	vmovc v25  }
0x1df: {  	v25 =	vshrl.u32 v33, $0xC;
	(xrf1) =	vunique.msk.u32 $0xffff, v13;
	[tilespmem:v34+s13+$0x0] =	vst.idx.msk vm3, v32;
	v17 =	vmovc v15;
	v15 =	vand.u32 $0xF, v27  }
0x1e0: {  	s26 =	sadd.s32 $0x40, s26;
	s28 =	sadd.s32 $0x40, s28;
	(xrf1) =	vunique.msk.u32 $0xffff, v15;
	[tilespmem:v36+s13+$0x0] =	vst.idx.msk vm2, v35;
	v21 =	vmov v20;
	v20 =	vand.u32 $0xF, v25  }
0x1e1: {  	_ = 	snop  }
0x1e2: {  	(xrf1) =	vunique.msk.u32 $0xffff, v20;
	_ =	sdelay $0x3  }
0x1e3: {  	v18 =	vbroadcast v18, $0x0;
	_, v26, vm1 =	vpop (xrf1);
	[tilespmem:v24+s13+$0x0] =	vst.idx.msk vm0, v23;
	s22 =	sadd.s32 $0x40, s22  }
0x1e4: {  	v8 =	vbroadcast v8, $0x0;
	_, v58, vm13 =	vpop (xrf1);
	[tilespmem:s22+$0x0] =	vst v9  }
0x1e5: {  	v25 =	vmov s29;
	v14 =	vor.u32 v14, v16;
	[tilespmem:s22+$0xFFFFFFE0] =	vst v9;
	v11 =	vor.u32 v18, v11  }
0x1e6: {  	v25 =	vand.u32 $0xFFFFFFC0, v25;
	[tilespmem:s22+$0x10] =	vst v9;
	v21 =	vor.u32 v8, v21;
	v8 =	vmov s24  }
0x1e7: {  	[tilespmem:s22+$0xFFFFFFF0] =	vst v9;
	s22 =	sadd.s32 $0x40, s22;
	v57 =	vbroadcast v25, $0x0;
	v9 =	vand.u32 $0xFFFFFFC0, v8;
	v8 =	vimm.s32 $0x0  }
0x1e8: {  	_, v59, vm2 =	vpop (xrf1);
	[tilespmem:s22+$0x0] =	vst v8  }
0x1e9: {  	v17 =	vor.u32 v57, v17;
	_, v60, vm3 =	vpop (xrf1);
	[tilespmem:s22+$0xFFFFFFE0] =	vst v8  }
0x1ea: {  	v10 =	vbroadcast v10, $0x0;
	[tilespmem:v11+s13+$0x0] =	vst.idx.msk vm13, v58;
	_, v11, vm0 =	vpop (xrf1)  }
0x1eb: {  	v12 =	vor.u32 v19, v12;
	v9 =	vbroadcast v9, $0x0;
	[tilespmem:v14+s13+$0x0] =	vst.idx.msk vm1, v26;
	_, v14, vm1 =	vpop (xrf1)  }
0x1ec: {  	v61 =	vbroadcast v22, $0x0;
	v10 =	vor.u32 v10, v13;
	[tilespmem:s22+$0x10] =	vst v8;
	_, v62, vm14 =	vpop (xrf1)  }
0x1ed: {  	[tilespmem:s22+$0xFFFFFFF0] =	vst v8;
	v9 =	vor.u32 v9, v15;
	_, v63, vm15 =	vpop (xrf1)  }
0x1ee: {  	v16 =	vor.u32 v61, v20;
	[tilespmem:v17+s13+$0x0] =	vst.idx.msk vm2, v59  }
0x1ef: {  	p0 =	por $0x1, $0x1;
	[tilespmem:v21+s13+$0x0] =	vst.idx.msk vm3, v60  }
.Ltmp13:
0x1f0: {  	[tilespmem:v12+s13+$0x0] =	vst.idx.msk vm0, v11;
	(pc) =	sbr.rel @!p0 .LBB2_23-.Ltmp13, $4  }
0x1f1: {  	[tilespmem:v10+s13+$0x0] =	vst.idx.msk vm1, v14  }
0x1f2: {  	[tilespmem:v9+s13+$0x0] =	vst.idx.msk vm14, v62  }
0x1f3: {  	s31 =	simm.s32 $0x0;
	[tilespmem:v16+s13+$0x0] =	vst.idx.msk vm15, v63  }
0x1f4: {  	v9 =	vld [tilespmem:s31+$0x8000];
	[tilespmem:s31+$0x8000] =	vst v8  }
.LBB2_22:
0x1f5: {  	p0 =	sne.s32 s23, $0x7FC0  }
.Ltmp14:
0x1f6: {  	_ = 	snop;
	(pc) =	sbr.rel @p0 .LBB2_22-.Ltmp14, $3  }
0x1f7: {  	_ =	sdelay $0x1  }
0x1f8: {  	s22 =	sshra.s32 s23, $0x2;
	s23 =	sadd.s32 $0x40, s23;
	v8 =	vadd.s32 v8, v9  }
0x1f9: {  	v9 =	vld [tilespmem:s22+$0x8000];
	[tilespmem:s22+$0x8000] =	vst v8  }
.LBB2_23:
0x1fa: {  	s22 =	simm.s32 $0x4020  }
0x1fb: {  	v21 =	vld [tilespmem:s22+$0x10]  }
0x1fc: {  	v26 =	vld [tilespmem:s22+$0xFFFFFFF0]  }
0x1fd: {  	v11 =	vld [tilespmem:s22+$0x0]  }
0x1fe: {  	v23 =	vld [tilespmem:s22+$0xFFFFFFE0];
	_ =	sdelay $0x2  }
0x1ff: {  	v10 =	vshrl.u32 v21, $0xC  }
0x200: {  	v12 =	vshrl.u32 v26, $0xC;
	v13 =	vand.u32 $0xF, v10  }
0x201: {  	s23 =	simm.s32 $0x4060;
	v15 =	vand.u32 $0xF, v12;
	v10 =	vshrl.u32 v11, $0xC;
	v12 =	vshrl.u32 v23, $0xC;
	(xrf1) =	vunique.msk.u32 $0xffff, v13  }
0x202: {  	v16 =	vand.u32 $0xF, v10;
	v17 =	vand.u32 $0xF, v12;
	v10 =	vadd.s32 v8, v9;
	v12 =	vld [tilespmem:s23+$0x10];
	(xrf1) =	vunique.msk.u32 $0xffff, v15  }
0x203: {  	(xrf0) =	vadd.scan.msk.s32 $0xffff, v10  }
0x204: {  	s22 =	simm.s32 $0x8020;
	(xrf1) =	vunique.msk.u32 $0xffff, v16  }
0x205: {  	v19 =	vld [tilespmem:s22+$0x10];
	(xrf1) =	vunique.msk.u32 $0xffff, v17  }
0x206: {  	v20 =	vld [tilespmem:s22+$0xFFFFFFE0]  }
0x207: {  	v8 =	vld [tilespmem:s23+$0xFFFFFFF0];
	v14 =	vshrl.u32 v12, $0xC  }
0x208: {  	v22 =	vld [tilespmem:s22+$0xFFFFFFF0]  }
0x209: {  	v9 =	vld [tilespmem:s23+$0x0]  }
0x20a: {  	v25 =	vld [tilespmem:s22+$0x0];
	v28 =	vand.u32 $0xF, v14;
	v14, _, _ =	vpop (xrf0)  }
0x20b: {  	v10 =	vsub.s32 v14, v10;
	v14 =	vld [tilespmem:s23+$0xFFFFFFE0]  }
0x20c: {  	v18 =	vshrl.u32 v8, $0xC;
	v19 =	vadd.s32 v10, v19  }
0x20d: {  	v18 =	vand.u32 $0xF, v18;
	(xrf1) =	vunique.msk.u32 $0xffff, v28  }
0x20e: {  	v24 =	vshrl.u32 v9, $0xC;
	(xrf1) =	vunique.msk.u32 $0xffff, v18;
	v20 =	vadd.s32 v10, v20  }
0x20f: {  	s24 =	simm.s32 $0x6020;
	v13 =	vperm.xlane v19, v13;
	v17 =	vperm.xlane v20, v17;
	v20 =	vadd.s32 v10, v22  }
0x210: {  	s25 =	simm.s32 $0x40A0;
	v29 =	vld [tilespmem:s24+$0x10];
	v24 =	vand.u32 $0xF, v24;
	v22 =	vadd.s32 v10, v25;
	_, v19, _ =	vpop (xrf1);
	v31 =	vshrl.u32 v14, $0xC  }
0x211: {  	v25 =	vperm.xlane v22, v16;
	v16 =	vld [tilespmem:s25+$0x0];
	(xrf1) =	vunique.msk.u32 $0xffff, v24;
	_, v27, _ =	vpop (xrf1);
	v19 =	vadd.s32 v19, v13;
	v31 =	vand.u32 $0xF, v31  }
0x212: {  	v13 =	vld [tilespmem:s25+$0x10];
	_, v30, _ =	vpop (xrf1);
	v32 =	vadd.s32 $0xFFFFFFFF, v19;
	(xrf1) =	vunique.msk.u32 $0xffff, v31  }
0x213: {  	s23 =	simm.s32 $0x8060;
	v19 =	vperm.xlane v20, v15;
	v15 =	vld [tilespmem:s25+$0xFFFFFFF0];
	_, v20, _ =	vpop (xrf1)  }
0x214: {  	v33 =	vld [tilespmem:s23+$0x10];
	v17 =	vadd.s32 v20, v17  }
0x215: {  	v19 =	vadd.s32 v27, v19;
	v22 =	vadd.s32 $0xFFFFFFFF, v17;
	v17 =	vld [tilespmem:s25+$0xFFFFFFE0]  }
0x216: {  	v20 =	vadd.s32 $0xFFFFFFFF, v19;
	s25 =	simm.s32 $0x0  }
0x217: {  	v35 =	vld [tilespmem:s23+$0xFFFFFFF0];
	v61 =	vshrl.u32 v16, $0xC;
	v19 =	vadd.s32 v30, v25;
	[tilespmem:v32+s25+$0x0] =	vst.idx.msk $0xffff, v21;
	v21 =	vshrl.u32 v13, $0xC  }
0x218: {  	v30 =	vld [tilespmem:s23+$0xFFFFFFE0];
	v19 =	vadd.s32 $0xFFFFFFFF, v19;
	v27 =	vshrl.u32 v15, $0xC;
	v25 =	vand.u32 $0xF, v21  }
0x219: {  	[tilespmem:v32+s11+$0x0] =	vst.idx.msk $0xffff, v29;
	v21 =	vand.u32 $0xF, v27;
	v29 =	vadd.s32 v10, v33;
	v27 =	vld [tilespmem:s24+$0xFFFFFFE0];
	(xrf1) =	vunique.msk.u32 $0xffff, v25  }
0x21a: {  	v32 =	vld [tilespmem:s23+$0x0];
	[tilespmem:v22+s25+$0x0] =	vst.idx.msk $0xffff, v23;
	(xrf1) =	vunique.msk.u32 $0xffff, v21;
	v34 =	vshrl.u32 v17, $0xC;
	v23 =	vand.u32 $0xF, v61  }
0x21b: {  	_, v62, _ =	vpop (xrf1);
	v29 =	vperm.xlane v29, v28;
	v28 =	vld [tilespmem:s24+$0xFFFFFFF0];
	[tilespmem:v20+s25+$0x0] =	vst.idx.msk $0xffff, v26;
	v26 =	vand.u32 $0xF, v34;
	(xrf1) =	vunique.msk.u32 $0xffff, v23  }
0x21c: {  	_, v33, _ =	vpop (xrf1);
	(xrf1) =	vunique.msk.u32 $0xffff, v26  }
0x21d: {  	v63 =	vadd.s32 v10, v30;
	v30 =	vld [tilespmem:s24+$0x0];
	s24 =	simm.s32 $0x6060;
	v36 =	vadd.s32 v62, v29  }
0x21e: {  	s26 =	simm.s32 $0x8;
	s28 =	simm.s32 $0x40E0;
	v35 =	vadd.s32 v10, v35;
	v34 =	vperm.xlane v63, v31;
	v29 =	vld [tilespmem:s24+$0x10];
	v31 =	vadd.s32 $0xFFFFFFFF, v36  }
.LBB2_24:
0x21f: {  	v36 =	vld [tilespmem:s28+$0x10];
	v40 =	vperm.xlane v35, v18;
	v39 =	vadd.s32 v10, v32;
	_, v35, _ =	vpop (xrf1);
	[tilespmem:v19+s25+$0x0] =	vst.idx.msk $0xffff, v11;
	v11 =	vmov v9  }
0x220: {  	s26 =	sadd.s32 $0x4, s26;
	s23 =	sadd.s32 $0x40, s23;
	v9 =	vmov v16;
	v38 =	vmov v17;
	v37 =	vld [tilespmem:s28+$0xFFFFFFF0];
	v39 =	vperm.xlane v39, v24;
	_, v32, _ =	vpop (xrf1);
	[tilespmem:v22+s11+$0x0] =	vst.idx.msk $0xffff, v27  }
0x221: {  	p0 =	slt.u32 s26, $0x1FC;
	v27 =	vld [tilespmem:s23+$0x10];
	v17 =	vadd.s32 v32, v34;
	v32 =	vadd.s32 v33, v40;
	[tilespmem:v20+s11+$0x0] =	vst.idx.msk $0xffff, v28;
	v28 =	vmov v25  }
0x222: {  	v18 =	vmovc v21;
	v16 =	vld [tilespmem:s28+$0x0];
	v22 =	vadd.s32 $0xFFFFFFFF, v17;
	v20 =	vadd.s32 $0xFFFFFFFF, v32;
	v25 =	vadd.s32 v35, v39;
	[tilespmem:v19+s11+$0x0] =	vst.idx.msk $0xffff, v30  }
0x223: {  	v24 =	vmovc v23;
	v34 =	vmov v26;
	v17 =	vld [tilespmem:s28+$0xFFFFFFE0];
	v19 =	vadd.s32 $0xFFFFFFFF, v25;
	[tilespmem:v31+s25+$0x0] =	vst.idx.msk $0xffff, v12;
	v12 =	vmov v13  }
0x224: {  	v21 =	vshrl.u32 v36, $0xC;
	v30 =	vld [tilespmem:s23+$0xFFFFFFE0];
	[tilespmem:v31+s11+$0x0] =	vst.idx.msk $0xffff, v29;
	v13 =	vmov v36  }
0x225: {  	v23 =	vshrl.u32 v37, $0xC;
	v25 =	vand.u32 $0xF, v21;
	v29 =	vld [tilespmem:s23+$0xFFFFFFF0]  }
.Ltmp15:
0x226: {  	v21 =	vand.u32 $0xF, v23;
	(xrf1) =	vunique.msk.u32 $0xffff, v25;
	v32 =	vld [tilespmem:s23+$0x0];
	v23 =	vadd.s32 v10, v27;
	(pc) =	sbr.rel @p0 .LBB2_24-.Ltmp15, $4  }
0x227: {  	v26 =	vshrl.u32 v16, $0xC;
	(xrf1) =	vunique.msk.u32 $0xffff, v21;
	v31 =	vperm.xlane v23, v28;
	v27 =	vld [tilespmem:s24+$0xFFFFFFE0];
	[tilespmem:v22+s25+$0x0] =	vst.idx.msk $0xffff, v14;
	v14 =	vmovc v38  }
0x228: {  	v36 =	vshrl.u32 v17, $0xC;
	v23 =	vand.u32 $0xF, v26;
	_, v35, _ =	vpop (xrf1);
	v28 =	vld [tilespmem:s24+$0xFFFFFFF0];
	[tilespmem:v20+s25+$0x0] =	vst.idx.msk $0xffff, v8;
	v8 =	vmov v15  }
0x229: {  	v26 =	vand.u32 $0xF, v36;
	(xrf1) =	vunique.msk.u32 $0xffff, v23;
	v36 =	vadd.s32 v10, v30;
	v31 =	vadd.s32 v35, v31;
	_, v33, _ =	vpop (xrf1);
	v30 =	vld [tilespmem:s24+$0x0];
	s24 =	sadd.s32 $0x40, s24  }
0x22a: {  	s28 =	sadd.s32 $0x40, s28;
	v15 =	vmovc v37;
	(xrf1) =	vunique.msk.u32 $0xffff, v26;
	v34 =	vperm.xlane v36, v34;
	v35 =	vadd.s32 v10, v29;
	v29 =	vld [tilespmem:s24+$0x10];
	v31 =	vadd.s32 $0xFFFFFFFF, v31  }
0x22b: {  	_ =	sdelay $0x1  }
0x22c: {  	s26 =	sadd.s32 $0x40, s23  }
0x22d: {  	_, v36, _ =	vpop (xrf1);
	v37 =	vld [tilespmem:s26+$0x10]  }
0x22e: {  	v18 =	vperm.xlane v35, v18;
	[tilespmem:v19+s25+$0x0] =	vst.idx.msk $0xffff, v11;
	v32 =	vadd.s32 v10, v32;
	_, v57, _ =	vpop (xrf1)  }
0x22f: {  	v24 =	vperm.xlane v32, v24;
	[tilespmem:v22+s11+$0x0] =	vst.idx.msk $0xffff, v27;
	v22 =	vld [tilespmem:s26+$0xFFFFFFE0];
	v11 =	vadd.s32 v57, v34  }
0x230: {  	v18 =	vadd.s32 v33, v18;
	[tilespmem:v20+s11+$0x0] =	vst.idx.msk $0xffff, v28;
	v20 =	vld [tilespmem:s26+$0xFFFFFFF0];
	v11 =	vadd.s32 $0xFFFFFFFF, v11  }
0x231: {  	s23 =	simm.s32 $0x0;
	v18 =	vadd.s32 $0xFFFFFFFF, v18;
	v24 =	vadd.s32 v36, v24;
	[tilespmem:v19+s11+$0x0] =	vst.idx.msk $0xffff, v30;
	v19 =	vld [tilespmem:s26+$0x0]  }
0x232: {  	[tilespmem:v31+s23+$0x0] =	vst.idx.msk $0xffff, v12;
	v24 =	vadd.s32 $0xFFFFFFFF, v24;
	v12 =	vadd.s32 v10, v37  }
0x233: {  	v12 =	vperm.xlane v12, v25;
	v25 =	vld [tilespmem:s24+$0xFFFFFFE0]  }
0x234: {  	v22 =	vadd.s32 v10, v22;
	_, v27, _ =	vpop (xrf1)  }
0x235: {  	v20 =	vadd.s32 v10, v20;
	[tilespmem:v11+s23+$0x0] =	vst.idx.msk $0xffff, v14;
	v14 =	vld [tilespmem:s24+$0xFFFFFFF0];
	v12 =	vadd.s32 v27, v12  }
0x236: {  	[tilespmem:v18+s23+$0x0] =	vst.idx.msk $0xffff, v8;
	v10 =	vadd.s32 v10, v19;
	v27 =	vld [tilespmem:s24+$0x0];
	v8 =	vadd.s32 $0xFFFFFFFF, v12;
	v12 =	vperm.xlane v20, v21  }
0x237: {  	s31 =	sadd.s32 $0x40, s24;
	_, v58, _ =	vpop (xrf1);
	[tilespmem:v24+s23+$0x0] =	vst.idx.msk $0xffff, v9;
	v9 =	vperm.xlane v10, v23  }
0x238: {  	v22 =	vperm.xlane v22, v26;
	v20 =	vld [tilespmem:s31+$0x10];
	_, v26, _ =	vpop (xrf1);
	[tilespmem:v11+s11+$0x0] =	vst.idx.msk $0xffff, v25;
	v11 =	vadd.s32 v58, v12  }
0x239: {  	[tilespmem:v31+s11+$0x0] =	vst.idx.msk $0xffff, v29;
	_, v19, _ =	vpop (xrf1);
	v9 =	vadd.s32 v26, v9;
	v11 =	vadd.s32 $0xFFFFFFFF, v11  }
0x23a: {  	[tilespmem:v18+s11+$0x0] =	vst.idx.msk $0xffff, v14;
	v10 =	vadd.s32 v19, v22;
	v9 =	vadd.s32 $0xFFFFFFFF, v9  }
0x23b: {  	v10 =	vadd.s32 $0xFFFFFFFF, v10;
	[tilespmem:v24+s11+$0x0] =	vst.idx.msk $0xffff, v27  }
0x23c: {  	v12 =	vld [tilespmem:s31+$0xFFFFFFE0];
	[tilespmem:v8+s23+$0x0] =	vst.idx.msk $0xffff, v13  }
0x23d: {  	v13 =	vld [tilespmem:s31+$0x0];
	[tilespmem:v8+s11+$0x0] =	vst.idx.msk $0xffff, v20  }
0x23e: {  	v8 =	vld [tilespmem:s31+$0xFFFFFFF0];
	[tilespmem:v11+s23+$0x0] =	vst.idx.msk $0xffff, v15  }
0x23f: {  	[tilespmem:v9+s23+$0x0] =	vst.idx.msk $0xffff, v16  }
0x240: {  	[tilespmem:v10+s23+$0x0] =	vst.idx.msk $0xffff, v17  }
0x241: {  	[tilespmem:v10+s11+$0x0] =	vst.idx.msk $0xffff, v12  }
0x242: {  	[tilespmem:v9+s11+$0x0] =	vst.idx.msk $0xffff, v13  }
0x243: {  	s25 =	simm.s32 $0x20;
	[tilespmem:v11+s11+$0x0] =	vst.idx.msk $0xffff, v8  }
0x244: {  	v8 =	vld [tilespmem:s25+$0xFFFFFFF0]  }
0x245: {  	v9 =	vld [tilespmem:s25+$0x10];
	_ =	sdelay $0x3  }
0x246: {  	v8 =	vshrl.u32 v8, $0x10  }
0x247: {  	v10 =	vld [tilespmem:s25+$0xFFFFFFE0];
	v12 =	vand.u32 $0xF, v8;
	v8 =	vshrl.u32 v9, $0x10  }
0x248: {  	v13 =	vand.u32 $0xF, v8;
	v8 =	vld [tilespmem:s25+$0x0]  }
0x249: {  	(xrf1) =	vunique.msk.u32 $0xffff, v12;
	_ =	sdelay $0x2  }
0x24a: {  	v9 =	vshrl.u32 v10, $0x10  }
0x24b: {  	s24 =	simm.s32 $0x60;
	v14 =	vand.u32 $0xF, v9;
	(xrf1) =	vunique.msk.u32 $0xffff, v13;
	v8 =	vshrl.u32 v8, $0x10  }
0x24c: {  	s30 =	simm.s32 $0x10;
	v24 =	vmov s23;
	v9 =	vld [tilespmem:s24+$0xFFFFFFF0];
	(xrf1) =	vunique.msk.u32 $0xffff, v14;
	v19 =	vand.u32 $0xF, v8  }
0x24d: {  	s26 =	simm.s32 $0x30;
	v24 =	vand.u32 $0xFFFFFFC0, v24;
	s31 =	simm.s32 $0x20;
	v15 =	vmov s30;
	v11 =	vld [tilespmem:s24+$0x10];
	(xrf1) =	vunique.msk.u32 $0xffff, v19  }
0x24e: {  	v16 =	vmov s31;
	v15 =	vand.u32 $0xFFFFFFD0, v15;
	v18 =	vld [tilespmem:s24+$0x0];
	v10 =	vmov s26;
	s26 =	simm.s32 $0x70  }
0x24f: {  	s30 =	simm.s32 $0x50;
	s31 =	simm.s32 $0x60;
	v22 =	vand.u32 $0xFFFFFFE0, v16;
	v23 =	vbroadcast v15, $0x0;
	v17 =	vld [tilespmem:s24+$0xFFFFFFE0];
	v8 =	vmov s26  }
0x250: {  	v15 =	vmov s31;
	v20 =	vand.u32 $0xFFFFFFF0, v8;
	v8 =	vmov s30  }
0x251: {  	v9 =	vshrl.u32 v9, $0x10;
	v16 =	vand.u32 $0xFFFFFFD0, v8;
	v8 =	vand.u32 $0xFFFFFFE0, v15  }
0x252: {  	s25 =	simm.s32 $0xA0;
	v15 =	vbroadcast v16, $0x0;
	v16 =	vand.u32 $0xF, v9;
	v9 =	vshrl.u32 v11, $0x10  }
0x253: {  	v10 =	vand.u32 $0xFFFFFFF0, v10;
	v11 =	vand.u32 $0xF, v9;
	v9 =	vshrl.u32 v18, $0x10;
	v18 =	vld [tilespmem:s25+$0xFFFFFFF0]  }
0x254: {  	v24 =	vbroadcast v24, $0x0;
	v17 =	vshrl.u32 v17, $0x10;
	v25 =	vld [tilespmem:s25+$0x10];
	v26 =	vbroadcast v10, $0x0;
	(xrf1) =	vunique.msk.u32 $0xffff, v16  }
0x255: {  	v61 =	vbroadcast v22, $0x0;
	s31 =	simm.s32 $0xA0;
	v17 =	vand.u32 $0xF, v17;
	v23 =	vor.u32 v23, v12;
	v59 =	vld [tilespmem:s25+$0xFFFFFFE0];
	(xrf1) =	vunique.msk.u32 $0xffff, v11;
	_, v27, vm0 =	vpop (xrf1)  }
0x256: {  	v26 =	vor.u32 v26, v13;
	v13 =	vmov s31;
	s30 =	simm.s32 $0x90;
	v21 =	vand.u32 $0xF, v9;
	(xrf1) =	vunique.msk.u32 $0xffff, v17  }
0x257: {  	v63 =	vor.u32 v24, v14;
	v22 =	vand.u32 $0xFFFFFFE0, v13;
	v12 =	vmov s30;
	(xrf1) =	vunique.msk.u32 $0xffff, v21  }
0x258: {  	v12 =	vand.u32 $0xFFFFFFD0, v12;
	v9 =	vimm.s32 $0x0;
	v13 =	vshrl.u32 v18, $0x10  }
0x259: {  	_, v60, vm1 =	vpop (xrf1);
	v18 =	vbroadcast v12, $0x0;
	v12 =	vand.u32 $0xF, v13;
	v13 =	vshrl.u32 v25, $0x10  }
0x25a: {  	v31 =	vld [tilespmem:s25+$0x0];
	v14 =	vshrl.u32 v59, $0x10;
	[tilespmem:s22+$0xFFFFFFF0] =	vst v9;
	_, v62, vm2 =	vpop (xrf1);
	v13 =	vand.u32 $0xF, v13;
	(xrf1) =	vunique.msk.u32 $0xffff, v12  }
0x25b: {  	v14 =	vand.u32 $0xF, v14;
	(xrf1) =	vunique.msk.u32 $0xffff, v13;
	[tilespmem:v23+s13+$0x0] =	vst.idx.msk vm0, v27;
	_, v23, vm0 =	vpop (xrf1)  }
0x25c: {  	v24 =	vor.u32 v61, v19;
	[tilespmem:s22+$0x0] =	vst v9;
	(xrf1) =	vunique.msk.u32 $0xffff, v14  }
0x25d: {  	[tilespmem:s22+$0xFFFFFFE0] =	vst v9  }
0x25e: {  	s26 =	simm.s32 $0xB0;
	[tilespmem:s22+$0x10] =	vst v9  }
0x25f: {  	s28 =	simm.s32 $0xE0;
	s29 =	simm.s32 $0x40;
	s23 =	simm.s32 $0x40;
	v10 =	vmov s26;
	v25 =	vshrl.u32 v31, $0x10;
	[tilespmem:v26+s13+$0x0] =	vst.idx.msk vm1, v60  }
0x260: {  	s24 =	simm.s32 $0x80;
	s26 =	simm.s32 $0xC0;
	v10 =	vand.u32 $0xFFFFFFF0, v10;
	s25 =	simm.s32 $0x8;
	v19 =	vand.u32 $0xF, v25;
	[tilespmem:v63+s13+$0x0] =	vst.idx.msk vm2, v62  }
.LBB2_26:
0x261: {  	v25 =	vld [tilespmem:s28+$0xFFFFFFF0];
	s30 =	sadd.s32 $0x30, s26;
	s25 =	sadd.s32 $0x4, s25;
	(xrf1) =	vunique.msk.u32 $0xffff, v19;
	v29 =	vmov s29;
	v27 =	vbroadcast v8, $0x0;
	[tilespmem:v24+s13+$0x0] =	vst.idx.msk vm0, v23;
	s22 =	sadd.s32 $0x40, s22;
	v8 =	vmovc v22  }
0x262: {  	v20 =	vbroadcast v20, $0x0;
	s29 =	smov.u32 s24;
	s24 =	smov.u32 s26;
	v28 =	vld [tilespmem:s28+$0x10];
	v22 =	vmov s30;
	p0 =	slt.u32 s25, $0x1FC;
	v38 =	vand.u32 $0xFFFFFFC0, v29;
	_, v26, vm1 =	vpop (xrf1)  }
0x263: {  	s31 =	sadd.s32 $0x20, s26;
	v31 =	vor.u32 v15, v16;
	s30 =	sadd.s32 $0x10, s26;
	v29 =	vld [tilespmem:s28+$0xFFFFFFE0];
	v30 =	vand.u32 $0xFFFFFFF0, v22;
	v24 =	vbroadcast v38, $0x0;
	_, v32, vm3 =	vpop (xrf1)  }
0x264: {  	v16 =	vmov s31;
	v15 =	vmov s30;
	v34 =	vor.u32 v20, v11;
	v33 =	vld [tilespmem:s28+$0x0];
	[tilespmem:s22+$0x0] =	vst v9;
	_, v35, vm2 =	vpop (xrf1)  }
0x265: {  	v22 =	vand.u32 $0xFFFFFFE0, v16;
	v37 =	vand.u32 $0xFFFFFFD0, v15;
	[tilespmem:s22+$0xFFFFFFE0] =	vst v9;
	v36 =	vor.u32 v24, v17;
	_, v23, vm0 =	vpop (xrf1)  }
.Ltmp16:
0x266: {  	v24 =	vor.u32 v27, v21;
	v20 =	vmovc v10;
	v10 =	vmovc v30;
	v17 =	vshrl.u32 v25, $0x10;
	v25 =	vbroadcast v37, $0x0;
	[tilespmem:s22+$0x10] =	vst v9;
	(pc) =	sbr.rel @p0 .LBB2_26-.Ltmp16, $4  }
0x267: {  	v11 =	vmovc v13;
	v16 =	vmovc v12;
	v15 =	vmov v18;
	v21 =	vshrl.u32 v28, $0x10;
	[tilespmem:s22+$0xFFFFFFF0] =	vst v9;
	v12 =	vand.u32 $0xF, v17  }
0x268: {  	v27 =	vshrl.u32 v29, $0x10;
	v13 =	vand.u32 $0xF, v21;
	(xrf1) =	vunique.msk.u32 $0xffff, v12;
	[tilespmem:v31+s13+$0x0] =	vst.idx.msk vm1, v26;
	v18 =	vmovc v25  }
0x269: {  	v25 =	vshrl.u32 v33, $0x10;
	(xrf1) =	vunique.msk.u32 $0xffff, v13;
	[tilespmem:v34+s13+$0x0] =	vst.idx.msk vm3, v32;
	v17 =	vmovc v14;
	v14 =	vand.u32 $0xF, v27  }
0x26a: {  	s26 =	sadd.s32 $0x40, s26;
	s28 =	sadd.s32 $0x40, s28;
	(xrf1) =	vunique.msk.u32 $0xffff, v14;
	[tilespmem:v36+s13+$0x0] =	vst.idx.msk vm2, v35;
	v21 =	vmov v19;
	v19 =	vand.u32 $0xF, v25  }
0x26b: {  	_ = 	snop  }
0x26c: {  	(xrf1) =	vunique.msk.u32 $0xffff, v19;
	_ =	sdelay $0x3  }
0x26d: {  	v20 =	vbroadcast v20, $0x0;
	_, v26, vm1 =	vpop (xrf1);
	[tilespmem:v24+s13+$0x0] =	vst.idx.msk vm0, v23;
	s22 =	sadd.s32 $0x40, s22  }
0x26e: {  	v8 =	vbroadcast v8, $0x0;
	_, v58, vm13 =	vpop (xrf1);
	[tilespmem:s22+$0x0] =	vst v9  }
0x26f: {  	v25 =	vmov s29;
	v15 =	vor.u32 v15, v16;
	[tilespmem:s22+$0xFFFFFFE0] =	vst v9;
	v11 =	vor.u32 v20, v11  }
0x270: {  	v25 =	vand.u32 $0xFFFFFFC0, v25;
	[tilespmem:s22+$0x10] =	vst v9;
	v21 =	vor.u32 v8, v21;
	v8 =	vmov s24  }
0x271: {  	[tilespmem:s22+$0xFFFFFFF0] =	vst v9;
	s22 =	sadd.s32 $0x40, s22;
	v57 =	vbroadcast v25, $0x0;
	v9 =	vand.u32 $0xFFFFFFC0, v8;
	v8 =	vimm.s32 $0x0  }
0x272: {  	_, v59, vm2 =	vpop (xrf1);
	[tilespmem:s22+$0x0] =	vst v8  }
0x273: {  	v17 =	vor.u32 v57, v17;
	_, v60, vm3 =	vpop (xrf1);
	[tilespmem:s22+$0xFFFFFFE0] =	vst v8  }
0x274: {  	v10 =	vbroadcast v10, $0x0;
	[tilespmem:v11+s13+$0x0] =	vst.idx.msk vm13, v58;
	_, v11, vm0 =	vpop (xrf1)  }
0x275: {  	v12 =	vor.u32 v18, v12;
	v9 =	vbroadcast v9, $0x0;
	[tilespmem:v15+s13+$0x0] =	vst.idx.msk vm1, v26;
	_, v15, vm1 =	vpop (xrf1)  }
0x276: {  	v61 =	vbroadcast v22, $0x0;
	v10 =	vor.u32 v10, v13;
	[tilespmem:s22+$0x10] =	vst v8;
	_, v62, vm14 =	vpop (xrf1)  }
0x277: {  	[tilespmem:s22+$0xFFFFFFF0] =	vst v8;
	v9 =	vor.u32 v9, v14;
	_, v63, vm15 =	vpop (xrf1)  }
0x278: {  	v16 =	vor.u32 v61, v19;
	[tilespmem:v17+s13+$0x0] =	vst.idx.msk vm2, v59  }
0x279: {  	p0 =	por $0x1, $0x1;
	[tilespmem:v21+s13+$0x0] =	vst.idx.msk vm3, v60  }
.Ltmp17:
0x27a: {  	[tilespmem:v12+s13+$0x0] =	vst.idx.msk vm0, v11;
	(pc) =	sbr.rel @!p0 .LBB2_29-.Ltmp17, $4  }
0x27b: {  	[tilespmem:v10+s13+$0x0] =	vst.idx.msk vm1, v15  }
0x27c: {  	[tilespmem:v9+s13+$0x0] =	vst.idx.msk vm14, v62  }
0x27d: {  	s31 =	simm.s32 $0x0;
	[tilespmem:v16+s13+$0x0] =	vst.idx.msk vm15, v63  }
0x27e: {  	v9 =	vld [tilespmem:s31+$0x8000];
	[tilespmem:s31+$0x8000] =	vst v8  }
.LBB2_28:
0x27f: {  	p0 =	sne.s32 s23, $0x7FC0  }
.Ltmp18:
0x280: {  	_ = 	snop;
	(pc) =	sbr.rel @p0 .LBB2_28-.Ltmp18, $3  }
0x281: {  	_ =	sdelay $0x1  }
0x282: {  	s22 =	sshra.s32 s23, $0x2;
	s23 =	sadd.s32 $0x40, s23;
	v8 =	vadd.s32 v8, v9  }
0x283: {  	v9 =	vld [tilespmem:s22+$0x8000];
	[tilespmem:s22+$0x8000] =	vst v8  }
.LBB2_29:
0x284: {  	s22 =	simm.s32 $0x20  }
0x285: {  	v21 =	vld [tilespmem:s22+$0x10]  }
0x286: {  	v26 =	vld [tilespmem:s22+$0xFFFFFFF0]  }
0x287: {  	v11 =	vld [tilespmem:s22+$0x0]  }
0x288: {  	v23 =	vld [tilespmem:s22+$0xFFFFFFE0];
	_ =	sdelay $0x2  }
0x289: {  	v10 =	vshrl.u32 v21, $0x10  }
0x28a: {  	v12 =	vshrl.u32 v26, $0x10;
	v13 =	vand.u32 $0xF, v10  }
0x28b: {  	s23 =	simm.s32 $0x60;
	v15 =	vand.u32 $0xF, v12;
	v10 =	vshrl.u32 v11, $0x10;
	v12 =	vshrl.u32 v23, $0x10;
	(xrf1) =	vunique.msk.u32 $0xffff, v13  }
0x28c: {  	v16 =	vand.u32 $0xF, v10;
	v17 =	vand.u32 $0xF, v12;
	v10 =	vadd.s32 v8, v9;
	v12 =	vld [tilespmem:s23+$0x10];
	(xrf1) =	vunique.msk.u32 $0xffff, v15  }
0x28d: {  	(xrf0) =	vadd.scan.msk.s32 $0xffff, v10  }
0x28e: {  	s22 =	simm.s32 $0x8020;
	(xrf1) =	vunique.msk.u32 $0xffff, v16  }
0x28f: {  	v19 =	vld [tilespmem:s22+$0x10];
	(xrf1) =	vunique.msk.u32 $0xffff, v17  }
0x290: {  	v20 =	vld [tilespmem:s22+$0xFFFFFFE0]  }
0x291: {  	v8 =	vld [tilespmem:s23+$0xFFFFFFF0];
	v14 =	vshrl.u32 v12, $0x10  }
0x292: {  	v22 =	vld [tilespmem:s22+$0xFFFFFFF0]  }
0x293: {  	v9 =	vld [tilespmem:s23+$0x0]  }
0x294: {  	v25 =	vld [tilespmem:s22+$0x0];
	v28 =	vand.u32 $0xF, v14;
	v14, _, _ =	vpop (xrf0)  }
0x295: {  	v10 =	vsub.s32 v14, v10;
	v14 =	vld [tilespmem:s23+$0xFFFFFFE0]  }
0x296: {  	v18 =	vshrl.u32 v8, $0x10;
	v19 =	vadd.s32 v10, v19  }
0x297: {  	v18 =	vand.u32 $0xF, v18;
	(xrf1) =	vunique.msk.u32 $0xffff, v28  }
0x298: {  	v24 =	vshrl.u32 v9, $0x10;
	(xrf1) =	vunique.msk.u32 $0xffff, v18;
	v20 =	vadd.s32 v10, v20  }
0x299: {  	s24 =	simm.s32 $0x2020;
	v13 =	vperm.xlane v19, v13;
	v17 =	vperm.xlane v20, v17;
	v20 =	vadd.s32 v10, v22  }
0x29a: {  	s25 =	simm.s32 $0xA0;
	v29 =	vld [tilespmem:s24+$0x10];
	v24 =	vand.u32 $0xF, v24;
	v22 =	vadd.s32 v10, v25;
	_, v19, _ =	vpop (xrf1);
	v31 =	vshrl.u32 v14, $0x10  }
0x29b: {  	v25 =	vperm.xlane v22, v16;
	v16 =	vld [tilespmem:s25+$0x0];
	(xrf1) =	vunique.msk.u32 $0xffff, v24;
	_, v27, _ =	vpop (xrf1);
	v19 =	vadd.s32 v19, v13;
	v31 =	vand.u32 $0xF, v31  }
0x29c: {  	v13 =	vld [tilespmem:s25+$0x10];
	_, v30, _ =	vpop (xrf1);
	v32 =	vadd.s32 $0xFFFFFFFF, v19;
	(xrf1) =	vunique.msk.u32 $0xffff, v31  }
0x29d: {  	s23 =	simm.s32 $0x8060;
	v19 =	vperm.xlane v20, v15;
	v15 =	vld [tilespmem:s25+$0xFFFFFFF0];
	_, v20, _ =	vpop (xrf1)  }
0x29e: {  	v33 =	vld [tilespmem:s23+$0x10];
	v17 =	vadd.s32 v20, v17  }
0x29f: {  	v19 =	vadd.s32 v27, v19;
	v22 =	vadd.s32 $0xFFFFFFFF, v17;
	v17 =	vld [tilespmem:s25+$0xFFFFFFE0]  }
0x2a0: {  	v20 =	vadd.s32 $0xFFFFFFFF, v19  }
0x2a1: {  	v35 =	vld [tilespmem:s23+$0xFFFFFFF0];
	v61 =	vshrl.u32 v16, $0x10;
	v19 =	vadd.s32 v30, v25;
	[tilespmem:v32+s14+$0x0] =	vst.idx.msk $0xffff, v21;
	v21 =	vshrl.u32 v13, $0x10  }
0x2a2: {  	v30 =	vld [tilespmem:s23+$0xFFFFFFE0];
	v19 =	vadd.s32 $0xFFFFFFFF, v19;
	v27 =	vshrl.u32 v15, $0x10;
	v25 =	vand.u32 $0xF, v21  }
0x2a3: {  	[tilespmem:v32+s15+$0x0] =	vst.idx.msk $0xffff, v29;
	v21 =	vand.u32 $0xF, v27;
	v29 =	vadd.s32 v10, v33;
	v27 =	vld [tilespmem:s24+$0xFFFFFFE0];
	(xrf1) =	vunique.msk.u32 $0xffff, v25  }
0x2a4: {  	v32 =	vld [tilespmem:s23+$0x0];
	[tilespmem:v22+s14+$0x0] =	vst.idx.msk $0xffff, v23;
	(xrf1) =	vunique.msk.u32 $0xffff, v21;
	v34 =	vshrl.u32 v17, $0x10;
	v23 =	vand.u32 $0xF, v61  }
0x2a5: {  	_, v62, _ =	vpop (xrf1);
	v29 =	vperm.xlane v29, v28;
	v28 =	vld [tilespmem:s24+$0xFFFFFFF0];
	[tilespmem:v20+s14+$0x0] =	vst.idx.msk $0xffff, v26;
	v26 =	vand.u32 $0xF, v34;
	(xrf1) =	vunique.msk.u32 $0xffff, v23  }
0x2a6: {  	_, v33, _ =	vpop (xrf1);
	(xrf1) =	vunique.msk.u32 $0xffff, v26  }
0x2a7: {  	v63 =	vadd.s32 v10, v30;
	v30 =	vld [tilespmem:s24+$0x0];
	s24 =	simm.s32 $0x2060;
	v36 =	vadd.s32 v62, v29  }
0x2a8: {  	s26 =	simm.s32 $0xE0;
	v35 =	vadd.s32 v10, v35;
	s25 =	simm.s32 $0x8;
	v34 =	vperm.xlane v63, v31;
	v29 =	vld [tilespmem:s24+$0x10];
	v31 =	vadd.s32 $0xFFFFFFFF, v36  }
.LBB2_30:
0x2a9: {  	v36 =	vld [tilespmem:s26+$0x10];
	v40 =	vperm.xlane v35, v18;
	v39 =	vadd.s32 v10, v32;
	_, v35, _ =	vpop (xrf1);
	[tilespmem:v19+s14+$0x0] =	vst.idx.msk $0xffff, v11;
	v11 =	vmov v9  }
0x2aa: {  	s25 =	sadd.s32 $0x4, s25;
	s23 =	sadd.s32 $0x40, s23;
	v9 =	vmov v16;
	v38 =	vmov v17;
	v37 =	vld [tilespmem:s26+$0xFFFFFFF0];
	v39 =	vperm.xlane v39, v24;
	_, v32, _ =	vpop (xrf1);
	[tilespmem:v22+s15+$0x0] =	vst.idx.msk $0xffff, v27  }
0x2ab: {  	p0 =	slt.u32 s25, $0x1FC;
	v27 =	vld [tilespmem:s23+$0x10];
	v17 =	vadd.s32 v32, v34;
	v32 =	vadd.s32 v33, v40;
	[tilespmem:v20+s15+$0x0] =	vst.idx.msk $0xffff, v28;
	v28 =	vmov v25  }
0x2ac: {  	v18 =	vmovc v21;
	v16 =	vld [tilespmem:s26+$0x0];
	v22 =	vadd.s32 $0xFFFFFFFF, v17;
	v20 =	vadd.s32 $0xFFFFFFFF, v32;
	v25 =	vadd.s32 v35, v39;
	[tilespmem:v19+s15+$0x0] =	vst.idx.msk $0xffff, v30  }
0x2ad: {  	v24 =	vmovc v23;
	v34 =	vmov v26;
	v17 =	vld [tilespmem:s26+$0xFFFFFFE0];
	v19 =	vadd.s32 $0xFFFFFFFF, v25;
	[tilespmem:v31+s14+$0x0] =	vst.idx.msk $0xffff, v12;
	v12 =	vmov v13  }
0x2ae: {  	v21 =	vshrl.u32 v36, $0x10;
	v30 =	vld [tilespmem:s23+$0xFFFFFFE0];
	[tilespmem:v31+s15+$0x0] =	vst.idx.msk $0xffff, v29;
	v13 =	vmov v36  }
0x2af: {  	v23 =	vshrl.u32 v37, $0x10;
	v25 =	vand.u32 $0xF, v21;
	v29 =	vld [tilespmem:s23+$0xFFFFFFF0]  }
.Ltmp19:
0x2b0: {  	v21 =	vand.u32 $0xF, v23;
	(xrf1) =	vunique.msk.u32 $0xffff, v25;
	v32 =	vld [tilespmem:s23+$0x0];
	v23 =	vadd.s32 v10, v27;
	(pc) =	sbr.rel @p0 .LBB2_30-.Ltmp19, $4  }
0x2b1: {  	v26 =	vshrl.u32 v16, $0x10;
	(xrf1) =	vunique.msk.u32 $0xffff, v21;
	v31 =	vperm.xlane v23, v28;
	v27 =	vld [tilespmem:s24+$0xFFFFFFE0];
	[tilespmem:v22+s14+$0x0] =	vst.idx.msk $0xffff, v14;
	v14 =	vmovc v38  }
0x2b2: {  	v36 =	vshrl.u32 v17, $0x10;
	v23 =	vand.u32 $0xF, v26;
	_, v35, _ =	vpop (xrf1);
	v28 =	vld [tilespmem:s24+$0xFFFFFFF0];
	[tilespmem:v20+s14+$0x0] =	vst.idx.msk $0xffff, v8;
	v8 =	vmov v15  }
0x2b3: {  	v26 =	vand.u32 $0xF, v36;
	(xrf1) =	vunique.msk.u32 $0xffff, v23;
	v36 =	vadd.s32 v10, v30;
	v31 =	vadd.s32 v35, v31;
	_, v33, _ =	vpop (xrf1);
	v30 =	vld [tilespmem:s24+$0x0];
	s24 =	sadd.s32 $0x40, s24  }
0x2b4: {  	s26 =	sadd.s32 $0x40, s26;
	v15 =	vmovc v37;
	(xrf1) =	vunique.msk.u32 $0xffff, v26;
	v34 =	vperm.xlane v36, v34;
	v35 =	vadd.s32 v10, v29;
	v29 =	vld [tilespmem:s24+$0x10];
	v31 =	vadd.s32 $0xFFFFFFFF, v31  }
0x2b5: {  	_ =	sdelay $0x1  }
0x2b6: {  	s23 =	sadd.s32 $0x40, s23  }
0x2b7: {  	_, v36, _ =	vpop (xrf1);
	v37 =	vld [tilespmem:s23+$0x10]  }
0x2b8: {  	v18 =	vperm.xlane v35, v18;
	[tilespmem:v19+s14+$0x0] =	vst.idx.msk $0xffff, v11;
	v32 =	vadd.s32 v10, v32;
	_, v57, _ =	vpop (xrf1)  }
0x2b9: {  	v24 =	vperm.xlane v32, v24;
	[tilespmem:v22+s15+$0x0] =	vst.idx.msk $0xffff, v27;
	v22 =	vld [tilespmem:s23+$0xFFFFFFE0];
	v11 =	vadd.s32 v57, v34  }
0x2ba: {  	v18 =	vadd.s32 v33, v18;
	[tilespmem:v20+s15+$0x0] =	vst.idx.msk $0xffff, v28;
	v20 =	vld [tilespmem:s23+$0xFFFFFFF0];
	v11 =	vadd.s32 $0xFFFFFFFF, v11  }
0x2bb: {  	v18 =	vadd.s32 $0xFFFFFFFF, v18;
	v24 =	vadd.s32 v36, v24;
	[tilespmem:v19+s15+$0x0] =	vst.idx.msk $0xffff, v30;
	v19 =	vld [tilespmem:s23+$0x0]  }
0x2bc: {  	[tilespmem:v31+s14+$0x0] =	vst.idx.msk $0xffff, v12;
	v24 =	vadd.s32 $0xFFFFFFFF, v24;
	v12 =	vadd.s32 v10, v37  }
0x2bd: {  	v12 =	vperm.xlane v12, v25;
	v25 =	vld [tilespmem:s24+$0xFFFFFFE0]  }
0x2be: {  	v22 =	vadd.s32 v10, v22;
	_, v27, _ =	vpop (xrf1)  }
0x2bf: {  	v20 =	vadd.s32 v10, v20;
	[tilespmem:v11+s14+$0x0] =	vst.idx.msk $0xffff, v14;
	v14 =	vld [tilespmem:s24+$0xFFFFFFF0];
	v12 =	vadd.s32 v27, v12  }
0x2c0: {  	[tilespmem:v18+s14+$0x0] =	vst.idx.msk $0xffff, v8;
	v10 =	vadd.s32 v10, v19;
	v27 =	vld [tilespmem:s24+$0x0];
	v8 =	vadd.s32 $0xFFFFFFFF, v12;
	v12 =	vperm.xlane v20, v21  }
0x2c1: {  	s25 =	sadd.s32 $0x40, s24;
	_, v58, _ =	vpop (xrf1);
	[tilespmem:v24+s14+$0x0] =	vst.idx.msk $0xffff, v9;
	v9 =	vperm.xlane v10, v23  }
0x2c2: {  	v22 =	vperm.xlane v22, v26;
	v20 =	vld [tilespmem:s25+$0x10];
	_, v26, _ =	vpop (xrf1);
	[tilespmem:v11+s15+$0x0] =	vst.idx.msk $0xffff, v25;
	v11 =	vadd.s32 v58, v12  }
0x2c3: {  	[tilespmem:v31+s15+$0x0] =	vst.idx.msk $0xffff, v29;
	_, v19, _ =	vpop (xrf1);
	v9 =	vadd.s32 v26, v9;
	v11 =	vadd.s32 $0xFFFFFFFF, v11  }
0x2c4: {  	[tilespmem:v18+s15+$0x0] =	vst.idx.msk $0xffff, v14;
	v10 =	vadd.s32 v19, v22;
	v9 =	vadd.s32 $0xFFFFFFFF, v9  }
0x2c5: {  	v10 =	vadd.s32 $0xFFFFFFFF, v10;
	[tilespmem:v24+s15+$0x0] =	vst.idx.msk $0xffff, v27  }
0x2c6: {  	v12 =	vld [tilespmem:s25+$0xFFFFFFE0];
	[tilespmem:v8+s14+$0x0] =	vst.idx.msk $0xffff, v13  }
0x2c7: {  	v13 =	vld [tilespmem:s25+$0x0];
	[tilespmem:v8+s15+$0x0] =	vst.idx.msk $0xffff, v20  }
0x2c8: {  	v8 =	vld [tilespmem:s25+$0xFFFFFFF0];
	[tilespmem:v11+s14+$0x0] =	vst.idx.msk $0xffff, v15  }
0x2c9: {  	[tilespmem:v9+s14+$0x0] =	vst.idx.msk $0xffff, v16  }
0x2ca: {  	[tilespmem:v10+s14+$0x0] =	vst.idx.msk $0xffff, v17  }
0x2cb: {  	[tilespmem:v10+s15+$0x0] =	vst.idx.msk $0xffff, v12  }
0x2cc: {  	[tilespmem:v9+s15+$0x0] =	vst.idx.msk $0xffff, v13  }
0x2cd: {  	s26 =	simm.s32 $0x4020;
	[tilespmem:v11+s15+$0x0] =	vst.idx.msk $0xffff, v8  }
0x2ce: {  	v8 =	vld [tilespmem:s26+$0xFFFFFFF0]  }
0x2cf: {  	v9 =	vld [tilespmem:s26+$0x10];
	_ =	sdelay $0x3  }
0x2d0: {  	v8 =	vshrl.u32 v8, $0x14  }
0x2d1: {  	v10 =	vld [tilespmem:s26+$0xFFFFFFE0];
	v12 =	vand.u32 $0xF, v8;
	v8 =	vshrl.u32 v9, $0x14  }
0x2d2: {  	v13 =	vand.u32 $0xF, v8;
	v8 =	vld [tilespmem:s26+$0x0]  }
0x2d3: {  	(xrf1) =	vunique.msk.u32 $0xffff, v12;
	_ =	sdelay $0x2  }
0x2d4: {  	v9 =	vshrl.u32 v10, $0x14  }
0x2d5: {  	s31 =	simm.s32 $0x10;
	s23 =	simm.s32 $0x4060;
	v15 =	vand.u32 $0xF, v9;
	(xrf1) =	vunique.msk.u32 $0xffff, v13;
	v8 =	vshrl.u32 v8, $0x14  }
0x2d6: {  	s24 =	simm.s32 $0x0;
	v14 =	vmov s31;
	v9 =	vld [tilespmem:s23+$0xFFFFFFF0];
	(xrf1) =	vunique.msk.u32 $0xffff, v15;
	v20 =	vand.u32 $0xF, v8  }
0x2d7: {  	s31 =	simm.s32 $0x60;
	v14 =	vand.u32 $0xFFFFFFD0, v14;
	v24 =	vmov s24;
	v11 =	vld [tilespmem:s23+$0x10];
	(xrf1) =	vunique.msk.u32 $0xffff, v20  }
0x2d8: {  	s30 =	simm.s32 $0x30;
	v23 =	vbroadcast v14, $0x0;
	v14 =	vmov s31;
	v24 =	vand.u32 $0xFFFFFFC0, v24;
	s25 =	simm.s32 $0x20;
	v19 =	vld [tilespmem:s23+$0x0];
	s26 =	simm.s32 $0x70  }
0x2d9: {  	v16 =	vmov s25;
	v17 =	vld [tilespmem:s23+$0xFFFFFFE0];
	v10 =	vmov s30;
	s30 =	simm.s32 $0x50;
	v8 =	vmov s26  }
0x2da: {  	v22 =	vand.u32 $0xFFFFFFE0, v16;
	v18 =	vand.u32 $0xFFFFFFF0, v8;
	v8 =	vmov s30  }
0x2db: {  	v9 =	vshrl.u32 v9, $0x14;
	v16 =	vand.u32 $0xFFFFFFD0, v8;
	v8 =	vand.u32 $0xFFFFFFE0, v14  }
0x2dc: {  	s25 =	simm.s32 $0x40A0;
	v14 =	vbroadcast v16, $0x0;
	v16 =	vand.u32 $0xF, v9;
	v9 =	vshrl.u32 v11, $0x14  }
0x2dd: {  	v10 =	vand.u32 $0xFFFFFFF0, v10;
	v11 =	vand.u32 $0xF, v9;
	v9 =	vshrl.u32 v19, $0x14;
	v19 =	vld [tilespmem:s25+$0xFFFFFFF0]  }
0x2de: {  	v24 =	vbroadcast v24, $0x0;
	v25 =	vld [tilespmem:s25+$0x10];
	v17 =	vshrl.u32 v17, $0x14;
	v26 =	vbroadcast v10, $0x0;
	(xrf1) =	vunique.msk.u32 $0xffff, v16  }
0x2df: {  	s31 =	simm.s32 $0xA0;
	v61 =	vbroadcast v22, $0x0;
	v59 =	vld [tilespmem:s25+$0xFFFFFFE0];
	v17 =	vand.u32 $0xF, v17;
	v23 =	vor.u32 v23, v12;
	(xrf1) =	vunique.msk.u32 $0xffff, v11;
	_, v27, vm0 =	vpop (xrf1)  }
0x2e0: {  	v26 =	vor.u32 v26, v13;
	v13 =	vmov s31;
	s30 =	simm.s32 $0x90;
	v21 =	vand.u32 $0xF, v9;
	(xrf1) =	vunique.msk.u32 $0xffff, v17  }
0x2e1: {  	v63 =	vor.u32 v24, v15;
	v22 =	vand.u32 $0xFFFFFFE0, v13;
	v12 =	vmov s30;
	(xrf1) =	vunique.msk.u32 $0xffff, v21  }
0x2e2: {  	v12 =	vand.u32 $0xFFFFFFD0, v12;
	v9 =	vimm.s32 $0x0;
	v13 =	vshrl.u32 v19, $0x14  }
0x2e3: {  	_, v60, vm1 =	vpop (xrf1);
	v19 =	vbroadcast v12, $0x0;
	v12 =	vand.u32 $0xF, v13;
	v13 =	vshrl.u32 v25, $0x14  }
0x2e4: {  	v31 =	vld [tilespmem:s25+$0x0];
	v15 =	vshrl.u32 v59, $0x14;
	[tilespmem:s22+$0xFFFFFFF0] =	vst v9;
	_, v62, vm2 =	vpop (xrf1);
	v13 =	vand.u32 $0xF, v13;
	(xrf1) =	vunique.msk.u32 $0xffff, v12  }
0x2e5: {  	v15 =	vand.u32 $0xF, v15;
	(xrf1) =	vunique.msk.u32 $0xffff, v13;
	[tilespmem:v23+s13+$0x0] =	vst.idx.msk vm0, v27;
	_, v23, vm0 =	vpop (xrf1)  }
0x2e6: {  	v24 =	vor.u32 v61, v20;
	[tilespmem:s22+$0x0] =	vst v9;
	(xrf1) =	vunique.msk.u32 $0xffff, v15  }
0x2e7: {  	[tilespmem:s22+$0xFFFFFFE0] =	vst v9  }
0x2e8: {  	s26 =	simm.s32 $0xB0;
	[tilespmem:s22+$0x10] =	vst v9  }
0x2e9: {  	s28 =	simm.s32 $0x40E0;
	s29 =	simm.s32 $0x40;
	s24 =	simm.s32 $0x80;
	v10 =	vmov s26;
	v25 =	vshrl.u32 v31, $0x14;
	[tilespmem:v26+s13+$0x0] =	vst.idx.msk vm1, v60  }
0x2ea: {  	s23 =	simm.s32 $0x40;
	s26 =	simm.s32 $0xC0;
	v10 =	vand.u32 $0xFFFFFFF0, v10;
	s25 =	simm.s32 $0x8;
	v20 =	vand.u32 $0xF, v25;
	[tilespmem:v63+s13+$0x0] =	vst.idx.msk vm2, v62  }
.LBB2_32:
0x2eb: {  	v25 =	vld [tilespmem:s28+$0xFFFFFFF0];
	s30 =	sadd.s32 $0x30, s26;
	s25 =	sadd.s32 $0x4, s25;
	(xrf1) =	vunique.msk.u32 $0xffff, v20;
	v29 =	vmov s29;
	v27 =	vbroadcast v8, $0x0;
	[tilespmem:v24+s13+$0x0] =	vst.idx.msk vm0, v23;
	s22 =	sadd.s32 $0x40, s22;
	v8 =	vmovc v22  }
0x2ec: {  	v18 =	vbroadcast v18, $0x0;
	s29 =	smov.u32 s24;
	s24 =	smov.u32 s26;
	v28 =	vld [tilespmem:s28+$0x10];
	v22 =	vmov s30;
	p0 =	slt.u32 s25, $0x1FC;
	v38 =	vand.u32 $0xFFFFFFC0, v29;
	_, v26, vm1 =	vpop (xrf1)  }
0x2ed: {  	s31 =	sadd.s32 $0x20, s26;
	v31 =	vor.u32 v14, v16;
	s30 =	sadd.s32 $0x10, s26;
	v29 =	vld [tilespmem:s28+$0xFFFFFFE0];
	v30 =	vand.u32 $0xFFFFFFF0, v22;
	v24 =	vbroadcast v38, $0x0;
	_, v32, vm3 =	vpop (xrf1)  }
0x2ee: {  	v16 =	vmov s31;
	v14 =	vmov s30;
	v34 =	vor.u32 v18, v11;
	v33 =	vld [tilespmem:s28+$0x0];
	[tilespmem:s22+$0x0] =	vst v9;
	_, v35, vm2 =	vpop (xrf1)  }
0x2ef: {  	v22 =	vand.u32 $0xFFFFFFE0, v16;
	v37 =	vand.u32 $0xFFFFFFD0, v14;
	[tilespmem:s22+$0xFFFFFFE0] =	vst v9;
	v36 =	vor.u32 v24, v17;
	_, v23, vm0 =	vpop (xrf1)  }
.Ltmp20:
0x2f0: {  	v24 =	vor.u32 v27, v21;
	v18 =	vmovc v10;
	v10 =	vmovc v30;
	v17 =	vshrl.u32 v25, $0x14;
	v25 =	vbroadcast v37, $0x0;
	[tilespmem:s22+$0x10] =	vst v9;
	(pc) =	sbr.rel @p0 .LBB2_32-.Ltmp20, $4  }
0x2f1: {  	v11 =	vmovc v13;
	v16 =	vmovc v12;
	v14 =	vmov v19;
	v21 =	vshrl.u32 v28, $0x14;
	[tilespmem:s22+$0xFFFFFFF0] =	vst v9;
	v12 =	vand.u32 $0xF, v17  }
0x2f2: {  	v27 =	vshrl.u32 v29, $0x14;
	v13 =	vand.u32 $0xF, v21;
	(xrf1) =	vunique.msk.u32 $0xffff, v12;
	[tilespmem:v31+s13+$0x0] =	vst.idx.msk vm1, v26;
	v19 =	vmovc v25  }
0x2f3: {  	v25 =	vshrl.u32 v33, $0x14;
	(xrf1) =	vunique.msk.u32 $0xffff, v13;
	[tilespmem:v34+s13+$0x0] =	vst.idx.msk vm3, v32;
	v17 =	vmovc v15;
	v15 =	vand.u32 $0xF, v27  }
0x2f4: {  	s26 =	sadd.s32 $0x40, s26;
	s28 =	sadd.s32 $0x40, s28;
	(xrf1) =	vunique.msk.u32 $0xffff, v15;
	[tilespmem:v36+s13+$0x0] =	vst.idx.msk vm2, v35;
	v21 =	vmov v20;
	v20 =	vand.u32 $0xF, v25  }
0x2f5: {  	_ = 	snop  }
0x2f6: {  	(xrf1) =	vunique.msk.u32 $0xffff, v20;
	_ =	sdelay $0x3  }
0x2f7: {  	v18 =	vbroadcast v18, $0x0;
	_, v26, vm1 =	vpop (xrf1);
	[tilespmem:v24+s13+$0x0] =	vst.idx.msk vm0, v23;
	s22 =	sadd.s32 $0x40, s22  }
0x2f8: {  	v8 =	vbroadcast v8, $0x0;
	_, v58, vm13 =	vpop (xrf1);
	[tilespmem:s22+$0x0] =	vst v9  }
0x2f9: {  	v25 =	vmov s29;
	v14 =	vor.u32 v14, v16;
	[tilespmem:s22+$0xFFFFFFE0] =	vst v9;
	v11 =	vor.u32 v18, v11  }
0x2fa: {  	v25 =	vand.u32 $0xFFFFFFC0, v25;
	[tilespmem:s22+$0x10] =	vst v9;
	v21 =	vor.u32 v8, v21;
	v8 =	vmov s24  }
0x2fb: {  	[tilespmem:s22+$0xFFFFFFF0] =	vst v9;
	s22 =	sadd.s32 $0x40, s22;
	v57 =	vbroadcast v25, $0x0;
	v9 =	vand.u32 $0xFFFFFFC0, v8;
	v8 =	vimm.s32 $0x0  }
0x2fc: {  	_, v59, vm2 =	vpop (xrf1);
	[tilespmem:s22+$0x0] =	vst v8  }
0x2fd: {  	v17 =	vor.u32 v57, v17;
	_, v60, vm3 =	vpop (xrf1);
	[tilespmem:s22+$0xFFFFFFE0] =	vst v8  }
0x2fe: {  	v10 =	vbroadcast v10, $0x0;
	[tilespmem:v11+s13+$0x0] =	vst.idx.msk vm13, v58;
	_, v11, vm0 =	vpop (xrf1)  }
0x2ff: {  	v12 =	vor.u32 v19, v12;
	v9 =	vbroadcast v9, $0x0;
	[tilespmem:v14+s13+$0x0] =	vst.idx.msk vm1, v26;
	_, v14, vm1 =	vpop (xrf1)  }
0x300: {  	v61 =	vbroadcast v22, $0x0;
	v10 =	vor.u32 v10, v13;
	[tilespmem:s22+$0x10] =	vst v8;
	_, v62, vm14 =	vpop (xrf1)  }
0x301: {  	[tilespmem:s22+$0xFFFFFFF0] =	vst v8;
	v9 =	vor.u32 v9, v15;
	_, v63, vm15 =	vpop (xrf1)  }
0x302: {  	v16 =	vor.u32 v61, v20;
	[tilespmem:v17+s13+$0x0] =	vst.idx.msk vm2, v59  }
0x303: {  	p0 =	por $0x1, $0x1;
	[tilespmem:v21+s13+$0x0] =	vst.idx.msk vm3, v60  }
.Ltmp21:
0x304: {  	[tilespmem:v12+s13+$0x0] =	vst.idx.msk vm0, v11;
	(pc) =	sbr.rel @!p0 .LBB2_35-.Ltmp21, $4  }
0x305: {  	[tilespmem:v10+s13+$0x0] =	vst.idx.msk vm1, v14  }
0x306: {  	[tilespmem:v9+s13+$0x0] =	vst.idx.msk vm14, v62  }
0x307: {  	s31 =	simm.s32 $0x0;
	[tilespmem:v16+s13+$0x0] =	vst.idx.msk vm15, v63  }
0x308: {  	v9 =	vld [tilespmem:s31+$0x8000];
	[tilespmem:s31+$0x8000] =	vst v8  }
.LBB2_34:
0x309: {  	p0 =	sne.s32 s23, $0x7FC0  }
.Ltmp22:
0x30a: {  	_ = 	snop;
	(pc) =	sbr.rel @p0 .LBB2_34-.Ltmp22, $3  }
0x30b: {  	_ =	sdelay $0x1  }
0x30c: {  	s22 =	sshra.s32 s23, $0x2;
	s23 =	sadd.s32 $0x40, s23;
	v8 =	vadd.s32 v8, v9  }
0x30d: {  	v9 =	vld [tilespmem:s22+$0x8000];
	[tilespmem:s22+$0x8000] =	vst v8  }
.LBB2_35:
0x30e: {  	s22 =	simm.s32 $0x4020  }
0x30f: {  	v21 =	vld [tilespmem:s22+$0x10]  }
0x310: {  	v26 =	vld [tilespmem:s22+$0xFFFFFFF0]  }
0x311: {  	v11 =	vld [tilespmem:s22+$0x0]  }
0x312: {  	v23 =	vld [tilespmem:s22+$0xFFFFFFE0];
	_ =	sdelay $0x2  }
0x313: {  	v10 =	vshrl.u32 v21, $0x14  }
0x314: {  	v12 =	vshrl.u32 v26, $0x14;
	v13 =	vand.u32 $0xF, v10  }
0x315: {  	s23 =	simm.s32 $0x4060;
	v15 =	vand.u32 $0xF, v12;
	v10 =	vshrl.u32 v11, $0x14;
	v12 =	vshrl.u32 v23, $0x14;
	(xrf1) =	vunique.msk.u32 $0xffff, v13  }
0x316: {  	v16 =	vand.u32 $0xF, v10;
	v17 =	vand.u32 $0xF, v12;
	v10 =	vadd.s32 v8, v9;
	v12 =	vld [tilespmem:s23+$0x10];
	(xrf1) =	vunique.msk.u32 $0xffff, v15  }
0x317: {  	(xrf0) =	vadd.scan.msk.s32 $0xffff, v10  }
0x318: {  	s22 =	simm.s32 $0x8020;
	(xrf1) =	vunique.msk.u32 $0xffff, v16  }
0x319: {  	v19 =	vld [tilespmem:s22+$0x10];
	(xrf1) =	vunique.msk.u32 $0xffff, v17  }
0x31a: {  	v20 =	vld [tilespmem:s22+$0xFFFFFFE0]  }
0x31b: {  	v8 =	vld [tilespmem:s23+$0xFFFFFFF0];
	v14 =	vshrl.u32 v12, $0x14  }
0x31c: {  	v22 =	vld [tilespmem:s22+$0xFFFFFFF0]  }
0x31d: {  	v9 =	vld [tilespmem:s23+$0x0]  }
0x31e: {  	v25 =	vld [tilespmem:s22+$0x0];
	v28 =	vand.u32 $0xF, v14;
	v14, _, _ =	vpop (xrf0)  }
0x31f: {  	v10 =	vsub.s32 v14, v10;
	v14 =	vld [tilespmem:s23+$0xFFFFFFE0]  }
0x320: {  	v18 =	vshrl.u32 v8, $0x14;
	v19 =	vadd.s32 v10, v19  }
0x321: {  	v18 =	vand.u32 $0xF, v18;
	(xrf1) =	vunique.msk.u32 $0xffff, v28  }
0x322: {  	v24 =	vshrl.u32 v9, $0x14;
	(xrf1) =	vunique.msk.u32 $0xffff, v18;
	v20 =	vadd.s32 v10, v20  }
0x323: {  	s24 =	simm.s32 $0x6020;
	v13 =	vperm.xlane v19, v13;
	v17 =	vperm.xlane v20, v17;
	v20 =	vadd.s32 v10, v22  }
0x324: {  	s25 =	simm.s32 $0x40A0;
	v29 =	vld [tilespmem:s24+$0x10];
	v24 =	vand.u32 $0xF, v24;
	v22 =	vadd.s32 v10, v25;
	_, v19, _ =	vpop (xrf1);
	v31 =	vshrl.u32 v14, $0x14  }
0x325: {  	v25 =	vperm.xlane v22, v16;
	v16 =	vld [tilespmem:s25+$0x0];
	(xrf1) =	vunique.msk.u32 $0xffff, v24;
	_, v27, _ =	vpop (xrf1);
	v19 =	vadd.s32 v19, v13;
	v31 =	vand.u32 $0xF, v31  }
0x326: {  	v13 =	vld [tilespmem:s25+$0x10];
	_, v30, _ =	vpop (xrf1);
	v32 =	vadd.s32 $0xFFFFFFFF, v19;
	(xrf1) =	vunique.msk.u32 $0xffff, v31  }
0x327: {  	s23 =	simm.s32 $0x8060;
	v19 =	vperm.xlane v20, v15;
	v15 =	vld [tilespmem:s25+$0xFFFFFFF0];
	_, v20, _ =	vpop (xrf1)  }
0x328: {  	v33 =	vld [tilespmem:s23+$0x10];
	v17 =	vadd.s32 v20, v17  }
0x329: {  	v19 =	vadd.s32 v27, v19;
	v22 =	vadd.s32 $0xFFFFFFFF, v17;
	v17 =	vld [tilespmem:s25+$0xFFFFFFE0]  }
0x32a: {  	v20 =	vadd.s32 $0xFFFFFFFF, v19;
	s25 =	simm.s32 $0x0  }
0x32b: {  	v35 =	vld [tilespmem:s23+$0xFFFFFFF0];
	v61 =	vshrl.u32 v16, $0x14;
	v19 =	vadd.s32 v30, v25;
	[tilespmem:v32+s25+$0x0] =	vst.idx.msk $0xffff, v21;
	v21 =	vshrl.u32 v13, $0x14  }
0x32c: {  	v30 =	vld [tilespmem:s23+$0xFFFFFFE0];
	v19 =	vadd.s32 $0xFFFFFFFF, v19;
	v27 =	vshrl.u32 v15, $0x14;
	v25 =	vand.u32 $0xF, v21  }
0x32d: {  	[tilespmem:v32+s11+$0x0] =	vst.idx.msk $0xffff, v29;
	v21 =	vand.u32 $0xF, v27;
	v29 =	vadd.s32 v10, v33;
	v27 =	vld [tilespmem:s24+$0xFFFFFFE0];
	(xrf1) =	vunique.msk.u32 $0xffff, v25  }
0x32e: {  	v32 =	vld [tilespmem:s23+$0x0];
	[tilespmem:v22+s25+$0x0] =	vst.idx.msk $0xffff, v23;
	(xrf1) =	vunique.msk.u32 $0xffff, v21;
	v34 =	vshrl.u32 v17, $0x14;
	v23 =	vand.u32 $0xF, v61  }
0x32f: {  	_, v62, _ =	vpop (xrf1);
	v29 =	vperm.xlane v29, v28;
	v28 =	vld [tilespmem:s24+$0xFFFFFFF0];
	[tilespmem:v20+s25+$0x0] =	vst.idx.msk $0xffff, v26;
	v26 =	vand.u32 $0xF, v34;
	(xrf1) =	vunique.msk.u32 $0xffff, v23  }
0x330: {  	_, v33, _ =	vpop (xrf1);
	(xrf1) =	vunique.msk.u32 $0xffff, v26  }
0x331: {  	v63 =	vadd.s32 v10, v30;
	v30 =	vld [tilespmem:s24+$0x0];
	s24 =	simm.s32 $0x6060;
	v36 =	vadd.s32 v62, v29  }
0x332: {  	s26 =	simm.s32 $0x8;
	s28 =	simm.s32 $0x40E0;
	v35 =	vadd.s32 v10, v35;
	v34 =	vperm.xlane v63, v31;
	v29 =	vld [tilespmem:s24+$0x10];
	v31 =	vadd.s32 $0xFFFFFFFF, v36  }
.LBB2_36:
0x333: {  	v36 =	vld [tilespmem:s28+$0x10];
	v40 =	vperm.xlane v35, v18;
	v39 =	vadd.s32 v10, v32;
	_, v35, _ =	vpop (xrf1);
	[tilespmem:v19+s25+$0x0] =	vst.idx.msk $0xffff, v11;
	v11 =	vmov v9  }
0x334: {  	s26 =	sadd.s32 $0x4, s26;
	s23 =	sadd.s32 $0x40, s23;
	v9 =	vmov v16;
	v38 =	vmov v17;
	v37 =	vld [tilespmem:s28+$0xFFFFFFF0];
	v39 =	vperm.xlane v39, v24;
	_, v32, _ =	vpop (xrf1);
	[tilespmem:v22+s11+$0x0] =	vst.idx.msk $0xffff, v27  }
0x335: {  	p0 =	slt.u32 s26, $0x1FC;
	v27 =	vld [tilespmem:s23+$0x10];
	v17 =	vadd.s32 v32, v34;
	v32 =	vadd.s32 v33, v40;
	[tilespmem:v20+s11+$0x0] =	vst.idx.msk $0xffff, v28;
	v28 =	vmov v25  }
0x336: {  	v18 =	vmovc v21;
	v16 =	vld [tilespmem:s28+$0x0];
	v22 =	vadd.s32 $0xFFFFFFFF, v17;
	v20 =	vadd.s32 $0xFFFFFFFF, v32;
	v25 =	vadd.s32 v35, v39;
	[tilespmem:v19+s11+$0x0] =	vst.idx.msk $0xffff, v30  }
0x337: {  	v24 =	vmovc v23;
	v34 =	vmov v26;
	v17 =	vld [tilespmem:s28+$0xFFFFFFE0];
	v19 =	vadd.s32 $0xFFFFFFFF, v25;
	[tilespmem:v31+s25+$0x0] =	vst.idx.msk $0xffff, v12;
	v12 =	vmov v13  }
0x338: {  	v21 =	vshrl.u32 v36, $0x14;
	v30 =	vld [tilespmem:s23+$0xFFFFFFE0];
	[tilespmem:v31+s11+$0x0] =	vst.idx.msk $0xffff, v29;
	v13 =	vmov v36  }
0x339: {  	v23 =	vshrl.u32 v37, $0x14;
	v25 =	vand.u32 $0xF, v21;
	v29 =	vld [tilespmem:s23+$0xFFFFFFF0]  }
.Ltmp23:
0x33a: {  	v21 =	vand.u32 $0xF, v23;
	(xrf1) =	vunique.msk.u32 $0xffff, v25;
	v32 =	vld [tilespmem:s23+$0x0];
	v23 =	vadd.s32 v10, v27;
	(pc) =	sbr.rel @p0 .LBB2_36-.Ltmp23, $4  }
0x33b: {  	v26 =	vshrl.u32 v16, $0x14;
	(xrf1) =	vunique.msk.u32 $0xffff, v21;
	v31 =	vperm.xlane v23, v28;
	v27 =	vld [tilespmem:s24+$0xFFFFFFE0];
	[tilespmem:v22+s25+$0x0] =	vst.idx.msk $0xffff, v14;
	v14 =	vmovc v38  }
0x33c: {  	v36 =	vshrl.u32 v17, $0x14;
	v23 =	vand.u32 $0xF, v26;
	_, v35, _ =	vpop (xrf1);
	v28 =	vld [tilespmem:s24+$0xFFFFFFF0];
	[tilespmem:v20+s25+$0x0] =	vst.idx.msk $0xffff, v8;
	v8 =	vmov v15  }
0x33d: {  	v26 =	vand.u32 $0xF, v36;
	(xrf1) =	vunique.msk.u32 $0xffff, v23;
	v36 =	vadd.s32 v10, v30;
	v31 =	vadd.s32 v35, v31;
	_, v33, _ =	vpop (xrf1);
	v30 =	vld [tilespmem:s24+$0x0];
	s24 =	sadd.s32 $0x40, s24  }
0x33e: {  	s28 =	sadd.s32 $0x40, s28;
	v15 =	vmovc v37;
	(xrf1) =	vunique.msk.u32 $0xffff, v26;
	v34 =	vperm.xlane v36, v34;
	v35 =	vadd.s32 v10, v29;
	v29 =	vld [tilespmem:s24+$0x10];
	v31 =	vadd.s32 $0xFFFFFFFF, v31  }
0x33f: {  	_ =	sdelay $0x1  }
0x340: {  	s26 =	sadd.s32 $0x40, s23  }
0x341: {  	_, v36, _ =	vpop (xrf1);
	v37 =	vld [tilespmem:s26+$0x10]  }
0x342: {  	v18 =	vperm.xlane v35, v18;
	[tilespmem:v19+s25+$0x0] =	vst.idx.msk $0xffff, v11;
	v32 =	vadd.s32 v10, v32;
	_, v57, _ =	vpop (xrf1)  }
0x343: {  	v24 =	vperm.xlane v32, v24;
	[tilespmem:v22+s11+$0x0] =	vst.idx.msk $0xffff, v27;
	v22 =	vld [tilespmem:s26+$0xFFFFFFE0];
	v11 =	vadd.s32 v57, v34  }
0x344: {  	v18 =	vadd.s32 v33, v18;
	[tilespmem:v20+s11+$0x0] =	vst.idx.msk $0xffff, v28;
	v20 =	vld [tilespmem:s26+$0xFFFFFFF0];
	v11 =	vadd.s32 $0xFFFFFFFF, v11  }
0x345: {  	s23 =	simm.s32 $0x0;
	v18 =	vadd.s32 $0xFFFFFFFF, v18;
	v24 =	vadd.s32 v36, v24;
	[tilespmem:v19+s11+$0x0] =	vst.idx.msk $0xffff, v30;
	v19 =	vld [tilespmem:s26+$0x0]  }
0x346: {  	[tilespmem:v31+s23+$0x0] =	vst.idx.msk $0xffff, v12;
	v24 =	vadd.s32 $0xFFFFFFFF, v24;
	v12 =	vadd.s32 v10, v37  }
0x347: {  	v12 =	vperm.xlane v12, v25;
	v25 =	vld [tilespmem:s24+$0xFFFFFFE0]  }
0x348: {  	v22 =	vadd.s32 v10, v22;
	_, v27, _ =	vpop (xrf1)  }
0x349: {  	v20 =	vadd.s32 v10, v20;
	[tilespmem:v11+s23+$0x0] =	vst.idx.msk $0xffff, v14;
	v14 =	vld [tilespmem:s24+$0xFFFFFFF0];
	v12 =	vadd.s32 v27, v12  }
0x34a: {  	[tilespmem:v18+s23+$0x0] =	vst.idx.msk $0xffff, v8;
	v10 =	vadd.s32 v10, v19;
	v27 =	vld [tilespmem:s24+$0x0];
	v8 =	vadd.s32 $0xFFFFFFFF, v12;
	v12 =	vperm.xlane v20, v21  }
0x34b: {  	s31 =	sadd.s32 $0x40, s24;
	_, v58, _ =	vpop (xrf1);
	[tilespmem:v24+s23+$0x0] =	vst.idx.msk $0xffff, v9;
	v9 =	vperm.xlane v10, v23  }
0x34c: {  	v22 =	vperm.xlane v22, v26;
	v20 =	vld [tilespmem:s31+$0x10];
	_, v26, _ =	vpop (xrf1);
	[tilespmem:v11+s11+$0x0] =	vst.idx.msk $0xffff, v25;
	v11 =	vadd.s32 v58, v12  }
0x34d: {  	[tilespmem:v31+s11+$0x0] =	vst.idx.msk $0xffff, v29;
	_, v19, _ =	vpop (xrf1);
	v9 =	vadd.s32 v26, v9;
	v11 =	vadd.s32 $0xFFFFFFFF, v11  }
0x34e: {  	[tilespmem:v18+s11+$0x0] =	vst.idx.msk $0xffff, v14;
	v10 =	vadd.s32 v19, v22;
	v9 =	vadd.s32 $0xFFFFFFFF, v9  }
0x34f: {  	v10 =	vadd.s32 $0xFFFFFFFF, v10;
	[tilespmem:v24+s11+$0x0] =	vst.idx.msk $0xffff, v27  }
0x350: {  	v12 =	vld [tilespmem:s31+$0xFFFFFFE0];
	[tilespmem:v8+s23+$0x0] =	vst.idx.msk $0xffff, v13  }
0x351: {  	v13 =	vld [tilespmem:s31+$0x0];
	[tilespmem:v8+s11+$0x0] =	vst.idx.msk $0xffff, v20  }
0x352: {  	v8 =	vld [tilespmem:s31+$0xFFFFFFF0];
	[tilespmem:v11+s23+$0x0] =	vst.idx.msk $0xffff, v15  }
0x353: {  	[tilespmem:v9+s23+$0x0] =	vst.idx.msk $0xffff, v16  }
0x354: {  	[tilespmem:v10+s23+$0x0] =	vst.idx.msk $0xffff, v17  }
0x355: {  	[tilespmem:v10+s11+$0x0] =	vst.idx.msk $0xffff, v12  }
0x356: {  	[tilespmem:v9+s11+$0x0] =	vst.idx.msk $0xffff, v13  }
0x357: {  	s25 =	simm.s32 $0x20;
	[tilespmem:v11+s11+$0x0] =	vst.idx.msk $0xffff, v8  }
0x358: {  	v8 =	vld [tilespmem:s25+$0xFFFFFFF0]  }
0x359: {  	v9 =	vld [tilespmem:s25+$0x10];
	_ =	sdelay $0x3  }
0x35a: {  	v8 =	vshrl.u32 v8, $0x18  }
0x35b: {  	v10 =	vld [tilespmem:s25+$0xFFFFFFE0];
	v12 =	vand.u32 $0xF, v8;
	v8 =	vshrl.u32 v9, $0x18  }
0x35c: {  	v13 =	vand.u32 $0xF, v8;
	v8 =	vld [tilespmem:s25+$0x0]  }
0x35d: {  	(xrf1) =	vunique.msk.u32 $0xffff, v12;
	_ =	sdelay $0x2  }
0x35e: {  	v9 =	vshrl.u32 v10, $0x18  }
0x35f: {  	s24 =	simm.s32 $0x60;
	v14 =	vand.u32 $0xF, v9;
	(xrf1) =	vunique.msk.u32 $0xffff, v13;
	v8 =	vshrl.u32 v8, $0x18  }
0x360: {  	s30 =	simm.s32 $0x10;
	v24 =	vmov s23;
	v9 =	vld [tilespmem:s24+$0xFFFFFFF0];
	(xrf1) =	vunique.msk.u32 $0xffff, v14;
	v19 =	vand.u32 $0xF, v8  }
0x361: {  	s26 =	simm.s32 $0x30;
	v24 =	vand.u32 $0xFFFFFFC0, v24;
	s31 =	simm.s32 $0x20;
	v15 =	vmov s30;
	v11 =	vld [tilespmem:s24+$0x10];
	(xrf1) =	vunique.msk.u32 $0xffff, v19  }
0x362: {  	v16 =	vmov s31;
	v15 =	vand.u32 $0xFFFFFFD0, v15;
	v18 =	vld [tilespmem:s24+$0x0];
	v10 =	vmov s26;
	s26 =	simm.s32 $0x70  }
0x363: {  	s30 =	simm.s32 $0x50;
	s31 =	simm.s32 $0x60;
	v22 =	vand.u32 $0xFFFFFFE0, v16;
	v23 =	vbroadcast v15, $0x0;
	v17 =	vld [tilespmem:s24+$0xFFFFFFE0];
	v8 =	vmov s26  }
0x364: {  	v15 =	vmov s31;
	v20 =	vand.u32 $0xFFFFFFF0, v8;
	v8 =	vmov s30  }
0x365: {  	v9 =	vshrl.u32 v9, $0x18;
	v16 =	vand.u32 $0xFFFFFFD0, v8;
	v8 =	vand.u32 $0xFFFFFFE0, v15  }
0x366: {  	s25 =	simm.s32 $0xA0;
	v15 =	vbroadcast v16, $0x0;
	v16 =	vand.u32 $0xF, v9;
	v9 =	vshrl.u32 v11, $0x18  }
0x367: {  	v10 =	vand.u32 $0xFFFFFFF0, v10;
	v11 =	vand.u32 $0xF, v9;
	v9 =	vshrl.u32 v18, $0x18;
	v18 =	vld [tilespmem:s25+$0xFFFFFFF0]  }
0x368: {  	v24 =	vbroadcast v24, $0x0;
	v17 =	vshrl.u32 v17, $0x18;
	v25 =	vld [tilespmem:s25+$0x10];
	v26 =	vbroadcast v10, $0x0;
	(xrf1) =	vunique.msk.u32 $0xffff, v16  }
0x369: {  	v61 =	vbroadcast v22, $0x0;
	s31 =	simm.s32 $0xA0;
	v17 =	vand.u32 $0xF, v17;
	v23 =	vor.u32 v23, v12;
	v59 =	vld [tilespmem:s25+$0xFFFFFFE0];
	(xrf1) =	vunique.msk.u32 $0xffff, v11;
	_, v27, vm0 =	vpop (xrf1)  }
0x36a: {  	v26 =	vor.u32 v26, v13;
	v13 =	vmov s31;
	s30 =	simm.s32 $0x90;
	v21 =	vand.u32 $0xF, v9;
	(xrf1) =	vunique.msk.u32 $0xffff, v17  }
0x36b: {  	v63 =	vor.u32 v24, v14;
	v22 =	vand.u32 $0xFFFFFFE0, v13;
	v12 =	vmov s30;
	(xrf1) =	vunique.msk.u32 $0xffff, v21  }
0x36c: {  	v12 =	vand.u32 $0xFFFFFFD0, v12;
	v9 =	vimm.s32 $0x0;
	v13 =	vshrl.u32 v18, $0x18  }
0x36d: {  	_, v60, vm1 =	vpop (xrf1);
	v18 =	vbroadcast v12, $0x0;
	v12 =	vand.u32 $0xF, v13;
	v13 =	vshrl.u32 v25, $0x18  }
0x36e: {  	v31 =	vld [tilespmem:s25+$0x0];
	v14 =	vshrl.u32 v59, $0x18;
	[tilespmem:s22+$0xFFFFFFF0] =	vst v9;
	_, v62, vm2 =	vpop (xrf1);
	v13 =	vand.u32 $0xF, v13;
	(xrf1) =	vunique.msk.u32 $0xffff, v12  }
0x36f: {  	v14 =	vand.u32 $0xF, v14;
	(xrf1) =	vunique.msk.u32 $0xffff, v13;
	[tilespmem:v23+s13+$0x0] =	vst.idx.msk vm0, v27;
	_, v23, vm0 =	vpop (xrf1)  }
0x370: {  	v24 =	vor.u32 v61, v19;
	[tilespmem:s22+$0x0] =	vst v9;
	(xrf1) =	vunique.msk.u32 $0xffff, v14  }
0x371: {  	[tilespmem:s22+$0xFFFFFFE0] =	vst v9  }
0x372: {  	s26 =	simm.s32 $0xB0;
	[tilespmem:s22+$0x10] =	vst v9  }
0x373: {  	s28 =	simm.s32 $0xE0;
	s29 =	simm.s32 $0x40;
	s23 =	simm.s32 $0x40;
	v10 =	vmov s26;
	v25 =	vshrl.u32 v31, $0x18;
	[tilespmem:v26+s13+$0x0] =	vst.idx.msk vm1, v60  }
0x374: {  	s24 =	simm.s32 $0x80;
	s26 =	simm.s32 $0xC0;
	v10 =	vand.u32 $0xFFFFFFF0, v10;
	s25 =	simm.s32 $0x8;
	v19 =	vand.u32 $0xF, v25;
	[tilespmem:v63+s13+$0x0] =	vst.idx.msk vm2, v62  }
.LBB2_38:
0x375: {  	v25 =	vld [tilespmem:s28+$0xFFFFFFF0];
	s30 =	sadd.s32 $0x30, s26;
	s25 =	sadd.s32 $0x4, s25;
	(xrf1) =	vunique.msk.u32 $0xffff, v19;
	v29 =	vmov s29;
	v27 =	vbroadcast v8, $0x0;
	[tilespmem:v24+s13+$0x0] =	vst.idx.msk vm0, v23;
	s22 =	sadd.s32 $0x40, s22;
	v8 =	vmovc v22  }
0x376: {  	v20 =	vbroadcast v20, $0x0;
	s29 =	smov.u32 s24;
	s24 =	smov.u32 s26;
	v28 =	vld [tilespmem:s28+$0x10];
	v22 =	vmov s30;
	p0 =	slt.u32 s25, $0x1FC;
	v38 =	vand.u32 $0xFFFFFFC0, v29;
	_, v26, vm1 =	vpop (xrf1)  }
0x377: {  	s31 =	sadd.s32 $0x20, s26;
	v31 =	vor.u32 v15, v16;
	s30 =	sadd.s32 $0x10, s26;
	v29 =	vld [tilespmem:s28+$0xFFFFFFE0];
	v30 =	vand.u32 $0xFFFFFFF0, v22;
	v24 =	vbroadcast v38, $0x0;
	_, v32, vm3 =	vpop (xrf1)  }
0x378: {  	v16 =	vmov s31;
	v15 =	vmov s30;
	v34 =	vor.u32 v20, v11;
	v33 =	vld [tilespmem:s28+$0x0];
	[tilespmem:s22+$0x0] =	vst v9;
	_, v35, vm2 =	vpop (xrf1)  }
0x379: {  	v22 =	vand.u32 $0xFFFFFFE0, v16;
	v37 =	vand.u32 $0xFFFFFFD0, v15;
	[tilespmem:s22+$0xFFFFFFE0] =	vst v9;
	v36 =	vor.u32 v24, v17;
	_, v23, vm0 =	vpop (xrf1)  }
.Ltmp24:
0x37a: {  	v24 =	vor.u32 v27, v21;
	v20 =	vmovc v10;
	v10 =	vmovc v30;
	v17 =	vshrl.u32 v25, $0x18;
	v25 =	vbroadcast v37, $0x0;
	[tilespmem:s22+$0x10] =	vst v9;
	(pc) =	sbr.rel @p0 .LBB2_38-.Ltmp24, $4  }
0x37b: {  	v11 =	vmovc v13;
	v16 =	vmovc v12;
	v15 =	vmov v18;
	v21 =	vshrl.u32 v28, $0x18;
	[tilespmem:s22+$0xFFFFFFF0] =	vst v9;
	v12 =	vand.u32 $0xF, v17  }
0x37c: {  	v27 =	vshrl.u32 v29, $0x18;
	v13 =	vand.u32 $0xF, v21;
	(xrf1) =	vunique.msk.u32 $0xffff, v12;
	[tilespmem:v31+s13+$0x0] =	vst.idx.msk vm1, v26;
	v18 =	vmovc v25  }
0x37d: {  	v25 =	vshrl.u32 v33, $0x18;
	(xrf1) =	vunique.msk.u32 $0xffff, v13;
	[tilespmem:v34+s13+$0x0] =	vst.idx.msk vm3, v32;
	v17 =	vmovc v14;
	v14 =	vand.u32 $0xF, v27  }
0x37e: {  	s26 =	sadd.s32 $0x40, s26;
	s28 =	sadd.s32 $0x40, s28;
	(xrf1) =	vunique.msk.u32 $0xffff, v14;
	[tilespmem:v36+s13+$0x0] =	vst.idx.msk vm2, v35;
	v21 =	vmov v19;
	v19 =	vand.u32 $0xF, v25  }
0x37f: {  	_ = 	snop  }
0x380: {  	(xrf1) =	vunique.msk.u32 $0xffff, v19;
	_ =	sdelay $0x3  }
0x381: {  	v20 =	vbroadcast v20, $0x0;
	_, v26, vm1 =	vpop (xrf1);
	[tilespmem:v24+s13+$0x0] =	vst.idx.msk vm0, v23;
	s22 =	sadd.s32 $0x40, s22  }
0x382: {  	v8 =	vbroadcast v8, $0x0;
	_, v58, vm13 =	vpop (xrf1);
	[tilespmem:s22+$0x0] =	vst v9  }
0x383: {  	v25 =	vmov s29;
	v15 =	vor.u32 v15, v16;
	[tilespmem:s22+$0xFFFFFFE0] =	vst v9;
	v11 =	vor.u32 v20, v11  }
0x384: {  	v25 =	vand.u32 $0xFFFFFFC0, v25;
	[tilespmem:s22+$0x10] =	vst v9;
	v21 =	vor.u32 v8, v21;
	v8 =	vmov s24  }
0x385: {  	[tilespmem:s22+$0xFFFFFFF0] =	vst v9;
	s22 =	sadd.s32 $0x40, s22;
	v57 =	vbroadcast v25, $0x0;
	v9 =	vand.u32 $0xFFFFFFC0, v8;
	v8 =	vimm.s32 $0x0  }
0x386: {  	_, v59, vm2 =	vpop (xrf1);
	[tilespmem:s22+$0x0] =	vst v8  }
0x387: {  	v17 =	vor.u32 v57, v17;
	_, v60, vm3 =	vpop (xrf1);
	[tilespmem:s22+$0xFFFFFFE0] =	vst v8  }
0x388: {  	v10 =	vbroadcast v10, $0x0;
	[tilespmem:v11+s13+$0x0] =	vst.idx.msk vm13, v58;
	_, v11, vm0 =	vpop (xrf1)  }
0x389: {  	v12 =	vor.u32 v18, v12;
	v9 =	vbroadcast v9, $0x0;
	[tilespmem:v15+s13+$0x0] =	vst.idx.msk vm1, v26;
	_, v15, vm1 =	vpop (xrf1)  }
0x38a: {  	v61 =	vbroadcast v22, $0x0;
	v10 =	vor.u32 v10, v13;
	[tilespmem:s22+$0x10] =	vst v8;
	_, v62, vm14 =	vpop (xrf1)  }
0x38b: {  	[tilespmem:s22+$0xFFFFFFF0] =	vst v8;
	v9 =	vor.u32 v9, v14;
	_, v63, vm15 =	vpop (xrf1)  }
0x38c: {  	v16 =	vor.u32 v61, v19;
	[tilespmem:v17+s13+$0x0] =	vst.idx.msk vm2, v59  }
0x38d: {  	p0 =	por $0x1, $0x1;
	[tilespmem:v21+s13+$0x0] =	vst.idx.msk vm3, v60  }
.Ltmp25:
0x38e: {  	[tilespmem:v12+s13+$0x0] =	vst.idx.msk vm0, v11;
	(pc) =	sbr.rel @!p0 .LBB2_41-.Ltmp25, $4  }
0x38f: {  	[tilespmem:v10+s13+$0x0] =	vst.idx.msk vm1, v15  }
0x390: {  	[tilespmem:v9+s13+$0x0] =	vst.idx.msk vm14, v62  }
0x391: {  	s31 =	simm.s32 $0x0;
	[tilespmem:v16+s13+$0x0] =	vst.idx.msk vm15, v63  }
0x392: {  	v9 =	vld [tilespmem:s31+$0x8000];
	[tilespmem:s31+$0x8000] =	vst v8  }
.LBB2_40:
0x393: {  	p0 =	sne.s32 s23, $0x7FC0  }
.Ltmp26:
0x394: {  	_ = 	snop;
	(pc) =	sbr.rel @p0 .LBB2_40-.Ltmp26, $3  }
0x395: {  	_ =	sdelay $0x1  }
0x396: {  	s22 =	sshra.s32 s23, $0x2;
	s23 =	sadd.s32 $0x40, s23;
	v8 =	vadd.s32 v8, v9  }
0x397: {  	v9 =	vld [tilespmem:s22+$0x8000];
	[tilespmem:s22+$0x8000] =	vst v8  }
.LBB2_41:
0x398: {  	s22 =	simm.s32 $0x20  }
0x399: {  	v21 =	vld [tilespmem:s22+$0x10]  }
0x39a: {  	v26 =	vld [tilespmem:s22+$0xFFFFFFF0]  }
0x39b: {  	v11 =	vld [tilespmem:s22+$0x0]  }
0x39c: {  	v23 =	vld [tilespmem:s22+$0xFFFFFFE0];
	_ =	sdelay $0x2  }
0x39d: {  	v10 =	vshrl.u32 v21, $0x18  }
0x39e: {  	v12 =	vshrl.u32 v26, $0x18;
	v13 =	vand.u32 $0xF, v10  }
0x39f: {  	s23 =	simm.s32 $0x60;
	v15 =	vand.u32 $0xF, v12;
	v10 =	vshrl.u32 v11, $0x18;
	v12 =	vshrl.u32 v23, $0x18;
	(xrf1) =	vunique.msk.u32 $0xffff, v13  }
0x3a0: {  	v16 =	vand.u32 $0xF, v10;
	v17 =	vand.u32 $0xF, v12;
	v10 =	vadd.s32 v8, v9;
	v12 =	vld [tilespmem:s23+$0x10];
	(xrf1) =	vunique.msk.u32 $0xffff, v15  }
0x3a1: {  	(xrf0) =	vadd.scan.msk.s32 $0xffff, v10  }
0x3a2: {  	s22 =	simm.s32 $0x8020;
	(xrf1) =	vunique.msk.u32 $0xffff, v16  }
0x3a3: {  	v19 =	vld [tilespmem:s22+$0x10];
	(xrf1) =	vunique.msk.u32 $0xffff, v17  }
0x3a4: {  	v20 =	vld [tilespmem:s22+$0xFFFFFFE0]  }
0x3a5: {  	v8 =	vld [tilespmem:s23+$0xFFFFFFF0];
	v14 =	vshrl.u32 v12, $0x18  }
0x3a6: {  	v22 =	vld [tilespmem:s22+$0xFFFFFFF0]  }
0x3a7: {  	v9 =	vld [tilespmem:s23+$0x0]  }
0x3a8: {  	v25 =	vld [tilespmem:s22+$0x0];
	v28 =	vand.u32 $0xF, v14;
	v14, _, _ =	vpop (xrf0)  }
0x3a9: {  	v10 =	vsub.s32 v14, v10;
	v14 =	vld [tilespmem:s23+$0xFFFFFFE0]  }
0x3aa: {  	v18 =	vshrl.u32 v8, $0x18;
	v19 =	vadd.s32 v10, v19  }
0x3ab: {  	v18 =	vand.u32 $0xF, v18;
	(xrf1) =	vunique.msk.u32 $0xffff, v28  }
0x3ac: {  	v24 =	vshrl.u32 v9, $0x18;
	(xrf1) =	vunique.msk.u32 $0xffff, v18;
	v20 =	vadd.s32 v10, v20  }
0x3ad: {  	s24 =	simm.s32 $0x2020;
	v13 =	vperm.xlane v19, v13;
	v17 =	vperm.xlane v20, v17;
	v20 =	vadd.s32 v10, v22  }
0x3ae: {  	s25 =	simm.s32 $0xA0;
	v29 =	vld [tilespmem:s24+$0x10];
	v24 =	vand.u32 $0xF, v24;
	v22 =	vadd.s32 v10, v25;
	_, v19, _ =	vpop (xrf1);
	v31 =	vshrl.u32 v14, $0x18  }
0x3af: {  	v25 =	vperm.xlane v22, v16;
	v16 =	vld [tilespmem:s25+$0x0];
	(xrf1) =	vunique.msk.u32 $0xffff, v24;
	_, v27, _ =	vpop (xrf1);
	v19 =	vadd.s32 v19, v13;
	v31 =	vand.u32 $0xF, v31  }
0x3b0: {  	v13 =	vld [tilespmem:s25+$0x10];
	_, v30, _ =	vpop (xrf1);
	v32 =	vadd.s32 $0xFFFFFFFF, v19;
	(xrf1) =	vunique.msk.u32 $0xffff, v31  }
0x3b1: {  	s23 =	simm.s32 $0x8060;
	v19 =	vperm.xlane v20, v15;
	v15 =	vld [tilespmem:s25+$0xFFFFFFF0];
	_, v20, _ =	vpop (xrf1)  }
0x3b2: {  	v33 =	vld [tilespmem:s23+$0x10];
	v17 =	vadd.s32 v20, v17  }
0x3b3: {  	v19 =	vadd.s32 v27, v19;
	v22 =	vadd.s32 $0xFFFFFFFF, v17;
	v17 =	vld [tilespmem:s25+$0xFFFFFFE0]  }
0x3b4: {  	v20 =	vadd.s32 $0xFFFFFFFF, v19  }
0x3b5: {  	v35 =	vld [tilespmem:s23+$0xFFFFFFF0];
	v61 =	vshrl.u32 v16, $0x18;
	v19 =	vadd.s32 v30, v25;
	[tilespmem:v32+s14+$0x0] =	vst.idx.msk $0xffff, v21;
	v21 =	vshrl.u32 v13, $0x18  }
0x3b6: {  	v30 =	vld [tilespmem:s23+$0xFFFFFFE0];
	v19 =	vadd.s32 $0xFFFFFFFF, v19;
	v27 =	vshrl.u32 v15, $0x18;
	v25 =	vand.u32 $0xF, v21  }
0x3b7: {  	[tilespmem:v32+s15+$0x0] =	vst.idx.msk $0xffff, v29;
	v21 =	vand.u32 $0xF, v27;
	v29 =	vadd.s32 v10, v33;
	v27 =	vld [tilespmem:s24+$0xFFFFFFE0];
	(xrf1) =	vunique.msk.u32 $0xffff, v25  }
0x3b8: {  	v32 =	vld [tilespmem:s23+$0x0];
	[tilespmem:v22+s14+$0x0] =	vst.idx.msk $0xffff, v23;
	(xrf1) =	vunique.msk.u32 $0xffff, v21;
	v34 =	vshrl.u32 v17, $0x18;
	v23 =	vand.u32 $0xF, v61  }
0x3b9: {  	_, v62, _ =	vpop (xrf1);
	v29 =	vperm.xlane v29, v28;
	v28 =	vld [tilespmem:s24+$0xFFFFFFF0];
	[tilespmem:v20+s14+$0x0] =	vst.idx.msk $0xffff, v26;
	v26 =	vand.u32 $0xF, v34;
	(xrf1) =	vunique.msk.u32 $0xffff, v23  }
0x3ba: {  	_, v33, _ =	vpop (xrf1);
	(xrf1) =	vunique.msk.u32 $0xffff, v26  }
0x3bb: {  	v63 =	vadd.s32 v10, v30;
	v30 =	vld [tilespmem:s24+$0x0];
	s24 =	simm.s32 $0x2060;
	v36 =	vadd.s32 v62, v29  }
0x3bc: {  	s26 =	simm.s32 $0xE0;
	v35 =	vadd.s32 v10, v35;
	s25 =	simm.s32 $0x8;
	v34 =	vperm.xlane v63, v31;
	v29 =	vld [tilespmem:s24+$0x10];
	v31 =	vadd.s32 $0xFFFFFFFF, v36  }
.LBB2_42:
0x3bd: {  	v36 =	vld [tilespmem:s26+$0x10];
	v40 =	vperm.xlane v35, v18;
	v39 =	vadd.s32 v10, v32;
	_, v35, _ =	vpop (xrf1);
	[tilespmem:v19+s14+$0x0] =	vst.idx.msk $0xffff, v11;
	v11 =	vmov v9  }
0x3be: {  	s25 =	sadd.s32 $0x4, s25;
	s23 =	sadd.s32 $0x40, s23;
	v9 =	vmov v16;
	v38 =	vmov v17;
	v37 =	vld [tilespmem:s26+$0xFFFFFFF0];
	v39 =	vperm.xlane v39, v24;
	_, v32, _ =	vpop (xrf1);
	[tilespmem:v22+s15+$0x0] =	vst.idx.msk $0xffff, v27  }
0x3bf: {  	p0 =	slt.u32 s25, $0x1FC;
	v27 =	vld [tilespmem:s23+$0x10];
	v17 =	vadd.s32 v32, v34;
	v32 =	vadd.s32 v33, v40;
	[tilespmem:v20+s15+$0x0] =	vst.idx.msk $0xffff, v28;
	v28 =	vmov v25  }
0x3c0: {  	v18 =	vmovc v21;
	v16 =	vld [tilespmem:s26+$0x0];
	v22 =	vadd.s32 $0xFFFFFFFF, v17;
	v20 =	vadd.s32 $0xFFFFFFFF, v32;
	v25 =	vadd.s32 v35, v39;
	[tilespmem:v19+s15+$0x0] =	vst.idx.msk $0xffff, v30  }
0x3c1: {  	v24 =	vmovc v23;
	v34 =	vmov v26;
	v17 =	vld [tilespmem:s26+$0xFFFFFFE0];
	v19 =	vadd.s32 $0xFFFFFFFF, v25;
	[tilespmem:v31+s14+$0x0] =	vst.idx.msk $0xffff, v12;
	v12 =	vmov v13  }
0x3c2: {  	v21 =	vshrl.u32 v36, $0x18;
	v30 =	vld [tilespmem:s23+$0xFFFFFFE0];
	[tilespmem:v31+s15+$0x0] =	vst.idx.msk $0xffff, v29;
	v13 =	vmov v36  }
0x3c3: {  	v23 =	vshrl.u32 v37, $0x18;
	v25 =	vand.u32 $0xF, v21;
	v29 =	vld [tilespmem:s23+$0xFFFFFFF0]  }
.Ltmp27:
0x3c4: {  	v21 =	vand.u32 $0xF, v23;
	(xrf1) =	vunique.msk.u32 $0xffff, v25;
	v32 =	vld [tilespmem:s23+$0x0];
	v23 =	vadd.s32 v10, v27;
	(pc) =	sbr.rel @p0 .LBB2_42-.Ltmp27, $4  }
0x3c5: {  	v26 =	vshrl.u32 v16, $0x18;
	(xrf1) =	vunique.msk.u32 $0xffff, v21;
	v31 =	vperm.xlane v23, v28;
	v27 =	vld [tilespmem:s24+$0xFFFFFFE0];
	[tilespmem:v22+s14+$0x0] =	vst.idx.msk $0xffff, v14;
	v14 =	vmovc v38  }
0x3c6: {  	v36 =	vshrl.u32 v17, $0x18;
	v23 =	vand.u32 $0xF, v26;
	_, v35, _ =	vpop (xrf1);
	v28 =	vld [tilespmem:s24+$0xFFFFFFF0];
	[tilespmem:v20+s14+$0x0] =	vst.idx.msk $0xffff, v8;
	v8 =	vmov v15  }
0x3c7: {  	v26 =	vand.u32 $0xF, v36;
	(xrf1) =	vunique.msk.u32 $0xffff, v23;
	v36 =	vadd.s32 v10, v30;
	v31 =	vadd.s32 v35, v31;
	_, v33, _ =	vpop (xrf1);
	v30 =	vld [tilespmem:s24+$0x0];
	s24 =	sadd.s32 $0x40, s24  }
0x3c8: {  	s26 =	sadd.s32 $0x40, s26;
	v15 =	vmovc v37;
	(xrf1) =	vunique.msk.u32 $0xffff, v26;
	v34 =	vperm.xlane v36, v34;
	v35 =	vadd.s32 v10, v29;
	v29 =	vld [tilespmem:s24+$0x10];
	v31 =	vadd.s32 $0xFFFFFFFF, v31  }
0x3c9: {  	_ =	sdelay $0x1  }
0x3ca: {  	s23 =	sadd.s32 $0x40, s23  }
0x3cb: {  	_, v36, _ =	vpop (xrf1);
	v37 =	vld [tilespmem:s23+$0x10]  }
0x3cc: {  	v18 =	vperm.xlane v35, v18;
	[tilespmem:v19+s14+$0x0] =	vst.idx.msk $0xffff, v11;
	v32 =	vadd.s32 v10, v32;
	_, v63, _ =	vpop (xrf1)  }
0x3cd: {  	v24 =	vperm.xlane v32, v24;
	[tilespmem:v22+s15+$0x0] =	vst.idx.msk $0xffff, v27;
	v22 =	vld [tilespmem:s23+$0xFFFFFFE0];
	v11 =	vadd.s32 v63, v34  }
0x3ce: {  	v18 =	vadd.s32 v33, v18;
	[tilespmem:v20+s15+$0x0] =	vst.idx.msk $0xffff, v28;
	v20 =	vld [tilespmem:s23+$0xFFFFFFF0];
	v11 =	vadd.s32 $0xFFFFFFFF, v11  }
0x3cf: {  	v18 =	vadd.s32 $0xFFFFFFFF, v18;
	v24 =	vadd.s32 v36, v24;
	[tilespmem:v19+s15+$0x0] =	vst.idx.msk $0xffff, v30;
	v19 =	vld [tilespmem:s23+$0x0]  }
0x3d0: {  	[tilespmem:v31+s14+$0x0] =	vst.idx.msk $0xffff, v12;
	v24 =	vadd.s32 $0xFFFFFFFF, v24;
	v12 =	vadd.s32 v10, v37  }
0x3d1: {  	v12 =	vperm.xlane v12, v25;
	v25 =	vld [tilespmem:s24+$0xFFFFFFE0]  }
0x3d2: {  	v22 =	vadd.s32 v10, v22;
	_, v27, _ =	vpop (xrf1)  }
0x3d3: {  	v20 =	vadd.s32 v10, v20;
	[tilespmem:v11+s14+$0x0] =	vst.idx.msk $0xffff, v14;
	v14 =	vld [tilespmem:s24+$0xFFFFFFF0];
	v12 =	vadd.s32 v27, v12  }
0x3d4: {  	[tilespmem:v18+s14+$0x0] =	vst.idx.msk $0xffff, v8;
	v10 =	vadd.s32 v10, v19;
	v27 =	vld [tilespmem:s24+$0x0];
	v8 =	vadd.s32 $0xFFFFFFFF, v12;
	v12 =	vperm.xlane v20, v21  }
0x3d5: {  	s26 =	sadd.s32 $0x40, s24;
	_, v28, _ =	vpop (xrf1);
	[tilespmem:v24+s14+$0x0] =	vst.idx.msk $0xffff, v9;
	v9 =	vperm.xlane v10, v23  }
0x3d6: {  	v22 =	vperm.xlane v22, v26;
	v20 =	vld [tilespmem:s26+$0x10];
	_, v26, _ =	vpop (xrf1);
	[tilespmem:v11+s15+$0x0] =	vst.idx.msk $0xffff, v25;
	v11 =	vadd.s32 v28, v12  }
0x3d7: {  	[tilespmem:v31+s15+$0x0] =	vst.idx.msk $0xffff, v29;
	_, v19, _ =	vpop (xrf1);
	v9 =	vadd.s32 v26, v9;
	v11 =	vadd.s32 $0xFFFFFFFF, v11  }
0x3d8: {  	[tilespmem:v18+s15+$0x0] =	vst.idx.msk $0xffff, v14;
	v10 =	vadd.s32 v19, v22;
	v9 =	vadd.s32 $0xFFFFFFFF, v9  }
0x3d9: {  	v10 =	vadd.s32 $0xFFFFFFFF, v10;
	[tilespmem:v24+s15+$0x0] =	vst.idx.msk $0xffff, v27  }
0x3da: {  	v12 =	vld [tilespmem:s26+$0xFFFFFFE0];
	[tilespmem:v8+s14+$0x0] =	vst.idx.msk $0xffff, v13  }
0x3db: {  	v13 =	vld [tilespmem:s26+$0x0];
	[tilespmem:v8+s15+$0x0] =	vst.idx.msk $0xffff, v20  }
0x3dc: {  	v8 =	vld [tilespmem:s26+$0xFFFFFFF0];
	[tilespmem:v11+s14+$0x0] =	vst.idx.msk $0xffff, v15  }
0x3dd: {  	[tilespmem:v9+s14+$0x0] =	vst.idx.msk $0xffff, v16  }
0x3de: {  	[tilespmem:v10+s14+$0x0] =	vst.idx.msk $0xffff, v17  }
0x3df: {  	[tilespmem:v10+s15+$0x0] =	vst.idx.msk $0xffff, v12  }
0x3e0: {  	[tilespmem:v9+s15+$0x0] =	vst.idx.msk $0xffff, v13  }
0x3e1: {  	s30 =	simm.s32 $0x4020;
	[tilespmem:v11+s15+$0x0] =	vst.idx.msk $0xffff, v8  }
0x3e2: {  	v8 =	vld [tilespmem:s30+$0x10];
	_ =	sdelay $0x3  }
0x3e3: {  	v9 =	vld [tilespmem:s30+$0xFFFFFFE0]  }
0x3e4: {  	v10 =	vshrl.u32 v8, $0x1C;
	v8 =	vld [tilespmem:s30+$0x0]  }
0x3e5: {  	v11 =	vld [tilespmem:s30+$0xFFFFFFF0];
	(xrf1) =	vunique.msk.u32 $0xffff, v10;
	_ =	sdelay $0x2  }
0x3e6: {  	v14 =	vshrl.u32 v9, $0x1C  }
0x3e7: {  	(xrf1) =	vunique.msk.u32 $0xffff, v14;
	v16 =	vshrl.u32 v8, $0x1C  }
0x3e8: {  	s23 =	simm.s32 $0x4060;
	v11 =	vshrl.u32 v11, $0x1C;
	(xrf1) =	vunique.msk.u32 $0xffff, v16  }
0x3e9: {  	s24 =	simm.s32 $0x50;
	v12 =	vld [tilespmem:s23+$0x10];
	(xrf1) =	vunique.msk.u32 $0xffff, v11  }
0x3ea: {  	s25 =	simm.s32 $0x20;
	v21 =	vmov s24;
	s26 =	simm.s32 $0x10;
	v15 =	vld [tilespmem:s23+$0xFFFFFFE0]  }
0x3eb: {  	v28 =	vand.u32 $0xFFFFFFD0, v21;
	v17 =	vmov s26;
	v13 =	vmov s25;
	s25 =	simm.s32 $0x0;
	v9 =	vld [tilespmem:s23+$0x0]  }
0x3ec: {  	v17 =	vand.u32 $0xFFFFFFD0, v17;
	v13 =	vand.u32 $0xFFFFFFE0, v13;
	v22 =	vmov s25;
	v20 =	vld [tilespmem:s23+$0xFFFFFFF0]  }
0x3ed: {  	s31 =	simm.s32 $0x30;
	s24 =	simm.s32 $0x40A0;
	s26 =	simm.s32 $0xA0;
	v24 =	vbroadcast v17, $0x0;
	v17 =	vand.u32 $0xFFFFFFC0, v22;
	v25 =	vbroadcast v13, $0x0  }
0x3ee: {  	v23 =	vld [tilespmem:s24+$0x0];
	v13 =	vmov s26;
	v21 =	vshrl.u32 v12, $0x1C;
	v8 =	vmov s31  }
0x3ef: {  	v26 =	vld [tilespmem:s24+$0x10];
	v22 =	vimm.s32 $0x0;
	v12 =	vshrl.u32 v15, $0x1C;
	v8 =	vand.u32 $0xFFFFFFF0, v8;
	(xrf1) =	vunique.msk.u32 $0xffff, v21  }
0x3f0: {  	v27 =	vld [tilespmem:s24+$0xFFFFFFE0];
	v17 =	vbroadcast v17, $0x0;
	s30 =	simm.s32 $0x60;
	v9 =	vshrl.u32 v9, $0x1C;
	v18 =	vbroadcast v8, $0x0;
	(xrf1) =	vunique.msk.u32 $0xffff, v12  }
0x3f1: {  	v15 =	vshrl.u32 v20, $0x1C;
	v24 =	vor.u32 v24, v11;
	s31 =	simm.s32 $0x70;
	v8 =	vmov s30;
	s30 =	simm.s32 $0xB0;
	(xrf1) =	vunique.msk.u32 $0xffff, v9;
	_, v29, vm0 =	vpop (xrf1)  }
0x3f2: {  	v19 =	vmov s31;
	s31 =	simm.s32 $0x90;
	v20 =	vmov s30;
	v30 =	vor.u32 v18, v10;
	(xrf1) =	vunique.msk.u32 $0xffff, v15  }
0x3f3: {  	v20 =	vand.u32 $0xFFFFFFF0, v20;
	v18 =	vand.u32 $0xFFFFFFE0, v13;
	v10 =	vmov s31  }
0x3f4: {  	v13 =	vbroadcast v20, $0x0;
	v20 =	vor.u32 v17, v14;
	v17 =	vshrl.u32 v26, $0x1C  }
0x3f5: {  	v31 =	vld [tilespmem:s24+$0xFFFFFFF0];
	v11 =	vshrl.u32 v27, $0x1C;
	v14 =	vand.u32 $0xFFFFFFD0, v10;
	v10 =	vshrl.u32 v23, $0x1C;
	_, v23, vm2 =	vpop (xrf1);
	(xrf1) =	vunique.msk.u32 $0xffff, v17  }
0x3f6: {  	[tilespmem:s22+$0x10] =	vst v22;
	_, v27, vm1 =	vpop (xrf1);
	(xrf1) =	vunique.msk.u32 $0xffff, v11  }
0x3f7: {  	[tilespmem:v30+s13+$0x0] =	vst.idx.msk vm0, v29;
	_, v26, vm0 =	vpop (xrf1);
	(xrf1) =	vunique.msk.u32 $0xffff, v10  }
0x3f8: {  	v25 =	vor.u32 v25, v16  }
0x3f9: {  	vm2 =	vmmov vm2  }
0x3fa: {  	s28 =	simm.s32 $0xC0;
	s29 =	simm.s32 $0x40E0;
	v28 =	vbroadcast v28, $0x0;
	[tilespmem:s22+$0xFFFFFFF0] =	vst v22;
	s23 =	simm.s32 $0x40;
	v16 =	vshrl.u32 v31, $0x1C;
	v19 =	vand.u32 $0xFFFFFFF0, v19  }
0x3fb: {  	s25 =	simm.s32 $0x8060;
	s24 =	simm.s32 $0x80;
	s26 =	simm.s32 $0x8;
	[tilespmem:s22+$0xFFFFFFE0] =	vst v22;
	v8 =	vand.u32 $0xFFFFFFE0, v8;
	v19 =	vbroadcast v19, $0x0;
	v29 =	vmov s23  }
.LBB2_44:
0x3fc: {  	s30 =	sadd.s32 $0x20, s28;
	v30 =	vld [tilespmem:s29+$0x0];
	s31 =	sadd.s32 $0x30, s28;
	s26 =	sadd.s32 $0x4, s26;
	(xrf1) =	vunique.msk.u32 $0xffff, v16;
	v29 =	vand.u32 $0xFFFFFFC0, v29;
	v31 =	vbroadcast v8, $0x0;
	[tilespmem:s22+$0x0] =	vst v22;
	v8 =	vmovc v18  }
0x3fd: {  	v18 =	vmov s30;
	v32 =	vld [tilespmem:s29+$0x10];
	v33 =	vmov s31;
	p0 =	slt.u32 s26, $0x1FC;
	v29 =	vbroadcast v29, $0x0;
	_, v34, vm3 =	vpop (xrf1);
	[tilespmem:v25+s13+$0x0] =	vst.idx.msk vm1, v27;
	s30 =	smov.u32 s24;
	s24 =	smov.u32 s28  }
0x3fe: {  	s22 =	smov.u32 s25;
	s31 =	sadd.s32 $0x10, s28;
	v35 =	vld [tilespmem:s29+$0xFFFFFFE0];
	v18 =	vand.u32 $0xFFFFFFE0, v18;
	v25 =	vand.u32 $0xFFFFFFF0, v33;
	v33 =	vor.u32 v19, v21;
	_, v19, vm4 =	vpop (xrf1);
	[tilespmem:v24+s13+$0x0] =	vst.idx.msk vm0, v26  }
0x3ff: {  	v21 =	vmov s31;
	v36 =	vld [tilespmem:s29+$0xFFFFFFF0];
	v37 =	vbroadcast v25, $0x0;
	_, v27, vm1 =	vpop (xrf1);
	[tilespmem:v20+s13+$0x0] =	vst.idx.msk vm2, v23;
	v20 =	vor.u32 v29, v12  }
0x400: {  	v38 =	vand.u32 $0xFFFFFFD0, v21;
	v25 =	vor.u32 v31, v9;
	v23 =	vmov v19;
	_, v26, vm0 =	vpop (xrf1)  }
.Ltmp28:
0x401: {  	v24 =	vor.u32 v28, v15;
	v19 =	vmovc v13;
	v29 =	vshrl.u32 v30, $0x1C;
	v13 =	vmov v37;
	(pc) =	sbr.rel @p0 .LBB2_44-.Ltmp28, $4  }
0x402: {  	v9 =	vmovc v10;
	v12 =	vmovc v11;
	v21 =	vmov v17;
	[tilespmem:s25+$0xFFFFFFF0] =	vst v22;
	v10 =	vmov v29;
	v17 =	vshrl.u32 v32, $0x1C  }
0x403: {  	v15 =	vmovc v16;
	vm2 =	vmmov vm4;
	v11 =	vshrl.u32 v35, $0x1C;
	(xrf1) =	vunique.msk.u32 $0xffff, v17;
	[tilespmem:s25+$0x10] =	vst v22  }
0x404: {  	v16 =	vshrl.u32 v36, $0x1C;
	(xrf1) =	vunique.msk.u32 $0xffff, v11;
	[tilespmem:v33+s13+$0x0] =	vst.idx.msk vm3, v34  }
0x405: {  	s28 =	sadd.s32 $0x40, s28;
	v28 =	vbroadcast v14, $0x0;
	s29 =	sadd.s32 $0x40, s29;
	v14 =	vmovc v38;
	v29 =	vmov s30;
	s25 =	sadd.s32 $0x40, s25;
	(xrf1) =	vunique.msk.u32 $0xffff, v10;
	[tilespmem:s22+$0xFFFFFFE0] =	vst v22  }
0x406: {  	_ =	sdelay $0x2  }
0x407: {  	(xrf1) =	vunique.msk.u32 $0xffff, v16  }
0x408: {  	[tilespmem:s22+$0x0] =	vst v22  }
0x409: {  	[tilespmem:v24+s13+$0x0] =	vst.idx.msk vm0, v26  }
0x40a: {  	_, v54, vm3 =	vpop (xrf1);
	[tilespmem:v20+s13+$0x0] =	vst.idx.msk vm2, v23  }
0x40b: {  	v55 =	vbroadcast v8, $0x0;
	v8 =	vimm.s32 $0x0;
	[tilespmem:v25+s13+$0x0] =	vst.idx.msk vm1, v27;
	_, v25, vm1 =	vpop (xrf1)  }
0x40c: {  	v19 =	vor.u32 v19, v21;
	[tilespmem:s25+$0xFFFFFFF0] =	vst v8;
	_, v26, vm0 =	vpop (xrf1)  }
0x40d: {  	[tilespmem:s25+$0x10] =	vst v8;
	v9 =	vor.u32 v55, v9;
	_, v58, vm13 =	vpop (xrf1)  }
0x40e: {  	v15 =	vor.u32 v28, v15;
	[tilespmem:s25+$0xFFFFFFE0] =	vst v8  }
0x40f: {  	v56 =	vand.u32 $0xFFFFFFC0, v29;
	s30 =	sadd.s32 $0x40, s25;
	[tilespmem:s25+$0x0] =	vst v8  }
0x410: {  	v57 =	vbroadcast v56, $0x0;
	[tilespmem:s30+$0xFFFFFFF0] =	vst v8  }
0x411: {  	v59 =	vmov s24;
	v60 =	vbroadcast v18, $0x0;
	vm1 =	vmmov vm1;
	[tilespmem:v19+s13+$0x0] =	vst.idx.msk vm3, v54;
	_, v19, vm3 =	vpop (xrf1)  }
0x412: {  	v12 =	vor.u32 v57, v12;
	[tilespmem:v9+s13+$0x0] =	vst.idx.msk vm0, v26;
	v9 =	vor.u32 v13, v17;
	v13 =	vand.u32 $0xFFFFFFC0, v59;
	_, v61, vm14 =	vpop (xrf1)  }
0x413: {  	v62 =	vbroadcast v13, $0x0;
	[tilespmem:v15+s13+$0x0] =	vst.idx.msk vm13, v58;
	_, v15, vm2 =	vpop (xrf1)  }
0x414: {  	v14 =	vbroadcast v14, $0x0;
	[tilespmem:s30+$0x10] =	vst v8;
	v10 =	vor.u32 v60, v10;
	vm0 =	vmmov vm14  }
0x415: {  	[tilespmem:s30+$0xFFFFFFE0] =	vst v8;
	v11 =	vor.u32 v62, v11;
	_, v63, vm15 =	vpop (xrf1)  }
0x416: {  	[tilespmem:s30+$0x0] =	vst v8;
	v14 =	vor.u32 v14, v16  }
0x417: {  	p0 =	por $0x1, $0x1;
	[tilespmem:v12+s13+$0x0] =	vst.idx.msk vm1, v25  }
.Ltmp29:
0x418: {  	[tilespmem:v9+s13+$0x0] =	vst.idx.msk vm3, v19;
	(pc) =	sbr.rel @!p0 .LBB2_47-.Ltmp29, $4  }
0x419: {  	[tilespmem:v10+s13+$0x0] =	vst.idx.msk vm2, v15  }
0x41a: {  	[tilespmem:v11+s13+$0x0] =	vst.idx.msk vm0, v61  }
0x41b: {  	s31 =	simm.s32 $0x0;
	[tilespmem:v14+s13+$0x0] =	vst.idx.msk vm15, v63  }
0x41c: {  	v9 =	vld [tilespmem:s31+$0x8000];
	[tilespmem:s31+$0x8000] =	vst v8  }
.LBB2_46:
0x41d: {  	p0 =	sne.s32 s23, $0x7FC0  }
.Ltmp30:
0x41e: {  	_ = 	snop;
	(pc) =	sbr.rel @p0 .LBB2_46-.Ltmp30, $3  }
0x41f: {  	_ =	sdelay $0x1  }
0x420: {  	s22 =	sshra.s32 s23, $0x2;
	s23 =	sadd.s32 $0x40, s23;
	v8 =	vadd.s32 v8, v9  }
0x421: {  	v9 =	vld [tilespmem:s22+$0x8000];
	[tilespmem:s22+$0x8000] =	vst v8  }
.LBB2_47:
0x422: {  	s22 =	simm.s32 $0x4020  }
0x423: {  	v23 =	vld [tilespmem:s22+$0x10]  }
0x424: {  	v26 =	vld [tilespmem:s22+$0xFFFFFFF0]  }
0x425: {  	v31 =	vld [tilespmem:s22+$0x0]  }
0x426: {  	v25 =	vld [tilespmem:s22+$0xFFFFFFE0]  }
0x427: {  	v10 =	vadd.s32 v8, v9  }
0x428: {  	(xrf0) =	vadd.scan.msk.s32 $0xffff, v10;
	v12 =	vshrl.u32 v23, $0x1C  }
0x429: {  	v14 =	vshrl.u32 v26, $0x1C;
	(xrf1) =	vunique.msk.u32 $0xffff, v12  }
0x42a: {  	v16 =	vshrl.u32 v31, $0x1C;
	(xrf1) =	vunique.msk.u32 $0xffff, v14  }
0x42b: {  	v15 =	vshrl.u32 v25, $0x1C;
	(xrf1) =	vunique.msk.u32 $0xffff, v16  }
0x42c: {  	s30 =	simm.s32 $0x4060;
	(xrf1) =	vunique.msk.u32 $0xffff, v15  }
0x42d: {  	s23 =	simm.s32 $0x8020;
	v11 =	vld [tilespmem:s30+$0x10]  }
0x42e: {  	v19 =	vld [tilespmem:s23+$0x10]  }
0x42f: {  	v8 =	vld [tilespmem:s30+$0xFFFFFFF0]  }
0x430: {  	v9 =	vld [tilespmem:s30+$0x0];
	v13, _, _ =	vpop (xrf0)  }
0x431: {  	v10 =	vsub.s32 v13, v10;
	v13 =	vld [tilespmem:s30+$0xFFFFFFE0]  }
0x432: {  	v27 =	vshrl.u32 v11, $0x1C  }
0x433: {  	v20 =	vld [tilespmem:s23+$0xFFFFFFE0];
	(xrf1) =	vunique.msk.u32 $0xffff, v27  }
0x434: {  	v21 =	vld [tilespmem:s23+$0xFFFFFFF0];
	v18 =	vshrl.u32 v8, $0x1C  }
0x435: {  	s31 =	simm.s32 $0x6020;
	v22 =	vld [tilespmem:s23+$0x0];
	v17 =	vshrl.u32 v9, $0x1C;
	(xrf1) =	vunique.msk.u32 $0xffff, v18  }
0x436: {  	v28 =	vld [tilespmem:s31+$0x10];
	s22 =	simm.s32 $0x8060;
	(xrf1) =	vunique.msk.u32 $0xffff, v17;
	v19 =	vadd.s32 v10, v19;
	v34 =	vshrl.u32 v13, $0x1C  }
0x437: {  	v30 =	vld [tilespmem:s22+$0x10];
	v19 =	vperm.xlane v19, v12;
	_, v24, _ =	vpop (xrf1);
	(xrf1) =	vunique.msk.u32 $0xffff, v34  }
0x438: {  	s24 =	simm.s32 $0x40A0;
	v62 =	vld [tilespmem:s22+$0xFFFFFFE0];
	v20 =	vadd.s32 v10, v20;
	_, v29, _ =	vpop (xrf1)  }
0x439: {  	v12 =	vld [tilespmem:s24+$0x10];
	v20 =	vperm.xlane v20, v15;
	v15 =	vadd.s32 v10, v21;
	v19 =	vadd.s32 v19, v24;
	_, v24, _ =	vpop (xrf1)  }
0x43a: {  	v32 =	vadd.s32 $0xFFFFFFFF, v19;
	v19 =	vperm.xlane v15, v14;
	v14 =	vadd.s32 v10, v22;
	v15 =	vld [tilespmem:s24+$0xFFFFFFF0];
	_, v21, _ =	vpop (xrf1)  }
0x43b: {  	v33 =	vperm.xlane v14, v16;
	v14 =	vld [tilespmem:s24+$0x0];
	v20 =	vadd.s32 v20, v21  }
0x43c: {  	v16 =	vld [tilespmem:s24+$0xFFFFFFE0];
	v19 =	vadd.s32 v19, v29;
	v21 =	vadd.s32 $0xFFFFFFFF, v20  }
0x43d: {  	v22 =	vadd.s32 $0xFFFFFFFF, v19;
	v19 =	vadd.s32 v33, v24  }
0x43e: {  	v20 =	vshrl.u32 v12, $0x1C;
	v33 =	vadd.s32 v10, v62;
	v19 =	vadd.s32 $0xFFFFFFFF, v19  }
0x43f: {  	v35 =	vld [tilespmem:s22+$0xFFFFFFF0];
	(xrf1) =	vunique.msk.u32 $0xffff, v20;
	[tilespmem:v32+s2+$0x0] =	vst.idx.msk $0xffff, v23;
	v23 =	vadd.s32 v10, v30;
	v24 =	vshrl.u32 v15, $0x1C  }
0x440: {  	v30 =	vld [tilespmem:s22+$0x0];
	[tilespmem:v32+s11+$0x0] =	vst.idx.msk $0xffff, v28;
	v27 =	vperm.xlane v23, v27;
	v23 =	vshrl.u32 v14, $0x1C;
	(xrf1) =	vunique.msk.u32 $0xffff, v24  }
0x441: {  	_, v63, _ =	vpop (xrf1);
	v28 =	vld [tilespmem:s31+$0xFFFFFFE0];
	(xrf1) =	vunique.msk.u32 $0xffff, v23;
	[tilespmem:v21+s2+$0x0] =	vst.idx.msk $0xffff, v25;
	v25 =	vshrl.u32 v16, $0x1C  }
0x442: {  	v29 =	vld [tilespmem:s31+$0xFFFFFFF0];
	v27 =	vadd.s32 v27, v63;
	(xrf1) =	vunique.msk.u32 $0xffff, v25  }
0x443: {  	s23 =	simm.s32 $0x6060;
	_, v32, _ =	vpop (xrf1);
	[tilespmem:v22+s2+$0x0] =	vst.idx.msk $0xffff, v26;
	v26 =	vld [tilespmem:s31+$0x0];
	v27 =	vadd.s32 $0xFFFFFFFF, v27  }
0x444: {  	s25 =	simm.s32 $0x40E0;
	v35 =	vadd.s32 v10, v35;
	s24 =	simm.s32 $0x8;
	v34 =	vperm.xlane v33, v34;
	_, v33, _ =	vpop (xrf1);
	[tilespmem:v19+s2+$0x0] =	vst.idx.msk $0xffff, v31;
	v31 =	vld [tilespmem:s23+$0x10]  }
.LBB2_48:
0x445: {  	v36 =	vld [tilespmem:s25+$0x10];
	v40 =	vperm.xlane v35, v18;
	v30 =	vadd.s32 v10, v30;
	s22 =	sadd.s32 $0x40, s22;
	_, v35, _ =	vpop (xrf1);
	v37 =	vmov v9  }
0x446: {  	s24 =	sadd.s32 $0x4, s24;
	v9 =	vmov v14;
	v38 =	vld [tilespmem:s22+$0x10];
	v34 =	vadd.s32 v34, v35;
	v30 =	vperm.xlane v30, v17;
	[tilespmem:v21+s11+$0x0] =	vst.idx.msk $0xffff, v28  }
0x447: {  	v18 =	vmovc v24;
	p0 =	slt.u32 s24, $0x1FC;
	v39 =	vld [tilespmem:s25+$0xFFFFFFF0];
	v21 =	vadd.s32 $0xFFFFFFFF, v34;
	v28 =	vadd.s32 v40, v32;
	[tilespmem:v22+s11+$0x0] =	vst.idx.msk $0xffff, v29;
	v29 =	vmov v16  }
0x448: {  	v17 =	vmovc v23;
	v14 =	vld [tilespmem:s25+$0x0];
	v22 =	vadd.s32 $0xFFFFFFFF, v28;
	v24 =	vadd.s32 v30, v33;
	[tilespmem:v27+s2+$0x0] =	vst.idx.msk $0xffff, v11;
	v11 =	vmov v12  }
0x449: {  	v16 =	vld [tilespmem:s25+$0xFFFFFFE0];
	v23 =	vadd.s32 $0xFFFFFFFF, v24;
	[tilespmem:v27+s11+$0x0] =	vst.idx.msk $0xffff, v31;
	v31 =	vmov v25  }
0x44a: {  	v25 =	vshrl.u32 v36, $0x1C;
	v27 =	vld [tilespmem:s22+$0xFFFFFFE0];
	[tilespmem:v19+s11+$0x0] =	vst.idx.msk $0xffff, v26;
	v12 =	vmov v36;
	v19 =	vmov v23  }
0x44b: {  	(xrf1) =	vunique.msk.u32 $0xffff, v25;
	v33 =	vld [tilespmem:s22+$0xFFFFFFF0];
	v23 =	vadd.s32 v10, v38  }
.Ltmp31:
0x44c: {  	v24 =	vshrl.u32 v39, $0x1C;
	v30 =	vld [tilespmem:s22+$0x0];
	v26 =	vperm.xlane v23, v20;
	v20 =	vmov v25;
	(pc) =	sbr.rel @p0 .LBB2_48-.Ltmp31, $4  }
0x44d: {  	v23 =	vshrl.u32 v14, $0x1C;
	(xrf1) =	vunique.msk.u32 $0xffff, v24;
	_, v32, _ =	vpop (xrf1);
	v28 =	vld [tilespmem:s23+$0xFFFFFFE0];
	[tilespmem:v21+s2+$0x0] =	vst.idx.msk $0xffff, v13;
	v13 =	vmov v29  }
0x44e: {  	v25 =	vshrl.u32 v16, $0x1C;
	(xrf1) =	vunique.msk.u32 $0xffff, v23;
	v26 =	vadd.s32 v26, v32;
	v29 =	vld [tilespmem:s23+$0xFFFFFFF0];
	[tilespmem:v22+s2+$0x0] =	vst.idx.msk $0xffff, v8;
	v8 =	vmovc v15  }
0x44f: {  	(xrf1) =	vunique.msk.u32 $0xffff, v25;
	v36 =	vadd.s32 v10, v27;
	v27 =	vadd.s32 $0xFFFFFFFF, v26;
	_, v32, _ =	vpop (xrf1);
	v26 =	vld [tilespmem:s23+$0x0];
	[tilespmem:v19+s2+$0x0] =	vst.idx.msk $0xffff, v37;
	s23 =	sadd.s32 $0x40, s23  }
0x450: {  	s25 =	sadd.s32 $0x40, s25;
	v15 =	vmov v39;
	v34 =	vperm.xlane v36, v31;
	v35 =	vadd.s32 v10, v33;
	v31 =	vld [tilespmem:s23+$0x10];
	_, v33, _ =	vpop (xrf1)  }
0x451: {  	s22 =	sadd.s32 $0x40, s22  }
0x452: {  	v36 =	vld [tilespmem:s22+$0x10]  }
0x453: {  	v47 =	vld [tilespmem:s22+$0xFFFFFFE0]  }
0x454: {  	v18 =	vperm.xlane v35, v18;
	_, v46, _ =	vpop (xrf1);
	v49 =	vld [tilespmem:s22+$0xFFFFFFF0]  }
0x455: {  	v30 =	vadd.s32 v10, v30;
	[tilespmem:v27+s2+$0x0] =	vst.idx.msk $0xffff, v11;
	v34 =	vadd.s32 v34, v46;
	v51 =	vld [tilespmem:s22+$0x0]  }
0x456: {  	v17 =	vperm.xlane v30, v17;
	[tilespmem:v21+s11+$0x0] =	vst.idx.msk $0xffff, v28;
	v48 =	vadd.s32 $0xFFFFFFFF, v34;
	v18 =	vadd.s32 v18, v32  }
0x457: {  	[tilespmem:v22+s11+$0x0] =	vst.idx.msk $0xffff, v29;
	v18 =	vadd.s32 $0xFFFFFFFF, v18  }
0x458: {  	v54 =	vld [tilespmem:s23+$0xFFFFFFE0];
	v17 =	vadd.s32 v17, v33;
	[tilespmem:v19+s11+$0x0] =	vst.idx.msk $0xffff, v26;
	v50 =	vadd.s32 v10, v36  }
0x459: {  	v11 =	vadd.s32 $0xFFFFFFFF, v17;
	[tilespmem:v27+s11+$0x0] =	vst.idx.msk $0xffff, v31;
	v52 =	vperm.xlane v50, v20  }
0x45a: {  	v55 =	vld [tilespmem:s23+$0xFFFFFFF0];
	v56 =	vadd.s32 v10, v47;
	v59 =	vadd.s32 v10, v49;
	v10 =	vadd.s32 v10, v51;
	_, v53, _ =	vpop (xrf1)  }
0x45b: {  	v58 =	vld [tilespmem:s23+$0x0];
	[tilespmem:v48+s2+$0x0] =	vst.idx.msk $0xffff, v13;
	v24 =	vperm.xlane v59, v24;
	v17 =	vadd.s32 v52, v53  }
0x45c: {  	s31 =	sadd.s32 $0x40, s23;
	v10 =	vperm.xlane v10, v23;
	[tilespmem:v18+s2+$0x0] =	vst.idx.msk $0xffff, v8;
	_, v57, _ =	vpop (xrf1);
	v13 =	vadd.s32 $0xFFFFFFFF, v17  }
0x45d: {  	v8 =	vld [tilespmem:s31+$0x10];
	[tilespmem:v48+s11+$0x0] =	vst.idx.msk $0xffff, v54;
	_, v60, _ =	vpop (xrf1);
	v62 =	vadd.s32 v24, v57  }
0x45e: {  	v20 =	vperm.xlane v56, v25;
	[tilespmem:v11+s2+$0x0] =	vst.idx.msk $0xffff, v9;
	v63 =	vadd.s32 $0xFFFFFFFF, v62;
	v10 =	vadd.s32 v10, v60  }
0x45f: {  	[tilespmem:v18+s11+$0x0] =	vst.idx.msk $0xffff, v55;
	_, v61, _ =	vpop (xrf1);
	v10 =	vadd.s32 $0xFFFFFFFF, v10  }
0x460: {  	[tilespmem:v11+s11+$0x0] =	vst.idx.msk $0xffff, v58;
	v11 =	vld [tilespmem:s31+$0xFFFFFFF0];
	v9 =	vadd.s32 v20, v61  }
0x461: {  	v9 =	vadd.s32 $0xFFFFFFFF, v9;
	[tilespmem:v13+s2+$0x0] =	vst.idx.msk $0xffff, v12  }
0x462: {  	v12 =	vld [tilespmem:s31+$0x0];
	[tilespmem:v13+s11+$0x0] =	vst.idx.msk $0xffff, v8  }
0x463: {  	v8 =	vld [tilespmem:s31+$0xFFFFFFE0];
	[tilespmem:v63+s2+$0x0] =	vst.idx.msk $0xffff, v15  }
0x464: {  	[tilespmem:v10+s2+$0x0] =	vst.idx.msk $0xffff, v14  }
0x465: {  	[tilespmem:v63+s11+$0x0] =	vst.idx.msk $0xffff, v11  }
0x466: {  	[tilespmem:v9+s2+$0x0] =	vst.idx.msk $0xffff, v16  }
0x467: {  	[tilespmem:v10+s11+$0x0] =	vst.idx.msk $0xffff, v12  }
0x468: {  	[tilespmem:v9+s11+$0x0] =	vst.idx.msk $0xffff, v8  }
0x469: {  	v10 =	vld [tilespmem:$0xA000]  }
0x46a: {  	v11 =	vld [tilespmem:$0xA010]  }
0x46b: {  	v8 =	vld [tilespmem:$0xA020]  }
0x46c: {  	v12 =	vld [tilespmem:$0xA030]  }
0x46d: {  	v9 =	vld [tilespmem:$0xA040];
	[tilespmem:$0xB880] =	vst v1  }
0x46e: {  	s22 =	simm.s32 $0x0;
	v13 =	vld [tilespmem:$0xA050];
	[tilespmem:$0xB900] =	vst v1  }
.LBB2_50:
0x46f: {  	s23 =	sshra.s32 s22, $0x2  }
0x470: {  	v14 =	vld [tilespmem:s23+$0x2000];
	_ =	sdelay $0x4  }
0x471: {  	v15 =	vshrl.u32 v14, $0x14  }
0x472: {  	v16 =	vshrl.u32 v14, $0x10;
	v15 =	vand.u32 $0x3, v15  }
0x473: {  	v16 =	vand.u32 $0x7, v16;
	vm0 =	veq.s32 v15, $0x0  }
0x474: {  	(xrf1) =	vunique.msk.u32 vm0, v16;
	_ =	sdelay $0x9  }
0x475: {  	v17 =	vld.idx.msk [tilespmem:v16+s16+$0x0], $0xffff;
	_ =	sdelay $0x3  }
0x476: {  	_, v18, vm1 =	vpop (xrf1)  }
0x477: {  	v19 =	vperm.xlane v11, v16;
	vm2 =	veq.s32 v15, $0x2;
	v17 =	vadd.s32 v18, v17  }
0x478: {  	(xrf1) =	vunique.msk.u32 vm2, v16;
	v15 =	vadd.s32 $0xFFFFFFFF, v17  }
0x479: {  	v60 =	vperm.xlane v10, v16;
	vm3 =	vlt.s32 v15, v19  }
0x47a: {  	vm0 =	vmand vm0, vm3  }
0x47b: {  	v15 =	vadd.s32 v60, v15;
	_ =	sdelay $0x3  }
0x47c: {  	v14 =	vand.u32 $0xFFFF, v14  }
0x47d: {  	[tilespmem:v15+s17+$0x0] =	vst.idx.msk vm0, v14  }
0x47e: {  	[tilespmem:v16+s16+$0x0] =	vst.idx.add.s32.msk vm1, v18  }
0x47f: {  	v15 =	vld.idx.msk [tilespmem:v16+s18+$0x0], $0xffff;
	_ =	sdelay $0x3  }
0x480: {  	_, v61, vm14 =	vpop (xrf1)  }
0x481: {  	v62 =	vperm.xlane v12, v16;
	v15 =	vadd.s32 v15, v61  }
0x482: {  	v15 =	vadd.s32 $0xFFFFFFFF, v15  }
0x483: {  	v63 =	vperm.xlane v13, v16;
	vm15 =	vlt.s32 v15, v62  }
0x484: {  	vm1 =	vmand vm2, vm15  }
0x485: {  	v15 =	vadd.s32 v15, v63  }
0x486: {  	p0 =	sne.s32 s22, $0x7FC0  }
.Ltmp32:
0x487: {  	_ = 	snop;
	(pc) =	sbr.rel @p0 .LBB2_50-.Ltmp32, $3  }
0x488: {  	_ =	sdelay $0x1  }
0x489: {  	[tilespmem:v15+s17+$0x0] =	vst.idx.msk vm1, v14  }
0x48a: {  	s22 =	sadd.s32 $0x40, s22;
	[tilespmem:v16+s18+$0x0] =	vst.idx.add.s32.msk vm14, v61  }
0x48b: {  	s22 =	simm.s32 $0x0  }
0x48c: {  	[tilespmem:s15], [sflag:$0x1] =	stream.linear.gather [hbm4b:s4+s22], $0x2000, $0x38;
	[tilespmem:$0xB980] =	vst v63  }
0x48d: {  	_ =	swait.ge [sflag:s10], $0x2000  }
0x48e: {  	[sflag:s10] =	ssyncset.done $0x0  }
0x48f: {  	s31 =	simm.s32 $0x0;
	[sflag:s10] =	ssyncadd.s32 $0xFFFFE000  }
0x490: {  	v16 =	vperm.xlane v8, v2;
	v20 =	vld [tilespmem:s31+$0x6000]  }
0x491: {  	v18 =	vperm.xlane v8, v3;
	v13 =	vperm.xlane v8, v4  }
0x492: {  	v10 =	vperm.xlane v8, v5;
	v15 =	vperm.xlane v9, v2  }
0x493: {  	v21 =	vimm.s32 $0x0;
	v14 =	vperm.xlane v9, v3;
	v12 =	vperm.xlane v9, v4  }
0x494: {  	v11 =	vperm.xlane v9, v5;
	v19 =	vperm.xlane v8, v21  }
0x495: {  	v8 =	vperm.xlane v8, v6;
	v17 =	vperm.xlane v9, v21;
	v22 =	vshrl.u32 v20, $0x10  }
0x496: {  	v9 =	vperm.xlane v9, v6;
	v23 =	vand.u32 $0x300000, v20;
	v22 =	vand.u32 $0x7, v22  }
0x497: {  	v26 =	vand.u32 $0xFFFF, v20;
	vm3 =	veq.s32 v23, $0x100000;
	vm0 =	vne.s32 v22, $0x0  }
0x498: {  	vm1 =	vne.s32 v22, $0x2;
	vm2 =	vne.s32 v22, $0x1;
	vm5 =	vmor vm3, vm0  }
0x499: {  	vm6 =	vne.s32 v22, $0x3;
	vm0 =	vmor vm3, vm1;
	v23 =	vsel vm5, $0x1, v1  }
0x49a: {  	vm10 =	vne.s32 v22, $0x5;
	vm4 =	vmor vm3, vm2;
	v24 =	vsel vm0, $0x1, v1;
	(xrf0) =	vadd.scan.msk.s32 $0xffff, v23  }
0x49b: {  	vm1 =	vne.s32 v22, $0x4;
	vm2 =	vmor vm3, vm6;
	v23 =	vsel vm4, $0x1, v1;
	(xrf0) =	vadd.scan.msk.s32 $0xffff, v24  }
0x49c: {  	vm1 =	vmor vm3, vm1;
	v25 =	vsel vm2, $0x1, v1;
	v27 =	vsel vm5, $0xFFFFFFFF, v1;
	(xrf0) =	vadd.scan.msk.s32 $0xffff, v23  }
0x49d: {  	v22 =	vsel vm4, $0xFFFFFFFF, v1;
	vm3 =	vmor vm3, vm10;
	v28 =	vsel vm2, $0xFFFFFFFF, v1  }
0x49e: {  	v29 =	vsel vm3, $0xFFFFFFFF, v1;
	v30 =	vsel vm3, $0x1, v1;
	v22 =	vadd.s32 v22, v21;
	(xrf0) =	vadd.scan.msk.s32 $0xffff, v25  }
0x49f: {  	v24 =	vsel vm1, $0x1, v1;
	v23 =	vsel vm0, $0xFFFFFFFF, v1;
	v25 =	vsel vm1, $0xFFFFFFFF, v1  }
0x4a0: {  	v20 =	vadd.s32 v23, v21;
	(xrf0) =	vadd.scan.msk.s32 $0xffff, v24;
	v23 =	vadd.s32 v25, v21;
	v24 =	vadd.s32 v27, v21;
	v27, _, _ =	vpop (xrf0)  }
0x4a1: {  	v25 =	vadd.s32 v28, v21;
	(xrf0) =	vadd.scan.msk.s32 $0xffff, v30;
	v30 =	vadd.s32 v29, v21;
	v24 =	vadd.s32 v27, v24;
	v29, _, _ =	vpop (xrf0)  }
0x4a2: {  	v27 =	vperm.xlane v27, v7;
	vm11 =	vlt.s32 v24, v19;
	v20 =	vadd.s32 v29, v20;
	v28, _, _ =	vpop (xrf0)  }
0x4a3: {  	v31 =	vperm.xlane v29, v7;
	v24 =	vadd.s32 v17, v24;
	v22 =	vadd.s32 v28, v22  }
0x4a4: {  	vm7 =	vlt.s32 v20, v18;
	vm5 =	vmand vm5, vm11;
	v32, _, _ =	vpop (xrf0);
	v29 =	vadd.s32 v14, v20  }
0x4a5: {  	vm12 =	vlt.s32 v22, v16;
	vm0 =	vmand vm0, vm7;
	v25 =	vadd.s32 v32, v25  }
0x4a6: {  	v33, _, _ =	vpop (xrf0);
	v22 =	vadd.s32 v15, v22;
	v20 =	vadd.s32 v21, v31;
	vm4 =	vmand vm4, vm12  }
0x4a7: {  	v34 =	vperm.xlane v32, v7;
	vm13 =	vlt.s32 v25, v13;
	v23 =	vadd.s32 v33, v23;
	v36, _, _ =	vpop (xrf0)  }
0x4a8: {  	vm2 =	vmand vm2, vm13;
	vm14 =	vlt.s32 v23, v10;
	v35 =	vadd.s32 v36, v30  }
0x4a9: {  	v30 =	vadd.s32 v12, v25;
	vm1 =	vmand vm1, vm14;
	vm15 =	vlt.s32 v35, v8  }
0x4aa: {  	v31 =	vadd.s32 v11, v23;
	v23 =	vimm.s32 $0x0;
	vm3 =	vmand vm3, vm15  }
0x4ab: {  	v25 =	vimm.s32 $0x0;
	v32 =	vadd.s32 v9, v35;
	v35 =	vperm.xlane v33, v7;
	[tilespmem:v24+s17+$0x0] =	vst.idx.msk vm5, v26  }
0x4ac: {  	s23 =	simm.s32 $0x10;
	s24 =	simm.s32 $0xC0;
	s22 =	simm.s32 $0x20;
	v33 =	vperm.xlane v36, v7;
	v24 =	vimm.s32 $0x0;
	[tilespmem:v22+s17+$0x0] =	vst.idx.msk vm4, v26;
	v22 =	vimm.s32 $0x0  }
.LBB2_52:
0x4ad: {  	p0 =	sne.s32 s24, $0x7FC0;
	v28 =	vperm.xlane v28, v7;
	[tilespmem:v29+s17+$0x0] =	vst.idx.msk vm0, v26;
	v21 =	vadd.s32 v21, v34;
	s25 =	smov.u32 s24;
	s24 =	sadd.s32 $0x40, s24  }
0x4ae: {  	s25 =	sshra.s32 s25, $0x2;
	[tilespmem:v30+s17+$0x0] =	vst.idx.msk vm2, v26;
	v23 =	vadd.s32 v23, v35;
	v25 =	vadd.s32 v25, v33  }
0x4af: {  	v24 =	vadd.s32 v24, v27;
	v22 =	vadd.s32 v22, v28;
	[tilespmem:v31+s17+$0x0] =	vst.idx.msk vm1, v26  }
0x4b0: {  	[tilespmem:v32+s17+$0x0] =	vst.idx.msk vm3, v26  }
0x4b1: {  	v26 =	vld [tilespmem:s23+$0x6000];
	s23 =	smov.u32 s22;
	s22 =	smov.u32 s25;
	_ =	sdelay $0x4  }
0x4b2: {  	v27 =	vshrl.u32 v26, $0x10;
	v28 =	vand.u32 $0x300000, v26  }
0x4b3: {  	v27 =	vand.u32 $0x7, v27;
	vm3 =	veq.s32 v28, $0x100000  }
0x4b4: {  	vm0 =	vne.s32 v27, $0x0;
	vm1 =	vne.s32 v27, $0x1;
	vm2 =	vne.s32 v27, $0x2  }
0x4b5: {  	vm6 =	vne.s32 v27, $0x4;
	vm5 =	vmor vm3, vm0;
	vm0 =	vmor vm3, vm2  }
0x4b6: {  	vm2 =	vne.s32 v27, $0x3;
	v28 =	vsel vm5, $0x1, v1;
	v29 =	vsel vm0, $0x1, v1  }
0x4b7: {  	vm4 =	vmor vm3, vm1;
	vm1 =	vmor vm3, vm6;
	vm2 =	vmor vm3, vm2;
	(xrf0) =	vadd.scan.msk.s32 $0xffff, v28  }
0x4b8: {  	v31 =	vsel vm1, $0x1, v1;
	v28 =	vsel vm4, $0x1, v1;
	v30 =	vsel vm2, $0x1, v1;
	(xrf0) =	vadd.scan.msk.s32 $0xffff, v29  }
0x4b9: {  	vm6 =	vne.s32 v27, $0x5;
	v32 =	vsel vm4, $0xFFFFFFFF, v1;
	v29 =	vsel vm5, $0xFFFFFFFF, v1;
	(xrf0) =	vadd.scan.msk.s32 $0xffff, v28  }
0x4ba: {  	v27 =	vsel vm0, $0xFFFFFFFF, v1;
	vm3 =	vmor vm3, vm6;
	v28 =	vsel vm2, $0xFFFFFFFF, v1;
	(xrf0) =	vadd.scan.msk.s32 $0xffff, v30  }
0x4bb: {  	v33 =	vsel vm3, $0xFFFFFFFF, v1;
	v34 =	vsel vm3, $0x1, v1;
	v30 =	vsel vm1, $0xFFFFFFFF, v1;
	(xrf0) =	vadd.scan.msk.s32 $0xffff, v31  }
0x4bc: {  	v26 =	vand.u32 $0xFFFF, v26;
	v31 =	vadd.s32 v27, v20;
	v30 =	vadd.s32 v30, v23;
	(xrf0) =	vadd.scan.msk.s32 $0xffff, v34  }
0x4bd: {  	v33 =	vadd.s32 v33, v25;
	v27 =	vadd.s32 v29, v24;
	v29 =	vadd.s32 v28, v21;
	v28, _, _ =	vpop (xrf0)  }
0x4be: {  	v32 =	vadd.s32 v32, v22;
	v34 =	vadd.s32 v28, v27;
	v27 =	vperm.xlane v28, v7;
	v28, _, _ =	vpop (xrf0)  }
0x4bf: {  	vm6 =	vlt.s32 v34, v19;
	v31 =	vadd.s32 v28, v31;
	v35 =	vperm.xlane v28, v7;
	v28, _, _ =	vpop (xrf0)  }
0x4c0: {  	vm5 =	vmand vm5, vm6;
	v32 =	vadd.s32 v28, v32;
	vm6 =	vlt.s32 v31, v18;
	v36, _, _ =	vpop (xrf0)  }
0x4c1: {  	vm7 =	vlt.s32 v32, v16;
	vm0 =	vmand vm0, vm6;
	v37 =	vadd.s32 v36, v29;
	v38, _, _ =	vpop (xrf0)  }
0x4c2: {  	v34 =	vadd.s32 v17, v34;
	vm4 =	vmand vm4, vm7;
	vm6 =	vlt.s32 v37, v13;
	v39, _, _ =	vpop (xrf0)  }
0x4c3: {  	v40 =	vadd.s32 v15, v32;
	v32 =	vadd.s32 v38, v30;
	vm2 =	vmand vm2, vm6  }
.Ltmp33:
0x4c4: {  	v29 =	vadd.s32 v14, v31;
	vm6 =	vlt.s32 v32, v10;
	v33 =	vadd.s32 v39, v33;
	(pc) =	sbr.rel @p0 .LBB2_52-.Ltmp33, $4  }
0x4c5: {  	v30 =	vadd.s32 v12, v37;
	vm1 =	vmand vm1, vm6;
	vm6 =	vlt.s32 v33, v8  }
0x4c6: {  	v20 =	vadd.s32 v20, v35;
	v31 =	vadd.s32 v11, v32;
	vm3 =	vmand vm3, vm6  }
0x4c7: {  	v32 =	vadd.s32 v9, v33;
	[tilespmem:v34+s17+$0x0] =	vst.idx.msk vm5, v26;
	v34 =	vperm.xlane v36, v7  }
0x4c8: {  	v35 =	vperm.xlane v38, v7;
	v33 =	vperm.xlane v39, v7;
	[tilespmem:v40+s17+$0x0] =	vst.idx.msk vm4, v26  }
0x4c9: {  	_ =	sdelay $0x4  }
0x4ca: {  	[tilespmem:v29+s17+$0x0] =	vst.idx.msk vm0, v26  }
0x4cb: {  	[tilespmem:v30+s17+$0x0] =	vst.idx.msk vm2, v26  }
0x4cc: {  	[tilespmem:v31+s17+$0x0] =	vst.idx.msk vm1, v26  }
0x4cd: {  	[tilespmem:v32+s17+$0x0] =	vst.idx.msk vm3, v26  }
0x4ce: {  	v26 =	vld [tilespmem:s23+$0x6000];
	_ =	sdelay $0x3  }
0x4cf: {  	v28 =	vperm.xlane v28, v7  }
0x4d0: {  	v21 =	vadd.s32 v21, v34;
	v24 =	vadd.s32 v24, v27;
	v45 =	vshrl.u32 v26, $0x10  }
0x4d1: {  	v23 =	vadd.s32 v23, v35;
	v46 =	vand.u32 $0x300000, v26;
	v29 =	vand.u32 $0x7, v45  }
0x4d2: {  	v25 =	vadd.s32 v25, v33;
	vm4 =	veq.s32 v46, $0x100000;
	vm11 =	vne.s32 v29, $0x0  }
0x4d3: {  	v22 =	vadd.s32 v22, v28;
	vm13 =	vne.s32 v29, $0x2;
	vm5 =	vmor vm4, vm11  }
0x4d4: {  	vm12 =	vne.s32 v29, $0x1;
	vm2 =	vmor vm4, vm13;
	v47 =	vsel vm5, $0x1, v1  }
0x4d5: {  	vm14 =	vne.s32 v29, $0x4;
	vm15 =	vmor vm4, vm12;
	v48 =	vsel vm2, $0x1, v1;
	(xrf0) =	vadd.scan.msk.s32 $0xffff, v47  }
0x4d6: {  	vm6 =	vne.s32 v29, $0x3;
	vm10 =	vne.s32 v29, $0x5;
	v49 =	vsel vm15, $0x1, v1;
	(xrf0) =	vadd.scan.msk.s32 $0xffff, v48  }
0x4d7: {  	vm9 =	vmor vm4, vm6;
	vm0 =	vmor vm4, vm14;
	vm4 =	vmor vm4, vm10;
	(xrf0) =	vadd.scan.msk.s32 $0xffff, v49  }
0x4d8: {  	v50 =	vsel vm9, $0x1, v1;
	v51 =	vsel vm0, $0x1, v1;
	v52 =	vsel vm5, $0xFFFFFFFF, v1  }
0x4d9: {  	v53 =	vsel vm15, $0xFFFFFFFF, v1;
	v54 =	vsel vm2, $0xFFFFFFFF, v1;
	v55 =	vsel vm9, $0xFFFFFFFF, v1;
	(xrf0) =	vadd.scan.msk.s32 $0xffff, v50  }
0x4da: {  	v56 =	vsel vm0, $0xFFFFFFFF, v1;
	v57 =	vsel vm4, $0xFFFFFFFF, v1;
	v58 =	vsel vm4, $0x1, v1;
	(xrf0) =	vadd.scan.msk.s32 $0xffff, v51  }
0x4db: {  	v28 =	vadd.s32 v54, v20;
	v59 =	vadd.s32 v56, v23;
	v27 =	vadd.s32 v52, v24;
	(xrf0) =	vadd.scan.msk.s32 $0xffff, v58;
	v60, _, _ =	vpop (xrf0)  }
0x4dc: {  	v29 =	vadd.s32 v55, v21;
	v33 =	vadd.s32 v57, v25;
	v27 =	vadd.s32 v60, v27;
	v61, _, _ =	vpop (xrf0)  }
0x4dd: {  	v31 =	vadd.s32 v53, v22;
	vm11 =	vlt.s32 v27, v19;
	v28 =	vadd.s32 v61, v28;
	v62, _, _ =	vpop (xrf0)  }
0x4de: {  	v27 =	vadd.s32 v17, v27;
	vm5 =	vmand vm5, vm11;
	v31 =	vadd.s32 v62, v31  }
0x4df: {  	vm12 =	vlt.s32 v28, v18;
	v36, _, _ =	vpop (xrf0);
	v28 =	vadd.s32 v14, v28;
	vm7 =	vlt.s32 v31, v16  }
0x4e0: {  	vm2 =	vmand vm2, vm12;
	v29 =	vadd.s32 v36, v29;
	v37, _, _ =	vpop (xrf0);
	vm3 =	vmand vm15, vm7  }
0x4e1: {  	v31 =	vadd.s32 v15, v31;
	vm13 =	vlt.s32 v29, v13;
	v38, _, _ =	vpop (xrf0);
	v30 =	vadd.s32 v37, v59  }
0x4e2: {  	vm1 =	vmand vm9, vm13;
	vm14 =	vlt.s32 v30, v10;
	v33 =	vadd.s32 v38, v33  }
0x4e3: {  	v29 =	vadd.s32 v12, v29;
	vm0 =	vmand vm0, vm14;
	vm15 =	vlt.s32 v33, v8  }
0x4e4: {  	v26 =	vand.u32 $0xFFFF, v26;
	v30 =	vadd.s32 v11, v30;
	vm4 =	vmand vm4, vm15  }
0x4e5: {  	v63 =	vadd.s32 v9, v33;
	[tilespmem:v27+s17+$0x0] =	vst.idx.msk vm5, v26  }
0x4e6: {  	[tilespmem:v31+s17+$0x0] =	vst.idx.msk vm3, v26  }
0x4e7: {  	[tilespmem:v28+s17+$0x0] =	vst.idx.msk vm2, v26  }
0x4e8: {  	[tilespmem:v29+s17+$0x0] =	vst.idx.msk vm1, v26  }
0x4e9: {  	[tilespmem:v30+s17+$0x0] =	vst.idx.msk vm0, v26  }
0x4ea: {  	[tilespmem:v63+s17+$0x0] =	vst.idx.msk vm4, v26  }
0x4eb: {  	v26 =	vld [tilespmem:s22+$0x6000]  }
0x4ec: {  	v34 =	vperm.xlane v61, v7  }
0x4ed: {  	v41 =	vperm.xlane v62, v7  }
0x4ee: {  	v36 =	vperm.xlane v36, v7;
	v39 =	vadd.s32 v20, v34  }
0x4ef: {  	v37 =	vperm.xlane v37, v7;
	v22 =	vadd.s32 v22, v41;
	v40 =	vperm.xlane v38, v7  }
0x4f0: {  	v21 =	vadd.s32 v21, v36;
	v33 =	vperm.xlane v60, v7;
	v42 =	vshrl.u32 v26, $0x10  }
0x4f1: {  	v23 =	vadd.s32 v23, v37;
	v43 =	vand.u32 $0x300000, v26;
	v29 =	vand.u32 $0x7, v42  }
0x4f2: {  	v25 =	vadd.s32 v25, v40;
	vm4 =	veq.s32 v43, $0x100000;
	vm8 =	vne.s32 v29, $0x0  }
0x4f3: {  	v24 =	vadd.s32 v24, v33;
	vm10 =	vne.s32 v29, $0x2;
	vm11 =	vmor vm4, vm8  }
0x4f4: {  	vm9 =	vne.s32 v29, $0x1;
	vm2 =	vmor vm4, vm10;
	v44 =	vsel vm11, $0x1, v1  }
0x4f5: {  	vm13 =	vne.s32 v29, $0x3;
	vm14 =	vmor vm4, vm9;
	v45 =	vsel vm2, $0x1, v1;
	(xrf0) =	vadd.scan.msk.s32 $0xffff, v44  }
0x4f6: {  	vm12 =	vne.s32 v29, $0x4;
	vm15 =	vmor vm4, vm13;
	v46 =	vsel vm14, $0x1, v1;
	(xrf0) =	vadd.scan.msk.s32 $0xffff, v45  }
0x4f7: {  	vm0 =	vmor vm4, vm12;
	vm9 =	vne.s32 v29, $0x5;
	v47 =	vsel vm15, $0x1, v1;
	(xrf0) =	vadd.scan.msk.s32 $0xffff, v46  }
0x4f8: {  	v48 =	vsel vm0, $0x1, v1;
	v49 =	vsel vm11, $0xFFFFFFFF, v1;
	v50 =	vsel vm14, $0xFFFFFFFF, v1  }
0x4f9: {  	v51 =	vsel vm2, $0xFFFFFFFF, v1;
	v52 =	vsel vm15, $0xFFFFFFFF, v1;
	vm4 =	vmor vm4, vm9;
	(xrf0) =	vadd.scan.msk.s32 $0xffff, v47  }
0x4fa: {  	v53 =	vsel vm0, $0xFFFFFFFF, v1;
	v54 =	vsel vm4, $0xFFFFFFFF, v1;
	v55 =	vsel vm4, $0x1, v1;
	(xrf0) =	vadd.scan.msk.s32 $0xffff, v48  }
0x4fb: {  	v20 =	vadd.s32 v51, v39;
	v23 =	vadd.s32 v53, v23;
	v24 =	vadd.s32 v49, v24;
	(xrf0) =	vadd.scan.msk.s32 $0xffff, v55;
	v56, _, _ =	vpop (xrf0)  }
0x4fc: {  	v21 =	vadd.s32 v52, v21;
	v22 =	vadd.s32 v50, v22;
	v24 =	vadd.s32 v56, v24;
	v57, _, _ =	vpop (xrf0)  }
0x4fd: {  	v25 =	vadd.s32 v54, v25;
	vm10 =	vlt.s32 v24, v19;
	v58 =	vadd.s32 v57, v20;
	v59, _, _ =	vpop (xrf0)  }
0x4fe: {  	v63 =	vadd.s32 v17, v24;
	vm5 =	vmand vm11, vm10;
	v20 =	vadd.s32 v59, v22  }
0x4ff: {  	vm11 =	vlt.s32 v58, v18;
	v60, _, _ =	vpop (xrf0);
	v14 =	vadd.s32 v14, v58;
	vm12 =	vlt.s32 v20, v16  }
0x500: {  	vm2 =	vmand vm2, vm11;
	v61 =	vadd.s32 v60, v21;
	v62, _, _ =	vpop (xrf0);
	vm3 =	vmand vm14, vm12  }
0x501: {  	v15 =	vadd.s32 v15, v20;
	vm13 =	vlt.s32 v61, v13;
	v13, _, _ =	vpop (xrf0);
	v18 =	vadd.s32 v62, v23  }
0x502: {  	vm1 =	vmand vm15, vm13;
	vm14 =	vlt.s32 v18, v10;
	v10 =	vadd.s32 v13, v25  }
0x503: {  	v12 =	vadd.s32 v12, v61;
	vm0 =	vmand vm0, vm14;
	vm15 =	vlt.s32 v10, v8  }
0x504: {  	v11 =	vadd.s32 v11, v18;
	v8 =	vand.u32 $0xFFFF, v26;
	vm4 =	vmand vm4, vm15  }
0x505: {  	v9 =	vadd.s32 v9, v10;
	[tilespmem:v63+s17+$0x0] =	vst.idx.msk vm5, v8  }
0x506: {  	[tilespmem:v15+s17+$0x0] =	vst.idx.msk vm3, v8  }
0x507: {  	[tilespmem:v14+s17+$0x0] =	vst.idx.msk vm2, v8  }
0x508: {  	[tilespmem:v12+s17+$0x0] =	vst.idx.msk vm1, v8  }
0x509: {  	[tilespmem:v11+s17+$0x0] =	vst.idx.msk vm0, v8  }
0x50a: {  	[tilespmem:v9+s17+$0x0] =	vst.idx.msk vm4, v8  }
0x50b: {  	[hbm4b:s6+s2] =	stream.linear.scatter [tilespmem:s17], [sflag:$0x1], $0x800, $0x38;
	[tilespmem:$0xB980] =	vst v63  }
0x50c: {  	_ =	swait.ge [sflag:s10], $0x800  }
0x50d: {  	[sflag:s10] =	ssyncset.done $0x0  }
0x50e: {  	s25 =	simm.s32 $0xA0A0;
	[sflag:s10] =	ssyncadd.s32 $0xFFFFF800  }
0x50f: {  	v13 =	vld [tilespmem:s25+$0x10];
	_ =	sdelay $0x3  }
0x510: {  	v9 =	vld [tilespmem:s25+$0xFFFFFFF0]  }
0x511: {  	v8 =	vld [tilespmem:s25+$0x0];
	v10 =	vshrl.u32 v13, $0x1  }
0x512: {  	v14 =	vadd.s32 v0, v10;
	v10 =	vld [tilespmem:s25+$0xFFFFFFE0];
	_ =	sdelay $0x2  }
0x513: {  	s22 =	simm.s32 $0xA8A0;
	v11 =	vshrl.u32 v9, $0x1;
	v9 =	vand.u32 $0x1, v9  }
0x514: {  	s24 =	simm.s32 $0x0;
	s23 =	simm.s32 $0xB0A0;
	v12 =	vshrl.u32 v8, $0x1;
	v13 =	vand.u32 $0x1, v13;
	v11 =	vadd.s32 v0, v11;
	s25 =	simm.s32 $0xA0E0;
	[tilespmem:s22+$0x10] =	vst v14  }
.LBB2_54:
0x515: {  	v14 =	vld [tilespmem:s25+$0x10];
	v15 =	vshrl.u32 v10, $0x1;
	v16 =	vand.u32 $0x1, v10;
	v12 =	vadd.s32 v0, v12;
	[tilespmem:s23+$0x10] =	vst v13  }
0x516: {  	s24 =	sadd.s32 $0x4, s24;
	v13 =	vld [tilespmem:s25+$0xFFFFFFF0];
	v10 =	vadd.s32 v0, v15;
	[tilespmem:s22+$0xFFFFFFF0] =	vst v11;
	v11 =	vand.u32 $0x1, v8  }
0x517: {  	p0 =	slt.u32 s24, $0x7C;
	v8 =	vld [tilespmem:s25+$0x0];
	[tilespmem:s22+$0xFFFFFFE0] =	vst v10  }
.Ltmp34:
0x518: {  	v10 =	vld [tilespmem:s25+$0xFFFFFFE0];
	[tilespmem:s23+$0xFFFFFFE0] =	vst v16;
	(pc) =	sbr.rel @p0 .LBB2_54-.Ltmp34, $4  }
0x519: {  	[tilespmem:s23+$0xFFFFFFF0] =	vst v9  }
0x51a: {  	v15 =	vshrl.u32 v14, $0x1;
	[tilespmem:s22+$0x0] =	vst v12  }
0x51b: {  	s22 =	sadd.s32 $0x40, s22;
	v12 =	vshrl.u32 v13, $0x1;
	v9 =	vand.u32 $0x1, v13;
	v13 =	vadd.s32 v0, v15;
	[tilespmem:s23+$0x0] =	vst v11  }
0x51c: {  	s25 =	sadd.s32 $0x40, s25;
	s23 =	sadd.s32 $0x40, s23;
	v11 =	vadd.s32 v0, v12;
	v12 =	vshrl.u32 v8, $0x1;
	[tilespmem:s22+$0x10] =	vst v13;
	v13 =	vand.u32 $0x1, v14  }
0x51d: {  	[tilespmem:s23+$0x10] =	vst v13  }
0x51e: {  	[tilespmem:s22+$0xFFFFFFF0] =	vst v11  }
0x51f: {  	v14 =	vshrl.u32 v10, $0x1;
	v63 =	vadd.s32 v0, v12;
	[tilespmem:s23+$0xFFFFFFF0] =	vst v9  }
0x520: {  	v61 =	vadd.s32 v0, v14;
	[tilespmem:s22+$0x0] =	vst v63  }
0x521: {  	v8 =	vand.u32 $0x1, v8;
	[tilespmem:s22+$0xFFFFFFE0] =	vst v61  }
0x522: {  	v62 =	vand.u32 $0x1, v10;
	[tilespmem:s23+$0x0] =	vst v8  }
0x523: {  	[tilespmem:s23+$0xFFFFFFE0] =	vst v62  }
0x524: {  	[hbm4b:s7+s2] =	stream.linear.scatter [tilespmem:s19], [sflag:$0x1], $0x800, $0x38;
	[tilespmem:$0xB980] =	vst v63  }
0x525: {  	s21 =	sadd.s32 $0x1, s21;
	_ =	swait.ge [sflag:s10], $0x800  }
0x526: {  	p0 =	sne.s32 s21, s9;
	[sflag:s10] =	ssyncset.done $0x0  }
.Ltmp35:
0x527: {  	[sflag:s10] =	ssyncadd.s32 $0xFFFFF800;
	(pc) =	sbr.rel @p0 .LBB2_1-.Ltmp35, $4  }
0x528: {  	[hbm4b:s8+s2] =	stream.linear.scatter [tilespmem:s20], [sflag:$0x1], $0x800, $0x38;
	[tilespmem:$0xB980] =	vst v63  }
0x529: {  	_ =	swait.ge [sflag:s10], $0x800  }
0x52a: {  	[sflag:s10] =	ssyncset.done $0x0  }
0x52b: {  	[sflag:s10] =	ssyncadd.s32 $0xFFFFF800  }
0x52c: {  	_ =	sfence.sel $0x180000  }
0x52d: {  	[bflag:$0x0] =	sbarrier.arrive $0xFFFF  }
0x52e: {  	p0 =	sne.s32 s1, $0x0;
	_ =	strace $0x9000004A  }
0x52f: {  	s0 =	sadd.s32 @!p0 $0x100000, s0;
	[bflag:$0x2] =	sbarrier.arrive $0xFFFF  }
0x530: {  	[sflag:s0] =	ssyncadd.tile.s32 @!p0 $0x1;
	_ =	shalt  }
.Lfunc_end2:
_tile_overlayer_lowered:
.L_overlay_start_2:
0x531: {  	(tag) =	ssettag $0x2  }
0x532: {  	s0 =	rddreg [dreg:$0x0];
	s2 =	stileid.u32  }
0x533: {  	s1 =	rddreg [dreg:$0x1];
	p0 =	sne.s32 s2, $0x0  }
0x534: {  	s3 =	rddreg [dreg:$0x2];
	[bflag:$0x3] =	sbarrier.arrive $0xFFFF;
	s2 =	simm.s32 @!p0 $0x1C01  }
0x535: {  	[timem:s3], [sflag:s2] =	dma.local @!p0 [hbm:s0], s1  }
0x536: {  	s0 =	simm.s32 @!p0 $0x1  }
0x537: {  	_ =	swait.ge @!p0 [sflag:s0], s1  }
0x538: {  	s1 =	ssub.s32 @!p0 $0x0, s1;
	[sflag:s0] =	ssyncset.done @!p0 $0x0  }
0x539: {  	[sflag:s0] =	ssyncadd.s32 @!p0 s1  }
0x53a: {  	[bflag:$0x3] =	sbarrier.arrive $0xFFFF  }
0x53b: {  	_ =	shalt  }

// kernel: kernel.7.cloned.1.call-start
scs
__scs_entry_jumppad:
0x0: {  	(pc) =	sbr.rel $0x88, $3  }
0x1: {  	(tag) =	ssettag $0x0;
	lr =	simm.s32 $0x1  }
0x2: {  	[smem:$0x3F9E] =	sst lr;
	_ =	strace $0xD0000000  }
0x3: {  	_ = 	snop  }
0x4: {  	_ = 	snop  }
0x5: {  	_ = 	snop  }
0x6: {  	_ = 	snop  }
0x7: {  	_ = 	snop  }
__scs_overlays_trampoline_lowered:
0x8: {  	[smem:$0x3FAD] =	sst s0  }
0x9: {  	[smem:$0x3FAE] =	sst s1  }
0xa: {  	[smem:$0x3FAF] =	sst s2  }
0xb: {  	[smem:$0x3FB0] =	sst s3  }
0xc: {  	[smem:$0x3FB1] =	sst s4  }
0xd: {  	[smem:$0x3FB2] =	sst s5  }
0xe: {  	[smem:$0x3FB3] =	sst s6  }
0xf: {  	[smem:$0x3FB4] =	sst s7  }
0x10: {  	[smem:$0x3FB5] =	sst s8  }
0x11: {  	[smem:$0x3FB6] =	sst s9;
	s0 =	simm.s32 @!p0 $0x0  }
0x12: {  	s1 =	sld [smem:$0x3F9C];
	s0 =	simm.s32 @p0 $0x1  }
0x13: {  	[smem:$0x3FB7] =	sst s0;
	s0 =	simm.s32 @!p1 $0x0  }
0x14: {  	s2 =	sld [smem:$0x3F9B];
	s0 =	simm.s32 @p1 $0x1  }
0x15: {  	[smem:$0x3FB8] =	sst s0;
	s0 =	simm.s32 @!p2 $0x0  }
0x16: {  	s3 =	sld [smem:$0x3FDB];
	s0 =	simm.s32 @p2 $0x1  }
0x17: {  	s4 =	simm.s32 $0x1BF5;
	[smem:$0x3FBA] =	sst s0  }
0x18: {  	s0 =	sld [smem:$0x3F9D];
	_ =	swait.ge [sflag:s4], $0x0  }
0x19: {  	s7 =	sld [smem:$0x3F9E]  }
0x1a: {  	s8 =	sadd.s32 $0xFFFFE003, lr  }
0x1b: {  	s9 =	sadd.s32 $0xFFFFFEF7, lr;
	s5 =	simm.s32 $0xFFFFFFFF;
	p2 =	slt.u32 s8, $0xFFFFF086  }
0x1c: {  	p1 =	slt.u32 s9, $0xF7A;
	s5 =	simm.s32 @!p2 $0x0  }
0x1d: {  	s5 =	simm.s32 @p1 $0x1;
	p0 =	seq.s32 s7, s2  }
0x1e: {  	s7 =	smul.u32 @!p0 $0xF7A, s2;
	p2 =	seq.s32 @!p0 s5, $0x0  }
0x1f: {  	s9 =	smul.u32 $0xF7A, s1;
	s8 =	simm.s32 @!p0 $0x1BF5;
	p2 =	por !p2, p0  }
0x20: {  	[sflag:s8] =	ssyncset.s32 @!p0 $0xFFFFF086;
	s6 =	sadd.s32 @!p0 s3, s7;
	s7 =	simm.s32 @!p0 $0x108  }
0x21: {  	s3 =	sadd.s32 s3, s9;
	s6 =	sadd.s32 @!p0 $0x88, s6;
	s7 =	simm.s32 @p2 $0x1082  }
0x22: {  	[simem:s7], [sflag:s8] =	dma.local @!p0 [hbm:s6], $0xF7A  }
0x23: {  	s9 =	sor.u32 $0xD0000000, s2;
	s6 =	simm.s32 $0x108;
	_ =	swait.ge @!p0 [sflag:s8], $0x0  }
0x24: {  	s3 =	sadd.s32 $0x88, s3;
	s6 =	simm.s32 @!p1 $0x1082;
	[sflag:s4] =	ssyncset.s32 $0xFFFFF086  }
0x25: {  	[simem:s6], [sflag:s4] =	dma.local [hbm:s3], $0xF7A  }
0x26: {  	[smem:$0x3F9E] =	sst s1;
	(tag) =	ssettag s2;
	_ =	strace s9  }
0x27: {  	s1 =	sld [smem:$0x3FAE]  }
0x28: {  	s2 =	sld [smem:$0x3FAF]  }
0x29: {  	s4 =	sld [smem:$0x3FB1]  }
0x2a: {  	p0 =	seq.s32 s5, $0x0;
	s5 =	sld [smem:$0x3FB2]  }
0x2b: {  	s6 =	sld [smem:$0x3FB3]  }
0x2c: {  	s7 =	sld [smem:$0x3FB4]  }
0x2d: {  	s3 =	simm.s32 $0x108;
	s8 =	sld [smem:$0x3FB5]  }
0x2e: {  	s3 =	simm.s32 @!p0 $0x1082;
	s9 =	sld [smem:$0x3FB6]  }
0x2f: {  	lr =	sadd.s32 s0, s3;
	s0 =	sld [smem:$0x3FAD]  }
0x30: {  	s3 =	sld [smem:$0x3FB0]  }
0x31: {  	[smem:$0x3FB9] =	sst s10  }
0x32: {  	s10 =	sld [smem:$0x3FB7];
	_ =	sdelay $0x3  }
0x33: {  	p0 =	seq.s32 s10, $0x1;
	s10 =	sld [smem:$0x3FB9];
	_ =	sdelay $0x3  }
0x34: {  	[smem:$0x3FB9] =	sst s10  }
0x35: {  	s10 =	sld [smem:$0x3FB8];
	_ =	sdelay $0x3  }
0x36: {  	p1 =	seq.s32 s10, $0x1;
	s10 =	sld [smem:$0x3FB9];
	_ =	sdelay $0x3  }
0x37: {  	[smem:$0x3FB9] =	sst s10  }
0x38: {  	s10 =	sld [smem:$0x3FBA]  }
0x39: {  	_ = 	snop;
	(pc) =	sbr.ind lr, $3  }
0x3a: {  	_ = 	snop  }
0x3b: {  	_ = 	snop  }
0x3c: {  	p2 =	seq.s32 s10, $0x1;
	s10 =	sld [smem:$0x3FB9]  }
0x3d: {  	_ =	shalt  }
0x3e: {  	_ =	shalt  }
0x3f: {  	_ =	shalt  }
0x40: {  	_ =	shalt  }
0x41: {  	_ =	shalt  }
0x42: {  	_ =	shalt  }
0x43: {  	_ =	shalt  }
0x44: {  	_ =	shalt  }
0x45: {  	_ =	shalt  }
0x46: {  	_ =	shalt  }
0x47: {  	_ =	shalt  }
0x48: {  	_ =	shalt  }
0x49: {  	_ =	shalt  }
0x4a: {  	_ =	shalt  }
0x4b: {  	_ =	shalt  }
0x4c: {  	_ =	shalt  }
0x4d: {  	_ =	shalt  }
0x4e: {  	_ =	shalt  }
0x4f: {  	_ =	shalt  }
0x50: {  	_ =	shalt  }
0x51: {  	_ =	shalt  }
0x52: {  	_ =	shalt  }
0x53: {  	_ =	shalt  }
0x54: {  	_ =	shalt  }
0x55: {  	_ =	shalt  }
0x56: {  	_ =	shalt  }
0x57: {  	_ =	shalt  }
0x58: {  	_ =	shalt  }
0x59: {  	_ =	shalt  }
0x5a: {  	_ =	shalt  }
0x5b: {  	_ =	shalt  }
0x5c: {  	_ =	shalt  }
0x5d: {  	_ =	shalt  }
0x5e: {  	_ =	shalt  }
0x5f: {  	_ =	shalt  }
0x60: {  	_ =	shalt  }
0x61: {  	_ =	shalt  }
0x62: {  	_ =	shalt  }
0x63: {  	_ =	shalt  }
0x64: {  	_ =	shalt  }
0x65: {  	_ =	shalt  }
0x66: {  	_ =	shalt  }
0x67: {  	_ =	shalt  }
0x68: {  	_ =	shalt  }
0x69: {  	_ =	shalt  }
0x6a: {  	_ =	shalt  }
0x6b: {  	_ =	shalt  }
0x6c: {  	_ =	shalt  }
0x6d: {  	_ =	shalt  }
0x6e: {  	_ =	shalt  }
0x6f: {  	_ =	shalt  }
0x70: {  	_ =	shalt  }
0x71: {  	_ =	shalt  }
0x72: {  	_ =	shalt  }
0x73: {  	_ =	shalt  }
0x74: {  	_ =	shalt  }
0x75: {  	_ =	shalt  }
0x76: {  	_ =	shalt  }
0x77: {  	_ =	shalt  }
0x78: {  	_ =	shalt  }
0x79: {  	_ =	shalt  }
0x7a: {  	_ =	shalt  }
0x7b: {  	_ =	shalt  }
0x7c: {  	_ =	shalt  }
0x7d: {  	_ =	shalt  }
0x7e: {  	_ =	shalt  }
0x7f: {  	_ =	shalt  }
0x80: {  	_ =	shalt  }
0x81: {  	_ =	shalt  }
0x82: {  	_ =	shalt  }
0x83: {  	_ =	shalt  }
0x84: {  	_ =	shalt  }
0x85: {  	_ =	shalt  }
0x86: {  	_ =	shalt  }
0x87: {  	_ =	shalt  }
.Lfunc_end0:
.L_simem_size_0:
called_computation.2_lowered:
.L_overlay_start_0:
0x88: {  	s2 =	sld [smem:$0x3FD9]  }
0x89: {  	s3 =	sld [smem:$0x3FFE];
	_ =	sdelay $0x1  }
0x8a: {  	s1 =	srdreg.scid  }
0x8b: {  	s0 =	sand.u32 $0x1, s1  }
0x8c: {  	s16 =	sshll.u32 s0, $0xA;
	s2 =	sadd.s32 s3, s2  }
0x8d: {  	s2 =	sadd.s32 s2, s16  }
0x8e: {  	[smem:$0x3FC5] =	sst s2  }
0x8f: {  	_ = 	snop  }
0x90: {  	(tm) =	ssettm $0x1  }
0x91: {  	s17 =	sld [smem:$0x3FFB];
	_ =	sdelay $0x3  }
0x92: {  	_ =	strace s17  }
0x93: {  	s2 =	sld [smem:$0x3FFC];
	_ =	sdelay $0x3  }
0x94: {  	_ =	strace s2  }
0x95: {  	s2 =	sld [smem:$0x3FFD];
	_ =	sdelay $0x3  }
0x96: {  	_ =	strace s2  }
0x97: {  	_ =	strace $0x8FFFFFFF  }
0x98: {  	s18 =	sld [smem:$0x3FDB];
	_ =	sdelay $0x1  }
0x99: {  	s19 =	simm.s32 $_scs_section_size  }
0x9a: {  	s4 =	simm.s32 $_size__tile_overlayer_lowered;
	s5 =	simm.s32 $_tile_overlayer_lowered  }
0x9b: {  	s22 =	simm.s32 $0x1BFF;
	s21 =	sshll.u32 s5, $0x1;
	s2 =	sadd.s32 s19, s18  }
0x9c: {  	s6 =	simm.s32 $0x0;
	s20 =	sshll.u32 s4, $0x1;
	s4 =	sadd.s32 s21, s2  }
0x9d: {  	[timem:s6], [sflag:s22] =	dma.local [hbm:s4], s20  }
0x9e: {  	_ =	swait.ge [sflag:s22], s20  }
0x9f: {  	s3 =	ssub.s32 $0x0, s20;
	[sflag:s22] =	ssyncset.done $0x0  }
0xa0: {  	[sflag:s22] =	ssyncadd.s32 s3;
	_ =	sdelay $0x1  }
0xa1: {  	s23 =	simm.s32 $0x1B8B  }
0xa2: {  	_ =	swait.ge [sflag:s23], $0x1  }
0xa3: {  	[sflag:s23] =	ssyncset.done $0x0  }
0xa4: {  	s25 =	simm.s32 $0x1B8E;
	s24 =	sld [smem:$0x3FFE];
	[sflag:s23] =	ssyncadd.s32 $0xFFFFFFFF  }
0xa5: {  	s26 =	simm.s32 $execute0_lowered;
	[smem:$0x3FD2] =	sst s25  }
0xa6: {  	s4 =	sshll.u32 s26, $0x1;
	_ =	strace $0x8000004C;
	[dreg:$0x1] =	wrdreg $0xFFFFFFFF  }
0xa7: {  	s28 =	simm.s32 $_size_execute0_lowered;
	s2 =	sadd.s32 s2, s4;
	[dreg:$0x0] =	wrdreg $0x0  }
0xa8: {  	s4 =	sshll.u32 s28, $0x1;
	[dreg:$0x2] =	wrdreg s2  }
0xa9: {  	[dreg:$0x3] =	wrdreg s4  }
0xaa: {  	[dreg:$0x4] =	wrdreg $0xC0  }
0xab: {  	_ =	task [dreg:s6], $0x5FFFF  }
0xac: {  	[dreg:$0x1] =	wrdreg $0xFFFFFFFF  }
0xad: {  	[dreg:$0x0] =	wrdreg $0x60  }
0xae: {  	[dreg:$0x2] =	wrdreg s24  }
0xaf: {  	[dreg:$0x3] =	wrdreg $0x9  }
0xb0: {  	_ =	task.clear_ibuf [dreg:s6], $0x4FFFF;
	_ =	strace $0x9000004C  }
0xb1: {  	s29 =	simm.s32 $0x9;
	_ =	strace $0x8000004E  }
0xb2: {  	_ =	swait.ge [sflag:s29], $0x1  }
0xb3: {  	[sflag:s29] =	ssyncadd.s32 $0xFFFFFFFF  }
0xb4: {  	_ =	strace $0x9000004E  }
0xb5: {  	_ =	sfence  }
0xb6: {  	s30 =	sld [smem:$0x0];
	_ =	sdelay $0x2  }
0xb7: {  	s31 =	sshll.u32 s1, $0xD;
	s1 =	sshrl.u32 s1, $0x2  }
0xb8: {  	s3 =	sand.u32 $0x4000, s31;
	s1 =	sadd.s32 s1, s30  }
0xb9: {  	s0 =	sor.u32 s3, s0;
	s1 =	sshll.u32 s1, $0x11  }
0xba: {  	s0 =	sor.u32 s1, s0  }
0xbb: {  	s0 =	sadd.s32 $0x8F2B, s0  }
0xbc: {  	[sflag:s0] =	ssyncadd.remote.s32 $0x1  }
0xbd: {  	_ =	sfence.sel $0xFFFF  }
0xbe: {  	[dreg:$0x0] =	wrdreg $0xFFFFFFFF;
	(pc) =	sbr.abs _section_cstart, $3  }
0xbf: {  	[dreg:$0x1] =	wrdreg $0xFFFFFFFF  }
0xc0: {  	_ =	task.clear_ibuf [dreg:s6], $0x2FFFF;
	_ =	strace $0x9FFFFFFF  }
0xc1: {  	(tm) =	ssettm $0x7FFFFFFF  }
tec
execute0_lowered:
.L_overlay_start_1:
0x0: {  	(tag) =	ssettag $0x1  }
0x1: {  	s4 =	rddreg [dreg:$0x0];
	s2 =	srdreg.scid  }
0x2: {  	s0 =	rddreg [dreg:$0x1];
	s1 =	stileid.u32  }
0x3: {  	s15 =	simm.s32 $0x2;
	s16 =	simm.s32 $0x800;
	s17 =	simm.s32 $0x100  }
0x4: {  	s18 =	simm.s32 $0x1000;
	s19 =	simm.s32 $0x1;
	s20 =	simm.s32 $0x9000  }
0x5: {  	s21 =	simm.s32 $0x200;
	s22 =	simm.s32 $0x300;
	s23 =	simm.s32 $0x400  }
0x6: {  	s24 =	simm.s32 $0x500;
	s25 =	simm.s32 $0x600;
	s26 =	simm.s32 $0x700  }
0x7: {  	s28 =	simm.s32 $0x0;
	s3 =	sand.u32 $0x1, s2;
	s2 =	simm.s32 $0x0  }
0x8: {  	s5 =	sshll.u32 s1, $0xC;
	s6 =	sshll.u32 s3, $0xB;
	[smem:$0x7FF] =	sst s2  }
0x9: {  	s7 =	ssub.s32 $0x2, s3;
	s3 =	sadd.s32 $0x40C400, s4;
	s5 =	sor.u32 s6, s5  }
0xa: {  	_ =	strace $0x8000004D;
	s8 =	sshrl.u32 s7, $0x1;
	s6 =	sshrl.u32 s5, $0x3  }
0xb: {  	s5 =	sshll.u32 s5, $0x4;
	s14 =	ssub.s32 s7, s8;
	s6 =	sadd.s32 s6, s4  }
0xc: {  	s13 =	sadd.s32 s5, s4;
	s14 =	smax.u32 s14, $0x1;
	s4 =	sadd.s32 $0x8400, s6  }
0xd: {  	s5 =	sadd.s32 $0xA400, s6;
	s6 =	sadd.s32 $0xC400, s13;
	s7 =	sadd.s32 $0xD400, s13  }
0xe: {  	v0 =	vlaneseq.u32;
	s8 =	sadd.s32 $0xE400, s13;
	s9 =	sadd.s32 $0xF400, s13;
	s10 =	sadd.s32 $0x10400, s13  }
0xf: {  	v1 =	vor.u32 $0x10, v0;
	v2 =	vor.u32 $0x20, v0;
	v3 =	vor.u32 $0x30, v0;
	s11 =	sadd.s32 $0x11400, s13;
	s12 =	sadd.s32 $0x12400, s13;
	s13 =	sadd.s32 $0x13400, s13  }
.LBB2_1:
0x10: {  	[tilespmem:s2], [sflag:$0x2] =	stream.linear.gather [hbm4b:s4+s2], $0x800, $0x38;
	[tilespmem:$0x11000] =	vst v63  }
0x11: {  	_ =	swait.ge [sflag:s15], $0x800  }
0x12: {  	[sflag:s15] =	ssyncset.done $0x0  }
0x13: {  	[sflag:s15] =	ssyncadd.s32 $0xFFFFF800  }
0x14: {  	[tilespmem:s16], [sflag:$0x2] =	stream.linear.gather [hbm4b:s5+s2], $0x800, $0x38;
	[tilespmem:$0x11000] =	vst v63  }
0x15: {  	_ =	swait.ge [sflag:s15], $0x800  }
0x16: {  	[sflag:s15] =	ssyncset.done $0x0  }
0x17: {  	v4 =	vmov s2;
	[sflag:s15] =	ssyncadd.s32 $0xFFFFF800  }
0x18: {  	[tilespmem:s18], [sflag:$0x1] =	stream.indirect.gather [hbm4b:s3+s17], $0x80, s2, s17, $0xb8;
	[tilespmem:$0x11000] =	vst v63  }
0x19: {  	_ =	swait.ge [sflag:s19], $0x8000  }
0x1a: {  	[sflag:s19] =	ssyncset.done $0x0  }
0x1b: {  	s29 =	simm.s32 $0x1;
	[sflag:s19] =	ssyncadd.s32 $0xFFFF8000  }
0x1c: {  	v6 =	vmov s29;
	v5 =	vld.idx.msk [tilespmem:v4+s16+$0x0], $0xffff;
	_ =	sdelay $0x2  }
0x1d: {  	s29 =	simm.s32 $0x2  }
0x1e: {  	v13 =	vmov s29  }
0x1f: {  	v15 =	vshll.u32 v6, $0x7;
	v4 =	vshll.u32 v4, $0x7;
	v9 =	vld.idx.msk [tilespmem:v6+s16+$0x0], $0xffff;
	v5 =	vshll.u32 v5, $0x6  }
0x20: {  	v7 =	vand.u32 $0xFFFFFF80, v5;
	v8 =	vor.u32 v3, v5;
	v10 =	vor.u32 v0, v5  }
0x21: {  	v11 =	vor.u32 v1, v5;
	v7 =	vadd.s32 v4, v7;
	v8 =	vand.u32 $0x7F, v8  }
0x22: {  	v5 =	vor.u32 v2, v5;
	v10 =	vand.u32 $0x4F, v10;
	v8 =	vor.u32 v8, v7  }
0x23: {  	v11 =	vand.u32 $0x5F, v11;
	v5 =	vand.u32 $0x6F, v5;
	v10 =	vor.u32 v10, v7  }
0x24: {  	v11 =	vor.u32 v11, v7;
	v5 =	vor.u32 v5, v7;
	v7 =	vshll.u32 v9, $0x6  }
0x25: {  	v14 =	vor.u32 v0, v4;
	v6 =	vand.u32 $0xFFFFFF80, v7;
	v9 =	vor.u32 v3, v7  }
0x26: {  	v18 =	vld.idx.msk [tilespmem:v13+s16+$0x0], $0xffff;
	v22 =	vor.u32 v1, v4;
	v12 =	vadd.s32 v15, v6;
	v6 =	vand.u32 $0x7F, v9  }
0x27: {  	v17 =	vor.u32 v3, v4;
	v19 =	vor.u32 v6, v12;
	v6 =	vor.u32 v1, v7;
	v16 =	vld.idx.msk [tilespmem:v8+s18+$0x0], $0xffff  }
0x28: {  	s29 =	simm.s32 $0x3;
	v6 =	vand.u32 $0x5F, v6;
	v8 =	vor.u32 v2, v4;
	v4 =	vor.u32 v0, v7;
	v20 =	vld.idx.msk [tilespmem:v10+s18+$0x0], $0xffff  }
0x29: {  	v7 =	vor.u32 v2, v7;
	v10 =	vmov s29;
	v4 =	vand.u32 $0x4F, v4  }
0x2a: {  	v23 =	vld.idx.msk [tilespmem:v11+s18+$0x0], $0xffff;
	v24 =	vor.u32 v6, v12;
	v7 =	vand.u32 $0x6F, v7;
	v11 =	vor.u32 v4, v12  }
0x2b: {  	v9 =	vld.idx.msk [tilespmem:v5+s18+$0x0], $0xffff;
	v6 =	vor.u32 v0, v15;
	v5 =	vor.u32 v2, v15;
	v12 =	vor.u32 v7, v12  }
0x2c: {  	v4 =	vor.u32 v1, v15;
	v15 =	vor.u32 v3, v15;
	[tilespmem:v17+s20+$0x0] =	vst.idx.msk $0xffff, v16;
	v16 =	vshll.u32 v18, $0x6  }
0x2d: {  	v7 =	vshll.u32 v13, $0x7;
	v13 =	vld.idx.msk [tilespmem:v19+s18+$0x0], $0xffff;
	[tilespmem:v14+s20+$0x0] =	vst.idx.msk $0xffff, v20;
	v18 =	vand.u32 $0xFFFFFF80, v16;
	v19 =	vor.u32 v3, v16  }
0x2e: {  	v17 =	vld.idx.msk [tilespmem:v10+s16+$0x0], $0xffff;
	v20 =	vor.u32 v0, v16;
	v18 =	vadd.s32 v7, v18;
	v14 =	vand.u32 $0x7F, v19  }
0x2f: {  	v25 =	vor.u32 v2, v16;
	v19 =	vor.u32 v1, v16;
	v16 =	vor.u32 v14, v18;
	v14 =	vld.idx.msk [tilespmem:v11+s18+$0x0], $0xffff  }
0x30: {  	s30 =	simm.s32 $0x4;
	s29 =	simm.s32 $0xC;
	[tilespmem:v22+s20+$0x0] =	vst.idx.msk $0xffff, v23;
	v20 =	vand.u32 $0x4F, v20;
	v21 =	vand.u32 $0x5F, v19;
	v19 =	vand.u32 $0x6F, v25;
	v11 =	vld.idx.msk [tilespmem:v24+s18+$0x0], $0xffff  }
.LBB2_2:
0x31: {  	v22 =	vmov s30;
	s29 =	sadd.s32 $0x4, s29;
	v20 =	vor.u32 v20, v18;
	v23 =	vor.u32 v21, v18;
	[tilespmem:v8+s20+$0x0] =	vst.idx.msk $0xffff, v9;
	v9 =	vld.idx.msk [tilespmem:v12+s18+$0x0], $0xffff  }
0x32: {  	v21 =	vor.u32 v0, v7;
	v12 =	vor.u32 v19, v18;
	v8 =	vmov v5;
	p0 =	slt.u32 s29, $0x3FC;
	[tilespmem:v15+s20+$0x0] =	vst.idx.msk $0xffff, v13  }
0x33: {  	v24 =	vor.u32 v1, v7;
	v5 =	vor.u32 v2, v7;
	v15 =	vmov v7  }
.Ltmp0:
0x34: {  	v7 =	vshll.u32 v10, $0x7;
	v10 =	vmov v22;
	v19 =	vshll.u32 v17, $0x6;
	v13 =	vld.idx.msk [tilespmem:v16+s18+$0x0], $0xffff;
	(pc) =	sbr.rel @p0 .LBB2_2-.Ltmp0, $4  }
0x35: {  	v15 =	vor.u32 v3, v15;
	v16 =	vand.u32 $0xFFFFFF80, v19;
	v25 =	vor.u32 v3, v19;
	[tilespmem:v6+s20+$0x0] =	vst.idx.msk $0xffff, v14  }
0x36: {  	v18 =	vadd.s32 v7, v16;
	v14 =	vand.u32 $0x7F, v25;
	v6 =	vmovc v21;
	v17 =	vld.idx.msk [tilespmem:v22+s16+$0x0], $0xffff;
	v22 =	vor.u32 v0, v19  }
0x37: {  	v21 =	vor.u32 v1, v19;
	v19 =	vor.u32 v2, v19;
	v16 =	vor.u32 v14, v18;
	v14 =	vld.idx.msk [tilespmem:v20+s18+$0x0], $0xffff  }
0x38: {  	s30 =	sadd.s32 $0x1, s30;
	v21 =	vand.u32 $0x5F, v21;
	v20 =	vand.u32 $0x4F, v22;
	v19 =	vand.u32 $0x6F, v19;
	[tilespmem:v4+s20+$0x0] =	vst.idx.msk $0xffff, v11;
	v11 =	vld.idx.msk [tilespmem:v23+s18+$0x0], $0xffff;
	v4 =	vmovc v24  }
0x39: {  	_ =	sdelay $0x1  }
0x3a: {  	v20 =	vor.u32 v20, v18;
	v21 =	vor.u32 v21, v18  }
0x3b: {  	v18 =	vor.u32 v19, v18;
	v10 =	vshll.u32 v10, $0x7;
	v17 =	vshll.u32 v17, $0x6  }
0x3c: {  	v12 =	vld.idx.msk [tilespmem:v12+s18+$0x0], $0xffff;
	v23 =	vor.u32 v3, v7;
	v19 =	vand.u32 $0xFFFFFF80, v17;
	v22 =	vor.u32 v3, v17  }
0x3d: {  	[tilespmem:v8+s20+$0x0] =	vst.idx.msk $0xffff, v9;
	v8 =	vor.u32 v0, v17;
	v9 =	vadd.s32 v10, v19;
	v19 =	vand.u32 $0x7F, v22  }
0x3e: {  	[tilespmem:v15+s20+$0x0] =	vst.idx.msk $0xffff, v13;
	v13 =	vor.u32 v1, v17;
	v8 =	vand.u32 $0x4F, v8;
	v15 =	vor.u32 v19, v9  }
0x3f: {  	v16 =	vld.idx.msk [tilespmem:v16+s18+$0x0], $0xffff;
	v17 =	vor.u32 v2, v17;
	v13 =	vand.u32 $0x5F, v13;
	v8 =	vor.u32 v8, v9  }
0x40: {  	v17 =	vand.u32 $0x6F, v17;
	v19 =	vor.u32 v0, v7;
	v20 =	vld.idx.msk [tilespmem:v20+s18+$0x0], $0xffff;
	v13 =	vor.u32 v13, v9  }
0x41: {  	[tilespmem:v6+s20+$0x0] =	vst.idx.msk $0xffff, v14;
	v22 =	vor.u32 v1, v7;
	v6 =	vld.idx.msk [tilespmem:v21+s18+$0x0], $0xffff;
	v9 =	vor.u32 v17, v9  }
0x42: {  	[tilespmem:v4+s20+$0x0] =	vst.idx.msk $0xffff, v11;
	v7 =	vor.u32 v2, v7;
	v4 =	vld.idx.msk [tilespmem:v18+s18+$0x0], $0xffff  }
0x43: {  	v11 =	vor.u32 v3, v10;
	[tilespmem:v5+s20+$0x0] =	vst.idx.msk $0xffff, v12;
	v5 =	vld.idx.msk [tilespmem:v15+s18+$0x0], $0xffff  }
0x44: {  	v12 =	vor.u32 v0, v10;
	[tilespmem:v23+s20+$0x0] =	vst.idx.msk $0xffff, v16;
	v8 =	vld.idx.msk [tilespmem:v8+s18+$0x0], $0xffff  }
0x45: {  	v14 =	vor.u32 v1, v10;
	[tilespmem:v19+s20+$0x0] =	vst.idx.msk $0xffff, v20;
	v13 =	vld.idx.msk [tilespmem:v13+s18+$0x0], $0xffff  }
0x46: {  	v10 =	vor.u32 v2, v10;
	[tilespmem:v22+s20+$0x0] =	vst.idx.msk $0xffff, v6;
	v6 =	vld.idx.msk [tilespmem:v9+s18+$0x0], $0xffff  }
0x47: {  	[tilespmem:v7+s20+$0x0] =	vst.idx.msk $0xffff, v4  }
0x48: {  	[tilespmem:v11+s20+$0x0] =	vst.idx.msk $0xffff, v5  }
0x49: {  	[tilespmem:v12+s20+$0x0] =	vst.idx.msk $0xffff, v8  }
0x4a: {  	[tilespmem:v14+s20+$0x0] =	vst.idx.msk $0xffff, v13  }
0x4b: {  	s29 =	simm.s32 $0x0;
	[tilespmem:v10+s20+$0x0] =	vst.idx.msk $0xffff, v6  }
0x4c: {  	[hbm4b:s6+s29] =	stream.linear.scatter [tilespmem:s20], [sflag:$0x2], $0x8000, $0x38;
	[tilespmem:$0x11000] =	vst v63  }
0x4d: {  	_ =	swait.ge [sflag:s15], $0x8000  }
0x4e: {  	v4 =	vmov s29;
	[sflag:s15] =	ssyncset.done $0x0  }
0x4f: {  	v5 =	vor.u32 $0x100, v4;
	s29 =	simm.s32 $0x1;
	[sflag:s15] =	ssyncadd.s32 $0xFFFF8000  }
0x50: {  	[tilespmem:s18], [sflag:$0x1] =	stream.indirect.gather [hbm4b:s3+s17], $0x80, s17, s17, $0xb8;
	[tilespmem:$0x11000] =	vst v63  }
0x51: {  	v6 =	vmov s29;
	_ =	swait.ge [sflag:s19], $0x8000  }
0x52: {  	v7 =	vor.u32 $0x100, v6;
	[sflag:s19] =	ssyncset.done $0x0  }
0x53: {  	[sflag:s19] =	ssyncadd.s32 $0xFFFF8000  }
0x54: {  	v5 =	vld.idx.msk [tilespmem:v5+s16+$0x0], $0xffff;
	_ =	sdelay $0x2  }
0x55: {  	v8 =	vshll.u32 v4, $0x7;
	v7 =	vld.idx.msk [tilespmem:v7+s16+$0x0], $0xffff  }
0x56: {  	v15 =	vor.u32 v0, v8;
	v19 =	vor.u32 v3, v8;
	s29 =	simm.s32 $0x2  }
0x57: {  	v12 =	vmov s29;
	v17 =	vshll.u32 v6, $0x7;
	v5 =	vshll.u32 v5, $0x6  }
0x58: {  	v13 =	vor.u32 $0x100, v12;
	v4 =	vand.u32 $0xFFFFFF80, v5;
	v9 =	vor.u32 v3, v5  }
0x59: {  	v10 =	vor.u32 v0, v5;
	v4 =	vadd.s32 v8, v4;
	v9 =	vand.u32 $0x7F, v9  }
0x5a: {  	v7 =	vshll.u32 v7, $0x6;
	v10 =	vand.u32 $0x4F, v10;
	v9 =	vor.u32 v9, v4  }
0x5b: {  	v11 =	vor.u32 v1, v5;
	v5 =	vor.u32 v2, v5;
	v10 =	vor.u32 v10, v4  }
0x5c: {  	v6 =	vand.u32 $0xFFFFFF80, v7;
	v16 =	vor.u32 v3, v7;
	v11 =	vand.u32 $0x5F, v11  }
0x5d: {  	v20 =	vld.idx.msk [tilespmem:v13+s16+$0x0], $0xffff;
	v13 =	vor.u32 v1, v7;
	v5 =	vand.u32 $0x6F, v5;
	v11 =	vor.u32 v11, v4  }
0x5e: {  	v6 =	vadd.s32 v17, v6;
	v14 =	vor.u32 v5, v4;
	v4 =	vor.u32 v1, v8  }
0x5f: {  	s29 =	simm.s32 $0x3;
	v5 =	vor.u32 v2, v8;
	v8 =	vor.u32 v0, v7;
	v18 =	vld.idx.msk [tilespmem:v9+s18+$0x0], $0xffff;
	v9 =	vand.u32 $0x7F, v16  }
0x60: {  	v7 =	vor.u32 v2, v7;
	v22 =	vld.idx.msk [tilespmem:v10+s18+$0x0], $0xffff;
	v21 =	vor.u32 v9, v6;
	v9 =	vmov s29  }
0x61: {  	v8 =	vand.u32 $0x4F, v8;
	v7 =	vand.u32 $0x6F, v7;
	v23 =	vor.u32 $0x100, v9  }
0x62: {  	v24 =	vor.u32 v8, v6;
	v8 =	vor.u32 v1, v17;
	v10 =	vand.u32 $0x5F, v13;
	v11 =	vld.idx.msk [tilespmem:v11+s18+$0x0], $0xffff  }
0x63: {  	v13 =	vor.u32 v7, v6;
	v7 =	vor.u32 v0, v17;
	v16 =	vor.u32 v10, v6;
	v10 =	vld.idx.msk [tilespmem:v14+s18+$0x0], $0xffff  }
0x64: {  	v6 =	vor.u32 v2, v17;
	v17 =	vor.u32 v3, v17;
	[tilespmem:v19+s20+$0x0] =	vst.idx.msk $0xffff, v18;
	v19 =	vshll.u32 v20, $0x6  }
0x65: {  	v12 =	vshll.u32 v12, $0x7;
	[tilespmem:v15+s20+$0x0] =	vst.idx.msk $0xffff, v22;
	v14 =	vld.idx.msk [tilespmem:v21+s18+$0x0], $0xffff;
	v20 =	vand.u32 $0xFFFFFF80, v19;
	v25 =	vor.u32 v3, v19  }
0x66: {  	v21 =	vor.u32 v0, v19;
	v18 =	vld.idx.msk [tilespmem:v23+s16+$0x0], $0xffff;
	v20 =	vadd.s32 v12, v20;
	v15 =	vand.u32 $0x7F, v25  }
0x67: {  	s30 =	simm.s32 $0x4;
	s29 =	simm.s32 $0xC;
	v22 =	vor.u32 v2, v19;
	v23 =	vor.u32 v1, v19;
	v19 =	vor.u32 v15, v20;
	v15 =	vld.idx.msk [tilespmem:v24+s18+$0x0], $0xffff  }
.LBB2_4:
0x68: {  	v24 =	vmov s30;
	s29 =	sadd.s32 $0x4, s29;
	v21 =	vand.u32 $0x4F, v21;
	v23 =	vand.u32 $0x5F, v23;
	[tilespmem:v4+s20+$0x0] =	vst.idx.msk $0xffff, v11;
	v11 =	vld.idx.msk [tilespmem:v16+s18+$0x0], $0xffff;
	v4 =	vmovc v8;
	v25 =	vmovc v12  }
0x69: {  	v8 =	vand.u32 $0x6F, v22;
	v26 =	vor.u32 $0x100, v24;
	p0 =	slt.u32 s29, $0x3FC;
	v27 =	vor.u32 v21, v20;
	[tilespmem:v5+s20+$0x0] =	vst.idx.msk $0xffff, v10;
	v10 =	vld.idx.msk [tilespmem:v13+s18+$0x0], $0xffff  }
0x6a: {  	v16 =	vor.u32 v23, v20;
	v13 =	vor.u32 v8, v20;
	v5 =	vmov v6;
	[tilespmem:v17+s20+$0x0] =	vst.idx.msk $0xffff, v14  }
.Ltmp1:
0x6b: {  	v22 =	vor.u32 v0, v25;
	v8 =	vor.u32 v1, v25;
	v6 =	vor.u32 v2, v25;
	(pc) =	sbr.rel @p0 .LBB2_4-.Ltmp1, $4  }
0x6c: {  	v12 =	vshll.u32 v9, $0x7;
	v9 =	vmov v24;
	v28 =	vshll.u32 v18, $0x6;
	v14 =	vld.idx.msk [tilespmem:v19+s18+$0x0], $0xffff  }
0x6d: {  	v17 =	vor.u32 v3, v25;
	v19 =	vand.u32 $0xFFFFFF80, v28;
	v23 =	vor.u32 v3, v28;
	[tilespmem:v7+s20+$0x0] =	vst.idx.msk $0xffff, v15  }
0x6e: {  	v21 =	vor.u32 v0, v28;
	v20 =	vadd.s32 v12, v19;
	v15 =	vand.u32 $0x7F, v23;
	v7 =	vmovc v22;
	v18 =	vld.idx.msk [tilespmem:v26+s16+$0x0], $0xffff  }
0x6f: {  	s30 =	sadd.s32 $0x1, s30;
	v23 =	vor.u32 v1, v28;
	v22 =	vor.u32 v2, v28;
	v19 =	vor.u32 v15, v20;
	v15 =	vld.idx.msk [tilespmem:v27+s18+$0x0], $0xffff  }
0x70: {  	_ =	sdelay $0x2  }
0x71: {  	v21 =	vand.u32 $0x4F, v21;
	v23 =	vand.u32 $0x5F, v23  }
0x72: {  	v22 =	vand.u32 $0x6F, v22;
	v16 =	vld.idx.msk [tilespmem:v16+s18+$0x0], $0xffff;
	v9 =	vshll.u32 v9, $0x7;
	v21 =	vor.u32 v21, v20  }
0x73: {  	[tilespmem:v4+s20+$0x0] =	vst.idx.msk $0xffff, v11;
	v23 =	vor.u32 v23, v20;
	v4 =	vor.u32 v22, v20;
	v11 =	vshll.u32 v18, $0x6  }
0x74: {  	v13 =	vld.idx.msk [tilespmem:v13+s18+$0x0], $0xffff;
	v22 =	vor.u32 v3, v12;
	v18 =	vand.u32 $0xFFFFFF80, v11;
	v20 =	vor.u32 v3, v11  }
0x75: {  	[tilespmem:v5+s20+$0x0] =	vst.idx.msk $0xffff, v10;
	v5 =	vor.u32 v0, v11;
	v10 =	vadd.s32 v9, v18;
	v18 =	vand.u32 $0x7F, v20  }
0x76: {  	[tilespmem:v17+s20+$0x0] =	vst.idx.msk $0xffff, v14;
	v14 =	vor.u32 v1, v11;
	v5 =	vand.u32 $0x4F, v5;
	v17 =	vor.u32 v18, v10  }
0x77: {  	v11 =	vor.u32 v2, v11;
	v14 =	vand.u32 $0x5F, v14;
	v18 =	vld.idx.msk [tilespmem:v19+s18+$0x0], $0xffff;
	v5 =	vor.u32 v5, v10  }
0x78: {  	v11 =	vand.u32 $0x6F, v11;
	v19 =	vor.u32 v0, v12;
	v20 =	vld.idx.msk [tilespmem:v21+s18+$0x0], $0xffff;
	v14 =	vor.u32 v14, v10  }
0x79: {  	[tilespmem:v7+s20+$0x0] =	vst.idx.msk $0xffff, v15;
	v21 =	vor.u32 v1, v12;
	v7 =	vld.idx.msk [tilespmem:v23+s18+$0x0], $0xffff;
	v10 =	vor.u32 v11, v10  }
0x7a: {  	[tilespmem:v8+s20+$0x0] =	vst.idx.msk $0xffff, v16;
	v11 =	vor.u32 v2, v12;
	v4 =	vld.idx.msk [tilespmem:v4+s18+$0x0], $0xffff  }
0x7b: {  	[tilespmem:v6+s20+$0x0] =	vst.idx.msk $0xffff, v13;
	v8 =	vor.u32 v3, v9;
	v6 =	vld.idx.msk [tilespmem:v17+s18+$0x0], $0xffff  }
0x7c: {  	v12 =	vor.u32 v0, v9;
	[tilespmem:v22+s20+$0x0] =	vst.idx.msk $0xffff, v18;
	v5 =	vld.idx.msk [tilespmem:v5+s18+$0x0], $0xffff  }
0x7d: {  	v13 =	vor.u32 v1, v9;
	[tilespmem:v19+s20+$0x0] =	vst.idx.msk $0xffff, v20;
	v14 =	vld.idx.msk [tilespmem:v14+s18+$0x0], $0xffff  }
0x7e: {  	v9 =	vor.u32 v2, v9;
	[tilespmem:v21+s20+$0x0] =	vst.idx.msk $0xffff, v7;
	v7 =	vld.idx.msk [tilespmem:v10+s18+$0x0], $0xffff  }
0x7f: {  	[tilespmem:v11+s20+$0x0] =	vst.idx.msk $0xffff, v4  }
0x80: {  	[tilespmem:v8+s20+$0x0] =	vst.idx.msk $0xffff, v6  }
0x81: {  	[tilespmem:v12+s20+$0x0] =	vst.idx.msk $0xffff, v5  }
0x82: {  	[tilespmem:v13+s20+$0x0] =	vst.idx.msk $0xffff, v14  }
0x83: {  	s29 =	simm.s32 $0x0;
	[tilespmem:v9+s20+$0x0] =	vst.idx.msk $0xffff, v7  }
0x84: {  	[hbm4b:s7+s29] =	stream.linear.scatter [tilespmem:s20], [sflag:$0x2], $0x8000, $0x38;
	[tilespmem:$0x11000] =	vst v63  }
0x85: {  	_ =	swait.ge [sflag:s15], $0x8000  }
0x86: {  	v4 =	vmov s29;
	[sflag:s15] =	ssyncset.done $0x0  }
0x87: {  	v5 =	vor.u32 $0x200, v4;
	s29 =	simm.s32 $0x1;
	[sflag:s15] =	ssyncadd.s32 $0xFFFF8000  }
0x88: {  	[tilespmem:s18], [sflag:$0x1] =	stream.indirect.gather [hbm4b:s3+s17], $0x80, s21, s17, $0xb8;
	[tilespmem:$0x11000] =	vst v63  }
0x89: {  	v6 =	vmov s29;
	_ =	swait.ge [sflag:s19], $0x8000  }
0x8a: {  	v7 =	vor.u32 $0x200, v6;
	[sflag:s19] =	ssyncset.done $0x0  }
0x8b: {  	[sflag:s19] =	ssyncadd.s32 $0xFFFF8000  }
0x8c: {  	v5 =	vld.idx.msk [tilespmem:v5+s16+$0x0], $0xffff;
	_ =	sdelay $0x2  }
0x8d: {  	v8 =	vshll.u32 v4, $0x7;
	v7 =	vld.idx.msk [tilespmem:v7+s16+$0x0], $0xffff  }
0x8e: {  	v15 =	vor.u32 v0, v8;
	v19 =	vor.u32 v3, v8;
	s29 =	simm.s32 $0x2  }
0x8f: {  	v12 =	vmov s29;
	v17 =	vshll.u32 v6, $0x7;
	v5 =	vshll.u32 v5, $0x6  }
0x90: {  	v13 =	vor.u32 $0x200, v12;
	v4 =	vand.u32 $0xFFFFFF80, v5;
	v9 =	vor.u32 v3, v5  }
0x91: {  	v10 =	vor.u32 v0, v5;
	v4 =	vadd.s32 v8, v4;
	v9 =	vand.u32 $0x7F, v9  }
0x92: {  	v7 =	vshll.u32 v7, $0x6;
	v10 =	vand.u32 $0x4F, v10;
	v9 =	vor.u32 v9, v4  }
0x93: {  	v11 =	vor.u32 v1, v5;
	v5 =	vor.u32 v2, v5;
	v10 =	vor.u32 v10, v4  }
0x94: {  	v6 =	vand.u32 $0xFFFFFF80, v7;
	v16 =	vor.u32 v3, v7;
	v11 =	vand.u32 $0x5F, v11  }
0x95: {  	v20 =	vld.idx.msk [tilespmem:v13+s16+$0x0], $0xffff;
	v13 =	vor.u32 v1, v7;
	v5 =	vand.u32 $0x6F, v5;
	v11 =	vor.u32 v11, v4  }
0x96: {  	v6 =	vadd.s32 v17, v6;
	v14 =	vor.u32 v5, v4;
	v4 =	vor.u32 v1, v8  }
0x97: {  	s29 =	simm.s32 $0x3;
	v5 =	vor.u32 v2, v8;
	v8 =	vor.u32 v0, v7;
	v18 =	vld.idx.msk [tilespmem:v9+s18+$0x0], $0xffff;
	v9 =	vand.u32 $0x7F, v16  }
0x98: {  	v7 =	vor.u32 v2, v7;
	v22 =	vld.idx.msk [tilespmem:v10+s18+$0x0], $0xffff;
	v21 =	vor.u32 v9, v6;
	v9 =	vmov s29  }
0x99: {  	v8 =	vand.u32 $0x4F, v8;
	v7 =	vand.u32 $0x6F, v7;
	v23 =	vor.u32 $0x200, v9  }
0x9a: {  	v24 =	vor.u32 v8, v6;
	v8 =	vor.u32 v1, v17;
	v10 =	vand.u32 $0x5F, v13;
	v11 =	vld.idx.msk [tilespmem:v11+s18+$0x0], $0xffff  }
0x9b: {  	v13 =	vor.u32 v7, v6;
	v7 =	vor.u32 v0, v17;
	v16 =	vor.u32 v10, v6;
	v10 =	vld.idx.msk [tilespmem:v14+s18+$0x0], $0xffff  }
0x9c: {  	v6 =	vor.u32 v2, v17;
	v17 =	vor.u32 v3, v17;
	[tilespmem:v19+s20+$0x0] =	vst.idx.msk $0xffff, v18;
	v19 =	vshll.u32 v20, $0x6  }
0x9d: {  	v12 =	vshll.u32 v12, $0x7;
	[tilespmem:v15+s20+$0x0] =	vst.idx.msk $0xffff, v22;
	v14 =	vld.idx.msk [tilespmem:v21+s18+$0x0], $0xffff;
	v20 =	vand.u32 $0xFFFFFF80, v19;
	v25 =	vor.u32 v3, v19  }
0x9e: {  	v21 =	vor.u32 v0, v19;
	v18 =	vld.idx.msk [tilespmem:v23+s16+$0x0], $0xffff;
	v20 =	vadd.s32 v12, v20;
	v15 =	vand.u32 $0x7F, v25  }
0x9f: {  	s30 =	simm.s32 $0x4;
	s29 =	simm.s32 $0xC;
	v22 =	vor.u32 v2, v19;
	v23 =	vor.u32 v1, v19;
	v19 =	vor.u32 v15, v20;
	v15 =	vld.idx.msk [tilespmem:v24+s18+$0x0], $0xffff  }
.LBB2_6:
0xa0: {  	v24 =	vmov s30;
	s29 =	sadd.s32 $0x4, s29;
	v21 =	vand.u32 $0x4F, v21;
	v23 =	vand.u32 $0x5F, v23;
	[tilespmem:v4+s20+$0x0] =	vst.idx.msk $0xffff, v11;
	v11 =	vld.idx.msk [tilespmem:v16+s18+$0x0], $0xffff;
	v4 =	vmovc v8;
	v25 =	vmovc v12  }
0xa1: {  	v8 =	vand.u32 $0x6F, v22;
	v26 =	vor.u32 $0x200, v24;
	p0 =	slt.u32 s29, $0x3FC;
	v27 =	vor.u32 v21, v20;
	[tilespmem:v5+s20+$0x0] =	vst.idx.msk $0xffff, v10;
	v10 =	vld.idx.msk [tilespmem:v13+s18+$0x0], $0xffff  }
0xa2: {  	v16 =	vor.u32 v23, v20;
	v13 =	vor.u32 v8, v20;
	v5 =	vmov v6;
	[tilespmem:v17+s20+$0x0] =	vst.idx.msk $0xffff, v14  }
.Ltmp2:
0xa3: {  	v22 =	vor.u32 v0, v25;
	v8 =	vor.u32 v1, v25;
	v6 =	vor.u32 v2, v25;
	(pc) =	sbr.rel @p0 .LBB2_6-.Ltmp2, $4  }
0xa4: {  	v12 =	vshll.u32 v9, $0x7;
	v9 =	vmov v24;
	v28 =	vshll.u32 v18, $0x6;
	v14 =	vld.idx.msk [tilespmem:v19+s18+$0x0], $0xffff  }
0xa5: {  	v17 =	vor.u32 v3, v25;
	v19 =	vand.u32 $0xFFFFFF80, v28;
	v23 =	vor.u32 v3, v28;
	[tilespmem:v7+s20+$0x0] =	vst.idx.msk $0xffff, v15  }
0xa6: {  	v21 =	vor.u32 v0, v28;
	v20 =	vadd.s32 v12, v19;
	v15 =	vand.u32 $0x7F, v23;
	v7 =	vmovc v22;
	v18 =	vld.idx.msk [tilespmem:v26+s16+$0x0], $0xffff  }
0xa7: {  	s30 =	sadd.s32 $0x1, s30;
	v23 =	vor.u32 v1, v28;
	v22 =	vor.u32 v2, v28;
	v19 =	vor.u32 v15, v20;
	v15 =	vld.idx.msk [tilespmem:v27+s18+$0x0], $0xffff  }
0xa8: {  	_ =	sdelay $0x2  }
0xa9: {  	v21 =	vand.u32 $0x4F, v21;
	v23 =	vand.u32 $0x5F, v23  }
0xaa: {  	v22 =	vand.u32 $0x6F, v22;
	v16 =	vld.idx.msk [tilespmem:v16+s18+$0x0], $0xffff;
	v9 =	vshll.u32 v9, $0x7;
	v21 =	vor.u32 v21, v20  }
0xab: {  	[tilespmem:v4+s20+$0x0] =	vst.idx.msk $0xffff, v11;
	v23 =	vor.u32 v23, v20;
	v4 =	vor.u32 v22, v20;
	v11 =	vshll.u32 v18, $0x6  }
0xac: {  	v13 =	vld.idx.msk [tilespmem:v13+s18+$0x0], $0xffff;
	v22 =	vor.u32 v3, v12;
	v18 =	vand.u32 $0xFFFFFF80, v11;
	v20 =	vor.u32 v3, v11  }
0xad: {  	[tilespmem:v5+s20+$0x0] =	vst.idx.msk $0xffff, v10;
	v5 =	vor.u32 v0, v11;
	v10 =	vadd.s32 v9, v18;
	v18 =	vand.u32 $0x7F, v20  }
0xae: {  	[tilespmem:v17+s20+$0x0] =	vst.idx.msk $0xffff, v14;
	v14 =	vor.u32 v1, v11;
	v5 =	vand.u32 $0x4F, v5;
	v17 =	vor.u32 v18, v10  }
0xaf: {  	v11 =	vor.u32 v2, v11;
	v14 =	vand.u32 $0x5F, v14;
	v18 =	vld.idx.msk [tilespmem:v19+s18+$0x0], $0xffff;
	v5 =	vor.u32 v5, v10  }
0xb0: {  	v11 =	vand.u32 $0x6F, v11;
	v19 =	vor.u32 v0, v12;
	v20 =	vld.idx.msk [tilespmem:v21+s18+$0x0], $0xffff;
	v14 =	vor.u32 v14, v10  }
0xb1: {  	[tilespmem:v7+s20+$0x0] =	vst.idx.msk $0xffff, v15;
	v21 =	vor.u32 v1, v12;
	v7 =	vld.idx.msk [tilespmem:v23+s18+$0x0], $0xffff;
	v10 =	vor.u32 v11, v10  }
0xb2: {  	[tilespmem:v8+s20+$0x0] =	vst.idx.msk $0xffff, v16;
	v11 =	vor.u32 v2, v12;
	v4 =	vld.idx.msk [tilespmem:v4+s18+$0x0], $0xffff  }
0xb3: {  	[tilespmem:v6+s20+$0x0] =	vst.idx.msk $0xffff, v13;
	v8 =	vor.u32 v3, v9;
	v6 =	vld.idx.msk [tilespmem:v17+s18+$0x0], $0xffff  }
0xb4: {  	v12 =	vor.u32 v0, v9;
	[tilespmem:v22+s20+$0x0] =	vst.idx.msk $0xffff, v18;
	v5 =	vld.idx.msk [tilespmem:v5+s18+$0x0], $0xffff  }
0xb5: {  	v13 =	vor.u32 v1, v9;
	[tilespmem:v19+s20+$0x0] =	vst.idx.msk $0xffff, v20;
	v14 =	vld.idx.msk [tilespmem:v14+s18+$0x0], $0xffff  }
0xb6: {  	v9 =	vor.u32 v2, v9;
	[tilespmem:v21+s20+$0x0] =	vst.idx.msk $0xffff, v7;
	v7 =	vld.idx.msk [tilespmem:v10+s18+$0x0], $0xffff  }
0xb7: {  	[tilespmem:v11+s20+$0x0] =	vst.idx.msk $0xffff, v4  }
0xb8: {  	[tilespmem:v8+s20+$0x0] =	vst.idx.msk $0xffff, v6  }
0xb9: {  	[tilespmem:v12+s20+$0x0] =	vst.idx.msk $0xffff, v5  }
0xba: {  	[tilespmem:v13+s20+$0x0] =	vst.idx.msk $0xffff, v14  }
0xbb: {  	s29 =	simm.s32 $0x0;
	[tilespmem:v9+s20+$0x0] =	vst.idx.msk $0xffff, v7  }
0xbc: {  	[hbm4b:s8+s29] =	stream.linear.scatter [tilespmem:s20], [sflag:$0x2], $0x8000, $0x38;
	[tilespmem:$0x11000] =	vst v63  }
0xbd: {  	_ =	swait.ge [sflag:s15], $0x8000  }
0xbe: {  	v4 =	vmov s29;
	[sflag:s15] =	ssyncset.done $0x0  }
0xbf: {  	v5 =	vor.u32 $0x300, v4;
	s29 =	simm.s32 $0x1;
	[sflag:s15] =	ssyncadd.s32 $0xFFFF8000  }
0xc0: {  	[tilespmem:s18], [sflag:$0x1] =	stream.indirect.gather [hbm4b:s3+s17], $0x80, s22, s17, $0xb8;
	[tilespmem:$0x11000] =	vst v63  }
0xc1: {  	v6 =	vmov s29;
	_ =	swait.ge [sflag:s19], $0x8000  }
0xc2: {  	v7 =	vor.u32 $0x300, v6;
	[sflag:s19] =	ssyncset.done $0x0  }
0xc3: {  	[sflag:s19] =	ssyncadd.s32 $0xFFFF8000  }
0xc4: {  	v5 =	vld.idx.msk [tilespmem:v5+s16+$0x0], $0xffff;
	_ =	sdelay $0x2  }
0xc5: {  	v8 =	vshll.u32 v4, $0x7;
	v7 =	vld.idx.msk [tilespmem:v7+s16+$0x0], $0xffff  }
0xc6: {  	v15 =	vor.u32 v0, v8;
	v19 =	vor.u32 v3, v8;
	s29 =	simm.s32 $0x2  }
0xc7: {  	v12 =	vmov s29;
	v17 =	vshll.u32 v6, $0x7;
	v5 =	vshll.u32 v5, $0x6  }
0xc8: {  	v13 =	vor.u32 $0x300, v12;
	v4 =	vand.u32 $0xFFFFFF80, v5;
	v9 =	vor.u32 v3, v5  }
0xc9: {  	v10 =	vor.u32 v0, v5;
	v4 =	vadd.s32 v8, v4;
	v9 =	vand.u32 $0x7F, v9  }
0xca: {  	v7 =	vshll.u32 v7, $0x6;
	v10 =	vand.u32 $0x4F, v10;
	v9 =	vor.u32 v9, v4  }
0xcb: {  	v11 =	vor.u32 v1, v5;
	v5 =	vor.u32 v2, v5;
	v10 =	vor.u32 v10, v4  }
0xcc: {  	v6 =	vand.u32 $0xFFFFFF80, v7;
	v16 =	vor.u32 v3, v7;
	v11 =	vand.u32 $0x5F, v11  }
0xcd: {  	v20 =	vld.idx.msk [tilespmem:v13+s16+$0x0], $0xffff;
	v13 =	vor.u32 v1, v7;
	v5 =	vand.u32 $0x6F, v5;
	v11 =	vor.u32 v11, v4  }
0xce: {  	v6 =	vadd.s32 v17, v6;
	v14 =	vor.u32 v5, v4;
	v4 =	vor.u32 v1, v8  }
0xcf: {  	s29 =	simm.s32 $0x3;
	v5 =	vor.u32 v2, v8;
	v8 =	vor.u32 v0, v7;
	v18 =	vld.idx.msk [tilespmem:v9+s18+$0x0], $0xffff;
	v9 =	vand.u32 $0x7F, v16  }
0xd0: {  	v7 =	vor.u32 v2, v7;
	v22 =	vld.idx.msk [tilespmem:v10+s18+$0x0], $0xffff;
	v21 =	vor.u32 v9, v6;
	v9 =	vmov s29  }
0xd1: {  	v8 =	vand.u32 $0x4F, v8;
	v7 =	vand.u32 $0x6F, v7;
	v23 =	vor.u32 $0x300, v9  }
0xd2: {  	v24 =	vor.u32 v8, v6;
	v8 =	vor.u32 v1, v17;
	v10 =	vand.u32 $0x5F, v13;
	v11 =	vld.idx.msk [tilespmem:v11+s18+$0x0], $0xffff  }
0xd3: {  	v13 =	vor.u32 v7, v6;
	v7 =	vor.u32 v0, v17;
	v16 =	vor.u32 v10, v6;
	v10 =	vld.idx.msk [tilespmem:v14+s18+$0x0], $0xffff  }
0xd4: {  	v6 =	vor.u32 v2, v17;
	v17 =	vor.u32 v3, v17;
	[tilespmem:v19+s20+$0x0] =	vst.idx.msk $0xffff, v18;
	v19 =	vshll.u32 v20, $0x6  }
0xd5: {  	v12 =	vshll.u32 v12, $0x7;
	[tilespmem:v15+s20+$0x0] =	vst.idx.msk $0xffff, v22;
	v14 =	vld.idx.msk [tilespmem:v21+s18+$0x0], $0xffff;
	v20 =	vand.u32 $0xFFFFFF80, v19;
	v25 =	vor.u32 v3, v19  }
0xd6: {  	v21 =	vor.u32 v0, v19;
	v18 =	vld.idx.msk [tilespmem:v23+s16+$0x0], $0xffff;
	v20 =	vadd.s32 v12, v20;
	v15 =	vand.u32 $0x7F, v25  }
0xd7: {  	s30 =	simm.s32 $0x4;
	s29 =	simm.s32 $0xC;
	v22 =	vor.u32 v2, v19;
	v23 =	vor.u32 v1, v19;
	v19 =	vor.u32 v15, v20;
	v15 =	vld.idx.msk [tilespmem:v24+s18+$0x0], $0xffff  }
.LBB2_8:
0xd8: {  	v24 =	vmov s30;
	s29 =	sadd.s32 $0x4, s29;
	v21 =	vand.u32 $0x4F, v21;
	v23 =	vand.u32 $0x5F, v23;
	[tilespmem:v4+s20+$0x0] =	vst.idx.msk $0xffff, v11;
	v11 =	vld.idx.msk [tilespmem:v16+s18+$0x0], $0xffff;
	v4 =	vmovc v8;
	v25 =	vmovc v12  }
0xd9: {  	v8 =	vand.u32 $0x6F, v22;
	v26 =	vor.u32 $0x300, v24;
	p0 =	slt.u32 s29, $0x3FC;
	v27 =	vor.u32 v21, v20;
	[tilespmem:v5+s20+$0x0] =	vst.idx.msk $0xffff, v10;
	v10 =	vld.idx.msk [tilespmem:v13+s18+$0x0], $0xffff  }
0xda: {  	v16 =	vor.u32 v23, v20;
	v13 =	vor.u32 v8, v20;
	v5 =	vmov v6;
	[tilespmem:v17+s20+$0x0] =	vst.idx.msk $0xffff, v14  }
.Ltmp3:
0xdb: {  	v22 =	vor.u32 v0, v25;
	v8 =	vor.u32 v1, v25;
	v6 =	vor.u32 v2, v25;
	(pc) =	sbr.rel @p0 .LBB2_8-.Ltmp3, $4  }
0xdc: {  	v12 =	vshll.u32 v9, $0x7;
	v9 =	vmov v24;
	v28 =	vshll.u32 v18, $0x6;
	v14 =	vld.idx.msk [tilespmem:v19+s18+$0x0], $0xffff  }
0xdd: {  	v17 =	vor.u32 v3, v25;
	v19 =	vand.u32 $0xFFFFFF80, v28;
	v23 =	vor.u32 v3, v28;
	[tilespmem:v7+s20+$0x0] =	vst.idx.msk $0xffff, v15  }
0xde: {  	v21 =	vor.u32 v0, v28;
	v20 =	vadd.s32 v12, v19;
	v15 =	vand.u32 $0x7F, v23;
	v7 =	vmovc v22;
	v18 =	vld.idx.msk [tilespmem:v26+s16+$0x0], $0xffff  }
0xdf: {  	s30 =	sadd.s32 $0x1, s30;
	v23 =	vor.u32 v1, v28;
	v22 =	vor.u32 v2, v28;
	v19 =	vor.u32 v15, v20;
	v15 =	vld.idx.msk [tilespmem:v27+s18+$0x0], $0xffff  }
0xe0: {  	_ =	sdelay $0x2  }
0xe1: {  	v21 =	vand.u32 $0x4F, v21;
	v23 =	vand.u32 $0x5F, v23  }
0xe2: {  	v22 =	vand.u32 $0x6F, v22;
	v16 =	vld.idx.msk [tilespmem:v16+s18+$0x0], $0xffff;
	v9 =	vshll.u32 v9, $0x7;
	v21 =	vor.u32 v21, v20  }
0xe3: {  	[tilespmem:v4+s20+$0x0] =	vst.idx.msk $0xffff, v11;
	v23 =	vor.u32 v23, v20;
	v4 =	vor.u32 v22, v20;
	v11 =	vshll.u32 v18, $0x6  }
0xe4: {  	v13 =	vld.idx.msk [tilespmem:v13+s18+$0x0], $0xffff;
	v22 =	vor.u32 v3, v12;
	v18 =	vand.u32 $0xFFFFFF80, v11;
	v20 =	vor.u32 v3, v11  }
0xe5: {  	[tilespmem:v5+s20+$0x0] =	vst.idx.msk $0xffff, v10;
	v5 =	vor.u32 v0, v11;
	v10 =	vadd.s32 v9, v18;
	v18 =	vand.u32 $0x7F, v20  }
0xe6: {  	[tilespmem:v17+s20+$0x0] =	vst.idx.msk $0xffff, v14;
	v14 =	vor.u32 v1, v11;
	v5 =	vand.u32 $0x4F, v5;
	v17 =	vor.u32 v18, v10  }
0xe7: {  	v11 =	vor.u32 v2, v11;
	v14 =	vand.u32 $0x5F, v14;
	v18 =	vld.idx.msk [tilespmem:v19+s18+$0x0], $0xffff;
	v5 =	vor.u32 v5, v10  }
0xe8: {  	v11 =	vand.u32 $0x6F, v11;
	v19 =	vor.u32 v0, v12;
	v20 =	vld.idx.msk [tilespmem:v21+s18+$0x0], $0xffff;
	v14 =	vor.u32 v14, v10  }
0xe9: {  	[tilespmem:v7+s20+$0x0] =	vst.idx.msk $0xffff, v15;
	v21 =	vor.u32 v1, v12;
	v7 =	vld.idx.msk [tilespmem:v23+s18+$0x0], $0xffff;
	v10 =	vor.u32 v11, v10  }
0xea: {  	[tilespmem:v8+s20+$0x0] =	vst.idx.msk $0xffff, v16;
	v11 =	vor.u32 v2, v12;
	v4 =	vld.idx.msk [tilespmem:v4+s18+$0x0], $0xffff  }
0xeb: {  	[tilespmem:v6+s20+$0x0] =	vst.idx.msk $0xffff, v13;
	v8 =	vor.u32 v3, v9;
	v6 =	vld.idx.msk [tilespmem:v17+s18+$0x0], $0xffff  }
0xec: {  	v12 =	vor.u32 v0, v9;
	[tilespmem:v22+s20+$0x0] =	vst.idx.msk $0xffff, v18;
	v5 =	vld.idx.msk [tilespmem:v5+s18+$0x0], $0xffff  }
0xed: {  	v13 =	vor.u32 v1, v9;
	[tilespmem:v19+s20+$0x0] =	vst.idx.msk $0xffff, v20;
	v14 =	vld.idx.msk [tilespmem:v14+s18+$0x0], $0xffff  }
0xee: {  	v9 =	vor.u32 v2, v9;
	[tilespmem:v21+s20+$0x0] =	vst.idx.msk $0xffff, v7;
	v7 =	vld.idx.msk [tilespmem:v10+s18+$0x0], $0xffff  }
0xef: {  	[tilespmem:v11+s20+$0x0] =	vst.idx.msk $0xffff, v4  }
0xf0: {  	[tilespmem:v8+s20+$0x0] =	vst.idx.msk $0xffff, v6  }
0xf1: {  	[tilespmem:v12+s20+$0x0] =	vst.idx.msk $0xffff, v5  }
0xf2: {  	[tilespmem:v13+s20+$0x0] =	vst.idx.msk $0xffff, v14  }
0xf3: {  	s29 =	simm.s32 $0x0;
	[tilespmem:v9+s20+$0x0] =	vst.idx.msk $0xffff, v7  }
0xf4: {  	[hbm4b:s9+s29] =	stream.linear.scatter [tilespmem:s20], [sflag:$0x2], $0x8000, $0x38;
	[tilespmem:$0x11000] =	vst v63  }
0xf5: {  	_ =	swait.ge [sflag:s15], $0x8000  }
0xf6: {  	v4 =	vmov s29;
	[sflag:s15] =	ssyncset.done $0x0  }
0xf7: {  	v5 =	vor.u32 $0x400, v4;
	s29 =	simm.s32 $0x1;
	[sflag:s15] =	ssyncadd.s32 $0xFFFF8000  }
0xf8: {  	[tilespmem:s18], [sflag:$0x1] =	stream.indirect.gather [hbm4b:s3+s17], $0x80, s23, s17, $0xb8;
	[tilespmem:$0x11000] =	vst v63  }
0xf9: {  	v6 =	vmov s29;
	_ =	swait.ge [sflag:s19], $0x8000  }
0xfa: {  	v7 =	vor.u32 $0x400, v6;
	[sflag:s19] =	ssyncset.done $0x0  }
0xfb: {  	[sflag:s19] =	ssyncadd.s32 $0xFFFF8000  }
0xfc: {  	v5 =	vld.idx.msk [tilespmem:v5+s16+$0x0], $0xffff;
	_ =	sdelay $0x2  }
0xfd: {  	v8 =	vshll.u32 v4, $0x7;
	v7 =	vld.idx.msk [tilespmem:v7+s16+$0x0], $0xffff  }
0xfe: {  	v15 =	vor.u32 v0, v8;
	v19 =	vor.u32 v3, v8;
	s29 =	simm.s32 $0x2  }
0xff: {  	v12 =	vmov s29;
	v17 =	vshll.u32 v6, $0x7;
	v5 =	vshll.u32 v5, $0x6  }
0x100: {  	v13 =	vor.u32 $0x400, v12;
	v4 =	vand.u32 $0xFFFFFF80, v5;
	v9 =	vor.u32 v3, v5  }
0x101: {  	v10 =	vor.u32 v0, v5;
	v4 =	vadd.s32 v8, v4;
	v9 =	vand.u32 $0x7F, v9  }
0x102: {  	v7 =	vshll.u32 v7, $0x6;
	v10 =	vand.u32 $0x4F, v10;
	v9 =	vor.u32 v9, v4  }
0x103: {  	v11 =	vor.u32 v1, v5;
	v5 =	vor.u32 v2, v5;
	v10 =	vor.u32 v10, v4  }
0x104: {  	v6 =	vand.u32 $0xFFFFFF80, v7;
	v16 =	vor.u32 v3, v7;
	v11 =	vand.u32 $0x5F, v11  }
0x105: {  	v20 =	vld.idx.msk [tilespmem:v13+s16+$0x0], $0xffff;
	v13 =	vor.u32 v1, v7;
	v5 =	vand.u32 $0x6F, v5;
	v11 =	vor.u32 v11, v4  }
0x106: {  	v6 =	vadd.s32 v17, v6;
	v14 =	vor.u32 v5, v4;
	v4 =	vor.u32 v1, v8  }
0x107: {  	s29 =	simm.s32 $0x3;
	v5 =	vor.u32 v2, v8;
	v8 =	vor.u32 v0, v7;
	v18 =	vld.idx.msk [tilespmem:v9+s18+$0x0], $0xffff;
	v9 =	vand.u32 $0x7F, v16  }
0x108: {  	v7 =	vor.u32 v2, v7;
	v22 =	vld.idx.msk [tilespmem:v10+s18+$0x0], $0xffff;
	v21 =	vor.u32 v9, v6;
	v9 =	vmov s29  }
0x109: {  	v8 =	vand.u32 $0x4F, v8;
	v7 =	vand.u32 $0x6F, v7;
	v23 =	vor.u32 $0x400, v9  }
0x10a: {  	v24 =	vor.u32 v8, v6;
	v8 =	vor.u32 v1, v17;
	v10 =	vand.u32 $0x5F, v13;
	v11 =	vld.idx.msk [tilespmem:v11+s18+$0x0], $0xffff  }
0x10b: {  	v13 =	vor.u32 v7, v6;
	v7 =	vor.u32 v0, v17;
	v16 =	vor.u32 v10, v6;
	v10 =	vld.idx.msk [tilespmem:v14+s18+$0x0], $0xffff  }
0x10c: {  	v6 =	vor.u32 v2, v17;
	v17 =	vor.u32 v3, v17;
	[tilespmem:v19+s20+$0x0] =	vst.idx.msk $0xffff, v18;
	v19 =	vshll.u32 v20, $0x6  }
0x10d: {  	v12 =	vshll.u32 v12, $0x7;
	[tilespmem:v15+s20+$0x0] =	vst.idx.msk $0xffff, v22;
	v14 =	vld.idx.msk [tilespmem:v21+s18+$0x0], $0xffff;
	v20 =	vand.u32 $0xFFFFFF80, v19;
	v25 =	vor.u32 v3, v19  }
0x10e: {  	v21 =	vor.u32 v0, v19;
	v18 =	vld.idx.msk [tilespmem:v23+s16+$0x0], $0xffff;
	v20 =	vadd.s32 v12, v20;
	v15 =	vand.u32 $0x7F, v25  }
0x10f: {  	s30 =	simm.s32 $0x4;
	s29 =	simm.s32 $0xC;
	v22 =	vor.u32 v2, v19;
	v23 =	vor.u32 v1, v19;
	v19 =	vor.u32 v15, v20;
	v15 =	vld.idx.msk [tilespmem:v24+s18+$0x0], $0xffff  }
.LBB2_10:
0x110: {  	v24 =	vmov s30;
	s29 =	sadd.s32 $0x4, s29;
	v21 =	vand.u32 $0x4F, v21;
	v23 =	vand.u32 $0x5F, v23;
	[tilespmem:v4+s20+$0x0] =	vst.idx.msk $0xffff, v11;
	v11 =	vld.idx.msk [tilespmem:v16+s18+$0x0], $0xffff;
	v4 =	vmovc v8;
	v25 =	vmovc v12  }
0x111: {  	v8 =	vand.u32 $0x6F, v22;
	v26 =	vor.u32 $0x400, v24;
	p0 =	slt.u32 s29, $0x3FC;
	v27 =	vor.u32 v21, v20;
	[tilespmem:v5+s20+$0x0] =	vst.idx.msk $0xffff, v10;
	v10 =	vld.idx.msk [tilespmem:v13+s18+$0x0], $0xffff  }
0x112: {  	v16 =	vor.u32 v23, v20;
	v13 =	vor.u32 v8, v20;
	v5 =	vmov v6;
	[tilespmem:v17+s20+$0x0] =	vst.idx.msk $0xffff, v14  }
.Ltmp4:
0x113: {  	v22 =	vor.u32 v0, v25;
	v8 =	vor.u32 v1, v25;
	v6 =	vor.u32 v2, v25;
	(pc) =	sbr.rel @p0 .LBB2_10-.Ltmp4, $4  }
0x114: {  	v12 =	vshll.u32 v9, $0x7;
	v9 =	vmov v24;
	v28 =	vshll.u32 v18, $0x6;
	v14 =	vld.idx.msk [tilespmem:v19+s18+$0x0], $0xffff  }
0x115: {  	v17 =	vor.u32 v3, v25;
	v19 =	vand.u32 $0xFFFFFF80, v28;
	v23 =	vor.u32 v3, v28;
	[tilespmem:v7+s20+$0x0] =	vst.idx.msk $0xffff, v15  }
0x116: {  	v21 =	vor.u32 v0, v28;
	v20 =	vadd.s32 v12, v19;
	v15 =	vand.u32 $0x7F, v23;
	v7 =	vmovc v22;
	v18 =	vld.idx.msk [tilespmem:v26+s16+$0x0], $0xffff  }
0x117: {  	s30 =	sadd.s32 $0x1, s30;
	v23 =	vor.u32 v1, v28;
	v22 =	vor.u32 v2, v28;
	v19 =	vor.u32 v15, v20;
	v15 =	vld.idx.msk [tilespmem:v27+s18+$0x0], $0xffff  }
0x118: {  	_ =	sdelay $0x2  }
0x119: {  	v21 =	vand.u32 $0x4F, v21;
	v23 =	vand.u32 $0x5F, v23  }
0x11a: {  	v22 =	vand.u32 $0x6F, v22;
	v16 =	vld.idx.msk [tilespmem:v16+s18+$0x0], $0xffff;
	v9 =	vshll.u32 v9, $0x7;
	v21 =	vor.u32 v21, v20  }
0x11b: {  	[tilespmem:v4+s20+$0x0] =	vst.idx.msk $0xffff, v11;
	v23 =	vor.u32 v23, v20;
	v4 =	vor.u32 v22, v20;
	v11 =	vshll.u32 v18, $0x6  }
0x11c: {  	v13 =	vld.idx.msk [tilespmem:v13+s18+$0x0], $0xffff;
	v22 =	vor.u32 v3, v12;
	v18 =	vand.u32 $0xFFFFFF80, v11;
	v20 =	vor.u32 v3, v11  }
0x11d: {  	[tilespmem:v5+s20+$0x0] =	vst.idx.msk $0xffff, v10;
	v5 =	vor.u32 v0, v11;
	v10 =	vadd.s32 v9, v18;
	v18 =	vand.u32 $0x7F, v20  }
0x11e: {  	[tilespmem:v17+s20+$0x0] =	vst.idx.msk $0xffff, v14;
	v14 =	vor.u32 v1, v11;
	v5 =	vand.u32 $0x4F, v5;
	v17 =	vor.u32 v18, v10  }
0x11f: {  	v11 =	vor.u32 v2, v11;
	v14 =	vand.u32 $0x5F, v14;
	v18 =	vld.idx.msk [tilespmem:v19+s18+$0x0], $0xffff;
	v5 =	vor.u32 v5, v10  }
0x120: {  	v11 =	vand.u32 $0x6F, v11;
	v19 =	vor.u32 v0, v12;
	v20 =	vld.idx.msk [tilespmem:v21+s18+$0x0], $0xffff;
	v14 =	vor.u32 v14, v10  }
0x121: {  	[tilespmem:v7+s20+$0x0] =	vst.idx.msk $0xffff, v15;
	v21 =	vor.u32 v1, v12;
	v7 =	vld.idx.msk [tilespmem:v23+s18+$0x0], $0xffff;
	v10 =	vor.u32 v11, v10  }
0x122: {  	[tilespmem:v8+s20+$0x0] =	vst.idx.msk $0xffff, v16;
	v11 =	vor.u32 v2, v12;
	v4 =	vld.idx.msk [tilespmem:v4+s18+$0x0], $0xffff  }
0x123: {  	[tilespmem:v6+s20+$0x0] =	vst.idx.msk $0xffff, v13;
	v8 =	vor.u32 v3, v9;
	v6 =	vld.idx.msk [tilespmem:v17+s18+$0x0], $0xffff  }
0x124: {  	v12 =	vor.u32 v0, v9;
	[tilespmem:v22+s20+$0x0] =	vst.idx.msk $0xffff, v18;
	v5 =	vld.idx.msk [tilespmem:v5+s18+$0x0], $0xffff  }
0x125: {  	v13 =	vor.u32 v1, v9;
	[tilespmem:v19+s20+$0x0] =	vst.idx.msk $0xffff, v20;
	v14 =	vld.idx.msk [tilespmem:v14+s18+$0x0], $0xffff  }
0x126: {  	v9 =	vor.u32 v2, v9;
	[tilespmem:v21+s20+$0x0] =	vst.idx.msk $0xffff, v7;
	v7 =	vld.idx.msk [tilespmem:v10+s18+$0x0], $0xffff  }
0x127: {  	[tilespmem:v11+s20+$0x0] =	vst.idx.msk $0xffff, v4  }
0x128: {  	[tilespmem:v8+s20+$0x0] =	vst.idx.msk $0xffff, v6  }
0x129: {  	[tilespmem:v12+s20+$0x0] =	vst.idx.msk $0xffff, v5  }
0x12a: {  	[tilespmem:v13+s20+$0x0] =	vst.idx.msk $0xffff, v14  }
0x12b: {  	s29 =	simm.s32 $0x0;
	[tilespmem:v9+s20+$0x0] =	vst.idx.msk $0xffff, v7  }
0x12c: {  	[hbm4b:s10+s29] =	stream.linear.scatter [tilespmem:s20], [sflag:$0x2], $0x8000, $0x38;
	[tilespmem:$0x11000] =	vst v63  }
0x12d: {  	_ =	swait.ge [sflag:s15], $0x8000  }
0x12e: {  	v4 =	vmov s29;
	[sflag:s15] =	ssyncset.done $0x0  }
0x12f: {  	v5 =	vor.u32 $0x500, v4;
	s29 =	simm.s32 $0x1;
	[sflag:s15] =	ssyncadd.s32 $0xFFFF8000  }
0x130: {  	[tilespmem:s18], [sflag:$0x1] =	stream.indirect.gather [hbm4b:s3+s17], $0x80, s24, s17, $0xb8;
	[tilespmem:$0x11000] =	vst v63  }
0x131: {  	v6 =	vmov s29;
	_ =	swait.ge [sflag:s19], $0x8000  }
0x132: {  	v7 =	vor.u32 $0x500, v6;
	[sflag:s19] =	ssyncset.done $0x0  }
0x133: {  	[sflag:s19] =	ssyncadd.s32 $0xFFFF8000  }
0x134: {  	v5 =	vld.idx.msk [tilespmem:v5+s16+$0x0], $0xffff;
	_ =	sdelay $0x2  }
0x135: {  	v8 =	vshll.u32 v4, $0x7;
	v7 =	vld.idx.msk [tilespmem:v7+s16+$0x0], $0xffff  }
0x136: {  	v15 =	vor.u32 v0, v8;
	v19 =	vor.u32 v3, v8;
	s29 =	simm.s32 $0x2  }
0x137: {  	v12 =	vmov s29;
	v17 =	vshll.u32 v6, $0x7;
	v5 =	vshll.u32 v5, $0x6  }
0x138: {  	v13 =	vor.u32 $0x500, v12;
	v4 =	vand.u32 $0xFFFFFF80, v5;
	v9 =	vor.u32 v3, v5  }
0x139: {  	v10 =	vor.u32 v0, v5;
	v4 =	vadd.s32 v8, v4;
	v9 =	vand.u32 $0x7F, v9  }
0x13a: {  	v7 =	vshll.u32 v7, $0x6;
	v10 =	vand.u32 $0x4F, v10;
	v9 =	vor.u32 v9, v4  }
0x13b: {  	v11 =	vor.u32 v1, v5;
	v5 =	vor.u32 v2, v5;
	v10 =	vor.u32 v10, v4  }
0x13c: {  	v6 =	vand.u32 $0xFFFFFF80, v7;
	v16 =	vor.u32 v3, v7;
	v11 =	vand.u32 $0x5F, v11  }
0x13d: {  	v20 =	vld.idx.msk [tilespmem:v13+s16+$0x0], $0xffff;
	v13 =	vor.u32 v1, v7;
	v5 =	vand.u32 $0x6F, v5;
	v11 =	vor.u32 v11, v4  }
0x13e: {  	v6 =	vadd.s32 v17, v6;
	v14 =	vor.u32 v5, v4;
	v4 =	vor.u32 v1, v8  }
0x13f: {  	s29 =	simm.s32 $0x3;
	v5 =	vor.u32 v2, v8;
	v8 =	vor.u32 v0, v7;
	v18 =	vld.idx.msk [tilespmem:v9+s18+$0x0], $0xffff;
	v9 =	vand.u32 $0x7F, v16  }
0x140: {  	v7 =	vor.u32 v2, v7;
	v22 =	vld.idx.msk [tilespmem:v10+s18+$0x0], $0xffff;
	v21 =	vor.u32 v9, v6;
	v9 =	vmov s29  }
0x141: {  	v8 =	vand.u32 $0x4F, v8;
	v7 =	vand.u32 $0x6F, v7;
	v23 =	vor.u32 $0x500, v9  }
0x142: {  	v24 =	vor.u32 v8, v6;
	v8 =	vor.u32 v1, v17;
	v10 =	vand.u32 $0x5F, v13;
	v11 =	vld.idx.msk [tilespmem:v11+s18+$0x0], $0xffff  }
0x143: {  	v13 =	vor.u32 v7, v6;
	v7 =	vor.u32 v0, v17;
	v16 =	vor.u32 v10, v6;
	v10 =	vld.idx.msk [tilespmem:v14+s18+$0x0], $0xffff  }
0x144: {  	v6 =	vor.u32 v2, v17;
	v17 =	vor.u32 v3, v17;
	[tilespmem:v19+s20+$0x0] =	vst.idx.msk $0xffff, v18;
	v19 =	vshll.u32 v20, $0x6  }
0x145: {  	v12 =	vshll.u32 v12, $0x7;
	[tilespmem:v15+s20+$0x0] =	vst.idx.msk $0xffff, v22;
	v14 =	vld.idx.msk [tilespmem:v21+s18+$0x0], $0xffff;
	v20 =	vand.u32 $0xFFFFFF80, v19;
	v25 =	vor.u32 v3, v19  }
0x146: {  	v21 =	vor.u32 v0, v19;
	v18 =	vld.idx.msk [tilespmem:v23+s16+$0x0], $0xffff;
	v20 =	vadd.s32 v12, v20;
	v15 =	vand.u32 $0x7F, v25  }
0x147: {  	s30 =	simm.s32 $0x4;
	s29 =	simm.s32 $0xC;
	v22 =	vor.u32 v2, v19;
	v23 =	vor.u32 v1, v19;
	v19 =	vor.u32 v15, v20;
	v15 =	vld.idx.msk [tilespmem:v24+s18+$0x0], $0xffff  }
.LBB2_12:
0x148: {  	v24 =	vmov s30;
	s29 =	sadd.s32 $0x4, s29;
	v21 =	vand.u32 $0x4F, v21;
	v23 =	vand.u32 $0x5F, v23;
	[tilespmem:v4+s20+$0x0] =	vst.idx.msk $0xffff, v11;
	v11 =	vld.idx.msk [tilespmem:v16+s18+$0x0], $0xffff;
	v4 =	vmovc v8;
	v25 =	vmovc v12  }
0x149: {  	v8 =	vand.u32 $0x6F, v22;
	v26 =	vor.u32 $0x500, v24;
	p0 =	slt.u32 s29, $0x3FC;
	v27 =	vor.u32 v21, v20;
	[tilespmem:v5+s20+$0x0] =	vst.idx.msk $0xffff, v10;
	v10 =	vld.idx.msk [tilespmem:v13+s18+$0x0], $0xffff  }
0x14a: {  	v16 =	vor.u32 v23, v20;
	v13 =	vor.u32 v8, v20;
	v5 =	vmov v6;
	[tilespmem:v17+s20+$0x0] =	vst.idx.msk $0xffff, v14  }
.Ltmp5:
0x14b: {  	v22 =	vor.u32 v0, v25;
	v8 =	vor.u32 v1, v25;
	v6 =	vor.u32 v2, v25;
	(pc) =	sbr.rel @p0 .LBB2_12-.Ltmp5, $4  }
0x14c: {  	v12 =	vshll.u32 v9, $0x7;
	v9 =	vmov v24;
	v28 =	vshll.u32 v18, $0x6;
	v14 =	vld.idx.msk [tilespmem:v19+s18+$0x0], $0xffff  }
0x14d: {  	v17 =	vor.u32 v3, v25;
	v19 =	vand.u32 $0xFFFFFF80, v28;
	v23 =	vor.u32 v3, v28;
	[tilespmem:v7+s20+$0x0] =	vst.idx.msk $0xffff, v15  }
0x14e: {  	v21 =	vor.u32 v0, v28;
	v20 =	vadd.s32 v12, v19;
	v15 =	vand.u32 $0x7F, v23;
	v7 =	vmovc v22;
	v18 =	vld.idx.msk [tilespmem:v26+s16+$0x0], $0xffff  }
0x14f: {  	s30 =	sadd.s32 $0x1, s30;
	v23 =	vor.u32 v1, v28;
	v22 =	vor.u32 v2, v28;
	v19 =	vor.u32 v15, v20;
	v15 =	vld.idx.msk [tilespmem:v27+s18+$0x0], $0xffff  }
0x150: {  	_ =	sdelay $0x2  }
0x151: {  	v21 =	vand.u32 $0x4F, v21;
	v23 =	vand.u32 $0x5F, v23  }
0x152: {  	v22 =	vand.u32 $0x6F, v22;
	v16 =	vld.idx.msk [tilespmem:v16+s18+$0x0], $0xffff;
	v9 =	vshll.u32 v9, $0x7;
	v21 =	vor.u32 v21, v20  }
0x153: {  	[tilespmem:v4+s20+$0x0] =	vst.idx.msk $0xffff, v11;
	v23 =	vor.u32 v23, v20;
	v4 =	vor.u32 v22, v20;
	v11 =	vshll.u32 v18, $0x6  }
0x154: {  	v13 =	vld.idx.msk [tilespmem:v13+s18+$0x0], $0xffff;
	v22 =	vor.u32 v3, v12;
	v18 =	vand.u32 $0xFFFFFF80, v11;
	v20 =	vor.u32 v3, v11  }
0x155: {  	[tilespmem:v5+s20+$0x0] =	vst.idx.msk $0xffff, v10;
	v5 =	vor.u32 v0, v11;
	v10 =	vadd.s32 v9, v18;
	v18 =	vand.u32 $0x7F, v20  }
0x156: {  	[tilespmem:v17+s20+$0x0] =	vst.idx.msk $0xffff, v14;
	v14 =	vor.u32 v1, v11;
	v5 =	vand.u32 $0x4F, v5;
	v17 =	vor.u32 v18, v10  }
0x157: {  	v11 =	vor.u32 v2, v11;
	v14 =	vand.u32 $0x5F, v14;
	v18 =	vld.idx.msk [tilespmem:v19+s18+$0x0], $0xffff;
	v5 =	vor.u32 v5, v10  }
0x158: {  	v11 =	vand.u32 $0x6F, v11;
	v19 =	vor.u32 v0, v12;
	v20 =	vld.idx.msk [tilespmem:v21+s18+$0x0], $0xffff;
	v14 =	vor.u32 v14, v10  }
0x159: {  	[tilespmem:v7+s20+$0x0] =	vst.idx.msk $0xffff, v15;
	v21 =	vor.u32 v1, v12;
	v7 =	vld.idx.msk [tilespmem:v23+s18+$0x0], $0xffff;
	v10 =	vor.u32 v11, v10  }
0x15a: {  	[tilespmem:v8+s20+$0x0] =	vst.idx.msk $0xffff, v16;
	v11 =	vor.u32 v2, v12;
	v4 =	vld.idx.msk [tilespmem:v4+s18+$0x0], $0xffff  }
0x15b: {  	[tilespmem:v6+s20+$0x0] =	vst.idx.msk $0xffff, v13;
	v8 =	vor.u32 v3, v9;
	v6 =	vld.idx.msk [tilespmem:v17+s18+$0x0], $0xffff  }
0x15c: {  	v12 =	vor.u32 v0, v9;
	[tilespmem:v22+s20+$0x0] =	vst.idx.msk $0xffff, v18;
	v5 =	vld.idx.msk [tilespmem:v5+s18+$0x0], $0xffff  }
0x15d: {  	v13 =	vor.u32 v1, v9;
	[tilespmem:v19+s20+$0x0] =	vst.idx.msk $0xffff, v20;
	v14 =	vld.idx.msk [tilespmem:v14+s18+$0x0], $0xffff  }
0x15e: {  	v9 =	vor.u32 v2, v9;
	[tilespmem:v21+s20+$0x0] =	vst.idx.msk $0xffff, v7;
	v7 =	vld.idx.msk [tilespmem:v10+s18+$0x0], $0xffff  }
0x15f: {  	[tilespmem:v11+s20+$0x0] =	vst.idx.msk $0xffff, v4  }
0x160: {  	[tilespmem:v8+s20+$0x0] =	vst.idx.msk $0xffff, v6  }
0x161: {  	[tilespmem:v12+s20+$0x0] =	vst.idx.msk $0xffff, v5  }
0x162: {  	[tilespmem:v13+s20+$0x0] =	vst.idx.msk $0xffff, v14  }
0x163: {  	s29 =	simm.s32 $0x0;
	[tilespmem:v9+s20+$0x0] =	vst.idx.msk $0xffff, v7  }
0x164: {  	[hbm4b:s11+s29] =	stream.linear.scatter [tilespmem:s20], [sflag:$0x2], $0x8000, $0x38;
	[tilespmem:$0x11000] =	vst v63  }
0x165: {  	_ =	swait.ge [sflag:s15], $0x8000  }
0x166: {  	v4 =	vmov s29;
	[sflag:s15] =	ssyncset.done $0x0  }
0x167: {  	v5 =	vor.u32 $0x600, v4;
	s29 =	simm.s32 $0x1;
	[sflag:s15] =	ssyncadd.s32 $0xFFFF8000  }
0x168: {  	[tilespmem:s18], [sflag:$0x1] =	stream.indirect.gather [hbm4b:s3+s17], $0x80, s25, s17, $0xb8;
	[tilespmem:$0x11000] =	vst v63  }
0x169: {  	v6 =	vmov s29;
	_ =	swait.ge [sflag:s19], $0x8000  }
0x16a: {  	v7 =	vor.u32 $0x600, v6;
	[sflag:s19] =	ssyncset.done $0x0  }
0x16b: {  	[sflag:s19] =	ssyncadd.s32 $0xFFFF8000  }
0x16c: {  	v5 =	vld.idx.msk [tilespmem:v5+s16+$0x0], $0xffff;
	_ =	sdelay $0x2  }
0x16d: {  	v8 =	vshll.u32 v4, $0x7;
	v7 =	vld.idx.msk [tilespmem:v7+s16+$0x0], $0xffff  }
0x16e: {  	v15 =	vor.u32 v0, v8;
	v19 =	vor.u32 v3, v8;
	s29 =	simm.s32 $0x2  }
0x16f: {  	v12 =	vmov s29;
	v17 =	vshll.u32 v6, $0x7;
	v5 =	vshll.u32 v5, $0x6  }
0x170: {  	v13 =	vor.u32 $0x600, v12;
	v4 =	vand.u32 $0xFFFFFF80, v5;
	v9 =	vor.u32 v3, v5  }
0x171: {  	v10 =	vor.u32 v0, v5;
	v4 =	vadd.s32 v8, v4;
	v9 =	vand.u32 $0x7F, v9  }
0x172: {  	v7 =	vshll.u32 v7, $0x6;
	v10 =	vand.u32 $0x4F, v10;
	v9 =	vor.u32 v9, v4  }
0x173: {  	v11 =	vor.u32 v1, v5;
	v5 =	vor.u32 v2, v5;
	v10 =	vor.u32 v10, v4  }
0x174: {  	v6 =	vand.u32 $0xFFFFFF80, v7;
	v16 =	vor.u32 v3, v7;
	v11 =	vand.u32 $0x5F, v11  }
0x175: {  	v20 =	vld.idx.msk [tilespmem:v13+s16+$0x0], $0xffff;
	v13 =	vor.u32 v1, v7;
	v5 =	vand.u32 $0x6F, v5;
	v11 =	vor.u32 v11, v4  }
0x176: {  	v6 =	vadd.s32 v17, v6;
	v14 =	vor.u32 v5, v4;
	v4 =	vor.u32 v1, v8  }
0x177: {  	s29 =	simm.s32 $0x3;
	v5 =	vor.u32 v2, v8;
	v8 =	vor.u32 v0, v7;
	v18 =	vld.idx.msk [tilespmem:v9+s18+$0x0], $0xffff;
	v9 =	vand.u32 $0x7F, v16  }
0x178: {  	v7 =	vor.u32 v2, v7;
	v22 =	vld.idx.msk [tilespmem:v10+s18+$0x0], $0xffff;
	v21 =	vor.u32 v9, v6;
	v9 =	vmov s29  }
0x179: {  	v8 =	vand.u32 $0x4F, v8;
	v7 =	vand.u32 $0x6F, v7;
	v23 =	vor.u32 $0x600, v9  }
0x17a: {  	v24 =	vor.u32 v8, v6;
	v8 =	vor.u32 v1, v17;
	v10 =	vand.u32 $0x5F, v13;
	v11 =	vld.idx.msk [tilespmem:v11+s18+$0x0], $0xffff  }
0x17b: {  	v13 =	vor.u32 v7, v6;
	v7 =	vor.u32 v0, v17;
	v16 =	vor.u32 v10, v6;
	v10 =	vld.idx.msk [tilespmem:v14+s18+$0x0], $0xffff  }
0x17c: {  	v6 =	vor.u32 v2, v17;
	v17 =	vor.u32 v3, v17;
	[tilespmem:v19+s20+$0x0] =	vst.idx.msk $0xffff, v18;
	v19 =	vshll.u32 v20, $0x6  }
0x17d: {  	v12 =	vshll.u32 v12, $0x7;
	[tilespmem:v15+s20+$0x0] =	vst.idx.msk $0xffff, v22;
	v14 =	vld.idx.msk [tilespmem:v21+s18+$0x0], $0xffff;
	v20 =	vand.u32 $0xFFFFFF80, v19;
	v25 =	vor.u32 v3, v19  }
0x17e: {  	v21 =	vor.u32 v0, v19;
	v18 =	vld.idx.msk [tilespmem:v23+s16+$0x0], $0xffff;
	v20 =	vadd.s32 v12, v20;
	v15 =	vand.u32 $0x7F, v25  }
0x17f: {  	s30 =	simm.s32 $0x4;
	s29 =	simm.s32 $0xC;
	v22 =	vor.u32 v2, v19;
	v23 =	vor.u32 v1, v19;
	v19 =	vor.u32 v15, v20;
	v15 =	vld.idx.msk [tilespmem:v24+s18+$0x0], $0xffff  }
.LBB2_14:
0x180: {  	v24 =	vmov s30;
	s29 =	sadd.s32 $0x4, s29;
	v21 =	vand.u32 $0x4F, v21;
	v23 =	vand.u32 $0x5F, v23;
	[tilespmem:v4+s20+$0x0] =	vst.idx.msk $0xffff, v11;
	v11 =	vld.idx.msk [tilespmem:v16+s18+$0x0], $0xffff;
	v4 =	vmovc v8;
	v25 =	vmovc v12  }
0x181: {  	v8 =	vand.u32 $0x6F, v22;
	v26 =	vor.u32 $0x600, v24;
	p0 =	slt.u32 s29, $0x3FC;
	v27 =	vor.u32 v21, v20;
	[tilespmem:v5+s20+$0x0] =	vst.idx.msk $0xffff, v10;
	v10 =	vld.idx.msk [tilespmem:v13+s18+$0x0], $0xffff  }
0x182: {  	v16 =	vor.u32 v23, v20;
	v13 =	vor.u32 v8, v20;
	v5 =	vmov v6;
	[tilespmem:v17+s20+$0x0] =	vst.idx.msk $0xffff, v14  }
.Ltmp6:
0x183: {  	v22 =	vor.u32 v0, v25;
	v8 =	vor.u32 v1, v25;
	v6 =	vor.u32 v2, v25;
	(pc) =	sbr.rel @p0 .LBB2_14-.Ltmp6, $4  }
0x184: {  	v12 =	vshll.u32 v9, $0x7;
	v9 =	vmov v24;
	v28 =	vshll.u32 v18, $0x6;
	v14 =	vld.idx.msk [tilespmem:v19+s18+$0x0], $0xffff  }
0x185: {  	v17 =	vor.u32 v3, v25;
	v19 =	vand.u32 $0xFFFFFF80, v28;
	v23 =	vor.u32 v3, v28;
	[tilespmem:v7+s20+$0x0] =	vst.idx.msk $0xffff, v15  }
0x186: {  	v21 =	vor.u32 v0, v28;
	v20 =	vadd.s32 v12, v19;
	v15 =	vand.u32 $0x7F, v23;
	v7 =	vmovc v22;
	v18 =	vld.idx.msk [tilespmem:v26+s16+$0x0], $0xffff  }
0x187: {  	s30 =	sadd.s32 $0x1, s30;
	v23 =	vor.u32 v1, v28;
	v22 =	vor.u32 v2, v28;
	v19 =	vor.u32 v15, v20;
	v15 =	vld.idx.msk [tilespmem:v27+s18+$0x0], $0xffff  }
0x188: {  	_ =	sdelay $0x2  }
0x189: {  	v21 =	vand.u32 $0x4F, v21;
	v23 =	vand.u32 $0x5F, v23  }
0x18a: {  	v22 =	vand.u32 $0x6F, v22;
	v16 =	vld.idx.msk [tilespmem:v16+s18+$0x0], $0xffff;
	v9 =	vshll.u32 v9, $0x7;
	v21 =	vor.u32 v21, v20  }
0x18b: {  	[tilespmem:v4+s20+$0x0] =	vst.idx.msk $0xffff, v11;
	v23 =	vor.u32 v23, v20;
	v4 =	vor.u32 v22, v20;
	v11 =	vshll.u32 v18, $0x6  }
0x18c: {  	v13 =	vld.idx.msk [tilespmem:v13+s18+$0x0], $0xffff;
	v22 =	vor.u32 v3, v12;
	v18 =	vand.u32 $0xFFFFFF80, v11;
	v20 =	vor.u32 v3, v11  }
0x18d: {  	[tilespmem:v5+s20+$0x0] =	vst.idx.msk $0xffff, v10;
	v5 =	vor.u32 v0, v11;
	v10 =	vadd.s32 v9, v18;
	v18 =	vand.u32 $0x7F, v20  }
0x18e: {  	[tilespmem:v17+s20+$0x0] =	vst.idx.msk $0xffff, v14;
	v14 =	vor.u32 v1, v11;
	v5 =	vand.u32 $0x4F, v5;
	v17 =	vor.u32 v18, v10  }
0x18f: {  	v11 =	vor.u32 v2, v11;
	v14 =	vand.u32 $0x5F, v14;
	v18 =	vld.idx.msk [tilespmem:v19+s18+$0x0], $0xffff;
	v5 =	vor.u32 v5, v10  }
0x190: {  	v11 =	vand.u32 $0x6F, v11;
	v19 =	vor.u32 v0, v12;
	v20 =	vld.idx.msk [tilespmem:v21+s18+$0x0], $0xffff;
	v14 =	vor.u32 v14, v10  }
0x191: {  	[tilespmem:v7+s20+$0x0] =	vst.idx.msk $0xffff, v15;
	v21 =	vor.u32 v1, v12;
	v7 =	vld.idx.msk [tilespmem:v23+s18+$0x0], $0xffff;
	v10 =	vor.u32 v11, v10  }
0x192: {  	[tilespmem:v8+s20+$0x0] =	vst.idx.msk $0xffff, v16;
	v11 =	vor.u32 v2, v12;
	v4 =	vld.idx.msk [tilespmem:v4+s18+$0x0], $0xffff  }
0x193: {  	[tilespmem:v6+s20+$0x0] =	vst.idx.msk $0xffff, v13;
	v8 =	vor.u32 v3, v9;
	v6 =	vld.idx.msk [tilespmem:v17+s18+$0x0], $0xffff  }
0x194: {  	v12 =	vor.u32 v0, v9;
	[tilespmem:v22+s20+$0x0] =	vst.idx.msk $0xffff, v18;
	v5 =	vld.idx.msk [tilespmem:v5+s18+$0x0], $0xffff  }
0x195: {  	v13 =	vor.u32 v1, v9;
	[tilespmem:v19+s20+$0x0] =	vst.idx.msk $0xffff, v20;
	v14 =	vld.idx.msk [tilespmem:v14+s18+$0x0], $0xffff  }
0x196: {  	v9 =	vor.u32 v2, v9;
	[tilespmem:v21+s20+$0x0] =	vst.idx.msk $0xffff, v7;
	v7 =	vld.idx.msk [tilespmem:v10+s18+$0x0], $0xffff  }
0x197: {  	[tilespmem:v11+s20+$0x0] =	vst.idx.msk $0xffff, v4  }
0x198: {  	[tilespmem:v8+s20+$0x0] =	vst.idx.msk $0xffff, v6  }
0x199: {  	[tilespmem:v12+s20+$0x0] =	vst.idx.msk $0xffff, v5  }
0x19a: {  	[tilespmem:v13+s20+$0x0] =	vst.idx.msk $0xffff, v14  }
0x19b: {  	s29 =	simm.s32 $0x0;
	[tilespmem:v9+s20+$0x0] =	vst.idx.msk $0xffff, v7  }
0x19c: {  	[hbm4b:s12+s29] =	stream.linear.scatter [tilespmem:s20], [sflag:$0x2], $0x8000, $0x38;
	[tilespmem:$0x11000] =	vst v63  }
0x19d: {  	_ =	swait.ge [sflag:s15], $0x8000  }
0x19e: {  	v4 =	vmov s29;
	[sflag:s15] =	ssyncset.done $0x0  }
0x19f: {  	v5 =	vor.u32 $0x700, v4;
	s29 =	simm.s32 $0x1;
	[sflag:s15] =	ssyncadd.s32 $0xFFFF8000  }
0x1a0: {  	[tilespmem:s18], [sflag:$0x1] =	stream.indirect.gather [hbm4b:s3+s17], $0x80, s26, s17, $0xb8;
	[tilespmem:$0x11000] =	vst v63  }
0x1a1: {  	v6 =	vmov s29;
	_ =	swait.ge [sflag:s19], $0x8000  }
0x1a2: {  	v7 =	vor.u32 $0x700, v6;
	[sflag:s19] =	ssyncset.done $0x0  }
0x1a3: {  	[sflag:s19] =	ssyncadd.s32 $0xFFFF8000  }
0x1a4: {  	v5 =	vld.idx.msk [tilespmem:v5+s16+$0x0], $0xffff;
	_ =	sdelay $0x2  }
0x1a5: {  	v8 =	vshll.u32 v4, $0x7;
	v7 =	vld.idx.msk [tilespmem:v7+s16+$0x0], $0xffff  }
0x1a6: {  	v15 =	vor.u32 v0, v8;
	v19 =	vor.u32 v3, v8;
	s29 =	simm.s32 $0x2  }
0x1a7: {  	v12 =	vmov s29;
	v17 =	vshll.u32 v6, $0x7;
	v5 =	vshll.u32 v5, $0x6  }
0x1a8: {  	v13 =	vor.u32 $0x700, v12;
	v4 =	vand.u32 $0xFFFFFF80, v5;
	v9 =	vor.u32 v3, v5  }
0x1a9: {  	v10 =	vor.u32 v0, v5;
	v4 =	vadd.s32 v8, v4;
	v9 =	vand.u32 $0x7F, v9  }
0x1aa: {  	v7 =	vshll.u32 v7, $0x6;
	v10 =	vand.u32 $0x4F, v10;
	v9 =	vor.u32 v9, v4  }
0x1ab: {  	v11 =	vor.u32 v1, v5;
	v5 =	vor.u32 v2, v5;
	v10 =	vor.u32 v10, v4  }
0x1ac: {  	v6 =	vand.u32 $0xFFFFFF80, v7;
	v16 =	vor.u32 v3, v7;
	v11 =	vand.u32 $0x5F, v11  }
0x1ad: {  	v20 =	vld.idx.msk [tilespmem:v13+s16+$0x0], $0xffff;
	v13 =	vor.u32 v1, v7;
	v5 =	vand.u32 $0x6F, v5;
	v11 =	vor.u32 v11, v4  }
0x1ae: {  	v6 =	vadd.s32 v17, v6;
	v14 =	vor.u32 v5, v4;
	v4 =	vor.u32 v1, v8  }
0x1af: {  	s29 =	simm.s32 $0x3;
	v5 =	vor.u32 v2, v8;
	v8 =	vor.u32 v0, v7;
	v18 =	vld.idx.msk [tilespmem:v9+s18+$0x0], $0xffff;
	v9 =	vand.u32 $0x7F, v16  }
0x1b0: {  	v7 =	vor.u32 v2, v7;
	v22 =	vld.idx.msk [tilespmem:v10+s18+$0x0], $0xffff;
	v21 =	vor.u32 v9, v6;
	v9 =	vmov s29  }
0x1b1: {  	v8 =	vand.u32 $0x4F, v8;
	v7 =	vand.u32 $0x6F, v7;
	v23 =	vor.u32 $0x700, v9  }
0x1b2: {  	v24 =	vor.u32 v8, v6;
	v8 =	vor.u32 v1, v17;
	v10 =	vand.u32 $0x5F, v13;
	v11 =	vld.idx.msk [tilespmem:v11+s18+$0x0], $0xffff  }
0x1b3: {  	v13 =	vor.u32 v7, v6;
	v7 =	vor.u32 v0, v17;
	v16 =	vor.u32 v10, v6;
	v10 =	vld.idx.msk [tilespmem:v14+s18+$0x0], $0xffff  }
0x1b4: {  	v6 =	vor.u32 v2, v17;
	v17 =	vor.u32 v3, v17;
	[tilespmem:v19+s20+$0x0] =	vst.idx.msk $0xffff, v18;
	v19 =	vshll.u32 v20, $0x6  }
0x1b5: {  	v12 =	vshll.u32 v12, $0x7;
	[tilespmem:v15+s20+$0x0] =	vst.idx.msk $0xffff, v22;
	v14 =	vld.idx.msk [tilespmem:v21+s18+$0x0], $0xffff;
	v20 =	vand.u32 $0xFFFFFF80, v19;
	v25 =	vor.u32 v3, v19  }
0x1b6: {  	v21 =	vor.u32 v0, v19;
	v18 =	vld.idx.msk [tilespmem:v23+s16+$0x0], $0xffff;
	v20 =	vadd.s32 v12, v20;
	v15 =	vand.u32 $0x7F, v25  }
0x1b7: {  	s30 =	simm.s32 $0x4;
	s29 =	simm.s32 $0xC;
	v22 =	vor.u32 v2, v19;
	v23 =	vor.u32 v1, v19;
	v19 =	vor.u32 v15, v20;
	v15 =	vld.idx.msk [tilespmem:v24+s18+$0x0], $0xffff  }
.LBB2_16:
0x1b8: {  	v24 =	vmov s30;
	s29 =	sadd.s32 $0x4, s29;
	v21 =	vand.u32 $0x4F, v21;
	v23 =	vand.u32 $0x5F, v23;
	[tilespmem:v4+s20+$0x0] =	vst.idx.msk $0xffff, v11;
	v11 =	vld.idx.msk [tilespmem:v16+s18+$0x0], $0xffff;
	v4 =	vmovc v8;
	v25 =	vmovc v12  }
0x1b9: {  	v8 =	vand.u32 $0x6F, v22;
	v26 =	vor.u32 $0x700, v24;
	p0 =	slt.u32 s29, $0x3FC;
	v27 =	vor.u32 v21, v20;
	[tilespmem:v5+s20+$0x0] =	vst.idx.msk $0xffff, v10;
	v10 =	vld.idx.msk [tilespmem:v13+s18+$0x0], $0xffff  }
0x1ba: {  	v16 =	vor.u32 v23, v20;
	v13 =	vor.u32 v8, v20;
	v5 =	vmov v6;
	[tilespmem:v17+s20+$0x0] =	vst.idx.msk $0xffff, v14  }
.Ltmp7:
0x1bb: {  	v22 =	vor.u32 v0, v25;
	v8 =	vor.u32 v1, v25;
	v6 =	vor.u32 v2, v25;
	(pc) =	sbr.rel @p0 .LBB2_16-.Ltmp7, $4  }
0x1bc: {  	v12 =	vshll.u32 v9, $0x7;
	v9 =	vmov v24;
	v28 =	vshll.u32 v18, $0x6;
	v14 =	vld.idx.msk [tilespmem:v19+s18+$0x0], $0xffff  }
0x1bd: {  	v17 =	vor.u32 v3, v25;
	v19 =	vand.u32 $0xFFFFFF80, v28;
	v23 =	vor.u32 v3, v28;
	[tilespmem:v7+s20+$0x0] =	vst.idx.msk $0xffff, v15  }
0x1be: {  	v21 =	vor.u32 v0, v28;
	v20 =	vadd.s32 v12, v19;
	v15 =	vand.u32 $0x7F, v23;
	v7 =	vmovc v22;
	v18 =	vld.idx.msk [tilespmem:v26+s16+$0x0], $0xffff  }
0x1bf: {  	s30 =	sadd.s32 $0x1, s30;
	v23 =	vor.u32 v1, v28;
	v22 =	vor.u32 v2, v28;
	v19 =	vor.u32 v15, v20;
	v15 =	vld.idx.msk [tilespmem:v27+s18+$0x0], $0xffff  }
0x1c0: {  	_ =	sdelay $0x2  }
0x1c1: {  	v21 =	vand.u32 $0x4F, v21;
	v23 =	vand.u32 $0x5F, v23  }
0x1c2: {  	v22 =	vand.u32 $0x6F, v22;
	v16 =	vld.idx.msk [tilespmem:v16+s18+$0x0], $0xffff;
	v9 =	vshll.u32 v9, $0x7;
	v48 =	vor.u32 v3, v12  }
0x1c3: {  	[tilespmem:v4+s20+$0x0] =	vst.idx.msk $0xffff, v11;
	v21 =	vor.u32 v21, v20;
	v23 =	vor.u32 v23, v20;
	v46 =	vshll.u32 v18, $0x6  }
0x1c4: {  	v13 =	vld.idx.msk [tilespmem:v13+s18+$0x0], $0xffff;
	v4 =	vor.u32 v22, v20;
	v18 =	vand.u32 $0xFFFFFF80, v46;
	v47 =	vor.u32 v3, v46  }
0x1c5: {  	[tilespmem:v5+s20+$0x0] =	vst.idx.msk $0xffff, v10;
	v5 =	vor.u32 v0, v46;
	v49 =	vadd.s32 v9, v18;
	v50 =	vand.u32 $0x7F, v47  }
0x1c6: {  	v53 =	vld.idx.msk [tilespmem:v19+s18+$0x0], $0xffff;
	v51 =	vor.u32 v1, v46;
	v5 =	vand.u32 $0x4F, v5;
	v52 =	vor.u32 v50, v49  }
0x1c7: {  	[tilespmem:v17+s20+$0x0] =	vst.idx.msk $0xffff, v14;
	v11 =	vor.u32 v2, v46;
	v14 =	vand.u32 $0x5F, v51;
	v5 =	vor.u32 v5, v49  }
0x1c8: {  	v54 =	vor.u32 v0, v12;
	v11 =	vand.u32 $0x6F, v11;
	v55 =	vld.idx.msk [tilespmem:v21+s18+$0x0], $0xffff;
	v14 =	vor.u32 v14, v49  }
0x1c9: {  	v56 =	vor.u32 v1, v12;
	[tilespmem:v7+s20+$0x0] =	vst.idx.msk $0xffff, v15;
	v57 =	vld.idx.msk [tilespmem:v23+s18+$0x0], $0xffff;
	v10 =	vor.u32 v11, v49  }
0x1ca: {  	v58 =	vor.u32 v2, v12;
	[tilespmem:v8+s20+$0x0] =	vst.idx.msk $0xffff, v16;
	v4 =	vld.idx.msk [tilespmem:v4+s18+$0x0], $0xffff  }
0x1cb: {  	v60 =	vor.u32 v3, v9;
	[tilespmem:v6+s20+$0x0] =	vst.idx.msk $0xffff, v13;
	v59 =	vld.idx.msk [tilespmem:v52+s18+$0x0], $0xffff  }
0x1cc: {  	v61 =	vor.u32 v0, v9;
	[tilespmem:v48+s20+$0x0] =	vst.idx.msk $0xffff, v53;
	v5 =	vld.idx.msk [tilespmem:v5+s18+$0x0], $0xffff  }
0x1cd: {  	v62 =	vor.u32 v1, v9;
	[tilespmem:v54+s20+$0x0] =	vst.idx.msk $0xffff, v55;
	v14 =	vld.idx.msk [tilespmem:v14+s18+$0x0], $0xffff  }
0x1ce: {  	v9 =	vor.u32 v2, v9;
	[tilespmem:v56+s20+$0x0] =	vst.idx.msk $0xffff, v57;
	v63 =	vld.idx.msk [tilespmem:v10+s18+$0x0], $0xffff  }
0x1cf: {  	[tilespmem:v58+s20+$0x0] =	vst.idx.msk $0xffff, v4  }
0x1d0: {  	[tilespmem:v60+s20+$0x0] =	vst.idx.msk $0xffff, v59  }
0x1d1: {  	s28 =	sadd.s32 $0x1, s28;
	[tilespmem:v61+s20+$0x0] =	vst.idx.msk $0xffff, v5  }
0x1d2: {  	p0 =	sne.s32 s28, s14;
	[tilespmem:v62+s20+$0x0] =	vst.idx.msk $0xffff, v14  }
.Ltmp8:
0x1d3: {  	[tilespmem:v9+s20+$0x0] =	vst.idx.msk $0xffff, v63;
	(pc) =	sbr.rel @p0 .LBB2_1-.Ltmp8, $4  }
0x1d4: {  	[hbm4b:s13+s2] =	stream.linear.scatter [tilespmem:s20], [sflag:$0x2], $0x8000, $0x38;
	[tilespmem:$0x11000] =	vst v63  }
0x1d5: {  	_ =	swait.ge [sflag:s15], $0x8000  }
0x1d6: {  	[sflag:s15] =	ssyncset.done $0x0  }
0x1d7: {  	[sflag:s15] =	ssyncadd.s32 $0xFFFF8000  }
0x1d8: {  	_ =	sfence.sel $0x180000  }
0x1d9: {  	[bflag:$0x0] =	sbarrier.arrive $0xFFFF  }
0x1da: {  	p0 =	sne.s32 s1, $0x0;
	_ =	strace $0x9000004D  }
0x1db: {  	s0 =	sadd.s32 @!p0 $0x100000, s0;
	[bflag:$0x2] =	sbarrier.arrive $0xFFFF  }
0x1dc: {  	[sflag:s0] =	ssyncadd.tile.s32 @!p0 $0x1;
	_ =	shalt  }
.Lfunc_end2:
_tile_overlayer_lowered:
.L_overlay_start_2:
0x1dd: {  	(tag) =	ssettag $0x2  }
0x1de: {  	s0 =	rddreg [dreg:$0x0];
	s2 =	stileid.u32  }
0x1df: {  	s1 =	rddreg [dreg:$0x1];
	p0 =	sne.s32 s2, $0x0  }
0x1e0: {  	s3 =	rddreg [dreg:$0x2];
	[bflag:$0x3] =	sbarrier.arrive $0xFFFF;
	s2 =	simm.s32 @!p0 $0x1C02  }
0x1e1: {  	[timem:s3], [sflag:s2] =	dma.local @!p0 [hbm:s0], s1  }
0x1e2: {  	s0 =	simm.s32 @!p0 $0x2  }
0x1e3: {  	_ =	swait.ge @!p0 [sflag:s0], s1  }
0x1e4: {  	s1 =	ssub.s32 @!p0 $0x0, s1;
	[sflag:s0] =	ssyncset.done @!p0 $0x0  }
0x1e5: {  	[sflag:s0] =	ssyncadd.s32 @!p0 s1  }
0x1e6: {  	[bflag:$0x3] =	sbarrier.arrive $0xFFFF  }
0x1e7: {  	_ =	shalt  }

// kernel: scatter_offload_async_start
scs
__scs_entry_jumppad:
0x0: {  	(pc) =	sbr.rel $0x88, $3  }
0x1: {  	(tag) =	ssettag $0x0;
	lr =	simm.s32 $0x1  }
0x2: {  	[smem:$0x3F9E] =	sst lr;
	_ =	strace $0xD0000000  }
0x3: {  	_ = 	snop  }
0x4: {  	_ = 	snop  }
0x5: {  	_ = 	snop  }
0x6: {  	_ = 	snop  }
0x7: {  	_ = 	snop  }
__scs_overlays_trampoline_lowered:
0x8: {  	[smem:$0x3FAD] =	sst s0  }
0x9: {  	[smem:$0x3FAE] =	sst s1  }
0xa: {  	[smem:$0x3FAF] =	sst s2  }
0xb: {  	[smem:$0x3FB0] =	sst s3  }
0xc: {  	[smem:$0x3FB1] =	sst s4  }
0xd: {  	[smem:$0x3FB2] =	sst s5  }
0xe: {  	[smem:$0x3FB3] =	sst s6  }
0xf: {  	[smem:$0x3FB4] =	sst s7  }
0x10: {  	[smem:$0x3FB5] =	sst s8  }
0x11: {  	[smem:$0x3FB6] =	sst s9;
	s0 =	simm.s32 @!p0 $0x0  }
0x12: {  	s1 =	sld [smem:$0x3F9C];
	s0 =	simm.s32 @p0 $0x1  }
0x13: {  	[smem:$0x3FB7] =	sst s0;
	s0 =	simm.s32 @!p1 $0x0  }
0x14: {  	s2 =	sld [smem:$0x3F9B];
	s0 =	simm.s32 @p1 $0x1  }
0x15: {  	[smem:$0x3FB8] =	sst s0;
	s0 =	simm.s32 @!p2 $0x0  }
0x16: {  	s3 =	sld [smem:$0x3FDB];
	s0 =	simm.s32 @p2 $0x1  }
0x17: {  	s4 =	simm.s32 $0x1BF5;
	[smem:$0x3FBA] =	sst s0  }
0x18: {  	s0 =	sld [smem:$0x3F9D];
	_ =	swait.ge [sflag:s4], $0x0  }
0x19: {  	s7 =	sld [smem:$0x3F9E]  }
0x1a: {  	s8 =	sadd.s32 $0xFFFFE003, lr  }
0x1b: {  	s9 =	sadd.s32 $0xFFFFFEF7, lr;
	s5 =	simm.s32 $0xFFFFFFFF;
	p2 =	slt.u32 s8, $0xFFFFF086  }
0x1c: {  	p1 =	slt.u32 s9, $0xF7A;
	s5 =	simm.s32 @!p2 $0x0  }
0x1d: {  	s5 =	simm.s32 @p1 $0x1;
	p0 =	seq.s32 s7, s2  }
0x1e: {  	s7 =	smul.u32 @!p0 $0xF7A, s2;
	p2 =	seq.s32 @!p0 s5, $0x0  }
0x1f: {  	s9 =	smul.u32 $0xF7A, s1;
	s8 =	simm.s32 @!p0 $0x1BF5;
	p2 =	por !p2, p0  }
0x20: {  	[sflag:s8] =	ssyncset.s32 @!p0 $0xFFFFF086;
	s6 =	sadd.s32 @!p0 s3, s7;
	s7 =	simm.s32 @!p0 $0x108  }
0x21: {  	s3 =	sadd.s32 s3, s9;
	s6 =	sadd.s32 @!p0 $0x88, s6;
	s7 =	simm.s32 @p2 $0x1082  }
0x22: {  	[simem:s7], [sflag:s8] =	dma.local @!p0 [hbm:s6], $0xF7A  }
0x23: {  	s9 =	sor.u32 $0xD0000000, s2;
	s6 =	simm.s32 $0x108;
	_ =	swait.ge @!p0 [sflag:s8], $0x0  }
0x24: {  	s3 =	sadd.s32 $0x88, s3;
	s6 =	simm.s32 @!p1 $0x1082;
	[sflag:s4] =	ssyncset.s32 $0xFFFFF086  }
0x25: {  	[simem:s6], [sflag:s4] =	dma.local [hbm:s3], $0xF7A  }
0x26: {  	[smem:$0x3F9E] =	sst s1;
	(tag) =	ssettag s2;
	_ =	strace s9  }
0x27: {  	s1 =	sld [smem:$0x3FAE]  }
0x28: {  	s2 =	sld [smem:$0x3FAF]  }
0x29: {  	s4 =	sld [smem:$0x3FB1]  }
0x2a: {  	p0 =	seq.s32 s5, $0x0;
	s5 =	sld [smem:$0x3FB2]  }
0x2b: {  	s6 =	sld [smem:$0x3FB3]  }
0x2c: {  	s7 =	sld [smem:$0x3FB4]  }
0x2d: {  	s3 =	simm.s32 $0x108;
	s8 =	sld [smem:$0x3FB5]  }
0x2e: {  	s3 =	simm.s32 @!p0 $0x1082;
	s9 =	sld [smem:$0x3FB6]  }
0x2f: {  	lr =	sadd.s32 s0, s3;
	s0 =	sld [smem:$0x3FAD]  }
0x30: {  	s3 =	sld [smem:$0x3FB0]  }
0x31: {  	[smem:$0x3FB9] =	sst s10  }
0x32: {  	s10 =	sld [smem:$0x3FB7];
	_ =	sdelay $0x3  }
0x33: {  	p0 =	seq.s32 s10, $0x1;
	s10 =	sld [smem:$0x3FB9];
	_ =	sdelay $0x3  }
0x34: {  	[smem:$0x3FB9] =	sst s10  }
0x35: {  	s10 =	sld [smem:$0x3FB8];
	_ =	sdelay $0x3  }
0x36: {  	p1 =	seq.s32 s10, $0x1;
	s10 =	sld [smem:$0x3FB9];
	_ =	sdelay $0x3  }
0x37: {  	[smem:$0x3FB9] =	sst s10  }
0x38: {  	s10 =	sld [smem:$0x3FBA]  }
0x39: {  	_ = 	snop;
	(pc) =	sbr.ind lr, $3  }
0x3a: {  	_ = 	snop  }
0x3b: {  	_ = 	snop  }
0x3c: {  	p2 =	seq.s32 s10, $0x1;
	s10 =	sld [smem:$0x3FB9]  }
0x3d: {  	_ =	shalt  }
0x3e: {  	_ =	shalt  }
0x3f: {  	_ =	shalt  }
0x40: {  	_ =	shalt  }
0x41: {  	_ =	shalt  }
0x42: {  	_ =	shalt  }
0x43: {  	_ =	shalt  }
0x44: {  	_ =	shalt  }
0x45: {  	_ =	shalt  }
0x46: {  	_ =	shalt  }
0x47: {  	_ =	shalt  }
0x48: {  	_ =	shalt  }
0x49: {  	_ =	shalt  }
0x4a: {  	_ =	shalt  }
0x4b: {  	_ =	shalt  }
0x4c: {  	_ =	shalt  }
0x4d: {  	_ =	shalt  }
0x4e: {  	_ =	shalt  }
0x4f: {  	_ =	shalt  }
0x50: {  	_ =	shalt  }
0x51: {  	_ =	shalt  }
0x52: {  	_ =	shalt  }
0x53: {  	_ =	shalt  }
0x54: {  	_ =	shalt  }
0x55: {  	_ =	shalt  }
0x56: {  	_ =	shalt  }
0x57: {  	_ =	shalt  }
0x58: {  	_ =	shalt  }
0x59: {  	_ =	shalt  }
0x5a: {  	_ =	shalt  }
0x5b: {  	_ =	shalt  }
0x5c: {  	_ =	shalt  }
0x5d: {  	_ =	shalt  }
0x5e: {  	_ =	shalt  }
0x5f: {  	_ =	shalt  }
0x60: {  	_ =	shalt  }
0x61: {  	_ =	shalt  }
0x62: {  	_ =	shalt  }
0x63: {  	_ =	shalt  }
0x64: {  	_ =	shalt  }
0x65: {  	_ =	shalt  }
0x66: {  	_ =	shalt  }
0x67: {  	_ =	shalt  }
0x68: {  	_ =	shalt  }
0x69: {  	_ =	shalt  }
0x6a: {  	_ =	shalt  }
0x6b: {  	_ =	shalt  }
0x6c: {  	_ =	shalt  }
0x6d: {  	_ =	shalt  }
0x6e: {  	_ =	shalt  }
0x6f: {  	_ =	shalt  }
0x70: {  	_ =	shalt  }
0x71: {  	_ =	shalt  }
0x72: {  	_ =	shalt  }
0x73: {  	_ =	shalt  }
0x74: {  	_ =	shalt  }
0x75: {  	_ =	shalt  }
0x76: {  	_ =	shalt  }
0x77: {  	_ =	shalt  }
0x78: {  	_ =	shalt  }
0x79: {  	_ =	shalt  }
0x7a: {  	_ =	shalt  }
0x7b: {  	_ =	shalt  }
0x7c: {  	_ =	shalt  }
0x7d: {  	_ =	shalt  }
0x7e: {  	_ =	shalt  }
0x7f: {  	_ =	shalt  }
0x80: {  	_ =	shalt  }
0x81: {  	_ =	shalt  }
0x82: {  	_ =	shalt  }
0x83: {  	_ =	shalt  }
0x84: {  	_ =	shalt  }
0x85: {  	_ =	shalt  }
0x86: {  	_ =	shalt  }
0x87: {  	_ =	shalt  }
.Lfunc_end0:
.L_simem_size_0:
called_computation_lowered:
.L_overlay_start_0:
0x88: {  	s0 =	sld [smem:$0x3FD9]  }
0x89: {  	s1 =	sld [smem:$0x3FFE];
	_ =	sdelay $0x3  }
0x8a: {  	s0 =	sadd.s32 s1, s0  }
0x8b: {  	[smem:$0x3FC5] =	sst s0  }
0x8c: {  	_ = 	snop  }
0x8d: {  	s0 =	sld [smem:$0x3FD0];
	_ =	sdelay $0x2  }
0x8e: {  	s13 =	simm.s32 $0xA;
	s2 =	simm.s32 $0x10  }
0x8f: {  	[smem:s2], [sflag:s13] =	dma.local [hbm:s0], $0x1  }
0x90: {  	_ =	swait.eq [sflag:s13], $0x1  }
0x91: {  	[sflag:s13] =	ssyncset.done $0x0  }
0x92: {  	[sflag:s13] =	ssyncadd.s32 $0xFFFFFFFF  }
0x93: {  	s14 =	sld [smem:$0x11];
	(tm) =	ssettm $0x1  }
0x94: {  	s15 =	sld [smem:$0x3FFB];
	_ =	sdelay $0x3  }
0x95: {  	_ =	strace s15  }
0x96: {  	s1 =	sld [smem:$0x3FFC];
	_ =	sdelay $0x3  }
0x97: {  	_ =	strace s1  }
0x98: {  	s1 =	sld [smem:$0x3FFD];
	_ =	sdelay $0x3  }
0x99: {  	_ =	strace s1  }
0x9a: {  	_ =	strace $0x8FFFFFFF  }
0x9b: {  	s16 =	sld [smem:$0x3FDB];
	_ =	sdelay $0x1  }
0x9c: {  	s17 =	simm.s32 $_scs_section_size  }
0x9d: {  	s3 =	simm.s32 $_size__tile_overlayer_lowered;
	s4 =	simm.s32 $_tile_overlayer_lowered  }
0x9e: {  	s20 =	simm.s32 $0x1BFF;
	s19 =	sshll.u32 s4, $0x1;
	s1 =	sadd.s32 s17, s16  }
0x9f: {  	s5 =	simm.s32 $0x0;
	s18 =	sshll.u32 s3, $0x1;
	s3 =	sadd.s32 s19, s1  }
0xa0: {  	[timem:s5], [sflag:s20] =	dma.local [hbm:s3], s18  }
0xa1: {  	_ =	swait.ge [sflag:s20], s18  }
0xa2: {  	s2 =	ssub.s32 $0x0, s18;
	[sflag:s20] =	ssyncset.done $0x0  }
0xa3: {  	[sflag:s20] =	ssyncadd.s32 s2;
	_ =	sdelay $0x1  }
0xa4: {  	s21 =	simm.s32 $0x1B8B  }
0xa5: {  	_ =	swait.ge [sflag:s21], $0x1  }
0xa6: {  	[sflag:s21] =	ssyncset.done $0x0  }
0xa7: {  	s23 =	simm.s32 $0x1B8E;
	s22 =	sld [smem:$0x3FFE];
	[sflag:s21] =	ssyncadd.s32 $0xFFFFFFFF  }
0xa8: {  	s24 =	simm.s32 $execute0_lowered;
	[smem:$0x3FD2] =	sst s23  }
0xa9: {  	s3 =	sshll.u32 s24, $0x1;
	_ =	strace $0x80000046;
	[dreg:$0x1] =	wrdreg $0xFFFFFFFF  }
0xaa: {  	s25 =	simm.s32 $_size_execute0_lowered;
	s1 =	sadd.s32 s1, s3;
	[dreg:$0x0] =	wrdreg $0x0  }
0xab: {  	s3 =	sshll.u32 s25, $0x1;
	[dreg:$0x2] =	wrdreg s1  }
0xac: {  	[dreg:$0x3] =	wrdreg s3  }
0xad: {  	[dreg:$0x4] =	wrdreg $0xC0  }
0xae: {  	_ =	task [dreg:s5], $0x5FFFF  }
0xaf: {  	[dreg:$0x1] =	wrdreg $0xFFFFFFFF  }
0xb0: {  	[dreg:$0x0] =	wrdreg $0x60  }
0xb1: {  	[dreg:$0x2] =	wrdreg s14  }
0xb2: {  	[dreg:$0x3] =	wrdreg s22  }
0xb3: {  	[dreg:$0x4] =	wrdreg $0x9  }
0xb4: {  	_ =	task.clear_ibuf [dreg:s5], $0x5FFFF;
	_ =	strace $0x90000046  }
0xb5: {  	s26 =	simm.s32 $0x9;
	_ =	strace $0x80000048  }
0xb6: {  	_ =	swait.ge [sflag:s26], $0x1  }
0xb7: {  	[sflag:s26] =	ssyncadd.s32 $0xFFFFFFFF  }
0xb8: {  	_ =	strace $0x90000048  }
0xb9: {  	_ =	sfence  }
0xba: {  	s28 =	sld [smem:$0x0];
	_ =	sdelay $0x1  }
0xbb: {  	s29 =	srdreg.scid  }
0xbc: {  	s30 =	sshll.u32 s29, $0xD;
	s31 =	sshrl.u32 s29, $0x2  }
0xbd: {  	s2 =	sand.u32 $0x4000, s30;
	s1 =	sand.u32 $0x1, s29;
	s0 =	sadd.s32 s31, s28  }
0xbe: {  	s1 =	sor.u32 s2, s1;
	s0 =	sshll.u32 s0, $0x11  }
0xbf: {  	s0 =	sor.u32 s0, s1  }
0xc0: {  	s0 =	sadd.s32 $0x8F2B, s0  }
0xc1: {  	[sflag:s0] =	ssyncadd.remote.s32 $0x1  }
0xc2: {  	_ =	sfence.sel $0xFFFF  }
0xc3: {  	[dreg:$0x0] =	wrdreg $0xFFFFFFFF;
	(pc) =	sbr.abs _section_cstart, $3  }
0xc4: {  	[dreg:$0x1] =	wrdreg $0xFFFFFFFF  }
0xc5: {  	_ =	task.clear_ibuf [dreg:s5], $0x2FFFF;
	_ =	strace $0x9FFFFFFF  }
0xc6: {  	(tm) =	ssettm $0x7FFFFFFF  }
0xc7: {  	_ =	shalt  }
tec
execute0_lowered:
.L_overlay_start_1:
0x0: {  	(tag) =	ssettag $0x1  }
0x1: {  	s1 =	rddreg [dreg:$0x0]  }
0x2: {  	s5 =	rddreg [dreg:$0x1]  }
0x3: {  	s0 =	rddreg [dreg:$0x2];
	s3 =	stileid.u32  }
0x4: {  	_ =	strace $0x80000047;
	s4 =	simm.s32 $0x3E;
	p0 =	sne.s32 s3, $0x0  }
0x5: {  	[sflag:s4] =	ssyncpa.u1 $0x0;
	s31 =	smin.u32 s3, $0x2;
	p1 =	slt.u32 s3, $0x2  }
0x6: {  	s3 =	simm.s32 $0x10;
	s6 =	simm.s32 @!p0 $0x1C3E;
	s2 =	simm.s32 @!p0 $0x0  }
0x7: {  	[spmem:s2], [sflag:s6] =	dma.local @!p0 [hbm:s1], $0x80  }
0x8: {  	s3 =	simm.s32 @!p1 $0x0;
	s6 =	sshll.u32 s31, $0x4  }
0x9: {  	s3 =	sadd.s32 s3, s6  }
0xa: {  	s8 =	smin.u32 s3, $0x20  }
0xb: {  	s9 =	ssub.s32 s8, s6  }
0xc: {  	p1 =	sgt.s32 s9, $0x0  }
0xd: {  	s7 =	simm.s32 @!p0 $0x3E;
	s9 =	simm.s32 @!p1 $0x0  }
0xe: {  	_ =	swait.ge @!p0 [sflag:s7], $0x80;
	s10 =	sshrl.u32 s9, $0x4  }
0xf: {  	[sflag:s7] =	ssyncset.done @!p0 $0x0;
	s11 =	sadd.s32 $0x1, s10  }
0x10: {  	[sflag:s7] =	ssyncadd.s32 @!p0 $0xFFFFFF80;
	p1 =	sne.s32 s11, $0x1  }
.Ltmp0:
0x11: {  	p2 =	por $0x0, $0x0;
	[bflag:$0x0] =	sbarrier.arrive $0xFFFF;
	(pc) =	sbr.rel @!p1 .LBB2_1-.Ltmp0, $4  }
0x12: {  	s3 =	simm.s32 $0x1;
	s7 =	sadd.s32 $0x200, s5;
	[sflag:s4] =	ssyncpa.u1 $0x1  }
0x13: {  	s4 =	simm.s32 $0x2;
	s9 =	simm.s32 $0x0;
	p3 =	sle.u32 s10, $0x0  }
0x14: {  	[sflag:s3] =	ssyncpa.u1 $0x0;
	(ifvalue) =	ssetifvalue $0x400;
	s12 =	sxor.u32 @!p3 $0xFFFFFFFF, s9  }
0x15: {  	[sflag:s4] =	ssyncpa.u1 $0x0;
	s16 =	sshrl.u32 @!p3 s6, $0x3;
	s17 =	sand.u32 @!p3 $0x10, s12  }
0x16: {  	s12 =	sadd.s32 @!p3 s7, s16  }
0x17: {  	s13 =	sor.u32 @!p3 $0x40, s17;
	s14 =	sand.u32 @!p3 $0x7, s6;
	p1 =	por $0x1, $0x1  }
0x18: {  	[tilespmem:s13], [sflag:$0x2] =	stream.linear.gather @!p3 [hbm4b:s12+s14], $0x10, $0x38;
	[tilespmem:$0x80] =	vst v63  }
0x19: {  	s15 =	sadd.s32 @!p3 s5, s16;
	s12 =	sor.u32 @!p3 $0x60, s17;
	s13 =	simm.s32 @!p1 $0x2  }
0x1a: {  	[tilespmem:s12], [sflag:$0x2] =	stream.linear.gather @!p3 [hbm4b:s15+s14], $0x10, $0x38;
	[tilespmem:$0x80] =	vst v63  }
0x1b: {  	_ =	swait.ge @!p1 [sflag:s13], $0x20  }
0x1c: {  	s9 =	sand.u32 @!p1 $0x10, s9;
	[sflag:s13] =	ssyncset.done @!p1 $0x0  }
0x1d: {  	s12 =	sor.u32 @!p1 $0x40, s9;
	[sflag:s13] =	ssyncadd.s32 @!p1 $0xFFFFFFE0  }
0x1e: {  	v0 =	vld.msk @!p1 [tilespmem:s12+$0x0 ss:$0x1], $0xffff;
	_ =	sdelay $0x4  }
0x1f: {  	v1 =	vshrl.u32 @!p1 v0, $0x5  }
0x20: {  	vm0 =	veq.s32 @!p1 v0, $0x80000000;
	v1 =	vand.u32 @!p1 $0x7, v1  }
0x21: {  	v0 =	vand.u32 @!p1 $0x1F, v0;
	v1 =	vsel @!p1 vm0, $0xFFFFFFFF, v1  }
0x22: {  	v0 =	vsel @!p1 vm0, $0xFFFFFFFF, v0;
	v2 =	vand.u32 @!p1 $0xFFFFFC00, v1;
	v1 =	vshll.u32 @!p1 v1, $0x7  }
0x23: {  	v3 =	vand.u32 @!p1 $0xFFFFFC00, v0;
	v0 =	vand.u32 @!p1 $0x7F, v0;
	v1 =	vand.u32 @!p1 $0x380, v1  }
0x24: {  	v2 =	vadd.s32 @!p1 v3, v2;
	v0 =	vor.u32 @!p1 v0, v1  }
0x25: {  	v0 =	vor.u32 @!p1 v2, v0  }
0x26: {  	vm0 =	vlt.s32 @!p1 v0, $0x400  }
0x27: {  	p4 =	sne.s32 s11, $0x2;
	vm1 =	vgt.s32 @!p1 v2, $0xFFFFFFFF;
	v0 =	vnsel @!p1 vm0, $0x400, v0  }
.Ltmp1:
0x28: {  	s18 =	simm.s32 @!p1 $0x0;
	s19 =	simm.s32 @!p1 $0x1;
	v0 =	vnsel @!p1 vm1, $0x400, v0;
	(pc) =	sbr.rel @!p4 .LBB2_3-.Ltmp1, $4  }
0x29: {  	s15 =	sadd.s32 $0x10, s6;
	p3 =	sle.u32 s10, $0x1;
	s14 =	smov.u32 s6  }
0x2a: {  	p2 =	slt.s32 s15, s8;
	s13 =	sor.u32 @!p1 $0x60, s9;
	s9 =	simm.s32 $0x10  }
0x2b: {  	s14 =	smov.u32 @p2 s15;
	p2 =	por $0x1, $0x1;
	s16 =	sxor.u32 @!p3 $0xFFFFFFFF, s9  }
0x2c: {  	s12 =	simm.s32 $0x2;
	s17 =	sand.u32 @!p3 $0x10, s16;
	s16 =	sshrl.u32 @!p3 s14, $0x3;
	vm0 =	vmmov @!p1 $0xffff  }
.LBB2_4:
0x2d: {  	[spmem:s18] =	stream.indirect_vreg.scatter.add.s32 @!p1 [tilespmem:s13], [sflag:$0x1], $0x1, v0, vm0, $0x4038;
	[tilespmem:$0x80] =	vst v63  }
0x2e: {  	s13 =	sadd.s32 @!p3 s7, s16;
	s18 =	sor.u32 @!p3 $0x40, s17;
	_ =	swait.ge @!p1 [sflag:s19], $0x10  }
0x2f: {  	s15 =	smov.u32 s12;
	s12 =	sadd.s32 $0x1, s12;
	[sflag:s19] =	ssyncset.done @!p1 $0x0  }
0x30: {  	s20 =	sand.u32 @!p3 $0x7, s14;
	[sflag:s19] =	ssyncadd.s32 @!p1 $0xFFFFFFF0;
	p1 =	seq.s32 s9, $0x0  }
0x31: {  	[tilespmem:s18], [sflag:$0x2] =	stream.linear.gather @!p3 [hbm4b:s13+s20], $0x10, $0x38;
	[tilespmem:$0x80] =	vst v63  }
0x32: {  	s17 =	sor.u32 @!p3 $0x60, s17;
	s18 =	simm.s32 @!p1 $0x2;
	s13 =	sand.u32 @!p1 $0x10, s9  }
0x33: {  	s16 =	sadd.s32 @!p3 s5, s16;
	s19 =	sor.u32 @!p1 $0x40, s13;
	s13 =	sor.u32 @!p1 $0x60, s13  }
0x34: {  	[tilespmem:s17], [sflag:$0x2] =	stream.linear.gather @!p3 [hbm4b:s16+s20], $0x10, $0x38;
	[tilespmem:$0x80] =	vst v63  }
0x35: {  	p4 =	sne.s32 s11, s12;
	_ =	swait.ge @!p1 [sflag:s18], $0x20  }
0x36: {  	[sflag:s18] =	ssyncset.done @!p1 $0x0  }
0x37: {  	[sflag:s18] =	ssyncadd.s32 @!p1 $0xFFFFFFE0  }
0x38: {  	v0 =	vld.msk @!p1 [tilespmem:s19+$0x0 ss:$0x1], $0xffff;
	_ =	sdelay $0x5  }
0x39: {  	v1 =	vand.u32 @!p1 $0x1F, v0;
	v2 =	vshrl.u32 @!p1 v0, $0x5  }
0x3a: {  	vm0 =	veq.s32 @!p1 v0, $0x80000000;
	v0 =	vand.u32 @!p1 $0x7, v2  }
0x3b: {  	v1 =	vsel @!p1 vm0, $0xFFFFFFFF, v1;
	v0 =	vsel @!p1 vm0, $0xFFFFFFFF, v0  }
0x3c: {  	v3 =	vand.u32 @!p1 $0xFFFFFC00, v1;
	v2 =	vand.u32 @!p1 $0xFFFFFC00, v0;
	v0 =	vshll.u32 @!p1 v0, $0x7  }
0x3d: {  	v1 =	vand.u32 @!p1 $0x7F, v1;
	v2 =	vadd.s32 @!p1 v3, v2;
	v0 =	vand.u32 @!p1 $0x380, v0  }
0x3e: {  	v0 =	vor.u32 @!p1 v1, v0  }
0x3f: {  	v0 =	vor.u32 @!p1 v2, v0  }
0x40: {  	vm0 =	vlt.s32 @!p1 v0, $0x400  }
0x41: {  	vm1 =	vgt.s32 @!p1 v2, $0xFFFFFFFF;
	v0 =	vnsel @!p1 vm0, $0x400, v0  }
.Ltmp2:
0x42: {  	s9 =	sadd.s32 $0x10, s9;
	v0 =	vnsel @!p1 vm1, $0x400, v0;
	(pc) =	sbr.rel @p4 .LBB2_4-.Ltmp2, $4  }
0x43: {  	s16 =	sadd.s32 $0x10, s14;
	p3 =	sge.u32 s15, s10;
	s18 =	simm.s32 @!p1 $0x0;
	vm0 =	vmmov @!p1 $0xffff  }
0x44: {  	s14 =	smov.u32 s6;
	p5 =	slt.s32 s16, s8;
	s19 =	simm.s32 @!p1 $0x1  }
0x45: {  	s15 =	sxor.u32 @!p3 $0xFFFFFFFF, s9;
	s14 =	smov.u32 @p5 s16  }
0x46: {  	s17 =	sand.u32 @!p3 $0x10, s15;
	s16 =	sshrl.u32 @!p3 s14, $0x3  }
0x47: {  	s6 =	smov.u32 s14  }
.LBB2_6:
0x48: {  	_ =	sdelay $0x2  }
0x49: {  	p2 =	por p1, !p2  }
0x4a: {  	[spmem:s18] =	stream.indirect_vreg.scatter.add.s32 @!p2 [tilespmem:s13], [sflag:$0x1], $0x1, v0, vm0, $0x4038;
	[tilespmem:$0x80] =	vst v63  }
0x4b: {  	_ =	swait.ge @!p2 [sflag:s19], $0x10  }
0x4c: {  	s7 =	sadd.s32 @!p3 s7, s16;
	s8 =	sor.u32 @!p3 $0x40, s17;
	[sflag:s19] =	ssyncset.done @!p2 $0x0  }
0x4d: {  	s6 =	sand.u32 @!p3 $0x7, s6;
	p1 =	seq.s32 s9, $0x0;
	[sflag:s19] =	ssyncadd.s32 @!p2 $0xFFFFFFF0  }
0x4e: {  	[tilespmem:s8], [sflag:$0x2] =	stream.linear.gather @!p3 [hbm4b:s7+s6], $0x10, $0x38;
	[tilespmem:$0x80] =	vst v63  }
0x4f: {  	s5 =	sadd.s32 @!p3 s5, s16;
	s7 =	sor.u32 @!p3 $0x60, s17;
	s8 =	simm.s32 @!p1 $0x2  }
0x50: {  	[tilespmem:s7], [sflag:$0x2] =	stream.linear.gather @!p3 [hbm4b:s5+s6], $0x10, $0x38;
	[tilespmem:$0x80] =	vst v63  }
0x51: {  	_ =	swait.ge @!p1 [sflag:s8], $0x20  }
0x52: {  	s5 =	sand.u32 @!p1 $0x10, s9;
	[sflag:s8] =	ssyncset.done @!p1 $0x0  }
0x53: {  	s6 =	sor.u32 @!p1 $0x40, s5;
	[sflag:s8] =	ssyncadd.s32 @!p1 $0xFFFFFFE0  }
0x54: {  	v0 =	vld.msk @!p1 [tilespmem:s6+$0x0 ss:$0x1], $0xffff;
	_ =	sdelay $0x4  }
0x55: {  	v1 =	vshrl.u32 @!p1 v0, $0x5  }
0x56: {  	vm0 =	veq.s32 @!p1 v0, $0x80000000;
	v1 =	vand.u32 @!p1 $0x7, v1  }
0x57: {  	v0 =	vand.u32 @!p1 $0x1F, v0;
	v1 =	vsel @!p1 vm0, $0xFFFFFFFF, v1  }
0x58: {  	v0 =	vsel @!p1 vm0, $0xFFFFFFFF, v0;
	v2 =	vand.u32 @!p1 $0xFFFFFC00, v1;
	v1 =	vshll.u32 @!p1 v1, $0x7  }
0x59: {  	v3 =	vand.u32 @!p1 $0xFFFFFC00, v0;
	v0 =	vand.u32 @!p1 $0x7F, v0;
	v1 =	vand.u32 @!p1 $0x380, v1  }
0x5a: {  	v2 =	vadd.s32 @!p1 v3, v2;
	v0 =	vor.u32 @!p1 v0, v1  }
0x5b: {  	v0 =	vor.u32 @!p1 v2, v0  }
0x5c: {  	vm0 =	vlt.s32 @!p1 v0, $0x400  }
0x5d: {  	vm1 =	vgt.s32 @!p1 v2, $0xFFFFFFFF;
	v0 =	vnsel @!p1 vm0, $0x400, v0  }
0x5e: {  	v0 =	vnsel @!p1 vm1, $0x400, v0;
	_ =	sdelay $0x3  }
0x5f: {  	s7 =	simm.s32 @!p1 $0x1;
	s5 =	sor.u32 @!p1 $0x60, s5;
	s6 =	simm.s32 @!p1 $0x0;
	vm0 =	vmmov @!p1 $0xffff  }
0x60: {  	[spmem:s6] =	stream.indirect_vreg.scatter.add.s32 @!p1 [tilespmem:s5], [sflag:$0x1], $0x1, v0, vm0, $0x4038;
	[tilespmem:$0x80] =	vst v63  }
0x61: {  	_ =	swait.ge @!p1 [sflag:s7], $0x10  }
0x62: {  	[sflag:s7] =	ssyncset.done @!p1 $0x0  }
0x63: {  	[sflag:s7] =	ssyncadd.s32 @!p1 $0xFFFFFFF0  }
0x64: {  	_ =	sfence.sel $0x180000  }
0x65: {  	[bflag:$0x0] =	sbarrier.arrive $0xFFFF  }
0x66: {  	[sflag:s4] =	ssyncpa.u1 $0x1  }
0x67: {  	[sflag:s3] =	ssyncpa.u1 $0x1  }
0x68: {  	_ =	sfence.stream.spmem  }
0x69: {  	s31 =	simm.s32 $0x3D;
	[bflag:$0x0] =	sbarrier.arrive $0xFFFF  }
0x6a: {  	s3 =	simm.s32 @p0 $0x3D;
	[sflag:s31] =	ssyncpa.u1 $0x0  }
0x6b: {  	[sflag:s3] =	ssyncpa.u1 @p0 $0x1  }
0x6c: {  	[bflag:$0x0] =	sbarrier.arrive @p0 $0xFFFF  }
0x6d: {  	_ =	strace @p0 $0x90000047  }
0x6e: {  	s3 =	simm.s32 @!p0 $0x1C3D;
	[bflag:$0x2] =	sbarrier.arrive @p0 $0xFFFF  }
0x6f: {  	[hbm:s1], [sflag:s3] =	dma.local @!p0 [spmem:s2], $0x80  }
0x70: {  	s1 =	simm.s32 @!p0 $0x3D  }
0x71: {  	_ =	swait.ge @!p0 [sflag:s1], $0x80  }
0x72: {  	[sflag:s1] =	ssyncset.done @!p0 $0x0  }
0x73: {  	[sflag:s1] =	ssyncadd.s32 @!p0 $0xFFFFFF80  }
0x74: {  	[sflag:s1] =	ssyncpa.u1 @!p0 $0x1  }
0x75: {  	[bflag:$0x0] =	sbarrier.arrive @!p0 $0xFFFF  }
0x76: {  	_ =	strace @!p0 $0x90000047  }
0x77: {  	s0 =	sadd.s32 @!p0 $0x100000, s0;
	[bflag:$0x2] =	sbarrier.arrive @!p0 $0xFFFF  }
0x78: {  	[sflag:s0] =	ssyncadd.tile.s32 @!p0 $0x1;
	_ =	shalt  }
.LBB2_1:
.Ltmp3:
0x79: {  	(pc) =	sbr.rel .LBB2_6-.Ltmp3, $2  }
0x7a: {  	_ =	sdelay $0x2  }
0x7b: {  	_ = 	snop  }
.LBB2_3:
.Ltmp4:
0x7c: {  	(pc) =	sbr.rel .LBB2_6-.Ltmp4, $2  }
0x7d: {  	_ =	sdelay $0x2  }
0x7e: {  	s6 =	smov.u32 s14  }
.Lfunc_end2:
_tile_overlayer_lowered:
.L_overlay_start_2:
0x7f: {  	(tag) =	ssettag $0x2  }
0x80: {  	s0 =	rddreg [dreg:$0x0];
	s2 =	stileid.u32  }
0x81: {  	s1 =	rddreg [dreg:$0x1];
	p0 =	sne.s32 s2, $0x0  }
0x82: {  	s3 =	rddreg [dreg:$0x2];
	[bflag:$0x3] =	sbarrier.arrive $0xFFFF;
	s2 =	simm.s32 @!p0 $0x1C01  }
0x83: {  	[timem:s3], [sflag:s2] =	dma.local @!p0 [hbm:s0], s1  }
0x84: {  	s0 =	simm.s32 @!p0 $0x1  }
0x85: {  	_ =	swait.ge @!p0 [sflag:s0], s1  }
0x86: {  	s1 =	ssub.s32 @!p0 $0x0, s1;
	[sflag:s0] =	ssyncset.done @!p0 $0x0  }
0x87: {  	[sflag:s0] =	ssyncadd.s32 @!p0 s1  }
0x88: {  	[bflag:$0x3] =	sbarrier.arrive $0xFFFF  }
0x89: {  	_ =	shalt  }

</sc_bundles>
